<compile_context>
chip_gen: v7x
topology: tpu7x:2x2x1
jax: 0.10.2.dev20260603
libtpu: 0.0.44.dev20260713+nightly
codegen_flags: <defaults>
</compile_context>

<pallas_src>
import jax
import jax.numpy as jnp
from jax import lax
from jax.experimental import pallas as pl
from jax.experimental.pallas import tpu as pltpu
from jax.experimental.pallas import tpu_sc as plsc

RES = 256
RES3 = RES * RES * RES
NV = 2000000
HALF = NV // 2
LAMBDA_TV = 1e-05
NC = 2
NS = 16
L = 16
CH = 1344
NCH = 8
CPT = CH * NCH
PADN = NS * CPT
ZB = 4096
SZ = 16 * ZB
ACCN = NS * SZ
DUMMY = HALF
TAILN = HALF - (NS - 1) * SZ
TAILF = TAILN // ZB
TAILR = TAILN - TAILF * ZB


def _tv_body(dens_hbm, links_hbm, cells_hbm, out_hbm, acc, zbuf,
             cells_a, i100_a, i010_a, i001_a,
             l000_a, l100_a, l010_a, l001_a,
             g000_a, g100_a, g010_a, g001_a,
             cells_b, i100_b, i010_b, i001_b,
             l000_b, l100_b, l010_b, l001_b,
             g000_b, g100_b, g010_b, g001_b,
             cells_c, i100_c, i010_c, i001_c,
             l000_c, l100_c, l010_c, l001_c,
             g000_c, g100_c, g010_c, g001_c,
             sem_l0, sem_l1, sem_l2, sem_d0, sem_d1, sem_d2,
             sem_s0, sem_s1, sem_s2):
    core = lax.axis_index("c")
    sub = lax.axis_index("s")
    obase = core * HALF
    cbase = sub * CPT

    sets = (
        dict(cells=cells_a, i100=i100_a, i010=i010_a, i001=i001_a,
             l=(l000_a, l100_a, l010_a, l001_a),
             g=(g000_a, g100_a, g010_a, g001_a),
             sem_l=sem_l0, sem_d=sem_d0, sem_s=sem_s0),
        dict(cells=cells_b, i100=i100_b, i010=i010_b, i001=i001_b,
             l=(l000_b, l100_b, l010_b, l001_b),
             g=(g000_b, g100_b, g010_b, g001_b),
             sem_l=sem_l1, sem_d=sem_d1, sem_s=sem_s1),
        dict(cells=cells_c, i100=i100_c, i010=i010_c, i001=i001_c,
             l=(l000_c, l100_c, l010_c, l001_c),
             g=(g000_c, g100_c, g010_c, g001_c),
             sem_l=sem_l2, sem_d=sem_d2, sem_s=sem_s2),
    )

    def load_and_fire_links(ci):
        s = sets[ci % 3]
        cells_v = s["cells"]
        pltpu.sync_copy(cells_hbm.at[pl.ds(cbase + ci * CH, CH)], cells_v)

        def _idx(g, c2):
            sl = pl.ds(g * L, L)
            c = cells_v[sl]
            x = c >> 16
            y = (c >> 8) & 255
            z = c & 255
            s["i100"][sl] = c + jnp.where(x < RES - 1, 65536, 0)
            s["i010"][sl] = c + jnp.where(y < RES - 1, 256, 0)
            s["i001"][sl] = c + jnp.where(z < RES - 1, 1, 0)
            return c2
        lax.fori_loop(0, CH // L, _idx, 0)
        idxs = (cells_v, s["i100"], s["i010"], s["i001"])
        return [pltpu.async_copy(links_hbm.at[idxs[k]], s["l"][k], s["sem_l"])
                for k in range(4)]

    def fire_dens(ci):
        s = sets[ci % 3]
        return [pltpu.async_copy(dens_hbm.at[s["l"][k]], s["g"][k], s["sem_d"])
                for k in range(4)]

    def compute(ci):
        s = sets[ci % 3]
        cells_v = s["cells"]
        g000_v, g100_v, g010_v, g001_v = s["g"]
        l000_v, l100_v, l010_v, l001_v = s["l"]

        def _compute(g, c2_):
            sl = pl.ds(g * L, L)
            c = cells_v[sl]
            x = c >> 16
            y = (c >> 8) & 255
            z = c & 255
            m = (x < RES - 1) & (y < RES - 1) & (z < RES - 1)
            v000 = g000_v[sl]
            v100 = g100_v[sl]
            v010 = g010_v[sl]
            v001 = g001_v[sl]
            dx = v100 - v000
            dy = v010 - v000
            dz = v001 - v000
            ss = 1e-9 + dx * dx + dy * dy + dz * dz
            xi = plsc.bitcast(ss, jnp.int32)
            r = plsc.bitcast(jnp.int32(0x5F3759DF) - (xi >> 1), jnp.float32)
            r = r * (1.5 - 0.5 * ss * r * r)
            r = r * (1.5 - 0.5 * ss * r * r)
            idelta = jnp.where(m, jnp.float32(LAMBDA_TV), jnp.float32(0.0)) * r
            g000_v[sl] = -(dx + dy + dz) * idelta
            g100_v[sl] = dx * idelta
            g010_v[sl] = dy * idelta
            g001_v[sl] = dz * idelta
            for lv in (l000_v, l100_v, l010_v, l001_v):
                lk = lv[sl]
                own = (lk >= obase) & (lk < obase + HALF)
                lv[sl] = jnp.where(own, lk - obase, DUMMY + (lk & 32767))
            return c2_
        lax.fori_loop(0, CH // L, _compute, 0)

    def fire_scatter(ci):
        s = sets[ci % 3]
        return [pltpu.async_copy(s["g"][k], acc.at[s["l"][k]], s["sem_s"],
                                 add=True)
                for k in range(4)]

    links_cp = {0: load_and_fire_links(0)}

    def _zero(i, carry):
        zbuf[pl.ds(i * L, L)] = jnp.zeros((L,), jnp.float32)
        return carry
    lax.fori_loop(0, ZB // L, _zero, 0)

    def _zcopy(j, carry):
        pltpu.sync_copy(zbuf, acc.at[pl.ds(sub * SZ + j * ZB, ZB)])
        return carry
    lax.fori_loop(0, SZ // ZB, _zcopy, 0)
    plsc.subcore_barrier()

    scat_cp = {}
    dens_cp = {}
    for ci in range(NCH):
        if ci >= 2:
            for cp in scat_cp[ci - 2]:
                cp.wait()
        if ci + 1 < NCH:
            links_cp[ci + 1] = load_and_fire_links(ci + 1)
        for cp in links_cp[ci]:
            cp.wait()
        dens_cp[ci] = fire_dens(ci)
        if ci >= 1:
            for cp in dens_cp[ci - 1]:
                cp.wait()
            compute(ci - 1)
            scat_cp[ci - 1] = fire_scatter(ci - 1)
    for cp in dens_cp[NCH - 1]:
        cp.wait()
    compute(NCH - 1)
    scat_cp[NCH - 1] = fire_scatter(NCH - 1)
    for cp in scat_cp[NCH - 2]:
        cp.wait()
    for cp in scat_cp[NCH - 1]:
        cp.wait()

    plsc.subcore_barrier()

    def _rcopy(j, carry):
        off = sub * SZ + j * ZB
        pltpu.sync_copy(acc.at[pl.ds(off, ZB)], zbuf)
        pltpu.sync_copy(zbuf, out_hbm.at[pl.ds(obase + off, ZB)])
        return carry

    @pl.when(sub < NS - 1)
    def _():
        lax.fori_loop(0, SZ // ZB, _rcopy, 0)

    @pl.when(sub == NS - 1)
    def _():
        lax.fori_loop(0, TAILF, _rcopy, 0)
        off = sub * SZ + TAILF * ZB
        pltpu.sync_copy(acc.at[pl.ds(off, TAILR)], zbuf.at[pl.ds(0, TAILR)])
        pltpu.sync_copy(zbuf.at[pl.ds(0, TAILR)],
                        out_hbm.at[pl.ds(obase + off, TAILR)])


def kernel(density_data, links, rand_cells):
    dens = density_data.reshape(-1)
    links_f = links.reshape(-1)
    pad = PADN - rand_cells.shape[0]
    cells = jnp.concatenate([
        rand_cells.astype(jnp.int32),
        jnp.full((pad,), RES3 - 1, jnp.int32),
    ])
    mesh = plsc.VectorSubcoreMesh(core_axis_name="c", subcore_axis_name="s")
    ivm = lambda: pltpu.VMEM((CH,), jnp.int32)
    fvm = lambda: pltpu.VMEM((CH,), jnp.float32)
    out = pl.kernel(
        _tv_body,
        out_type=jax.ShapeDtypeStruct((NV,), jnp.float32),
        mesh=mesh,
        compiler_params=pltpu.CompilerParams(needs_layout_passes=False),
        scratch_types=[
            pltpu.VMEM_SHARED((ACCN,), jnp.float32),
            pltpu.VMEM((ZB,), jnp.float32),
            ivm(), ivm(), ivm(), ivm(),
            ivm(), ivm(), ivm(), ivm(),
            fvm(), fvm(), fvm(), fvm(),
            ivm(), ivm(), ivm(), ivm(),
            ivm(), ivm(), ivm(), ivm(),
            fvm(), fvm(), fvm(), fvm(),
            ivm(), ivm(), ivm(), ivm(),
            ivm(), ivm(), ivm(), ivm(),
            fvm(), fvm(), fvm(), fvm(),
        ] + [pltpu.SemaphoreType.DMA] * 9,
    )(dens, links_f, cells)
    return out.reshape(NV, 1)

# --- scband reference (transcript-rebuilt; emitter-appended) ---
"""Pipeline reference for scband-tvloss-5016521802106 (READ-ONLY COPY).

The authoritative reference and input builder live on the scoring server;
editing this copy changes nothing except your own understanding.
"""

import jax, jax.numpy as jnp
import numpy as np

RES = 256
N_VOXELS = 2000000
SPARSE_NUM = 167772
LAMBDA_TV = 1e-05


def setup_inputs(seed: int = 0) -> dict:
    key = jax.random.key(seed)
    k1, k2, k3 = jax.random.split(key, 3)
    density_data = jax.random.normal(k1, (N_VOXELS, 1), dtype=jnp.float32)
    links = jax.random.randint(k2, (RES, RES, RES), 0, N_VOXELS, dtype=jnp.int32)
    rand_cells = jax.random.randint(k3, (SPARSE_NUM,), 0, RES ** 3, dtype=jnp.int32)
    return {"density_data": density_data, "links": links, "rand_cells": rand_cells}


def _tv_grad(density_data, links, rand_cells, scaling):
    # Faithful JAX port of svox2 _C.tv_grad_sparse for a single density grid:
    # for each sampled cell, gather the cell and its +x/+y/+z neighbors via the
    # links table, compute the Neural-Volumes-style TV gradient, and scatter-add
    # it into a gradient buffer shaped like density_data.
    res = links.shape[0]
    c = rand_cells.astype(jnp.int32)
    x = c // (res * res)
    yz = c % (res * res)
    y = yz // res
    z = yz % res
    # skip border cells (no +1 neighbor), matching the CUDA kernel bounds check
    mask = (x < res - 1) & (y < res - 1) & (z < res - 1)
    xp = jnp.minimum(x + 1, res - 1)
    yp = jnp.minimum(y + 1, res - 1)
    zp = jnp.minimum(z + 1, res - 1)
    l000 = links[x, y, z]
    l100 = links[xp, y, z]
    l010 = links[x, yp, z]
    l001 = links[x, y, zp]
    v000 = density_data[l000, 0]
    v100 = density_data[l100, 0]
    v010 = density_data[l010, 0]
    v001 = density_data[l001, 0]
    dx = v100 - v000
    dy = v010 - v000
    dz = v001 - v000
    idelta = scaling * jax.lax.rsqrt(1e-9 + dx * dx + dy * dy + dz * dz)
    m = mask.astype(density_data.dtype)
    g000 = -(dx + dy + dz) * idelta * m
    g100 = dx * idelta * m
    g010 = dy * idelta * m
    g001 = dz * idelta * m
    grad = jnp.zeros_like(density_data)
    grad = grad.at[l000, 0].add(g000)
    grad = grad.at[l100, 0].add(g100)
    grad = grad.at[l010, 0].add(g010)
    grad = grad.at[l001, 0].add(g001)
    return grad


def reference(density_data, links, rand_cells):
    # TVLoss.forward with lambda_tv > 0: returns the TV gradient tensor that the
    # original module would feed into density_data.backward(...).
    return _tv_grad(density_data, links, rand_cells, LAMBDA_TV)

if __name__ == "__main__":
    import jax
    _d = setup_inputs()
    print(jax.jit(kernel)(*tuple(_d.values())))

</pallas_src>

<mosaic_0001>
#map = affine_map<(d0, d1) -> (0)>
module attributes {stable_mosaic.version = 14 : i64} {
  func.func @_tv_body(%arg0: i32, %arg1: i32, %arg2: memref<2000000xf32, #tpu.memory_space<hbm>>, %arg3: memref<16777216xi32, #tpu.memory_space<hbm>>, %arg4: memref<172032xi32, #tpu.memory_space<hbm>>, %arg5: memref<2000000xf32, #tpu.memory_space<hbm>>, %arg6: memref<1048576xf32, #tpu.memory_space<vmem_shared>>, %arg7: memref<4096xf32, #tpu.memory_space<vmem>>, %arg8: memref<1344xi32, #tpu.memory_space<vmem>>, %arg9: memref<1344xi32, #tpu.memory_space<vmem>>, %arg10: memref<1344xi32, #tpu.memory_space<vmem>>, %arg11: memref<1344xi32, #tpu.memory_space<vmem>>, %arg12: memref<1344xi32, #tpu.memory_space<vmem>>, %arg13: memref<1344xi32, #tpu.memory_space<vmem>>, %arg14: memref<1344xi32, #tpu.memory_space<vmem>>, %arg15: memref<1344xi32, #tpu.memory_space<vmem>>, %arg16: memref<1344xf32, #tpu.memory_space<vmem>>, %arg17: memref<1344xf32, #tpu.memory_space<vmem>>, %arg18: memref<1344xf32, #tpu.memory_space<vmem>>, %arg19: memref<1344xf32, #tpu.memory_space<vmem>>, %arg20: memref<1344xi32, #tpu.memory_space<vmem>>, %arg21: memref<1344xi32, #tpu.memory_space<vmem>>, %arg22: memref<1344xi32, #tpu.memory_space<vmem>>, %arg23: memref<1344xi32, #tpu.memory_space<vmem>>, %arg24: memref<1344xi32, #tpu.memory_space<vmem>>, %arg25: memref<1344xi32, #tpu.memory_space<vmem>>, %arg26: memref<1344xi32, #tpu.memory_space<vmem>>, %arg27: memref<1344xi32, #tpu.memory_space<vmem>>, %arg28: memref<1344xf32, #tpu.memory_space<vmem>>, %arg29: memref<1344xf32, #tpu.memory_space<vmem>>, %arg30: memref<1344xf32, #tpu.memory_space<vmem>>, %arg31: memref<1344xf32, #tpu.memory_space<vmem>>, %arg32: memref<1344xi32, #tpu.memory_space<vmem>>, %arg33: memref<1344xi32, #tpu.memory_space<vmem>>, %arg34: memref<1344xi32, #tpu.memory_space<vmem>>, %arg35: memref<1344xi32, #tpu.memory_space<vmem>>, %arg36: memref<1344xi32, #tpu.memory_space<vmem>>, %arg37: memref<1344xi32, #tpu.memory_space<vmem>>, %arg38: memref<1344xi32, #tpu.memory_space<vmem>>, %arg39: memref<1344xi32, #tpu.memory_space<vmem>>, %arg40: memref<1344xf32, #tpu.memory_space<vmem>>, %arg41: memref<1344xf32, #tpu.memory_space<vmem>>, %arg42: memref<1344xf32, #tpu.memory_space<vmem>>, %arg43: memref<1344xf32, #tpu.memory_space<vmem>>, %arg44: memref<!tpu.dma_semaphore, #tpu.memory_space<semaphore_mem>>, %arg45: memref<!tpu.dma_semaphore, #tpu.memory_space<semaphore_mem>>, %arg46: memref<!tpu.dma_semaphore, #tpu.memory_space<semaphore_mem>>, %arg47: memref<!tpu.dma_semaphore, #tpu.memory_space<semaphore_mem>>, %arg48: memref<!tpu.dma_semaphore, #tpu.memory_space<semaphore_mem>>, %arg49: memref<!tpu.dma_semaphore, #tpu.memory_space<semaphore_mem>>, %arg50: memref<!tpu.dma_semaphore, #tpu.memory_space<semaphore_mem>>, %arg51: memref<!tpu.dma_semaphore, #tpu.memory_space<semaphore_mem>>, %arg52: memref<!tpu.dma_semaphore, #tpu.memory_space<semaphore_mem>>) attributes {dimension_semantics = [#tpu.dimension_semantics<core_parallel>, #tpu.dimension_semantics<subcore_parallel>], iteration_bounds = array<i64: 2, 16>, scalar_prefetch = 0 : i64, scratch_operands = 47 : i64, tpu.core_type = #tpu.core_type<sc_vector_subcore>, window_params = [{transform_indices = #map}, {transform_indices = #map}, {transform_indices = #map}, {transform_indices = #map}]} {
    %mul3A = arith.constant 1000000 : i32
    %mul3A_0 = arith.muli %arg0, %mul3A : i32
    %mul3A_1 = arith.constant 10752 : i32
    %mul3A_2 = arith.muli %arg1, %mul3A_1 : i32
    %add3A = arith.constant 0 : i32
    %add3A_3 = arith.addi %mul3A_2, %add3A : i32
    "tpu.region"() ({
      %run_scoped3A = tpu.sem_alloc : memref<!tpu.dma_semaphore, #tpu.memory_space<semaphore_mem>>
      %dma_start3A_514 = tpu.memref_slice %arg4[%add3A_3] : memref<172032xi32, #tpu.memory_space<hbm>> -> memref<1344xi32, #tpu.memory_space<hbm>>
      %dma_start3A_515 = tpu.memref_slice %arg4[%add3A_3] : memref<172032xi32, #tpu.memory_space<hbm>> -> memref<1344xi32, #tpu.memory_space<hbm>>
      tpu.enqueue_dma source(%dma_start3A_515 : memref<1344xi32, #tpu.memory_space<hbm>>) target(%arg8 : memref<1344xi32, #tpu.memory_space<vmem>>) target_semaphore(%run_scoped3A : memref<!tpu.dma_semaphore, #tpu.memory_space<semaphore_mem>>)
      %dma_wait3A_516 = tpu.memref_slice %arg4[%add3A_3] : memref<172032xi32, #tpu.memory_space<hbm>> -> memref<1344xi32, #tpu.memory_space<hbm>>
      %dma_wait3A_517 = tpu.memref_slice %arg4[%add3A_3] : memref<172032xi32, #tpu.memory_space<hbm>> -> memref<1344xi32, #tpu.memory_space<hbm>>
      tpu.wait_dma2 semaphore(%run_scoped3A : memref<!tpu.dma_semaphore, #tpu.memory_space<semaphore_mem>>) src(%dma_wait3A_517 : memref<1344xi32, #tpu.memory_space<hbm>>) dst(%arg8 : memref<1344xi32, #tpu.memory_space<vmem>>)
      tpu.yield
    }) : () -> ()
    %scan3A = arith.constant 0 : i32
    %scan3A_4 = arith.constant 0 : i32
    %scan3A_5 = arith.constant 84 : i32
    %scan3A_6 = arith.addi %scan3A_4, %scan3A_5 : i32
    %scan3A_7 = arith.constant 1 : i32
    scf.for %scan3A_514 = %scan3A_4 to %scan3A_6 step %scan3A_7  : i32 {
      %mul3A_515 = arith.constant 16 : i32
      %mul3A_516 = arith.muli %scan3A_514, %mul3A_515 : i32
      %get3A = arith.index_cast %mul3A_516 : i32 to index
      %get3A_517 = tpu.vector_load %arg8[%get3A] {strides = array<i32>} : memref<1344xi32, #tpu.memory_space<vmem>>, vector<16xi32>,
      %shift_right_arithmetic3A = arith.constant 16 : i32
      %shift_right_arithmetic3A_518 = vector.broadcast %shift_right_arithmetic3A : i32 to vector<16xi32>
      %shift_right_arithmetic3A_519 = arith.shrsi %get3A_517, %shift_right_arithmetic3A_518 : vector<16xi32>
      %shift_right_arithmetic3A_520 = arith.constant 8 : i32
      %shift_right_arithmetic3A_521 = vector.broadcast %shift_right_arithmetic3A_520 : i32 to vector<16xi32>
      %shift_right_arithmetic3A_522 = arith.shrsi %get3A_517, %shift_right_arithmetic3A_521 : vector<16xi32>
      %and3A = arith.constant 255 : i32
      %and3A_523 = vector.broadcast %and3A : i32 to vector<16xi32>
      %and3A_524 = arith.andi %shift_right_arithmetic3A_522, %and3A_523 : vector<16xi32>
      %and3A_525 = arith.constant 255 : i32
      %and3A_526 = vector.broadcast %and3A_525 : i32 to vector<16xi32>
      %and3A_527 = arith.andi %get3A_517, %and3A_526 : vector<16xi32>
      %lt3A_528 = arith.constant 255 : i32
      %lt3A_529 = vector.broadcast %lt3A_528 : i32 to vector<16xi32>
      %lt3A_530 = arith.cmpi slt, %shift_right_arithmetic3A_519, %lt3A_529 : vector<16xi32>
      %jit3A = arith.constant 65536 : i32
      %jit3A_531 = arith.constant 0 : i32
      %broadcast_in_dim3A = vector.broadcast %jit3A : i32 to vector<16xi32>
      %broadcast_in_dim3A_532 = vector.broadcast %jit3A_531 : i32 to vector<16xi32>
      %select_n3A = arith.select %lt3A_530, %broadcast_in_dim3A, %broadcast_in_dim3A_532 : vector<16xi1>, vector<16xi32>
      %add3A_533 = arith.addi %get3A_517, %select_n3A : vector<16xi32>
      %swap3A = arith.index_cast %mul3A_516 : i32 to index
      %swap3A_534 = tpu.vector_load %arg9[%swap3A] {strides = array<i32>} : memref<1344xi32, #tpu.memory_space<vmem>>, vector<16xi32>,
      tpu.vector_store %arg9[%swap3A], %add3A_533 {strides = array<i32>} : memref<1344xi32, #tpu.memory_space<vmem>>, vector<16xi32>,
      %lt3A_535 = arith.constant 255 : i32
      %lt3A_536 = vector.broadcast %lt3A_535 : i32 to vector<16xi32>
      %lt3A_537 = arith.cmpi slt, %and3A_524, %lt3A_536 : vector<16xi32>
      %jit3A_538 = arith.constant 256 : i32
      %jit3A_539 = arith.constant 0 : i32
      %broadcast_in_dim3A_540 = vector.broadcast %jit3A_538 : i32 to vector<16xi32>
      %broadcast_in_dim3A_541 = vector.broadcast %jit3A_539 : i32 to vector<16xi32>
      %select_n3A_542 = arith.select %lt3A_537, %broadcast_in_dim3A_540, %broadcast_in_dim3A_541 : vector<16xi1>, vector<16xi32>
      %add3A_543 = arith.addi %get3A_517, %select_n3A_542 : vector<16xi32>
      %swap3A_544 = arith.index_cast %mul3A_516 : i32 to index
      %swap3A_545 = tpu.vector_load %arg10[%swap3A_544] {strides = array<i32>} : memref<1344xi32, #tpu.memory_space<vmem>>, vector<16xi32>,
      tpu.vector_store %arg10[%swap3A_544], %add3A_543 {strides = array<i32>} : memref<1344xi32, #tpu.memory_space<vmem>>, vector<16xi32>,
      %lt3A_546 = arith.constant 255 : i32
      %lt3A_547 = vector.broadcast %lt3A_546 : i32 to vector<16xi32>
      %lt3A_548 = arith.cmpi slt, %and3A_527, %lt3A_547 : vector<16xi32>
      %jit3A_549 = arith.constant 1 : i32
      %jit3A_550 = arith.constant 0 : i32
      %broadcast_in_dim3A_551 = vector.broadcast %jit3A_549 : i32 to vector<16xi32>
      %broadcast_in_dim3A_552 = vector.broadcast %jit3A_550 : i32 to vector<16xi32>
      %select_n3A_553 = arith.select %lt3A_548, %broadcast_in_dim3A_551, %broadcast_in_dim3A_552 : vector<16xi1>, vector<16xi32>
      %add3A_554 = arith.addi %get3A_517, %select_n3A_553 : vector<16xi32>
      %swap3A_555 = arith.index_cast %mul3A_516 : i32 to index
      %swap3A_556 = tpu.vector_load %arg11[%swap3A_555] {strides = array<i32>} : memref<1344xi32, #tpu.memory_space<vmem>>, vector<16xi32>,
      tpu.vector_store %arg11[%swap3A_555], %add3A_554 {strides = array<i32>} : memref<1344xi32, #tpu.memory_space<vmem>>, vector<16xi32>,
    }
    %scan3A_8 = arith.constant 84 : i32
    %dma_start3A = arith.constant 0 : i32
    %dma_start3A_9 = tpu.memref_slice %arg3[%dma_start3A] : memref<16777216xi32, #tpu.memory_space<hbm>> -> memref<16777216xi32, #tpu.memory_space<hbm>>
    tpu.enqueue_indirect_dma source(%dma_start3A_9 : memref<16777216xi32, #tpu.memory_space<hbm>>) target(%arg12 : memref<1344xi32, #tpu.memory_space<vmem>>) offsets(%arg8 : memref<1344xi32, #tpu.memory_space<vmem>>) semaphore(%arg44 : memref<!tpu.dma_semaphore, #tpu.memory_space<semaphore_mem>>)
    %dma_start3A_10 = arith.constant 0 : i32
    %dma_start3A_11 = tpu.memref_slice %arg3[%dma_start3A_10] : memref<16777216xi32, #tpu.memory_space<hbm>> -> memref<16777216xi32, #tpu.memory_space<hbm>>
    tpu.enqueue_indirect_dma source(%dma_start3A_11 : memref<16777216xi32, #tpu.memory_space<hbm>>) target(%arg13 : memref<1344xi32, #tpu.memory_space<vmem>>) offsets(%arg9 : memref<1344xi32, #tpu.memory_space<vmem>>) semaphore(%arg44 : memref<!tpu.dma_semaphore, #tpu.memory_space<semaphore_mem>>)
    %dma_start3A_12 = arith.constant 0 : i32
    %dma_start3A_13 = tpu.memref_slice %arg3[%dma_start3A_12] : memref<16777216xi32, #tpu.memory_space<hbm>> -> memref<16777216xi32, #tpu.memory_space<hbm>>
    tpu.enqueue_indirect_dma source(%dma_start3A_13 : memref<16777216xi32, #tpu.memory_space<hbm>>) target(%arg14 : memref<1344xi32, #tpu.memory_space<vmem>>) offsets(%arg10 : memref<1344xi32, #tpu.memory_space<vmem>>) semaphore(%arg44 : memref<!tpu.dma_semaphore, #tpu.memory_space<semaphore_mem>>)
    %dma_start3A_14 = arith.constant 0 : i32
    %dma_start3A_15 = tpu.memref_slice %arg3[%dma_start3A_14] : memref<16777216xi32, #tpu.memory_space<hbm>> -> memref<16777216xi32, #tpu.memory_space<hbm>>
    tpu.enqueue_indirect_dma source(%dma_start3A_15 : memref<16777216xi32, #tpu.memory_space<hbm>>) target(%arg15 : memref<1344xi32, #tpu.memory_space<vmem>>) offsets(%arg11 : memref<1344xi32, #tpu.memory_space<vmem>>) semaphore(%arg44 : memref<!tpu.dma_semaphore, #tpu.memory_space<semaphore_mem>>)
    %scan3A_16 = arith.constant 0 : i32
    %scan3A_17 = arith.constant 0 : i32
    %scan3A_18 = arith.constant 256 : i32
    %scan3A_19 = arith.addi %scan3A_17, %scan3A_18 : i32
    %scan3A_20 = arith.constant 1 : i32
    scf.for %scan3A_514 = %scan3A_17 to %scan3A_19 step %scan3A_20  : i32 {
      %broadcast_in_dim3A = arith.constant 0.000000e+00 : f32
      %broadcast_in_dim3A_515 = vector.broadcast %broadcast_in_dim3A : f32 to vector<16xf32>
      %mul3A_516 = arith.constant 16 : i32
      %mul3A_517 = arith.muli %scan3A_514, %mul3A_516 : i32
      %swap3A = arith.index_cast %mul3A_517 : i32 to index
      %swap3A_518 = tpu.vector_load %arg7[%swap3A] {strides = array<i32>} : memref<4096xf32, #tpu.memory_space<vmem>>, vector<16xf32>,
      tpu.vector_store %arg7[%swap3A], %broadcast_in_dim3A_515 {strides = array<i32>} : memref<4096xf32, #tpu.memory_space<vmem>>, vector<16xf32>,
    }
    %scan3A_21 = arith.constant 256 : i32
    %scan3A_22 = arith.constant 0 : i32
    %scan3A_23 = arith.constant 0 : i32
    %scan3A_24 = arith.constant 16 : i32
    %scan3A_25 = arith.addi %scan3A_23, %scan3A_24 : i32
    %scan3A_26 = arith.constant 1 : i32
    scf.for %scan3A_514 = %scan3A_23 to %scan3A_25 step %scan3A_26  : i32 {
      %mul3A_515 = arith.constant 65536 : i32
      %mul3A_516 = arith.muli %arg1, %mul3A_515 : i32
      %mul3A_517 = arith.constant 4096 : i32
      %mul3A_518 = arith.muli %scan3A_514, %mul3A_517 : i32
      %add3A_519 = arith.addi %mul3A_516, %mul3A_518 : i32
      "tpu.region"() ({
        %run_scoped3A = tpu.sem_alloc : memref<!tpu.dma_semaphore, #tpu.memory_space<semaphore_mem>>
        %dma_start3A_520 = tpu.memref_slice %arg6[%add3A_519] : memref<1048576xf32, #tpu.memory_space<vmem_shared>> -> memref<4096xf32, #tpu.memory_space<vmem_shared>>
        %dma_start3A_521 = tpu.memref_slice %arg6[%add3A_519] : memref<1048576xf32, #tpu.memory_space<vmem_shared>> -> memref<4096xf32, #tpu.memory_space<vmem_shared>>
        tpu.enqueue_dma source(%arg7 : memref<4096xf32, #tpu.memory_space<vmem>>) target(%dma_start3A_521 : memref<4096xf32, #tpu.memory_space<vmem_shared>>) target_semaphore(%run_scoped3A : memref<!tpu.dma_semaphore, #tpu.memory_space<semaphore_mem>>)
        %dma_wait3A_522 = tpu.memref_slice %arg6[%add3A_519] : memref<1048576xf32, #tpu.memory_space<vmem_shared>> -> memref<4096xf32, #tpu.memory_space<vmem_shared>>
        %dma_wait3A_523 = tpu.memref_slice %arg6[%add3A_519] : memref<1048576xf32, #tpu.memory_space<vmem_shared>> -> memref<4096xf32, #tpu.memory_space<vmem_shared>>
        tpu.wait_dma2 semaphore(%run_scoped3A : memref<!tpu.dma_semaphore, #tpu.memory_space<semaphore_mem>>) src(%arg7 : memref<4096xf32, #tpu.memory_space<vmem>>) dst(%dma_wait3A_523 : memref<4096xf32, #tpu.memory_space<vmem_shared>>)
        tpu.yield
      }) : () -> ()
    }
    %scan3A_27 = arith.constant 16 : i32
    %barrier3A = arith.constant 0 : index
    tpu.barrier barrier_id(%barrier3A)
    %add3A_28 = arith.constant 1344 : i32
    %add3A_29 = arith.addi %mul3A_2, %add3A_28 : i32
    "tpu.region"() ({
      %run_scoped3A = tpu.sem_alloc : memref<!tpu.dma_semaphore, #tpu.memory_space<semaphore_mem>>
      %dma_start3A_514 = tpu.memref_slice %arg4[%add3A_29] : memref<172032xi32, #tpu.memory_space<hbm>> -> memref<1344xi32, #tpu.memory_space<hbm>>
      %dma_start3A_515 = tpu.memref_slice %arg4[%add3A_29] : memref<172032xi32, #tpu.memory_space<hbm>> -> memref<1344xi32, #tpu.memory_space<hbm>>
      tpu.enqueue_dma source(%dma_start3A_515 : memref<1344xi32, #tpu.memory_space<hbm>>) target(%arg20 : memref<1344xi32, #tpu.memory_space<vmem>>) target_semaphore(%run_scoped3A : memref<!tpu.dma_semaphore, #tpu.memory_space<semaphore_mem>>)
      %dma_wait3A_516 = tpu.memref_slice %arg4[%add3A_29] : memref<172032xi32, #tpu.memory_space<hbm>> -> memref<1344xi32, #tpu.memory_space<hbm>>
      %dma_wait3A_517 = tpu.memref_slice %arg4[%add3A_29] : memref<172032xi32, #tpu.memory_space<hbm>> -> memref<1344xi32, #tpu.memory_space<hbm>>
      tpu.wait_dma2 semaphore(%run_scoped3A : memref<!tpu.dma_semaphore, #tpu.memory_space<semaphore_mem>>) src(%dma_wait3A_517 : memref<1344xi32, #tpu.memory_space<hbm>>) dst(%arg20 : memref<1344xi32, #tpu.memory_space<vmem>>)
      tpu.yield
    }) : () -> ()
    %scan3A_30 = arith.constant 0 : i32
    %scan3A_31 = arith.constant 0 : i32
    %scan3A_32 = arith.constant 84 : i32
    %scan3A_33 = arith.addi %scan3A_31, %scan3A_32 : i32
    %scan3A_34 = arith.constant 1 : i32
    scf.for %scan3A_514 = %scan3A_31 to %scan3A_33 step %scan3A_34  : i32 {
      %mul3A_515 = arith.constant 16 : i32
      %mul3A_516 = arith.muli %scan3A_514, %mul3A_515 : i32
      %get3A = arith.index_cast %mul3A_516 : i32 to index
      %get3A_517 = tpu.vector_load %arg20[%get3A] {strides = array<i32>} : memref<1344xi32, #tpu.memory_space<vmem>>, vector<16xi32>,
      %shift_right_arithmetic3A = arith.constant 16 : i32
      %shift_right_arithmetic3A_518 = vector.broadcast %shift_right_arithmetic3A : i32 to vector<16xi32>
      %shift_right_arithmetic3A_519 = arith.shrsi %get3A_517, %shift_right_arithmetic3A_518 : vector<16xi32>
      %shift_right_arithmetic3A_520 = arith.constant 8 : i32
      %shift_right_arithmetic3A_521 = vector.broadcast %shift_right_arithmetic3A_520 : i32 to vector<16xi32>
      %shift_right_arithmetic3A_522 = arith.shrsi %get3A_517, %shift_right_arithmetic3A_521 : vector<16xi32>
      %and3A = arith.constant 255 : i32
      %and3A_523 = vector.broadcast %and3A : i32 to vector<16xi32>
      %and3A_524 = arith.andi %shift_right_arithmetic3A_522, %and3A_523 : vector<16xi32>
      %and3A_525 = arith.constant 255 : i32
      %and3A_526 = vector.broadcast %and3A_525 : i32 to vector<16xi32>
      %and3A_527 = arith.andi %get3A_517, %and3A_526 : vector<16xi32>
      %lt3A_528 = arith.constant 255 : i32
      %lt3A_529 = vector.broadcast %lt3A_528 : i32 to vector<16xi32>
      %lt3A_530 = arith.cmpi slt, %shift_right_arithmetic3A_519, %lt3A_529 : vector<16xi32>
      %jit3A = arith.constant 65536 : i32
      %jit3A_531 = arith.constant 0 : i32
      %broadcast_in_dim3A = vector.broadcast %jit3A : i32 to vector<16xi32>
      %broadcast_in_dim3A_532 = vector.broadcast %jit3A_531 : i32 to vector<16xi32>
      %select_n3A = arith.select %lt3A_530, %broadcast_in_dim3A, %broadcast_in_dim3A_532 : vector<16xi1>, vector<16xi32>
      %add3A_533 = arith.addi %get3A_517, %select_n3A : vector<16xi32>
      %swap3A = arith.index_cast %mul3A_516 : i32 to index
      %swap3A_534 = tpu.vector_load %arg21[%swap3A] {strides = array<i32>} : memref<1344xi32, #tpu.memory_space<vmem>>, vector<16xi32>,
      tpu.vector_store %arg21[%swap3A], %add3A_533 {strides = array<i32>} : memref<1344xi32, #tpu.memory_space<vmem>>, vector<16xi32>,
      %lt3A_535 = arith.constant 255 : i32
      %lt3A_536 = vector.broadcast %lt3A_535 : i32 to vector<16xi32>
      %lt3A_537 = arith.cmpi slt, %and3A_524, %lt3A_536 : vector<16xi32>
      %jit3A_538 = arith.constant 256 : i32
      %jit3A_539 = arith.constant 0 : i32
      %broadcast_in_dim3A_540 = vector.broadcast %jit3A_538 : i32 to vector<16xi32>
      %broadcast_in_dim3A_541 = vector.broadcast %jit3A_539 : i32 to vector<16xi32>
      %select_n3A_542 = arith.select %lt3A_537, %broadcast_in_dim3A_540, %broadcast_in_dim3A_541 : vector<16xi1>, vector<16xi32>
      %add3A_543 = arith.addi %get3A_517, %select_n3A_542 : vector<16xi32>
      %swap3A_544 = arith.index_cast %mul3A_516 : i32 to index
      %swap3A_545 = tpu.vector_load %arg22[%swap3A_544] {strides = array<i32>} : memref<1344xi32, #tpu.memory_space<vmem>>, vector<16xi32>,
      tpu.vector_store %arg22[%swap3A_544], %add3A_543 {strides = array<i32>} : memref<1344xi32, #tpu.memory_space<vmem>>, vector<16xi32>,
      %lt3A_546 = arith.constant 255 : i32
      %lt3A_547 = vector.broadcast %lt3A_546 : i32 to vector<16xi32>
      %lt3A_548 = arith.cmpi slt, %and3A_527, %lt3A_547 : vector<16xi32>
      %jit3A_549 = arith.constant 1 : i32
      %jit3A_550 = arith.constant 0 : i32
      %broadcast_in_dim3A_551 = vector.broadcast %jit3A_549 : i32 to vector<16xi32>
      %broadcast_in_dim3A_552 = vector.broadcast %jit3A_550 : i32 to vector<16xi32>
      %select_n3A_553 = arith.select %lt3A_548, %broadcast_in_dim3A_551, %broadcast_in_dim3A_552 : vector<16xi1>, vector<16xi32>
      %add3A_554 = arith.addi %get3A_517, %select_n3A_553 : vector<16xi32>
      %swap3A_555 = arith.index_cast %mul3A_516 : i32 to index
      %swap3A_556 = tpu.vector_load %arg23[%swap3A_555] {strides = array<i32>} : memref<1344xi32, #tpu.memory_space<vmem>>, vector<16xi32>,
      tpu.vector_store %arg23[%swap3A_555], %add3A_554 {strides = array<i32>} : memref<1344xi32, #tpu.memory_space<vmem>>, vector<16xi32>,
    }
    %scan3A_35 = arith.constant 84 : i32
    %dma_start3A_36 = arith.constant 0 : i32
    %dma_start3A_37 = tpu.memref_slice %arg3[%dma_start3A_36] : memref<16777216xi32, #tpu.memory_space<hbm>> -> memref<16777216xi32, #tpu.memory_space<hbm>>
    tpu.enqueue_indirect_dma source(%dma_start3A_37 : memref<16777216xi32, #tpu.memory_space<hbm>>) target(%arg24 : memref<1344xi32, #tpu.memory_space<vmem>>) offsets(%arg20 : memref<1344xi32, #tpu.memory_space<vmem>>) semaphore(%arg45 : memref<!tpu.dma_semaphore, #tpu.memory_space<semaphore_mem>>)
    %dma_start3A_38 = arith.constant 0 : i32
    %dma_start3A_39 = tpu.memref_slice %arg3[%dma_start3A_38] : memref<16777216xi32, #tpu.memory_space<hbm>> -> memref<16777216xi32, #tpu.memory_space<hbm>>
    tpu.enqueue_indirect_dma source(%dma_start3A_39 : memref<16777216xi32, #tpu.memory_space<hbm>>) target(%arg25 : memref<1344xi32, #tpu.memory_space<vmem>>) offsets(%arg21 : memref<1344xi32, #tpu.memory_space<vmem>>) semaphore(%arg45 : memref<!tpu.dma_semaphore, #tpu.memory_space<semaphore_mem>>)
    %dma_start3A_40 = arith.constant 0 : i32
    %dma_start3A_41 = tpu.memref_slice %arg3[%dma_start3A_40] : memref<16777216xi32, #tpu.memory_space<hbm>> -> memref<16777216xi32, #tpu.memory_space<hbm>>
    tpu.enqueue_indirect_dma source(%dma_start3A_41 : memref<16777216xi32, #tpu.memory_space<hbm>>) target(%arg26 : memref<1344xi32, #tpu.memory_space<vmem>>) offsets(%arg22 : memref<1344xi32, #tpu.memory_space<vmem>>) semaphore(%arg45 : memref<!tpu.dma_semaphore, #tpu.memory_space<semaphore_mem>>)
    %dma_start3A_42 = arith.constant 0 : i32
    %dma_start3A_43 = tpu.memref_slice %arg3[%dma_start3A_42] : memref<16777216xi32, #tpu.memory_space<hbm>> -> memref<16777216xi32, #tpu.memory_space<hbm>>
    tpu.enqueue_indirect_dma source(%dma_start3A_43 : memref<16777216xi32, #tpu.memory_space<hbm>>) target(%arg27 : memref<1344xi32, #tpu.memory_space<vmem>>) offsets(%arg23 : memref<1344xi32, #tpu.memory_space<vmem>>) semaphore(%arg45 : memref<!tpu.dma_semaphore, #tpu.memory_space<semaphore_mem>>)
    %dma_wait3A = arith.constant 0 : i32
    %dma_wait3A_44 = tpu.memref_slice %arg3[%dma_wait3A] : memref<16777216xi32, #tpu.memory_space<hbm>> -> memref<16777216xi32, #tpu.memory_space<hbm>>
    tpu.wait_indirect_dma semaphore(%arg44 : memref<!tpu.dma_semaphore, #tpu.memory_space<semaphore_mem>>) src(%dma_wait3A_44 : memref<16777216xi32, #tpu.memory_space<hbm>>) dst(%arg12 : memref<1344xi32, #tpu.memory_space<vmem>>)
    %dma_wait3A_45 = arith.constant 0 : i32
    %dma_wait3A_46 = tpu.memref_slice %arg3[%dma_wait3A_45] : memref<16777216xi32, #tpu.memory_space<hbm>> -> memref<16777216xi32, #tpu.memory_space<hbm>>
    tpu.wait_indirect_dma semaphore(%arg44 : memref<!tpu.dma_semaphore, #tpu.memory_space<semaphore_mem>>) src(%dma_wait3A_46 : memref<16777216xi32, #tpu.memory_space<hbm>>) dst(%arg13 : memref<1344xi32, #tpu.memory_space<vmem>>)
    %dma_wait3A_47 = arith.constant 0 : i32
    %dma_wait3A_48 = tpu.memref_slice %arg3[%dma_wait3A_47] : memref<16777216xi32, #tpu.memory_space<hbm>> -> memref<16777216xi32, #tpu.memory_space<hbm>>
    tpu.wait_indirect_dma semaphore(%arg44 : memref<!tpu.dma_semaphore, #tpu.memory_space<semaphore_mem>>) src(%dma_wait3A_48 : memref<16777216xi32, #tpu.memory_space<hbm>>) dst(%arg14 : memref<1344xi32, #tpu.memory_space<vmem>>)
    %dma_wait3A_49 = arith.constant 0 : i32
    %dma_wait3A_50 = tpu.memref_slice %arg3[%dma_wait3A_49] : memref<16777216xi32, #tpu.memory_space<hbm>> -> memref<16777216xi32, #tpu.memory_space<hbm>>
    tpu.wait_indirect_dma semaphore(%arg44 : memref<!tpu.dma_semaphore, #tpu.memory_space<semaphore_mem>>) src(%dma_wait3A_50 : memref<16777216xi32, #tpu.memory_space<hbm>>) dst(%arg15 : memref<1344xi32, #tpu.memory_space<vmem>>)
    %dma_start3A_51 = arith.constant 0 : i32
    %dma_start3A_52 = tpu.memref_slice %arg2[%dma_start3A_51] : memref<2000000xf32, #tpu.memory_space<hbm>> -> memref<2000000xf32, #tpu.memory_space<hbm>>
    tpu.enqueue_indirect_dma source(%dma_start3A_52 : memref<2000000xf32, #tpu.memory_space<hbm>>) target(%arg16 : memref<1344xf32, #tpu.memory_space<vmem>>) offsets(%arg12 : memref<1344xi32, #tpu.memory_space<vmem>>) semaphore(%arg47 : memref<!tpu.dma_semaphore, #tpu.memory_space<semaphore_mem>>)
    %dma_start3A_53 = arith.constant 0 : i32
    %dma_start3A_54 = tpu.memref_slice %arg2[%dma_start3A_53] : memref<2000000xf32, #tpu.memory_space<hbm>> -> memref<2000000xf32, #tpu.memory_space<hbm>>
    tpu.enqueue_indirect_dma source(%dma_start3A_54 : memref<2000000xf32, #tpu.memory_space<hbm>>) target(%arg17 : memref<1344xf32, #tpu.memory_space<vmem>>) offsets(%arg13 : memref<1344xi32, #tpu.memory_space<vmem>>) semaphore(%arg47 : memref<!tpu.dma_semaphore, #tpu.memory_space<semaphore_mem>>)
    %dma_start3A_55 = arith.constant 0 : i32
    %dma_start3A_56 = tpu.memref_slice %arg2[%dma_start3A_55] : memref<2000000xf32, #tpu.memory_space<hbm>> -> memref<2000000xf32, #tpu.memory_space<hbm>>
    tpu.enqueue_indirect_dma source(%dma_start3A_56 : memref<2000000xf32, #tpu.memory_space<hbm>>) target(%arg18 : memref<1344xf32, #tpu.memory_space<vmem>>) offsets(%arg14 : memref<1344xi32, #tpu.memory_space<vmem>>) semaphore(%arg47 : memref<!tpu.dma_semaphore, #tpu.memory_space<semaphore_mem>>)
    %dma_start3A_57 = arith.constant 0 : i32
    %dma_start3A_58 = tpu.memref_slice %arg2[%dma_start3A_57] : memref<2000000xf32, #tpu.memory_space<hbm>> -> memref<2000000xf32, #tpu.memory_space<hbm>>
    tpu.enqueue_indirect_dma source(%dma_start3A_58 : memref<2000000xf32, #tpu.memory_space<hbm>>) target(%arg19 : memref<1344xf32, #tpu.memory_space<vmem>>) offsets(%arg15 : memref<1344xi32, #tpu.memory_space<vmem>>) semaphore(%arg47 : memref<!tpu.dma_semaphore, #tpu.memory_space<semaphore_mem>>)
    %add3A_59 = arith.constant 2688 : i32
    %add3A_60 = arith.addi %mul3A_2, %add3A_59 : i32
    "tpu.region"() ({
      %run_scoped3A = tpu.sem_alloc : memref<!tpu.dma_semaphore, #tpu.memory_space<semaphore_mem>>
      %dma_start3A_514 = tpu.memref_slice %arg4[%add3A_60] : memref<172032xi32, #tpu.memory_space<hbm>> -> memref<1344xi32, #tpu.memory_space<hbm>>
      %dma_start3A_515 = tpu.memref_slice %arg4[%add3A_60] : memref<172032xi32, #tpu.memory_space<hbm>> -> memref<1344xi32, #tpu.memory_space<hbm>>
      tpu.enqueue_dma source(%dma_start3A_515 : memref<1344xi32, #tpu.memory_space<hbm>>) target(%arg32 : memref<1344xi32, #tpu.memory_space<vmem>>) target_semaphore(%run_scoped3A : memref<!tpu.dma_semaphore, #tpu.memory_space<semaphore_mem>>)
      %dma_wait3A_516 = tpu.memref_slice %arg4[%add3A_60] : memref<172032xi32, #tpu.memory_space<hbm>> -> memref<1344xi32, #tpu.memory_space<hbm>>
      %dma_wait3A_517 = tpu.memref_slice %arg4[%add3A_60] : memref<172032xi32, #tpu.memory_space<hbm>> -> memref<1344xi32, #tpu.memory_space<hbm>>
      tpu.wait_dma2 semaphore(%run_scoped3A : memref<!tpu.dma_semaphore, #tpu.memory_space<semaphore_mem>>) src(%dma_wait3A_517 : memref<1344xi32, #tpu.memory_space<hbm>>) dst(%arg32 : memref<1344xi32, #tpu.memory_space<vmem>>)
      tpu.yield
    }) : () -> ()
    %scan3A_61 = arith.constant 0 : i32
    %scan3A_62 = arith.constant 0 : i32
    %scan3A_63 = arith.constant 84 : i32
    %scan3A_64 = arith.addi %scan3A_62, %scan3A_63 : i32
    %scan3A_65 = arith.constant 1 : i32
    scf.for %scan3A_514 = %scan3A_62 to %scan3A_64 step %scan3A_65  : i32 {
      %mul3A_515 = arith.constant 16 : i32
      %mul3A_516 = arith.muli %scan3A_514, %mul3A_515 : i32
      %get3A = arith.index_cast %mul3A_516 : i32 to index
      %get3A_517 = tpu.vector_load %arg32[%get3A] {strides = array<i32>} : memref<1344xi32, #tpu.memory_space<vmem>>, vector<16xi32>,
      %shift_right_arithmetic3A = arith.constant 16 : i32
      %shift_right_arithmetic3A_518 = vector.broadcast %shift_right_arithmetic3A : i32 to vector<16xi32>
      %shift_right_arithmetic3A_519 = arith.shrsi %get3A_517, %shift_right_arithmetic3A_518 : vector<16xi32>
      %shift_right_arithmetic3A_520 = arith.constant 8 : i32
      %shift_right_arithmetic3A_521 = vector.broadcast %shift_right_arithmetic3A_520 : i32 to vector<16xi32>
      %shift_right_arithmetic3A_522 = arith.shrsi %get3A_517, %shift_right_arithmetic3A_521 : vector<16xi32>
      %and3A = arith.constant 255 : i32
      %and3A_523 = vector.broadcast %and3A : i32 to vector<16xi32>
      %and3A_524 = arith.andi %shift_right_arithmetic3A_522, %and3A_523 : vector<16xi32>
      %and3A_525 = arith.constant 255 : i32
      %and3A_526 = vector.broadcast %and3A_525 : i32 to vector<16xi32>
      %and3A_527 = arith.andi %get3A_517, %and3A_526 : vector<16xi32>
      %lt3A_528 = arith.constant 255 : i32
      %lt3A_529 = vector.broadcast %lt3A_528 : i32 to vector<16xi32>
      %lt3A_530 = arith.cmpi slt, %shift_right_arithmetic3A_519, %lt3A_529 : vector<16xi32>
      %jit3A = arith.constant 65536 : i32
      %jit3A_531 = arith.constant 0 : i32
      %broadcast_in_dim3A = vector.broadcast %jit3A : i32 to vector<16xi32>
      %broadcast_in_dim3A_532 = vector.broadcast %jit3A_531 : i32 to vector<16xi32>
      %select_n3A = arith.select %lt3A_530, %broadcast_in_dim3A, %broadcast_in_dim3A_532 : vector<16xi1>, vector<16xi32>
      %add3A_533 = arith.addi %get3A_517, %select_n3A : vector<16xi32>
      %swap3A = arith.index_cast %mul3A_516 : i32 to index
      %swap3A_534 = tpu.vector_load %arg33[%swap3A] {strides = array<i32>} : memref<1344xi32, #tpu.memory_space<vmem>>, vector<16xi32>,
      tpu.vector_store %arg33[%swap3A], %add3A_533 {strides = array<i32>} : memref<1344xi32, #tpu.memory_space<vmem>>, vector<16xi32>,
      %lt3A_535 = arith.constant 255 : i32
      %lt3A_536 = vector.broadcast %lt3A_535 : i32 to vector<16xi32>
      %lt3A_537 = arith.cmpi slt, %and3A_524, %lt3A_536 : vector<16xi32>
      %jit3A_538 = arith.constant 256 : i32
      %jit3A_539 = arith.constant 0 : i32
      %broadcast_in_dim3A_540 = vector.broadcast %jit3A_538 : i32 to vector<16xi32>
      %broadcast_in_dim3A_541 = vector.broadcast %jit3A_539 : i32 to vector<16xi32>
      %select_n3A_542 = arith.select %lt3A_537, %broadcast_in_dim3A_540, %broadcast_in_dim3A_541 : vector<16xi1>, vector<16xi32>
      %add3A_543 = arith.addi %get3A_517, %select_n3A_542 : vector<16xi32>
      %swap3A_544 = arith.index_cast %mul3A_516 : i32 to index
      %swap3A_545 = tpu.vector_load %arg34[%swap3A_544] {strides = array<i32>} : memref<1344xi32, #tpu.memory_space<vmem>>, vector<16xi32>,
      tpu.vector_store %arg34[%swap3A_544], %add3A_543 {strides = array<i32>} : memref<1344xi32, #tpu.memory_space<vmem>>, vector<16xi32>,
      %lt3A_546 = arith.constant 255 : i32
      %lt3A_547 = vector.broadcast %lt3A_546 : i32 to vector<16xi32>
      %lt3A_548 = arith.cmpi slt, %and3A_527, %lt3A_547 : vector<16xi32>
      %jit3A_549 = arith.constant 1 : i32
      %jit3A_550 = arith.constant 0 : i32
      %broadcast_in_dim3A_551 = vector.broadcast %jit3A_549 : i32 to vector<16xi32>
      %broadcast_in_dim3A_552 = vector.broadcast %jit3A_550 : i32 to vector<16xi32>
      %select_n3A_553 = arith.select %lt3A_548, %broadcast_in_dim3A_551, %broadcast_in_dim3A_552 : vector<16xi1>, vector<16xi32>
      %add3A_554 = arith.addi %get3A_517, %select_n3A_553 : vector<16xi32>
      %swap3A_555 = arith.index_cast %mul3A_516 : i32 to index
      %swap3A_556 = tpu.vector_load %arg35[%swap3A_555] {strides = array<i32>} : memref<1344xi32, #tpu.memory_space<vmem>>, vector<16xi32>,
      tpu.vector_store %arg35[%swap3A_555], %add3A_554 {strides = array<i32>} : memref<1344xi32, #tpu.memory_space<vmem>>, vector<16xi32>,
    }
    %scan3A_66 = arith.constant 84 : i32
    %dma_start3A_67 = arith.constant 0 : i32
    %dma_start3A_68 = tpu.memref_slice %arg3[%dma_start3A_67] : memref<16777216xi32, #tpu.memory_space<hbm>> -> memref<16777216xi32, #tpu.memory_space<hbm>>
    tpu.enqueue_indirect_dma source(%dma_start3A_68 : memref<16777216xi32, #tpu.memory_space<hbm>>) target(%arg36 : memref<1344xi32, #tpu.memory_space<vmem>>) offsets(%arg32 : memref<1344xi32, #tpu.memory_space<vmem>>) semaphore(%arg46 : memref<!tpu.dma_semaphore, #tpu.memory_space<semaphore_mem>>)
    %dma_start3A_69 = arith.constant 0 : i32
    %dma_start3A_70 = tpu.memref_slice %arg3[%dma_start3A_69] : memref<16777216xi32, #tpu.memory_space<hbm>> -> memref<16777216xi32, #tpu.memory_space<hbm>>
    tpu.enqueue_indirect_dma source(%dma_start3A_70 : memref<16777216xi32, #tpu.memory_space<hbm>>) target(%arg37 : memref<1344xi32, #tpu.memory_space<vmem>>) offsets(%arg33 : memref<1344xi32, #tpu.memory_space<vmem>>) semaphore(%arg46 : memref<!tpu.dma_semaphore, #tpu.memory_space<semaphore_mem>>)
    %dma_start3A_71 = arith.constant 0 : i32
    %dma_start3A_72 = tpu.memref_slice %arg3[%dma_start3A_71] : memref<16777216xi32, #tpu.memory_space<hbm>> -> memref<16777216xi32, #tpu.memory_space<hbm>>
    tpu.enqueue_indirect_dma source(%dma_start3A_72 : memref<16777216xi32, #tpu.memory_space<hbm>>) target(%arg38 : memref<1344xi32, #tpu.memory_space<vmem>>) offsets(%arg34 : memref<1344xi32, #tpu.memory_space<vmem>>) semaphore(%arg46 : memref<!tpu.dma_semaphore, #tpu.memory_space<semaphore_mem>>)
    %dma_start3A_73 = arith.constant 0 : i32
    %dma_start3A_74 = tpu.memref_slice %arg3[%dma_start3A_73] : memref<16777216xi32, #tpu.memory_space<hbm>> -> memref<16777216xi32, #tpu.memory_space<hbm>>
    tpu.enqueue_indirect_dma source(%dma_start3A_74 : memref<16777216xi32, #tpu.memory_space<hbm>>) target(%arg39 : memref<1344xi32, #tpu.memory_space<vmem>>) offsets(%arg35 : memref<1344xi32, #tpu.memory_space<vmem>>) semaphore(%arg46 : memref<!tpu.dma_semaphore, #tpu.memory_space<semaphore_mem>>)
    %dma_wait3A_75 = arith.constant 0 : i32
    %dma_wait3A_76 = tpu.memref_slice %arg3[%dma_wait3A_75] : memref<16777216xi32, #tpu.memory_space<hbm>> -> memref<16777216xi32, #tpu.memory_space<hbm>>
    tpu.wait_indirect_dma semaphore(%arg45 : memref<!tpu.dma_semaphore, #tpu.memory_space<semaphore_mem>>) src(%dma_wait3A_76 : memref<16777216xi32, #tpu.memory_space<hbm>>) dst(%arg24 : memref<1344xi32, #tpu.memory_space<vmem>>)
    %dma_wait3A_77 = arith.constant 0 : i32
    %dma_wait3A_78 = tpu.memref_slice %arg3[%dma_wait3A_77] : memref<16777216xi32, #tpu.memory_space<hbm>> -> memref<16777216xi32, #tpu.memory_space<hbm>>
    tpu.wait_indirect_dma semaphore(%arg45 : memref<!tpu.dma_semaphore, #tpu.memory_space<semaphore_mem>>) src(%dma_wait3A_78 : memref<16777216xi32, #tpu.memory_space<hbm>>) dst(%arg25 : memref<1344xi32, #tpu.memory_space<vmem>>)
    %dma_wait3A_79 = arith.constant 0 : i32
    %dma_wait3A_80 = tpu.memref_slice %arg3[%dma_wait3A_79] : memref<16777216xi32, #tpu.memory_space<hbm>> -> memref<16777216xi32, #tpu.memory_space<hbm>>
    tpu.wait_indirect_dma semaphore(%arg45 : memref<!tpu.dma_semaphore, #tpu.memory_space<semaphore_mem>>) src(%dma_wait3A_80 : memref<16777216xi32, #tpu.memory_space<hbm>>) dst(%arg26 : memref<1344xi32, #tpu.memory_space<vmem>>)
    %dma_wait3A_81 = arith.constant 0 : i32
    %dma_wait3A_82 = tpu.memref_slice %arg3[%dma_wait3A_81] : memref<16777216xi32, #tpu.memory_space<hbm>> -> memref<16777216xi32, #tpu.memory_space<hbm>>
    tpu.wait_indirect_dma semaphore(%arg45 : memref<!tpu.dma_semaphore, #tpu.memory_space<semaphore_mem>>) src(%dma_wait3A_82 : memref<16777216xi32, #tpu.memory_space<hbm>>) dst(%arg27 : memref<1344xi32, #tpu.memory_space<vmem>>)
    %dma_start3A_83 = arith.constant 0 : i32
    %dma_start3A_84 = tpu.memref_slice %arg2[%dma_start3A_83] : memref<2000000xf32, #tpu.memory_space<hbm>> -> memref<2000000xf32, #tpu.memory_space<hbm>>
    tpu.enqueue_indirect_dma source(%dma_start3A_84 : memref<2000000xf32, #tpu.memory_space<hbm>>) target(%arg28 : memref<1344xf32, #tpu.memory_space<vmem>>) offsets(%arg24 : memref<1344xi32, #tpu.memory_space<vmem>>) semaphore(%arg48 : memref<!tpu.dma_semaphore, #tpu.memory_space<semaphore_mem>>)
    %dma_start3A_85 = arith.constant 0 : i32
    %dma_start3A_86 = tpu.memref_slice %arg2[%dma_start3A_85] : memref<2000000xf32, #tpu.memory_space<hbm>> -> memref<2000000xf32, #tpu.memory_space<hbm>>
    tpu.enqueue_indirect_dma source(%dma_start3A_86 : memref<2000000xf32, #tpu.memory_space<hbm>>) target(%arg29 : memref<1344xf32, #tpu.memory_space<vmem>>) offsets(%arg25 : memref<1344xi32, #tpu.memory_space<vmem>>) semaphore(%arg48 : memref<!tpu.dma_semaphore, #tpu.memory_space<semaphore_mem>>)
    %dma_start3A_87 = arith.constant 0 : i32
    %dma_start3A_88 = tpu.memref_slice %arg2[%dma_start3A_87] : memref<2000000xf32, #tpu.memory_space<hbm>> -> memref<2000000xf32, #tpu.memory_space<hbm>>
    tpu.enqueue_indirect_dma source(%dma_start3A_88 : memref<2000000xf32, #tpu.memory_space<hbm>>) target(%arg30 : memref<1344xf32, #tpu.memory_space<vmem>>) offsets(%arg26 : memref<1344xi32, #tpu.memory_space<vmem>>) semaphore(%arg48 : memref<!tpu.dma_semaphore, #tpu.memory_space<semaphore_mem>>)
    %dma_start3A_89 = arith.constant 0 : i32
    %dma_start3A_90 = tpu.memref_slice %arg2[%dma_start3A_89] : memref<2000000xf32, #tpu.memory_space<hbm>> -> memref<2000000xf32, #tpu.memory_space<hbm>>
    tpu.enqueue_indirect_dma source(%dma_start3A_90 : memref<2000000xf32, #tpu.memory_space<hbm>>) target(%arg31 : memref<1344xf32, #tpu.memory_space<vmem>>) offsets(%arg27 : memref<1344xi32, #tpu.memory_space<vmem>>) semaphore(%arg48 : memref<!tpu.dma_semaphore, #tpu.memory_space<semaphore_mem>>)
    %dma_wait3A_91 = arith.constant 0 : i32
    %dma_wait3A_92 = tpu.memref_slice %arg2[%dma_wait3A_91] : memref<2000000xf32, #tpu.memory_space<hbm>> -> memref<2000000xf32, #tpu.memory_space<hbm>>
    tpu.wait_indirect_dma semaphore(%arg47 : memref<!tpu.dma_semaphore, #tpu.memory_space<semaphore_mem>>) src(%dma_wait3A_92 : memref<2000000xf32, #tpu.memory_space<hbm>>) dst(%arg16 : memref<1344xf32, #tpu.memory_space<vmem>>)
    %dma_wait3A_93 = arith.constant 0 : i32
    %dma_wait3A_94 = tpu.memref_slice %arg2[%dma_wait3A_93] : memref<2000000xf32, #tpu.memory_space<hbm>> -> memref<2000000xf32, #tpu.memory_space<hbm>>
    tpu.wait_indirect_dma semaphore(%arg47 : memref<!tpu.dma_semaphore, #tpu.memory_space<semaphore_mem>>) src(%dma_wait3A_94 : memref<2000000xf32, #tpu.memory_space<hbm>>) dst(%arg17 : memref<1344xf32, #tpu.memory_space<vmem>>)
    %dma_wait3A_95 = arith.constant 0 : i32
    %dma_wait3A_96 = tpu.memref_slice %arg2[%dma_wait3A_95] : memref<2000000xf32, #tpu.memory_space<hbm>> -> memref<2000000xf32, #tpu.memory_space<hbm>>
    tpu.wait_indirect_dma semaphore(%arg47 : memref<!tpu.dma_semaphore, #tpu.memory_space<semaphore_mem>>) src(%dma_wait3A_96 : memref<2000000xf32, #tpu.memory_space<hbm>>) dst(%arg18 : memref<1344xf32, #tpu.memory_space<vmem>>)
    %dma_wait3A_97 = arith.constant 0 : i32
    %dma_wait3A_98 = tpu.memref_slice %arg2[%dma_wait3A_97] : memref<2000000xf32, #tpu.memory_space<hbm>> -> memref<2000000xf32, #tpu.memory_space<hbm>>
    tpu.wait_indirect_dma semaphore(%arg47 : memref<!tpu.dma_semaphore, #tpu.memory_space<semaphore_mem>>) src(%dma_wait3A_98 : memref<2000000xf32, #tpu.memory_space<hbm>>) dst(%arg19 : memref<1344xf32, #tpu.memory_space<vmem>>)
    %scan3A_99 = arith.constant 0 : i32
    %scan3A_100 = arith.constant 0 : i32
    %scan3A_101 = arith.constant 84 : i32
    %scan3A_102 = arith.addi %scan3A_100, %scan3A_101 : i32
    %scan3A_103 = arith.constant 1 : i32
    scf.for %scan3A_514 = %scan3A_100 to %scan3A_102 step %scan3A_103  : i32 {
      %mul3A_515 = arith.constant 16 : i32
      %mul3A_516 = arith.muli %scan3A_514, %mul3A_515 : i32
      %get3A = arith.index_cast %mul3A_516 : i32 to index
      %get3A_517 = tpu.vector_load %arg8[%get3A] {strides = array<i32>} : memref<1344xi32, #tpu.memory_space<vmem>>, vector<16xi32>,
      %shift_right_arithmetic3A = arith.constant 16 : i32
      %shift_right_arithmetic3A_518 = vector.broadcast %shift_right_arithmetic3A : i32 to vector<16xi32>
      %shift_right_arithmetic3A_519 = arith.shrsi %get3A_517, %shift_right_arithmetic3A_518 : vector<16xi32>
      %shift_right_arithmetic3A_520 = arith.constant 8 : i32
      %shift_right_arithmetic3A_521 = vector.broadcast %shift_right_arithmetic3A_520 : i32 to vector<16xi32>
      %shift_right_arithmetic3A_522 = arith.shrsi %get3A_517, %shift_right_arithmetic3A_521 : vector<16xi32>
      %and3A = arith.constant 255 : i32
      %and3A_523 = vector.broadcast %and3A : i32 to vector<16xi32>
      %and3A_524 = arith.andi %shift_right_arithmetic3A_522, %and3A_523 : vector<16xi32>
      %and3A_525 = arith.constant 255 : i32
      %and3A_526 = vector.broadcast %and3A_525 : i32 to vector<16xi32>
      %and3A_527 = arith.andi %get3A_517, %and3A_526 : vector<16xi32>
      %lt3A_528 = arith.constant 255 : i32
      %lt3A_529 = vector.broadcast %lt3A_528 : i32 to vector<16xi32>
      %lt3A_530 = arith.cmpi slt, %shift_right_arithmetic3A_519, %lt3A_529 : vector<16xi32>
      %lt3A_531 = arith.constant 255 : i32
      %lt3A_532 = vector.broadcast %lt3A_531 : i32 to vector<16xi32>
      %lt3A_533 = arith.cmpi slt, %and3A_524, %lt3A_532 : vector<16xi32>
      %and3A_534 = arith.andi %lt3A_530, %lt3A_533 : vector<16xi1>
      %lt3A_535 = arith.constant 255 : i32
      %lt3A_536 = vector.broadcast %lt3A_535 : i32 to vector<16xi32>
      %lt3A_537 = arith.cmpi slt, %and3A_527, %lt3A_536 : vector<16xi32>
      %and3A_538 = arith.andi %and3A_534, %lt3A_537 : vector<16xi1>
      %get3A_539 = arith.index_cast %mul3A_516 : i32 to index
      %get3A_540 = tpu.vector_load %arg16[%get3A_539] {strides = array<i32>} : memref<1344xf32, #tpu.memory_space<vmem>>, vector<16xf32>,
      %get3A_541 = arith.index_cast %mul3A_516 : i32 to index
      %get3A_542 = tpu.vector_load %arg17[%get3A_541] {strides = array<i32>} : memref<1344xf32, #tpu.memory_space<vmem>>, vector<16xf32>,
      %get3A_543 = arith.index_cast %mul3A_516 : i32 to index
      %get3A_544 = tpu.vector_load %arg18[%get3A_543] {strides = array<i32>} : memref<1344xf32, #tpu.memory_space<vmem>>, vector<16xf32>,
      %get3A_545 = arith.index_cast %mul3A_516 : i32 to index
      %get3A_546 = tpu.vector_load %arg19[%get3A_545] {strides = array<i32>} : memref<1344xf32, #tpu.memory_space<vmem>>, vector<16xf32>,
      %sub3A = arith.subf %get3A_542, %get3A_540 : vector<16xf32>
      %sub3A_547 = arith.subf %get3A_544, %get3A_540 : vector<16xf32>
      %sub3A_548 = arith.subf %get3A_546, %get3A_540 : vector<16xf32>
      %mul3A_549 = arith.mulf %sub3A, %sub3A : vector<16xf32>
      %add3A_550 = arith.constant 9.99999971E-10 : f32
      %add3A_551 = vector.broadcast %add3A_550 : f32 to vector<16xf32>
      %add3A_552 = arith.addf %add3A_551, %mul3A_549 : vector<16xf32>
      %mul3A_553 = arith.mulf %sub3A_547, %sub3A_547 : vector<16xf32>
      %add3A_554 = arith.addf %add3A_552, %mul3A_553 : vector<16xf32>
      %mul3A_555 = arith.mulf %sub3A_548, %sub3A_548 : vector<16xf32>
      %add3A_556 = arith.addf %add3A_554, %mul3A_555 : vector<16xf32>
      %bitcast3A = vector.bitcast %add3A_556 : vector<16xf32> to vector<16xi32>
      %shift_right_arithmetic3A_557 = arith.constant 1 : i32
      %shift_right_arithmetic3A_558 = vector.broadcast %shift_right_arithmetic3A_557 : i32 to vector<16xi32>
      %shift_right_arithmetic3A_559 = arith.shrsi %bitcast3A, %shift_right_arithmetic3A_558 : vector<16xi32>
      %sub3A_560 = arith.constant 1597463007 : i32
      %sub3A_561 = vector.broadcast %sub3A_560 : i32 to vector<16xi32>
      %sub3A_562 = arith.subi %sub3A_561, %shift_right_arithmetic3A_559 : vector<16xi32>
      %bitcast3A_563 = vector.bitcast %sub3A_562 : vector<16xi32> to vector<16xf32>
      %mul3A_564 = arith.constant 5.000000e-01 : f32
      %mul3A_565 = vector.broadcast %mul3A_564 : f32 to vector<16xf32>
      %mul3A_566 = arith.mulf %mul3A_565, %add3A_556 : vector<16xf32>
      %mul3A_567 = arith.mulf %mul3A_566, %bitcast3A_563 : vector<16xf32>
      %mul3A_568 = arith.mulf %mul3A_567, %bitcast3A_563 : vector<16xf32>
      %sub3A_569 = arith.constant 1.500000e+00 : f32
      %sub3A_570 = vector.broadcast %sub3A_569 : f32 to vector<16xf32>
      %sub3A_571 = arith.subf %sub3A_570, %mul3A_568 : vector<16xf32>
      %mul3A_572 = arith.mulf %bitcast3A_563, %sub3A_571 : vector<16xf32>
      %mul3A_573 = arith.constant 5.000000e-01 : f32
      %mul3A_574 = vector.broadcast %mul3A_573 : f32 to vector<16xf32>
      %mul3A_575 = arith.mulf %mul3A_574, %add3A_556 : vector<16xf32>
      %mul3A_576 = arith.mulf %mul3A_575, %mul3A_572 : vector<16xf32>
      %mul3A_577 = arith.mulf %mul3A_576, %mul3A_572 : vector<16xf32>
      %sub3A_578 = arith.constant 1.500000e+00 : f32
      %sub3A_579 = vector.broadcast %sub3A_578 : f32 to vector<16xf32>
      %sub3A_580 = arith.subf %sub3A_579, %mul3A_577 : vector<16xf32>
      %mul3A_581 = arith.mulf %mul3A_572, %sub3A_580 : vector<16xf32>
      %jit3A = arith.constant 9.99999974E-6 : f32
      %jit3A_582 = arith.constant 0.000000e+00 : f32
      %broadcast_in_dim3A = vector.broadcast %jit3A : f32 to vector<16xf32>
      %broadcast_in_dim3A_583 = vector.broadcast %jit3A_582 : f32 to vector<16xf32>
      %select_n3A = arith.select %and3A_538, %broadcast_in_dim3A, %broadcast_in_dim3A_583 : vector<16xi1>, vector<16xf32>
      %mul3A_584 = arith.mulf %select_n3A, %mul3A_581 : vector<16xf32>
      %add3A_585 = arith.addf %sub3A, %sub3A_547 : vector<16xf32>
      %add3A_586 = arith.addf %add3A_585, %sub3A_548 : vector<16xf32>
      %neg3A = arith.constant 0.000000e+00 : f32
      %neg3A_587 = vector.broadcast %neg3A : f32 to vector<16xf32>
      %neg3A_588 = arith.subf %neg3A_587, %add3A_586 : vector<16xf32>
      %mul3A_589 = arith.mulf %neg3A_588, %mul3A_584 : vector<16xf32>
      %swap3A = arith.index_cast %mul3A_516 : i32 to index
      %swap3A_590 = tpu.vector_load %arg16[%swap3A] {strides = array<i32>} : memref<1344xf32, #tpu.memory_space<vmem>>, vector<16xf32>,
      tpu.vector_store %arg16[%swap3A], %mul3A_589 {strides = array<i32>} : memref<1344xf32, #tpu.memory_space<vmem>>, vector<16xf32>,
      %mul3A_591 = arith.mulf %sub3A, %mul3A_584 : vector<16xf32>
      %swap3A_592 = arith.index_cast %mul3A_516 : i32 to index
      %swap3A_593 = tpu.vector_load %arg17[%swap3A_592] {strides = array<i32>} : memref<1344xf32, #tpu.memory_space<vmem>>, vector<16xf32>,
      tpu.vector_store %arg17[%swap3A_592], %mul3A_591 {strides = array<i32>} : memref<1344xf32, #tpu.memory_space<vmem>>, vector<16xf32>,
      %mul3A_594 = arith.mulf %sub3A_547, %mul3A_584 : vector<16xf32>
      %swap3A_595 = arith.index_cast %mul3A_516 : i32 to index
      %swap3A_596 = tpu.vector_load %arg18[%swap3A_595] {strides = array<i32>} : memref<1344xf32, #tpu.memory_space<vmem>>, vector<16xf32>,
      tpu.vector_store %arg18[%swap3A_595], %mul3A_594 {strides = array<i32>} : memref<1344xf32, #tpu.memory_space<vmem>>, vector<16xf32>,
      %mul3A_597 = arith.mulf %sub3A_548, %mul3A_584 : vector<16xf32>
      %swap3A_598 = arith.index_cast %mul3A_516 : i32 to index
      %swap3A_599 = tpu.vector_load %arg19[%swap3A_598] {strides = array<i32>} : memref<1344xf32, #tpu.memory_space<vmem>>, vector<16xf32>,
      tpu.vector_store %arg19[%swap3A_598], %mul3A_597 {strides = array<i32>} : memref<1344xf32, #tpu.memory_space<vmem>>, vector<16xf32>,
      %get3A_600 = arith.index_cast %mul3A_516 : i32 to index
      %get3A_601 = tpu.vector_load %arg12[%get3A_600] {strides = array<i32>} : memref<1344xi32, #tpu.memory_space<vmem>>, vector<16xi32>,
      %ge3A = vector.broadcast %mul3A_0 : i32 to vector<16xi32>
      %ge3A_602 = arith.cmpi sge, %get3A_601, %ge3A : vector<16xi32>
      %add3A_603 = arith.constant 1000000 : i32
      %add3A_604 = arith.addi %mul3A_0, %add3A_603 : i32
      %lt3A_605 = vector.broadcast %add3A_604 : i32 to vector<16xi32>
      %lt3A_606 = arith.cmpi slt, %get3A_601, %lt3A_605 : vector<16xi32>
      %and3A_607 = arith.andi %ge3A_602, %lt3A_606 : vector<16xi1>
      %sub3A_608 = vector.broadcast %mul3A_0 : i32 to vector<16xi32>
      %sub3A_609 = arith.subi %get3A_601, %sub3A_608 : vector<16xi32>
      %and3A_610 = arith.constant 32767 : i32
      %and3A_611 = vector.broadcast %and3A_610 : i32 to vector<16xi32>
      %and3A_612 = arith.andi %get3A_601, %and3A_611 : vector<16xi32>
      %add3A_613 = arith.constant 1000000 : i32
      %add3A_614 = vector.broadcast %add3A_613 : i32 to vector<16xi32>
      %add3A_615 = arith.addi %add3A_614, %and3A_612 : vector<16xi32>
      %select_n3A_616 = arith.select %and3A_607, %sub3A_609, %add3A_615 : vector<16xi1>, vector<16xi32>
      %swap3A_617 = arith.index_cast %mul3A_516 : i32 to index
      %swap3A_618 = tpu.vector_load %arg12[%swap3A_617] {strides = array<i32>} : memref<1344xi32, #tpu.memory_space<vmem>>, vector<16xi32>,
      tpu.vector_store %arg12[%swap3A_617], %select_n3A_616 {strides = array<i32>} : memref<1344xi32, #tpu.memory_space<vmem>>, vector<16xi32>,
      %get3A_619 = arith.index_cast %mul3A_516 : i32 to index
      %get3A_620 = tpu.vector_load %arg13[%get3A_619] {strides = array<i32>} : memref<1344xi32, #tpu.memory_space<vmem>>, vector<16xi32>,
      %ge3A_621 = vector.broadcast %mul3A_0 : i32 to vector<16xi32>
      %ge3A_622 = arith.cmpi sge, %get3A_620, %ge3A_621 : vector<16xi32>
      %add3A_623 = arith.constant 1000000 : i32
      %add3A_624 = arith.addi %mul3A_0, %add3A_623 : i32
      %lt3A_625 = vector.broadcast %add3A_624 : i32 to vector<16xi32>
      %lt3A_626 = arith.cmpi slt, %get3A_620, %lt3A_625 : vector<16xi32>
      %and3A_627 = arith.andi %ge3A_622, %lt3A_626 : vector<16xi1>
      %sub3A_628 = vector.broadcast %mul3A_0 : i32 to vector<16xi32>
      %sub3A_629 = arith.subi %get3A_620, %sub3A_628 : vector<16xi32>
      %and3A_630 = arith.constant 32767 : i32
      %and3A_631 = vector.broadcast %and3A_630 : i32 to vector<16xi32>
      %and3A_632 = arith.andi %get3A_620, %and3A_631 : vector<16xi32>
      %add3A_633 = arith.constant 1000000 : i32
      %add3A_634 = vector.broadcast %add3A_633 : i32 to vector<16xi32>
      %add3A_635 = arith.addi %add3A_634, %and3A_632 : vector<16xi32>
      %select_n3A_636 = arith.select %and3A_627, %sub3A_629, %add3A_635 : vector<16xi1>, vector<16xi32>
      %swap3A_637 = arith.index_cast %mul3A_516 : i32 to index
      %swap3A_638 = tpu.vector_load %arg13[%swap3A_637] {strides = array<i32>} : memref<1344xi32, #tpu.memory_space<vmem>>, vector<16xi32>,
      tpu.vector_store %arg13[%swap3A_637], %select_n3A_636 {strides = array<i32>} : memref<1344xi32, #tpu.memory_space<vmem>>, vector<16xi32>,
      %get3A_639 = arith.index_cast %mul3A_516 : i32 to index
      %get3A_640 = tpu.vector_load %arg14[%get3A_639] {strides = array<i32>} : memref<1344xi32, #tpu.memory_space<vmem>>, vector<16xi32>,
      %ge3A_641 = vector.broadcast %mul3A_0 : i32 to vector<16xi32>
      %ge3A_642 = arith.cmpi sge, %get3A_640, %ge3A_641 : vector<16xi32>
      %add3A_643 = arith.constant 1000000 : i32
      %add3A_644 = arith.addi %mul3A_0, %add3A_643 : i32
      %lt3A_645 = vector.broadcast %add3A_644 : i32 to vector<16xi32>
      %lt3A_646 = arith.cmpi slt, %get3A_640, %lt3A_645 : vector<16xi32>
      %and3A_647 = arith.andi %ge3A_642, %lt3A_646 : vector<16xi1>
      %sub3A_648 = vector.broadcast %mul3A_0 : i32 to vector<16xi32>
      %sub3A_649 = arith.subi %get3A_640, %sub3A_648 : vector<16xi32>
      %and3A_650 = arith.constant 32767 : i32
      %and3A_651 = vector.broadcast %and3A_650 : i32 to vector<16xi32>
      %and3A_652 = arith.andi %get3A_640, %and3A_651 : vector<16xi32>
      %add3A_653 = arith.constant 1000000 : i32
      %add3A_654 = vector.broadcast %add3A_653 : i32 to vector<16xi32>
      %add3A_655 = arith.addi %add3A_654, %and3A_652 : vector<16xi32>
      %select_n3A_656 = arith.select %and3A_647, %sub3A_649, %add3A_655 : vector<16xi1>, vector<16xi32>
      %swap3A_657 = arith.index_cast %mul3A_516 : i32 to index
      %swap3A_658 = tpu.vector_load %arg14[%swap3A_657] {strides = array<i32>} : memref<1344xi32, #tpu.memory_space<vmem>>, vector<16xi32>,
      tpu.vector_store %arg14[%swap3A_657], %select_n3A_656 {strides = array<i32>} : memref<1344xi32, #tpu.memory_space<vmem>>, vector<16xi32>,
      %get3A_659 = arith.index_cast %mul3A_516 : i32 to index
      %get3A_660 = tpu.vector_load %arg15[%get3A_659] {strides = array<i32>} : memref<1344xi32, #tpu.memory_space<vmem>>, vector<16xi32>,
      %ge3A_661 = vector.broadcast %mul3A_0 : i32 to vector<16xi32>
      %ge3A_662 = arith.cmpi sge, %get3A_660, %ge3A_661 : vector<16xi32>
      %add3A_663 = arith.constant 1000000 : i32
      %add3A_664 = arith.addi %mul3A_0, %add3A_663 : i32
      %lt3A_665 = vector.broadcast %add3A_664 : i32 to vector<16xi32>
      %lt3A_666 = arith.cmpi slt, %get3A_660, %lt3A_665 : vector<16xi32>
      %and3A_667 = arith.andi %ge3A_662, %lt3A_666 : vector<16xi1>
      %sub3A_668 = vector.broadcast %mul3A_0 : i32 to vector<16xi32>
      %sub3A_669 = arith.subi %get3A_660, %sub3A_668 : vector<16xi32>
      %and3A_670 = arith.constant 32767 : i32
      %and3A_671 = vector.broadcast %and3A_670 : i32 to vector<16xi32>
      %and3A_672 = arith.andi %get3A_660, %and3A_671 : vector<16xi32>
      %add3A_673 = arith.constant 1000000 : i32
      %add3A_674 = vector.broadcast %add3A_673 : i32 to vector<16xi32>
      %add3A_675 = arith.addi %add3A_674, %and3A_672 : vector<16xi32>
      %select_n3A_676 = arith.select %and3A_667, %sub3A_669, %add3A_675 : vector<16xi1>, vector<16xi32>
      %swap3A_677 = arith.index_cast %mul3A_516 : i32 to index
      %swap3A_678 = tpu.vector_load %arg15[%swap3A_677] {strides = array<i32>} : memref<1344xi32, #tpu.memory_space<vmem>>, vector<16xi32>,
      tpu.vector_store %arg15[%swap3A_677], %select_n3A_676 {strides = array<i32>} : memref<1344xi32, #tpu.memory_space<vmem>>, vector<16xi32>,
    }
    %scan3A_104 = arith.constant 84 : i32
    %dma_start3A_105 = arith.constant 0 : i32
    %dma_start3A_106 = tpu.memref_slice %arg6[%dma_start3A_105] : memref<1048576xf32, #tpu.memory_space<vmem_shared>> -> memref<1048576xf32, #tpu.memory_space<vmem_shared>>
    tpu.enqueue_indirect_dma source(%arg16 : memref<1344xf32, #tpu.memory_space<vmem>>) target(%dma_start3A_106 : memref<1048576xf32, #tpu.memory_space<vmem_shared>>) offsets(%arg12 : memref<1344xi32, #tpu.memory_space<vmem>>) semaphore(%arg50 : memref<!tpu.dma_semaphore, #tpu.memory_space<semaphore_mem>>) {add = true}
    %dma_start3A_107 = arith.constant 0 : i32
    %dma_start3A_108 = tpu.memref_slice %arg6[%dma_start3A_107] : memref<1048576xf32, #tpu.memory_space<vmem_shared>> -> memref<1048576xf32, #tpu.memory_space<vmem_shared>>
    tpu.enqueue_indirect_dma source(%arg17 : memref<1344xf32, #tpu.memory_space<vmem>>) target(%dma_start3A_108 : memref<1048576xf32, #tpu.memory_space<vmem_shared>>) offsets(%arg13 : memref<1344xi32, #tpu.memory_space<vmem>>) semaphore(%arg50 : memref<!tpu.dma_semaphore, #tpu.memory_space<semaphore_mem>>) {add = true}
    %dma_start3A_109 = arith.constant 0 : i32
    %dma_start3A_110 = tpu.memref_slice %arg6[%dma_start3A_109] : memref<1048576xf32, #tpu.memory_space<vmem_shared>> -> memref<1048576xf32, #tpu.memory_space<vmem_shared>>
    tpu.enqueue_indirect_dma source(%arg18 : memref<1344xf32, #tpu.memory_space<vmem>>) target(%dma_start3A_110 : memref<1048576xf32, #tpu.memory_space<vmem_shared>>) offsets(%arg14 : memref<1344xi32, #tpu.memory_space<vmem>>) semaphore(%arg50 : memref<!tpu.dma_semaphore, #tpu.memory_space<semaphore_mem>>) {add = true}
    %dma_start3A_111 = arith.constant 0 : i32
    %dma_start3A_112 = tpu.memref_slice %arg6[%dma_start3A_111] : memref<1048576xf32, #tpu.memory_space<vmem_shared>> -> memref<1048576xf32, #tpu.memory_space<vmem_shared>>
    tpu.enqueue_indirect_dma source(%arg19 : memref<1344xf32, #tpu.memory_space<vmem>>) target(%dma_start3A_112 : memref<1048576xf32, #tpu.memory_space<vmem_shared>>) offsets(%arg15 : memref<1344xi32, #tpu.memory_space<vmem>>) semaphore(%arg50 : memref<!tpu.dma_semaphore, #tpu.memory_space<semaphore_mem>>) {add = true}
    %dma_wait3A_113 = arith.constant 0 : i32
    %dma_wait3A_114 = tpu.memref_slice %arg6[%dma_wait3A_113] : memref<1048576xf32, #tpu.memory_space<vmem_shared>> -> memref<1048576xf32, #tpu.memory_space<vmem_shared>>
    tpu.wait_indirect_dma semaphore(%arg50 : memref<!tpu.dma_semaphore, #tpu.memory_space<semaphore_mem>>) src(%arg16 : memref<1344xf32, #tpu.memory_space<vmem>>) dst(%dma_wait3A_114 : memref<1048576xf32, #tpu.memory_space<vmem_shared>>)
    %dma_wait3A_115 = arith.constant 0 : i32
    %dma_wait3A_116 = tpu.memref_slice %arg6[%dma_wait3A_115] : memref<1048576xf32, #tpu.memory_space<vmem_shared>> -> memref<1048576xf32, #tpu.memory_space<vmem_shared>>
    tpu.wait_indirect_dma semaphore(%arg50 : memref<!tpu.dma_semaphore, #tpu.memory_space<semaphore_mem>>) src(%arg17 : memref<1344xf32, #tpu.memory_space<vmem>>) dst(%dma_wait3A_116 : memref<1048576xf32, #tpu.memory_space<vmem_shared>>)
    %dma_wait3A_117 = arith.constant 0 : i32
    %dma_wait3A_118 = tpu.memref_slice %arg6[%dma_wait3A_117] : memref<1048576xf32, #tpu.memory_space<vmem_shared>> -> memref<1048576xf32, #tpu.memory_space<vmem_shared>>
    tpu.wait_indirect_dma semaphore(%arg50 : memref<!tpu.dma_semaphore, #tpu.memory_space<semaphore_mem>>) src(%arg18 : memref<1344xf32, #tpu.memory_space<vmem>>) dst(%dma_wait3A_118 : memref<1048576xf32, #tpu.memory_space<vmem_shared>>)
    %dma_wait3A_119 = arith.constant 0 : i32
    %dma_wait3A_120 = tpu.memref_slice %arg6[%dma_wait3A_119] : memref<1048576xf32, #tpu.memory_space<vmem_shared>> -> memref<1048576xf32, #tpu.memory_space<vmem_shared>>
    tpu.wait_indirect_dma semaphore(%arg50 : memref<!tpu.dma_semaphore, #tpu.memory_space<semaphore_mem>>) src(%arg19 : memref<1344xf32, #tpu.memory_space<vmem>>) dst(%dma_wait3A_120 : memref<1048576xf32, #tpu.memory_space<vmem_shared>>)
    %add3A_121 = arith.constant 4032 : i32
    %add3A_122 = arith.addi %mul3A_2, %add3A_121 : i32
    "tpu.region"() ({
      %run_scoped3A = tpu.sem_alloc : memref<!tpu.dma_semaphore, #tpu.memory_space<semaphore_mem>>
      %dma_start3A_514 = tpu.memref_slice %arg4[%add3A_122] : memref<172032xi32, #tpu.memory_space<hbm>> -> memref<1344xi32, #tpu.memory_space<hbm>>
      %dma_start3A_515 = tpu.memref_slice %arg4[%add3A_122] : memref<172032xi32, #tpu.memory_space<hbm>> -> memref<1344xi32, #tpu.memory_space<hbm>>
      tpu.enqueue_dma source(%dma_start3A_515 : memref<1344xi32, #tpu.memory_space<hbm>>) target(%arg8 : memref<1344xi32, #tpu.memory_space<vmem>>) target_semaphore(%run_scoped3A : memref<!tpu.dma_semaphore, #tpu.memory_space<semaphore_mem>>)
      %dma_wait3A_516 = tpu.memref_slice %arg4[%add3A_122] : memref<172032xi32, #tpu.memory_space<hbm>> -> memref<1344xi32, #tpu.memory_space<hbm>>
      %dma_wait3A_517 = tpu.memref_slice %arg4[%add3A_122] : memref<172032xi32, #tpu.memory_space<hbm>> -> memref<1344xi32, #tpu.memory_space<hbm>>
      tpu.wait_dma2 semaphore(%run_scoped3A : memref<!tpu.dma_semaphore, #tpu.memory_space<semaphore_mem>>) src(%dma_wait3A_517 : memref<1344xi32, #tpu.memory_space<hbm>>) dst(%arg8 : memref<1344xi32, #tpu.memory_space<vmem>>)
      tpu.yield
    }) : () -> ()
    %scan3A_123 = arith.constant 0 : i32
    %scan3A_124 = arith.constant 0 : i32
    %scan3A_125 = arith.constant 84 : i32
    %scan3A_126 = arith.addi %scan3A_124, %scan3A_125 : i32
    %scan3A_127 = arith.constant 1 : i32
    scf.for %scan3A_514 = %scan3A_124 to %scan3A_126 step %scan3A_127  : i32 {
      %mul3A_515 = arith.constant 16 : i32
      %mul3A_516 = arith.muli %scan3A_514, %mul3A_515 : i32
      %get3A = arith.index_cast %mul3A_516 : i32 to index
      %get3A_517 = tpu.vector_load %arg8[%get3A] {strides = array<i32>} : memref<1344xi32, #tpu.memory_space<vmem>>, vector<16xi32>,
      %shift_right_arithmetic3A = arith.constant 16 : i32
      %shift_right_arithmetic3A_518 = vector.broadcast %shift_right_arithmetic3A : i32 to vector<16xi32>
      %shift_right_arithmetic3A_519 = arith.shrsi %get3A_517, %shift_right_arithmetic3A_518 : vector<16xi32>
      %shift_right_arithmetic3A_520 = arith.constant 8 : i32
      %shift_right_arithmetic3A_521 = vector.broadcast %shift_right_arithmetic3A_520 : i32 to vector<16xi32>
      %shift_right_arithmetic3A_522 = arith.shrsi %get3A_517, %shift_right_arithmetic3A_521 : vector<16xi32>
      %and3A = arith.constant 255 : i32
      %and3A_523 = vector.broadcast %and3A : i32 to vector<16xi32>
      %and3A_524 = arith.andi %shift_right_arithmetic3A_522, %and3A_523 : vector<16xi32>
      %and3A_525 = arith.constant 255 : i32
      %and3A_526 = vector.broadcast %and3A_525 : i32 to vector<16xi32>
      %and3A_527 = arith.andi %get3A_517, %and3A_526 : vector<16xi32>
      %lt3A_528 = arith.constant 255 : i32
      %lt3A_529 = vector.broadcast %lt3A_528 : i32 to vector<16xi32>
      %lt3A_530 = arith.cmpi slt, %shift_right_arithmetic3A_519, %lt3A_529 : vector<16xi32>
      %jit3A = arith.constant 65536 : i32
      %jit3A_531 = arith.constant 0 : i32
      %broadcast_in_dim3A = vector.broadcast %jit3A : i32 to vector<16xi32>
      %broadcast_in_dim3A_532 = vector.broadcast %jit3A_531 : i32 to vector<16xi32>
      %select_n3A = arith.select %lt3A_530, %broadcast_in_dim3A, %broadcast_in_dim3A_532 : vector<16xi1>, vector<16xi32>
      %add3A_533 = arith.addi %get3A_517, %select_n3A : vector<16xi32>
      %swap3A = arith.index_cast %mul3A_516 : i32 to index
      %swap3A_534 = tpu.vector_load %arg9[%swap3A] {strides = array<i32>} : memref<1344xi32, #tpu.memory_space<vmem>>, vector<16xi32>,
      tpu.vector_store %arg9[%swap3A], %add3A_533 {strides = array<i32>} : memref<1344xi32, #tpu.memory_space<vmem>>, vector<16xi32>,
      %lt3A_535 = arith.constant 255 : i32
      %lt3A_536 = vector.broadcast %lt3A_535 : i32 to vector<16xi32>
      %lt3A_537 = arith.cmpi slt, %and3A_524, %lt3A_536 : vector<16xi32>
      %jit3A_538 = arith.constant 256 : i32
      %jit3A_539 = arith.constant 0 : i32
      %broadcast_in_dim3A_540 = vector.broadcast %jit3A_538 : i32 to vector<16xi32>
      %broadcast_in_dim3A_541 = vector.broadcast %jit3A_539 : i32 to vector<16xi32>
      %select_n3A_542 = arith.select %lt3A_537, %broadcast_in_dim3A_540, %broadcast_in_dim3A_541 : vector<16xi1>, vector<16xi32>
      %add3A_543 = arith.addi %get3A_517, %select_n3A_542 : vector<16xi32>
      %swap3A_544 = arith.index_cast %mul3A_516 : i32 to index
      %swap3A_545 = tpu.vector_load %arg10[%swap3A_544] {strides = array<i32>} : memref<1344xi32, #tpu.memory_space<vmem>>, vector<16xi32>,
      tpu.vector_store %arg10[%swap3A_544], %add3A_543 {strides = array<i32>} : memref<1344xi32, #tpu.memory_space<vmem>>, vector<16xi32>,
      %lt3A_546 = arith.constant 255 : i32
      %lt3A_547 = vector.broadcast %lt3A_546 : i32 to vector<16xi32>
      %lt3A_548 = arith.cmpi slt, %and3A_527, %lt3A_547 : vector<16xi32>
      %jit3A_549 = arith.constant 1 : i32
      %jit3A_550 = arith.constant 0 : i32
      %broadcast_in_dim3A_551 = vector.broadcast %jit3A_549 : i32 to vector<16xi32>
      %broadcast_in_dim3A_552 = vector.broadcast %jit3A_550 : i32 to vector<16xi32>
      %select_n3A_553 = arith.select %lt3A_548, %broadcast_in_dim3A_551, %broadcast_in_dim3A_552 : vector<16xi1>, vector<16xi32>
      %add3A_554 = arith.addi %get3A_517, %select_n3A_553 : vector<16xi32>
      %swap3A_555 = arith.index_cast %mul3A_516 : i32 to index
      %swap3A_556 = tpu.vector_load %arg11[%swap3A_555] {strides = array<i32>} : memref<1344xi32, #tpu.memory_space<vmem>>, vector<16xi32>,
      tpu.vector_store %arg11[%swap3A_555], %add3A_554 {strides = array<i32>} : memref<1344xi32, #tpu.memory_space<vmem>>, vector<16xi32>,
    }
    %scan3A_128 = arith.constant 84 : i32
    %dma_start3A_129 = arith.constant 0 : i32
    %dma_start3A_130 = tpu.memref_slice %arg3[%dma_start3A_129] : memref<16777216xi32, #tpu.memory_space<hbm>> -> memref<16777216xi32, #tpu.memory_space<hbm>>
    tpu.enqueue_indirect_dma source(%dma_start3A_130 : memref<16777216xi32, #tpu.memory_space<hbm>>) target(%arg12 : memref<1344xi32, #tpu.memory_space<vmem>>) offsets(%arg8 : memref<1344xi32, #tpu.memory_space<vmem>>) semaphore(%arg44 : memref<!tpu.dma_semaphore, #tpu.memory_space<semaphore_mem>>)
    %dma_start3A_131 = arith.constant 0 : i32
    %dma_start3A_132 = tpu.memref_slice %arg3[%dma_start3A_131] : memref<16777216xi32, #tpu.memory_space<hbm>> -> memref<16777216xi32, #tpu.memory_space<hbm>>
    tpu.enqueue_indirect_dma source(%dma_start3A_132 : memref<16777216xi32, #tpu.memory_space<hbm>>) target(%arg13 : memref<1344xi32, #tpu.memory_space<vmem>>) offsets(%arg9 : memref<1344xi32, #tpu.memory_space<vmem>>) semaphore(%arg44 : memref<!tpu.dma_semaphore, #tpu.memory_space<semaphore_mem>>)
    %dma_start3A_133 = arith.constant 0 : i32
    %dma_start3A_134 = tpu.memref_slice %arg3[%dma_start3A_133] : memref<16777216xi32, #tpu.memory_space<hbm>> -> memref<16777216xi32, #tpu.memory_space<hbm>>
    tpu.enqueue_indirect_dma source(%dma_start3A_134 : memref<16777216xi32, #tpu.memory_space<hbm>>) target(%arg14 : memref<1344xi32, #tpu.memory_space<vmem>>) offsets(%arg10 : memref<1344xi32, #tpu.memory_space<vmem>>) semaphore(%arg44 : memref<!tpu.dma_semaphore, #tpu.memory_space<semaphore_mem>>)
    %dma_start3A_135 = arith.constant 0 : i32
    %dma_start3A_136 = tpu.memref_slice %arg3[%dma_start3A_135] : memref<16777216xi32, #tpu.memory_space<hbm>> -> memref<16777216xi32, #tpu.memory_space<hbm>>
    tpu.enqueue_indirect_dma source(%dma_start3A_136 : memref<16777216xi32, #tpu.memory_space<hbm>>) target(%arg15 : memref<1344xi32, #tpu.memory_space<vmem>>) offsets(%arg11 : memref<1344xi32, #tpu.memory_space<vmem>>) semaphore(%arg44 : memref<!tpu.dma_semaphore, #tpu.memory_space<semaphore_mem>>)
    %dma_wait3A_137 = arith.constant 0 : i32
    %dma_wait3A_138 = tpu.memref_slice %arg3[%dma_wait3A_137] : memref<16777216xi32, #tpu.memory_space<hbm>> -> memref<16777216xi32, #tpu.memory_space<hbm>>
    tpu.wait_indirect_dma semaphore(%arg46 : memref<!tpu.dma_semaphore, #tpu.memory_space<semaphore_mem>>) src(%dma_wait3A_138 : memref<16777216xi32, #tpu.memory_space<hbm>>) dst(%arg36 : memref<1344xi32, #tpu.memory_space<vmem>>)
    %dma_wait3A_139 = arith.constant 0 : i32
    %dma_wait3A_140 = tpu.memref_slice %arg3[%dma_wait3A_139] : memref<16777216xi32, #tpu.memory_space<hbm>> -> memref<16777216xi32, #tpu.memory_space<hbm>>
    tpu.wait_indirect_dma semaphore(%arg46 : memref<!tpu.dma_semaphore, #tpu.memory_space<semaphore_mem>>) src(%dma_wait3A_140 : memref<16777216xi32, #tpu.memory_space<hbm>>) dst(%arg37 : memref<1344xi32, #tpu.memory_space<vmem>>)
    %dma_wait3A_141 = arith.constant 0 : i32
    %dma_wait3A_142 = tpu.memref_slice %arg3[%dma_wait3A_141] : memref<16777216xi32, #tpu.memory_space<hbm>> -> memref<16777216xi32, #tpu.memory_space<hbm>>
    tpu.wait_indirect_dma semaphore(%arg46 : memref<!tpu.dma_semaphore, #tpu.memory_space<semaphore_mem>>) src(%dma_wait3A_142 : memref<16777216xi32, #tpu.memory_space<hbm>>) dst(%arg38 : memref<1344xi32, #tpu.memory_space<vmem>>)
    %dma_wait3A_143 = arith.constant 0 : i32
    %dma_wait3A_144 = tpu.memref_slice %arg3[%dma_wait3A_143] : memref<16777216xi32, #tpu.memory_space<hbm>> -> memref<16777216xi32, #tpu.memory_space<hbm>>
    tpu.wait_indirect_dma semaphore(%arg46 : memref<!tpu.dma_semaphore, #tpu.memory_space<semaphore_mem>>) src(%dma_wait3A_144 : memref<16777216xi32, #tpu.memory_space<hbm>>) dst(%arg39 : memref<1344xi32, #tpu.memory_space<vmem>>)
    %dma_start3A_145 = arith.constant 0 : i32
    %dma_start3A_146 = tpu.memref_slice %arg2[%dma_start3A_145] : memref<2000000xf32, #tpu.memory_space<hbm>> -> memref<2000000xf32, #tpu.memory_space<hbm>>
    tpu.enqueue_indirect_dma source(%dma_start3A_146 : memref<2000000xf32, #tpu.memory_space<hbm>>) target(%arg40 : memref<1344xf32, #tpu.memory_space<vmem>>) offsets(%arg36 : memref<1344xi32, #tpu.memory_space<vmem>>) semaphore(%arg49 : memref<!tpu.dma_semaphore, #tpu.memory_space<semaphore_mem>>)
    %dma_start3A_147 = arith.constant 0 : i32
    %dma_start3A_148 = tpu.memref_slice %arg2[%dma_start3A_147] : memref<2000000xf32, #tpu.memory_space<hbm>> -> memref<2000000xf32, #tpu.memory_space<hbm>>
    tpu.enqueue_indirect_dma source(%dma_start3A_148 : memref<2000000xf32, #tpu.memory_space<hbm>>) target(%arg41 : memref<1344xf32, #tpu.memory_space<vmem>>) offsets(%arg37 : memref<1344xi32, #tpu.memory_space<vmem>>) semaphore(%arg49 : memref<!tpu.dma_semaphore, #tpu.memory_space<semaphore_mem>>)
    %dma_start3A_149 = arith.constant 0 : i32
    %dma_start3A_150 = tpu.memref_slice %arg2[%dma_start3A_149] : memref<2000000xf32, #tpu.memory_space<hbm>> -> memref<2000000xf32, #tpu.memory_space<hbm>>
    tpu.enqueue_indirect_dma source(%dma_start3A_150 : memref<2000000xf32, #tpu.memory_space<hbm>>) target(%arg42 : memref<1344xf32, #tpu.memory_space<vmem>>) offsets(%arg38 : memref<1344xi32, #tpu.memory_space<vmem>>) semaphore(%arg49 : memref<!tpu.dma_semaphore, #tpu.memory_space<semaphore_mem>>)
    %dma_start3A_151 = arith.constant 0 : i32
    %dma_start3A_152 = tpu.memref_slice %arg2[%dma_start3A_151] : memref<2000000xf32, #tpu.memory_space<hbm>> -> memref<2000000xf32, #tpu.memory_space<hbm>>
    tpu.enqueue_indirect_dma source(%dma_start3A_152 : memref<2000000xf32, #tpu.memory_space<hbm>>) target(%arg43 : memref<1344xf32, #tpu.memory_space<vmem>>) offsets(%arg39 : memref<1344xi32, #tpu.memory_space<vmem>>) semaphore(%arg49 : memref<!tpu.dma_semaphore, #tpu.memory_space<semaphore_mem>>)
    %dma_wait3A_153 = arith.constant 0 : i32
    %dma_wait3A_154 = tpu.memref_slice %arg2[%dma_wait3A_153] : memref<2000000xf32, #tpu.memory_space<hbm>> -> memref<2000000xf32, #tpu.memory_space<hbm>>
    tpu.wait_indirect_dma semaphore(%arg48 : memref<!tpu.dma_semaphore, #tpu.memory_space<semaphore_mem>>) src(%dma_wait3A_154 : memref<2000000xf32, #tpu.memory_space<hbm>>) dst(%arg28 : memref<1344xf32, #tpu.memory_space<vmem>>)
    %dma_wait3A_155 = arith.constant 0 : i32
    %dma_wait3A_156 = tpu.memref_slice %arg2[%dma_wait3A_155] : memref<2000000xf32, #tpu.memory_space<hbm>> -> memref<2000000xf32, #tpu.memory_space<hbm>>
    tpu.wait_indirect_dma semaphore(%arg48 : memref<!tpu.dma_semaphore, #tpu.memory_space<semaphore_mem>>) src(%dma_wait3A_156 : memref<2000000xf32, #tpu.memory_space<hbm>>) dst(%arg29 : memref<1344xf32, #tpu.memory_space<vmem>>)
    %dma_wait3A_157 = arith.constant 0 : i32
    %dma_wait3A_158 = tpu.memref_slice %arg2[%dma_wait3A_157] : memref<2000000xf32, #tpu.memory_space<hbm>> -> memref<2000000xf32, #tpu.memory_space<hbm>>
    tpu.wait_indirect_dma semaphore(%arg48 : memref<!tpu.dma_semaphore, #tpu.memory_space<semaphore_mem>>) src(%dma_wait3A_158 : memref<2000000xf32, #tpu.memory_space<hbm>>) dst(%arg30 : memref<1344xf32, #tpu.memory_space<vmem>>)
    %dma_wait3A_159 = arith.constant 0 : i32
    %dma_wait3A_160 = tpu.memref_slice %arg2[%dma_wait3A_159] : memref<2000000xf32, #tpu.memory_space<hbm>> -> memref<2000000xf32, #tpu.memory_space<hbm>>
    tpu.wait_indirect_dma semaphore(%arg48 : memref<!tpu.dma_semaphore, #tpu.memory_space<semaphore_mem>>) src(%dma_wait3A_160 : memref<2000000xf32, #tpu.memory_space<hbm>>) dst(%arg31 : memref<1344xf32, #tpu.memory_space<vmem>>)
    %scan3A_161 = arith.constant 0 : i32
    %scan3A_162 = arith.constant 0 : i32
    %scan3A_163 = arith.constant 84 : i32
    %scan3A_164 = arith.addi %scan3A_162, %scan3A_163 : i32
    %scan3A_165 = arith.constant 1 : i32
    scf.for %scan3A_514 = %scan3A_162 to %scan3A_164 step %scan3A_165  : i32 {
      %mul3A_515 = arith.constant 16 : i32
      %mul3A_516 = arith.muli %scan3A_514, %mul3A_515 : i32
      %get3A = arith.index_cast %mul3A_516 : i32 to index
      %get3A_517 = tpu.vector_load %arg20[%get3A] {strides = array<i32>} : memref<1344xi32, #tpu.memory_space<vmem>>, vector<16xi32>,
      %shift_right_arithmetic3A = arith.constant 16 : i32
      %shift_right_arithmetic3A_518 = vector.broadcast %shift_right_arithmetic3A : i32 to vector<16xi32>
      %shift_right_arithmetic3A_519 = arith.shrsi %get3A_517, %shift_right_arithmetic3A_518 : vector<16xi32>
      %shift_right_arithmetic3A_520 = arith.constant 8 : i32
      %shift_right_arithmetic3A_521 = vector.broadcast %shift_right_arithmetic3A_520 : i32 to vector<16xi32>
      %shift_right_arithmetic3A_522 = arith.shrsi %get3A_517, %shift_right_arithmetic3A_521 : vector<16xi32>
      %and3A = arith.constant 255 : i32
      %and3A_523 = vector.broadcast %and3A : i32 to vector<16xi32>
      %and3A_524 = arith.andi %shift_right_arithmetic3A_522, %and3A_523 : vector<16xi32>
      %and3A_525 = arith.constant 255 : i32
      %and3A_526 = vector.broadcast %and3A_525 : i32 to vector<16xi32>
      %and3A_527 = arith.andi %get3A_517, %and3A_526 : vector<16xi32>
      %lt3A_528 = arith.constant 255 : i32
      %lt3A_529 = vector.broadcast %lt3A_528 : i32 to vector<16xi32>
      %lt3A_530 = arith.cmpi slt, %shift_right_arithmetic3A_519, %lt3A_529 : vector<16xi32>
      %lt3A_531 = arith.constant 255 : i32
      %lt3A_532 = vector.broadcast %lt3A_531 : i32 to vector<16xi32>
      %lt3A_533 = arith.cmpi slt, %and3A_524, %lt3A_532 : vector<16xi32>
      %and3A_534 = arith.andi %lt3A_530, %lt3A_533 : vector<16xi1>
      %lt3A_535 = arith.constant 255 : i32
      %lt3A_536 = vector.broadcast %lt3A_535 : i32 to vector<16xi32>
      %lt3A_537 = arith.cmpi slt, %and3A_527, %lt3A_536 : vector<16xi32>
      %and3A_538 = arith.andi %and3A_534, %lt3A_537 : vector<16xi1>
      %get3A_539 = arith.index_cast %mul3A_516 : i32 to index
      %get3A_540 = tpu.vector_load %arg28[%get3A_539] {strides = array<i32>} : memref<1344xf32, #tpu.memory_space<vmem>>, vector<16xf32>,
      %get3A_541 = arith.index_cast %mul3A_516 : i32 to index
      %get3A_542 = tpu.vector_load %arg29[%get3A_541] {strides = array<i32>} : memref<1344xf32, #tpu.memory_space<vmem>>, vector<16xf32>,
      %get3A_543 = arith.index_cast %mul3A_516 : i32 to index
      %get3A_544 = tpu.vector_load %arg30[%get3A_543] {strides = array<i32>} : memref<1344xf32, #tpu.memory_space<vmem>>, vector<16xf32>,
      %get3A_545 = arith.index_cast %mul3A_516 : i32 to index
      %get3A_546 = tpu.vector_load %arg31[%get3A_545] {strides = array<i32>} : memref<1344xf32, #tpu.memory_space<vmem>>, vector<16xf32>,
      %sub3A = arith.subf %get3A_542, %get3A_540 : vector<16xf32>
      %sub3A_547 = arith.subf %get3A_544, %get3A_540 : vector<16xf32>
      %sub3A_548 = arith.subf %get3A_546, %get3A_540 : vector<16xf32>
      %mul3A_549 = arith.mulf %sub3A, %sub3A : vector<16xf32>
      %add3A_550 = arith.constant 9.99999971E-10 : f32
      %add3A_551 = vector.broadcast %add3A_550 : f32 to vector<16xf32>
      %add3A_552 = arith.addf %add3A_551, %mul3A_549 : vector<16xf32>
      %mul3A_553 = arith.mulf %sub3A_547, %sub3A_547 : vector<16xf32>
      %add3A_554 = arith.addf %add3A_552, %mul3A_553 : vector<16xf32>
      %mul3A_555 = arith.mulf %sub3A_548, %sub3A_548 : vector<16xf32>
      %add3A_556 = arith.addf %add3A_554, %mul3A_555 : vector<16xf32>
      %bitcast3A = vector.bitcast %add3A_556 : vector<16xf32> to vector<16xi32>
      %shift_right_arithmetic3A_557 = arith.constant 1 : i32
      %shift_right_arithmetic3A_558 = vector.broadcast %shift_right_arithmetic3A_557 : i32 to vector<16xi32>
      %shift_right_arithmetic3A_559 = arith.shrsi %bitcast3A, %shift_right_arithmetic3A_558 : vector<16xi32>
      %sub3A_560 = arith.constant 1597463007 : i32
      %sub3A_561 = vector.broadcast %sub3A_560 : i32 to vector<16xi32>
      %sub3A_562 = arith.subi %sub3A_561, %shift_right_arithmetic3A_559 : vector<16xi32>
      %bitcast3A_563 = vector.bitcast %sub3A_562 : vector<16xi32> to vector<16xf32>
      %mul3A_564 = arith.constant 5.000000e-01 : f32
      %mul3A_565 = vector.broadcast %mul3A_564 : f32 to vector<16xf32>
      %mul3A_566 = arith.mulf %mul3A_565, %add3A_556 : vector<16xf32>
      %mul3A_567 = arith.mulf %mul3A_566, %bitcast3A_563 : vector<16xf32>
      %mul3A_568 = arith.mulf %mul3A_567, %bitcast3A_563 : vector<16xf32>
      %sub3A_569 = arith.constant 1.500000e+00 : f32
      %sub3A_570 = vector.broadcast %sub3A_569 : f32 to vector<16xf32>
      %sub3A_571 = arith.subf %sub3A_570, %mul3A_568 : vector<16xf32>
      %mul3A_572 = arith.mulf %bitcast3A_563, %sub3A_571 : vector<16xf32>
      %mul3A_573 = arith.constant 5.000000e-01 : f32
      %mul3A_574 = vector.broadcast %mul3A_573 : f32 to vector<16xf32>
      %mul3A_575 = arith.mulf %mul3A_574, %add3A_556 : vector<16xf32>
      %mul3A_576 = arith.mulf %mul3A_575, %mul3A_572 : vector<16xf32>
      %mul3A_577 = arith.mulf %mul3A_576, %mul3A_572 : vector<16xf32>
      %sub3A_578 = arith.constant 1.500000e+00 : f32
      %sub3A_579 = vector.broadcast %sub3A_578 : f32 to vector<16xf32>
      %sub3A_580 = arith.subf %sub3A_579, %mul3A_577 : vector<16xf32>
      %mul3A_581 = arith.mulf %mul3A_572, %sub3A_580 : vector<16xf32>
      %jit3A = arith.constant 9.99999974E-6 : f32
      %jit3A_582 = arith.constant 0.000000e+00 : f32
      %broadcast_in_dim3A = vector.broadcast %jit3A : f32 to vector<16xf32>
      %broadcast_in_dim3A_583 = vector.broadcast %jit3A_582 : f32 to vector<16xf32>
      %select_n3A = arith.select %and3A_538, %broadcast_in_dim3A, %broadcast_in_dim3A_583 : vector<16xi1>, vector<16xf32>
      %mul3A_584 = arith.mulf %select_n3A, %mul3A_581 : vector<16xf32>
      %add3A_585 = arith.addf %sub3A, %sub3A_547 : vector<16xf32>
      %add3A_586 = arith.addf %add3A_585, %sub3A_548 : vector<16xf32>
      %neg3A = arith.constant 0.000000e+00 : f32
      %neg3A_587 = vector.broadcast %neg3A : f32 to vector<16xf32>
      %neg3A_588 = arith.subf %neg3A_587, %add3A_586 : vector<16xf32>
      %mul3A_589 = arith.mulf %neg3A_588, %mul3A_584 : vector<16xf32>
      %swap3A = arith.index_cast %mul3A_516 : i32 to index
      %swap3A_590 = tpu.vector_load %arg28[%swap3A] {strides = array<i32>} : memref<1344xf32, #tpu.memory_space<vmem>>, vector<16xf32>,
      tpu.vector_store %arg28[%swap3A], %mul3A_589 {strides = array<i32>} : memref<1344xf32, #tpu.memory_space<vmem>>, vector<16xf32>,
      %mul3A_591 = arith.mulf %sub3A, %mul3A_584 : vector<16xf32>
      %swap3A_592 = arith.index_cast %mul3A_516 : i32 to index
      %swap3A_593 = tpu.vector_load %arg29[%swap3A_592] {strides = array<i32>} : memref<1344xf32, #tpu.memory_space<vmem>>, vector<16xf32>,
      tpu.vector_store %arg29[%swap3A_592], %mul3A_591 {strides = array<i32>} : memref<1344xf32, #tpu.memory_space<vmem>>, vector<16xf32>,
      %mul3A_594 = arith.mulf %sub3A_547, %mul3A_584 : vector<16xf32>
      %swap3A_595 = arith.index_cast %mul3A_516 : i32 to index
      %swap3A_596 = tpu.vector_load %arg30[%swap3A_595] {strides = array<i32>} : memref<1344xf32, #tpu.memory_space<vmem>>, vector<16xf32>,
      tpu.vector_store %arg30[%swap3A_595], %mul3A_594 {strides = array<i32>} : memref<1344xf32, #tpu.memory_space<vmem>>, vector<16xf32>,
      %mul3A_597 = arith.mulf %sub3A_548, %mul3A_584 : vector<16xf32>
      %swap3A_598 = arith.index_cast %mul3A_516 : i32 to index
      %swap3A_599 = tpu.vector_load %arg31[%swap3A_598] {strides = array<i32>} : memref<1344xf32, #tpu.memory_space<vmem>>, vector<16xf32>,
      tpu.vector_store %arg31[%swap3A_598], %mul3A_597 {strides = array<i32>} : memref<1344xf32, #tpu.memory_space<vmem>>, vector<16xf32>,
      %get3A_600 = arith.index_cast %mul3A_516 : i32 to index
      %get3A_601 = tpu.vector_load %arg24[%get3A_600] {strides = array<i32>} : memref<1344xi32, #tpu.memory_space<vmem>>, vector<16xi32>,
      %ge3A = vector.broadcast %mul3A_0 : i32 to vector<16xi32>
      %ge3A_602 = arith.cmpi sge, %get3A_601, %ge3A : vector<16xi32>
      %add3A_603 = arith.constant 1000000 : i32
      %add3A_604 = arith.addi %mul3A_0, %add3A_603 : i32
      %lt3A_605 = vector.broadcast %add3A_604 : i32 to vector<16xi32>
      %lt3A_606 = arith.cmpi slt, %get3A_601, %lt3A_605 : vector<16xi32>
      %and3A_607 = arith.andi %ge3A_602, %lt3A_606 : vector<16xi1>
      %sub3A_608 = vector.broadcast %mul3A_0 : i32 to vector<16xi32>
      %sub3A_609 = arith.subi %get3A_601, %sub3A_608 : vector<16xi32>
      %and3A_610 = arith.constant 32767 : i32
      %and3A_611 = vector.broadcast %and3A_610 : i32 to vector<16xi32>
      %and3A_612 = arith.andi %get3A_601, %and3A_611 : vector<16xi32>
      %add3A_613 = arith.constant 1000000 : i32
      %add3A_614 = vector.broadcast %add3A_613 : i32 to vector<16xi32>
      %add3A_615 = arith.addi %add3A_614, %and3A_612 : vector<16xi32>
      %select_n3A_616 = arith.select %and3A_607, %sub3A_609, %add3A_615 : vector<16xi1>, vector<16xi32>
      %swap3A_617 = arith.index_cast %mul3A_516 : i32 to index
      %swap3A_618 = tpu.vector_load %arg24[%swap3A_617] {strides = array<i32>} : memref<1344xi32, #tpu.memory_space<vmem>>, vector<16xi32>,
      tpu.vector_store %arg24[%swap3A_617], %select_n3A_616 {strides = array<i32>} : memref<1344xi32, #tpu.memory_space<vmem>>, vector<16xi32>,
      %get3A_619 = arith.index_cast %mul3A_516 : i32 to index
      %get3A_620 = tpu.vector_load %arg25[%get3A_619] {strides = array<i32>} : memref<1344xi32, #tpu.memory_space<vmem>>, vector<16xi32>,
      %ge3A_621 = vector.broadcast %mul3A_0 : i32 to vector<16xi32>
      %ge3A_622 = arith.cmpi sge, %get3A_620, %ge3A_621 : vector<16xi32>
      %add3A_623 = arith.constant 1000000 : i32
      %add3A_624 = arith.addi %mul3A_0, %add3A_623 : i32
      %lt3A_625 = vector.broadcast %add3A_624 : i32 to vector<16xi32>
      %lt3A_626 = arith.cmpi slt, %get3A_620, %lt3A_625 : vector<16xi32>
      %and3A_627 = arith.andi %ge3A_622, %lt3A_626 : vector<16xi1>
      %sub3A_628 = vector.broadcast %mul3A_0 : i32 to vector<16xi32>
      %sub3A_629 = arith.subi %get3A_620, %sub3A_628 : vector<16xi32>
      %and3A_630 = arith.constant 32767 : i32
      %and3A_631 = vector.broadcast %and3A_630 : i32 to vector<16xi32>
      %and3A_632 = arith.andi %get3A_620, %and3A_631 : vector<16xi32>
      %add3A_633 = arith.constant 1000000 : i32
      %add3A_634 = vector.broadcast %add3A_633 : i32 to vector<16xi32>
      %add3A_635 = arith.addi %add3A_634, %and3A_632 : vector<16xi32>
      %select_n3A_636 = arith.select %and3A_627, %sub3A_629, %add3A_635 : vector<16xi1>, vector<16xi32>
      %swap3A_637 = arith.index_cast %mul3A_516 : i32 to index
      %swap3A_638 = tpu.vector_load %arg25[%swap3A_637] {strides = array<i32>} : memref<1344xi32, #tpu.memory_space<vmem>>, vector<16xi32>,
      tpu.vector_store %arg25[%swap3A_637], %select_n3A_636 {strides = array<i32>} : memref<1344xi32, #tpu.memory_space<vmem>>, vector<16xi32>,
      %get3A_639 = arith.index_cast %mul3A_516 : i32 to index
      %get3A_640 = tpu.vector_load %arg26[%get3A_639] {strides = array<i32>} : memref<1344xi32, #tpu.memory_space<vmem>>, vector<16xi32>,
      %ge3A_641 = vector.broadcast %mul3A_0 : i32 to vector<16xi32>
      %ge3A_642 = arith.cmpi sge, %get3A_640, %ge3A_641 : vector<16xi32>
      %add3A_643 = arith.constant 1000000 : i32
      %add3A_644 = arith.addi %mul3A_0, %add3A_643 : i32
      %lt3A_645 = vector.broadcast %add3A_644 : i32 to vector<16xi32>
      %lt3A_646 = arith.cmpi slt, %get3A_640, %lt3A_645 : vector<16xi32>
      %and3A_647 = arith.andi %ge3A_642, %lt3A_646 : vector<16xi1>
      %sub3A_648 = vector.broadcast %mul3A_0 : i32 to vector<16xi32>
      %sub3A_649 = arith.subi %get3A_640, %sub3A_648 : vector<16xi32>
      %and3A_650 = arith.constant 32767 : i32
      %and3A_651 = vector.broadcast %and3A_650 : i32 to vector<16xi32>
      %and3A_652 = arith.andi %get3A_640, %and3A_651 : vector<16xi32>
      %add3A_653 = arith.constant 1000000 : i32
      %add3A_654 = vector.broadcast %add3A_653 : i32 to vector<16xi32>
      %add3A_655 = arith.addi %add3A_654, %and3A_652 : vector<16xi32>
      %select_n3A_656 = arith.select %and3A_647, %sub3A_649, %add3A_655 : vector<16xi1>, vector<16xi32>
      %swap3A_657 = arith.index_cast %mul3A_516 : i32 to index
      %swap3A_658 = tpu.vector_load %arg26[%swap3A_657] {strides = array<i32>} : memref<1344xi32, #tpu.memory_space<vmem>>, vector<16xi32>,
      tpu.vector_store %arg26[%swap3A_657], %select_n3A_656 {strides = array<i32>} : memref<1344xi32, #tpu.memory_space<vmem>>, vector<16xi32>,
      %get3A_659 = arith.index_cast %mul3A_516 : i32 to index
      %get3A_660 = tpu.vector_load %arg27[%get3A_659] {strides = array<i32>} : memref<1344xi32, #tpu.memory_space<vmem>>, vector<16xi32>,
      %ge3A_661 = vector.broadcast %mul3A_0 : i32 to vector<16xi32>
      %ge3A_662 = arith.cmpi sge, %get3A_660, %ge3A_661 : vector<16xi32>
      %add3A_663 = arith.constant 1000000 : i32
      %add3A_664 = arith.addi %mul3A_0, %add3A_663 : i32
      %lt3A_665 = vector.broadcast %add3A_664 : i32 to vector<16xi32>
      %lt3A_666 = arith.cmpi slt, %get3A_660, %lt3A_665 : vector<16xi32>
      %and3A_667 = arith.andi %ge3A_662, %lt3A_666 : vector<16xi1>
      %sub3A_668 = vector.broadcast %mul3A_0 : i32 to vector<16xi32>
      %sub3A_669 = arith.subi %get3A_660, %sub3A_668 : vector<16xi32>
      %and3A_670 = arith.constant 32767 : i32
      %and3A_671 = vector.broadcast %and3A_670 : i32 to vector<16xi32>
      %and3A_672 = arith.andi %get3A_660, %and3A_671 : vector<16xi32>
      %add3A_673 = arith.constant 1000000 : i32
      %add3A_674 = vector.broadcast %add3A_673 : i32 to vector<16xi32>
      %add3A_675 = arith.addi %add3A_674, %and3A_672 : vector<16xi32>
      %select_n3A_676 = arith.select %and3A_667, %sub3A_669, %add3A_675 : vector<16xi1>, vector<16xi32>
      %swap3A_677 = arith.index_cast %mul3A_516 : i32 to index
      %swap3A_678 = tpu.vector_load %arg27[%swap3A_677] {strides = array<i32>} : memref<1344xi32, #tpu.memory_space<vmem>>, vector<16xi32>,
      tpu.vector_store %arg27[%swap3A_677], %select_n3A_676 {strides = array<i32>} : memref<1344xi32, #tpu.memory_space<vmem>>, vector<16xi32>,
    }
    %scan3A_166 = arith.constant 84 : i32
    %dma_start3A_167 = arith.constant 0 : i32
    %dma_start3A_168 = tpu.memref_slice %arg6[%dma_start3A_167] : memref<1048576xf32, #tpu.memory_space<vmem_shared>> -> memref<1048576xf32, #tpu.memory_space<vmem_shared>>
    tpu.enqueue_indirect_dma source(%arg28 : memref<1344xf32, #tpu.memory_space<vmem>>) target(%dma_start3A_168 : memref<1048576xf32, #tpu.memory_space<vmem_shared>>) offsets(%arg24 : memref<1344xi32, #tpu.memory_space<vmem>>) semaphore(%arg51 : memref<!tpu.dma_semaphore, #tpu.memory_space<semaphore_mem>>) {add = true}
    %dma_start3A_169 = arith.constant 0 : i32
    %dma_start3A_170 = tpu.memref_slice %arg6[%dma_start3A_169] : memref<1048576xf32, #tpu.memory_space<vmem_shared>> -> memref<1048576xf32, #tpu.memory_space<vmem_shared>>
    tpu.enqueue_indirect_dma source(%arg29 : memref<1344xf32, #tpu.memory_space<vmem>>) target(%dma_start3A_170 : memref<1048576xf32, #tpu.memory_space<vmem_shared>>) offsets(%arg25 : memref<1344xi32, #tpu.memory_space<vmem>>) semaphore(%arg51 : memref<!tpu.dma_semaphore, #tpu.memory_space<semaphore_mem>>) {add = true}
    %dma_start3A_171 = arith.constant 0 : i32
    %dma_start3A_172 = tpu.memref_slice %arg6[%dma_start3A_171] : memref<1048576xf32, #tpu.memory_space<vmem_shared>> -> memref<1048576xf32, #tpu.memory_space<vmem_shared>>
    tpu.enqueue_indirect_dma source(%arg30 : memref<1344xf32, #tpu.memory_space<vmem>>) target(%dma_start3A_172 : memref<1048576xf32, #tpu.memory_space<vmem_shared>>) offsets(%arg26 : memref<1344xi32, #tpu.memory_space<vmem>>) semaphore(%arg51 : memref<!tpu.dma_semaphore, #tpu.memory_space<semaphore_mem>>) {add = true}
    %dma_start3A_173 = arith.constant 0 : i32
    %dma_start3A_174 = tpu.memref_slice %arg6[%dma_start3A_173] : memref<1048576xf32, #tpu.memory_space<vmem_shared>> -> memref<1048576xf32, #tpu.memory_space<vmem_shared>>
    tpu.enqueue_indirect_dma source(%arg31 : memref<1344xf32, #tpu.memory_space<vmem>>) target(%dma_start3A_174 : memref<1048576xf32, #tpu.memory_space<vmem_shared>>) offsets(%arg27 : memref<1344xi32, #tpu.memory_space<vmem>>) semaphore(%arg51 : memref<!tpu.dma_semaphore, #tpu.memory_space<semaphore_mem>>) {add = true}
    %dma_wait3A_175 = arith.constant 0 : i32
    %dma_wait3A_176 = tpu.memref_slice %arg6[%dma_wait3A_175] : memref<1048576xf32, #tpu.memory_space<vmem_shared>> -> memref<1048576xf32, #tpu.memory_space<vmem_shared>>
    tpu.wait_indirect_dma semaphore(%arg51 : memref<!tpu.dma_semaphore, #tpu.memory_space<semaphore_mem>>) src(%arg28 : memref<1344xf32, #tpu.memory_space<vmem>>) dst(%dma_wait3A_176 : memref<1048576xf32, #tpu.memory_space<vmem_shared>>)
    %dma_wait3A_177 = arith.constant 0 : i32
    %dma_wait3A_178 = tpu.memref_slice %arg6[%dma_wait3A_177] : memref<1048576xf32, #tpu.memory_space<vmem_shared>> -> memref<1048576xf32, #tpu.memory_space<vmem_shared>>
    tpu.wait_indirect_dma semaphore(%arg51 : memref<!tpu.dma_semaphore, #tpu.memory_space<semaphore_mem>>) src(%arg29 : memref<1344xf32, #tpu.memory_space<vmem>>) dst(%dma_wait3A_178 : memref<1048576xf32, #tpu.memory_space<vmem_shared>>)
    %dma_wait3A_179 = arith.constant 0 : i32
    %dma_wait3A_180 = tpu.memref_slice %arg6[%dma_wait3A_179] : memref<1048576xf32, #tpu.memory_space<vmem_shared>> -> memref<1048576xf32, #tpu.memory_space<vmem_shared>>
    tpu.wait_indirect_dma semaphore(%arg51 : memref<!tpu.dma_semaphore, #tpu.memory_space<semaphore_mem>>) src(%arg30 : memref<1344xf32, #tpu.memory_space<vmem>>) dst(%dma_wait3A_180 : memref<1048576xf32, #tpu.memory_space<vmem_shared>>)
    %dma_wait3A_181 = arith.constant 0 : i32
    %dma_wait3A_182 = tpu.memref_slice %arg6[%dma_wait3A_181] : memref<1048576xf32, #tpu.memory_space<vmem_shared>> -> memref<1048576xf32, #tpu.memory_space<vmem_shared>>
    tpu.wait_indirect_dma semaphore(%arg51 : memref<!tpu.dma_semaphore, #tpu.memory_space<semaphore_mem>>) src(%arg31 : memref<1344xf32, #tpu.memory_space<vmem>>) dst(%dma_wait3A_182 : memref<1048576xf32, #tpu.memory_space<vmem_shared>>)
    %add3A_183 = arith.constant 5376 : i32
    %add3A_184 = arith.addi %mul3A_2, %add3A_183 : i32
    "tpu.region"() ({
      %run_scoped3A = tpu.sem_alloc : memref<!tpu.dma_semaphore, #tpu.memory_space<semaphore_mem>>
      %dma_start3A_514 = tpu.memref_slice %arg4[%add3A_184] : memref<172032xi32, #tpu.memory_space<hbm>> -> memref<1344xi32, #tpu.memory_space<hbm>>
      %dma_start3A_515 = tpu.memref_slice %arg4[%add3A_184] : memref<172032xi32, #tpu.memory_space<hbm>> -> memref<1344xi32, #tpu.memory_space<hbm>>
      tpu.enqueue_dma source(%dma_start3A_515 : memref<1344xi32, #tpu.memory_space<hbm>>) target(%arg20 : memref<1344xi32, #tpu.memory_space<vmem>>) target_semaphore(%run_scoped3A : memref<!tpu.dma_semaphore, #tpu.memory_space<semaphore_mem>>)
      %dma_wait3A_516 = tpu.memref_slice %arg4[%add3A_184] : memref<172032xi32, #tpu.memory_space<hbm>> -> memref<1344xi32, #tpu.memory_space<hbm>>
      %dma_wait3A_517 = tpu.memref_slice %arg4[%add3A_184] : memref<172032xi32, #tpu.memory_space<hbm>> -> memref<1344xi32, #tpu.memory_space<hbm>>
      tpu.wait_dma2 semaphore(%run_scoped3A : memref<!tpu.dma_semaphore, #tpu.memory_space<semaphore_mem>>) src(%dma_wait3A_517 : memref<1344xi32, #tpu.memory_space<hbm>>) dst(%arg20 : memref<1344xi32, #tpu.memory_space<vmem>>)
      tpu.yield
    }) : () -> ()
    %scan3A_185 = arith.constant 0 : i32
    %scan3A_186 = arith.constant 0 : i32
    %scan3A_187 = arith.constant 84 : i32
    %scan3A_188 = arith.addi %scan3A_186, %scan3A_187 : i32
    %scan3A_189 = arith.constant 1 : i32
    scf.for %scan3A_514 = %scan3A_186 to %scan3A_188 step %scan3A_189  : i32 {
      %mul3A_515 = arith.constant 16 : i32
      %mul3A_516 = arith.muli %scan3A_514, %mul3A_515 : i32
      %get3A = arith.index_cast %mul3A_516 : i32 to index
      %get3A_517 = tpu.vector_load %arg20[%get3A] {strides = array<i32>} : memref<1344xi32, #tpu.memory_space<vmem>>, vector<16xi32>,
      %shift_right_arithmetic3A = arith.constant 16 : i32
      %shift_right_arithmetic3A_518 = vector.broadcast %shift_right_arithmetic3A : i32 to vector<16xi32>
      %shift_right_arithmetic3A_519 = arith.shrsi %get3A_517, %shift_right_arithmetic3A_518 : vector<16xi32>
      %shift_right_arithmetic3A_520 = arith.constant 8 : i32
      %shift_right_arithmetic3A_521 = vector.broadcast %shift_right_arithmetic3A_520 : i32 to vector<16xi32>
      %shift_right_arithmetic3A_522 = arith.shrsi %get3A_517, %shift_right_arithmetic3A_521 : vector<16xi32>
      %and3A = arith.constant 255 : i32
      %and3A_523 = vector.broadcast %and3A : i32 to vector<16xi32>
      %and3A_524 = arith.andi %shift_right_arithmetic3A_522, %and3A_523 : vector<16xi32>
      %and3A_525 = arith.constant 255 : i32
      %and3A_526 = vector.broadcast %and3A_525 : i32 to vector<16xi32>
      %and3A_527 = arith.andi %get3A_517, %and3A_526 : vector<16xi32>
      %lt3A_528 = arith.constant 255 : i32
      %lt3A_529 = vector.broadcast %lt3A_528 : i32 to vector<16xi32>
      %lt3A_530 = arith.cmpi slt, %shift_right_arithmetic3A_519, %lt3A_529 : vector<16xi32>
      %jit3A = arith.constant 65536 : i32
      %jit3A_531 = arith.constant 0 : i32
      %broadcast_in_dim3A = vector.broadcast %jit3A : i32 to vector<16xi32>
      %broadcast_in_dim3A_532 = vector.broadcast %jit3A_531 : i32 to vector<16xi32>
      %select_n3A = arith.select %lt3A_530, %broadcast_in_dim3A, %broadcast_in_dim3A_532 : vector<16xi1>, vector<16xi32>
      %add3A_533 = arith.addi %get3A_517, %select_n3A : vector<16xi32>
      %swap3A = arith.index_cast %mul3A_516 : i32 to index
      %swap3A_534 = tpu.vector_load %arg21[%swap3A] {strides = array<i32>} : memref<1344xi32, #tpu.memory_space<vmem>>, vector<16xi32>,
      tpu.vector_store %arg21[%swap3A], %add3A_533 {strides = array<i32>} : memref<1344xi32, #tpu.memory_space<vmem>>, vector<16xi32>,
      %lt3A_535 = arith.constant 255 : i32
      %lt3A_536 = vector.broadcast %lt3A_535 : i32 to vector<16xi32>
      %lt3A_537 = arith.cmpi slt, %and3A_524, %lt3A_536 : vector<16xi32>
      %jit3A_538 = arith.constant 256 : i32
      %jit3A_539 = arith.constant 0 : i32
      %broadcast_in_dim3A_540 = vector.broadcast %jit3A_538 : i32 to vector<16xi32>
      %broadcast_in_dim3A_541 = vector.broadcast %jit3A_539 : i32 to vector<16xi32>
      %select_n3A_542 = arith.select %lt3A_537, %broadcast_in_dim3A_540, %broadcast_in_dim3A_541 : vector<16xi1>, vector<16xi32>
      %add3A_543 = arith.addi %get3A_517, %select_n3A_542 : vector<16xi32>
      %swap3A_544 = arith.index_cast %mul3A_516 : i32 to index
      %swap3A_545 = tpu.vector_load %arg22[%swap3A_544] {strides = array<i32>} : memref<1344xi32, #tpu.memory_space<vmem>>, vector<16xi32>,
      tpu.vector_store %arg22[%swap3A_544], %add3A_543 {strides = array<i32>} : memref<1344xi32, #tpu.memory_space<vmem>>, vector<16xi32>,
      %lt3A_546 = arith.constant 255 : i32
      %lt3A_547 = vector.broadcast %lt3A_546 : i32 to vector<16xi32>
      %lt3A_548 = arith.cmpi slt, %and3A_527, %lt3A_547 : vector<16xi32>
      %jit3A_549 = arith.constant 1 : i32
      %jit3A_550 = arith.constant 0 : i32
      %broadcast_in_dim3A_551 = vector.broadcast %jit3A_549 : i32 to vector<16xi32>
      %broadcast_in_dim3A_552 = vector.broadcast %jit3A_550 : i32 to vector<16xi32>
      %select_n3A_553 = arith.select %lt3A_548, %broadcast_in_dim3A_551, %broadcast_in_dim3A_552 : vector<16xi1>, vector<16xi32>
      %add3A_554 = arith.addi %get3A_517, %select_n3A_553 : vector<16xi32>
      %swap3A_555 = arith.index_cast %mul3A_516 : i32 to index
      %swap3A_556 = tpu.vector_load %arg23[%swap3A_555] {strides = array<i32>} : memref<1344xi32, #tpu.memory_space<vmem>>, vector<16xi32>,
      tpu.vector_store %arg23[%swap3A_555], %add3A_554 {strides = array<i32>} : memref<1344xi32, #tpu.memory_space<vmem>>, vector<16xi32>,
    }
    %scan3A_190 = arith.constant 84 : i32
    %dma_start3A_191 = arith.constant 0 : i32
    %dma_start3A_192 = tpu.memref_slice %arg3[%dma_start3A_191] : memref<16777216xi32, #tpu.memory_space<hbm>> -> memref<16777216xi32, #tpu.memory_space<hbm>>
    tpu.enqueue_indirect_dma source(%dma_start3A_192 : memref<16777216xi32, #tpu.memory_space<hbm>>) target(%arg24 : memref<1344xi32, #tpu.memory_space<vmem>>) offsets(%arg20 : memref<1344xi32, #tpu.memory_space<vmem>>) semaphore(%arg45 : memref<!tpu.dma_semaphore, #tpu.memory_space<semaphore_mem>>)
    %dma_start3A_193 = arith.constant 0 : i32
    %dma_start3A_194 = tpu.memref_slice %arg3[%dma_start3A_193] : memref<16777216xi32, #tpu.memory_space<hbm>> -> memref<16777216xi32, #tpu.memory_space<hbm>>
    tpu.enqueue_indirect_dma source(%dma_start3A_194 : memref<16777216xi32, #tpu.memory_space<hbm>>) target(%arg25 : memref<1344xi32, #tpu.memory_space<vmem>>) offsets(%arg21 : memref<1344xi32, #tpu.memory_space<vmem>>) semaphore(%arg45 : memref<!tpu.dma_semaphore, #tpu.memory_space<semaphore_mem>>)
    %dma_start3A_195 = arith.constant 0 : i32
    %dma_start3A_196 = tpu.memref_slice %arg3[%dma_start3A_195] : memref<16777216xi32, #tpu.memory_space<hbm>> -> memref<16777216xi32, #tpu.memory_space<hbm>>
    tpu.enqueue_indirect_dma source(%dma_start3A_196 : memref<16777216xi32, #tpu.memory_space<hbm>>) target(%arg26 : memref<1344xi32, #tpu.memory_space<vmem>>) offsets(%arg22 : memref<1344xi32, #tpu.memory_space<vmem>>) semaphore(%arg45 : memref<!tpu.dma_semaphore, #tpu.memory_space<semaphore_mem>>)
    %dma_start3A_197 = arith.constant 0 : i32
    %dma_start3A_198 = tpu.memref_slice %arg3[%dma_start3A_197] : memref<16777216xi32, #tpu.memory_space<hbm>> -> memref<16777216xi32, #tpu.memory_space<hbm>>
    tpu.enqueue_indirect_dma source(%dma_start3A_198 : memref<16777216xi32, #tpu.memory_space<hbm>>) target(%arg27 : memref<1344xi32, #tpu.memory_space<vmem>>) offsets(%arg23 : memref<1344xi32, #tpu.memory_space<vmem>>) semaphore(%arg45 : memref<!tpu.dma_semaphore, #tpu.memory_space<semaphore_mem>>)
    %dma_wait3A_199 = arith.constant 0 : i32
    %dma_wait3A_200 = tpu.memref_slice %arg3[%dma_wait3A_199] : memref<16777216xi32, #tpu.memory_space<hbm>> -> memref<16777216xi32, #tpu.memory_space<hbm>>
    tpu.wait_indirect_dma semaphore(%arg44 : memref<!tpu.dma_semaphore, #tpu.memory_space<semaphore_mem>>) src(%dma_wait3A_200 : memref<16777216xi32, #tpu.memory_space<hbm>>) dst(%arg12 : memref<1344xi32, #tpu.memory_space<vmem>>)
    %dma_wait3A_201 = arith.constant 0 : i32
    %dma_wait3A_202 = tpu.memref_slice %arg3[%dma_wait3A_201] : memref<16777216xi32, #tpu.memory_space<hbm>> -> memref<16777216xi32, #tpu.memory_space<hbm>>
    tpu.wait_indirect_dma semaphore(%arg44 : memref<!tpu.dma_semaphore, #tpu.memory_space<semaphore_mem>>) src(%dma_wait3A_202 : memref<16777216xi32, #tpu.memory_space<hbm>>) dst(%arg13 : memref<1344xi32, #tpu.memory_space<vmem>>)
    %dma_wait3A_203 = arith.constant 0 : i32
    %dma_wait3A_204 = tpu.memref_slice %arg3[%dma_wait3A_203] : memref<16777216xi32, #tpu.memory_space<hbm>> -> memref<16777216xi32, #tpu.memory_space<hbm>>
    tpu.wait_indirect_dma semaphore(%arg44 : memref<!tpu.dma_semaphore, #tpu.memory_space<semaphore_mem>>) src(%dma_wait3A_204 : memref<16777216xi32, #tpu.memory_space<hbm>>) dst(%arg14 : memref<1344xi32, #tpu.memory_space<vmem>>)
    %dma_wait3A_205 = arith.constant 0 : i32
    %dma_wait3A_206 = tpu.memref_slice %arg3[%dma_wait3A_205] : memref<16777216xi32, #tpu.memory_space<hbm>> -> memref<16777216xi32, #tpu.memory_space<hbm>>
    tpu.wait_indirect_dma semaphore(%arg44 : memref<!tpu.dma_semaphore, #tpu.memory_space<semaphore_mem>>) src(%dma_wait3A_206 : memref<16777216xi32, #tpu.memory_space<hbm>>) dst(%arg15 : memref<1344xi32, #tpu.memory_space<vmem>>)
    %dma_start3A_207 = arith.constant 0 : i32
    %dma_start3A_208 = tpu.memref_slice %arg2[%dma_start3A_207] : memref<2000000xf32, #tpu.memory_space<hbm>> -> memref<2000000xf32, #tpu.memory_space<hbm>>
    tpu.enqueue_indirect_dma source(%dma_start3A_208 : memref<2000000xf32, #tpu.memory_space<hbm>>) target(%arg16 : memref<1344xf32, #tpu.memory_space<vmem>>) offsets(%arg12 : memref<1344xi32, #tpu.memory_space<vmem>>) semaphore(%arg47 : memref<!tpu.dma_semaphore, #tpu.memory_space<semaphore_mem>>)
    %dma_start3A_209 = arith.constant 0 : i32
    %dma_start3A_210 = tpu.memref_slice %arg2[%dma_start3A_209] : memref<2000000xf32, #tpu.memory_space<hbm>> -> memref<2000000xf32, #tpu.memory_space<hbm>>
    tpu.enqueue_indirect_dma source(%dma_start3A_210 : memref<2000000xf32, #tpu.memory_space<hbm>>) target(%arg17 : memref<1344xf32, #tpu.memory_space<vmem>>) offsets(%arg13 : memref<1344xi32, #tpu.memory_space<vmem>>) semaphore(%arg47 : memref<!tpu.dma_semaphore, #tpu.memory_space<semaphore_mem>>)
    %dma_start3A_211 = arith.constant 0 : i32
    %dma_start3A_212 = tpu.memref_slice %arg2[%dma_start3A_211] : memref<2000000xf32, #tpu.memory_space<hbm>> -> memref<2000000xf32, #tpu.memory_space<hbm>>
    tpu.enqueue_indirect_dma source(%dma_start3A_212 : memref<2000000xf32, #tpu.memory_space<hbm>>) target(%arg18 : memref<1344xf32, #tpu.memory_space<vmem>>) offsets(%arg14 : memref<1344xi32, #tpu.memory_space<vmem>>) semaphore(%arg47 : memref<!tpu.dma_semaphore, #tpu.memory_space<semaphore_mem>>)
    %dma_start3A_213 = arith.constant 0 : i32
    %dma_start3A_214 = tpu.memref_slice %arg2[%dma_start3A_213] : memref<2000000xf32, #tpu.memory_space<hbm>> -> memref<2000000xf32, #tpu.memory_space<hbm>>
    tpu.enqueue_indirect_dma source(%dma_start3A_214 : memref<2000000xf32, #tpu.memory_space<hbm>>) target(%arg19 : memref<1344xf32, #tpu.memory_space<vmem>>) offsets(%arg15 : memref<1344xi32, #tpu.memory_space<vmem>>) semaphore(%arg47 : memref<!tpu.dma_semaphore, #tpu.memory_space<semaphore_mem>>)
    %dma_wait3A_215 = arith.constant 0 : i32
    %dma_wait3A_216 = tpu.memref_slice %arg2[%dma_wait3A_215] : memref<2000000xf32, #tpu.memory_space<hbm>> -> memref<2000000xf32, #tpu.memory_space<hbm>>
    tpu.wait_indirect_dma semaphore(%arg49 : memref<!tpu.dma_semaphore, #tpu.memory_space<semaphore_mem>>) src(%dma_wait3A_216 : memref<2000000xf32, #tpu.memory_space<hbm>>) dst(%arg40 : memref<1344xf32, #tpu.memory_space<vmem>>)
    %dma_wait3A_217 = arith.constant 0 : i32
    %dma_wait3A_218 = tpu.memref_slice %arg2[%dma_wait3A_217] : memref<2000000xf32, #tpu.memory_space<hbm>> -> memref<2000000xf32, #tpu.memory_space<hbm>>
    tpu.wait_indirect_dma semaphore(%arg49 : memref<!tpu.dma_semaphore, #tpu.memory_space<semaphore_mem>>) src(%dma_wait3A_218 : memref<2000000xf32, #tpu.memory_space<hbm>>) dst(%arg41 : memref<1344xf32, #tpu.memory_space<vmem>>)
    %dma_wait3A_219 = arith.constant 0 : i32
    %dma_wait3A_220 = tpu.memref_slice %arg2[%dma_wait3A_219] : memref<2000000xf32, #tpu.memory_space<hbm>> -> memref<2000000xf32, #tpu.memory_space<hbm>>
    tpu.wait_indirect_dma semaphore(%arg49 : memref<!tpu.dma_semaphore, #tpu.memory_space<semaphore_mem>>) src(%dma_wait3A_220 : memref<2000000xf32, #tpu.memory_space<hbm>>) dst(%arg42 : memref<1344xf32, #tpu.memory_space<vmem>>)
    %dma_wait3A_221 = arith.constant 0 : i32
    %dma_wait3A_222 = tpu.memref_slice %arg2[%dma_wait3A_221] : memref<2000000xf32, #tpu.memory_space<hbm>> -> memref<2000000xf32, #tpu.memory_space<hbm>>
    tpu.wait_indirect_dma semaphore(%arg49 : memref<!tpu.dma_semaphore, #tpu.memory_space<semaphore_mem>>) src(%dma_wait3A_222 : memref<2000000xf32, #tpu.memory_space<hbm>>) dst(%arg43 : memref<1344xf32, #tpu.memory_space<vmem>>)
    %scan3A_223 = arith.constant 0 : i32
    %scan3A_224 = arith.constant 0 : i32
    %scan3A_225 = arith.constant 84 : i32
    %scan3A_226 = arith.addi %scan3A_224, %scan3A_225 : i32
    %scan3A_227 = arith.constant 1 : i32
    scf.for %scan3A_514 = %scan3A_224 to %scan3A_226 step %scan3A_227  : i32 {
      %mul3A_515 = arith.constant 16 : i32
      %mul3A_516 = arith.muli %scan3A_514, %mul3A_515 : i32
      %get3A = arith.index_cast %mul3A_516 : i32 to index
      %get3A_517 = tpu.vector_load %arg32[%get3A] {strides = array<i32>} : memref<1344xi32, #tpu.memory_space<vmem>>, vector<16xi32>,
      %shift_right_arithmetic3A = arith.constant 16 : i32
      %shift_right_arithmetic3A_518 = vector.broadcast %shift_right_arithmetic3A : i32 to vector<16xi32>
      %shift_right_arithmetic3A_519 = arith.shrsi %get3A_517, %shift_right_arithmetic3A_518 : vector<16xi32>
      %shift_right_arithmetic3A_520 = arith.constant 8 : i32
      %shift_right_arithmetic3A_521 = vector.broadcast %shift_right_arithmetic3A_520 : i32 to vector<16xi32>
      %shift_right_arithmetic3A_522 = arith.shrsi %get3A_517, %shift_right_arithmetic3A_521 : vector<16xi32>
      %and3A = arith.constant 255 : i32
      %and3A_523 = vector.broadcast %and3A : i32 to vector<16xi32>
      %and3A_524 = arith.andi %shift_right_arithmetic3A_522, %and3A_523 : vector<16xi32>
      %and3A_525 = arith.constant 255 : i32
      %and3A_526 = vector.broadcast %and3A_525 : i32 to vector<16xi32>
      %and3A_527 = arith.andi %get3A_517, %and3A_526 : vector<16xi32>
      %lt3A_528 = arith.constant 255 : i32
      %lt3A_529 = vector.broadcast %lt3A_528 : i32 to vector<16xi32>
      %lt3A_530 = arith.cmpi slt, %shift_right_arithmetic3A_519, %lt3A_529 : vector<16xi32>
      %lt3A_531 = arith.constant 255 : i32
      %lt3A_532 = vector.broadcast %lt3A_531 : i32 to vector<16xi32>
      %lt3A_533 = arith.cmpi slt, %and3A_524, %lt3A_532 : vector<16xi32>
      %and3A_534 = arith.andi %lt3A_530, %lt3A_533 : vector<16xi1>
      %lt3A_535 = arith.constant 255 : i32
      %lt3A_536 = vector.broadcast %lt3A_535 : i32 to vector<16xi32>
      %lt3A_537 = arith.cmpi slt, %and3A_527, %lt3A_536 : vector<16xi32>
      %and3A_538 = arith.andi %and3A_534, %lt3A_537 : vector<16xi1>
      %get3A_539 = arith.index_cast %mul3A_516 : i32 to index
      %get3A_540 = tpu.vector_load %arg40[%get3A_539] {strides = array<i32>} : memref<1344xf32, #tpu.memory_space<vmem>>, vector<16xf32>,
      %get3A_541 = arith.index_cast %mul3A_516 : i32 to index
      %get3A_542 = tpu.vector_load %arg41[%get3A_541] {strides = array<i32>} : memref<1344xf32, #tpu.memory_space<vmem>>, vector<16xf32>,
      %get3A_543 = arith.index_cast %mul3A_516 : i32 to index
      %get3A_544 = tpu.vector_load %arg42[%get3A_543] {strides = array<i32>} : memref<1344xf32, #tpu.memory_space<vmem>>, vector<16xf32>,
      %get3A_545 = arith.index_cast %mul3A_516 : i32 to index
      %get3A_546 = tpu.vector_load %arg43[%get3A_545] {strides = array<i32>} : memref<1344xf32, #tpu.memory_space<vmem>>, vector<16xf32>,
      %sub3A = arith.subf %get3A_542, %get3A_540 : vector<16xf32>
      %sub3A_547 = arith.subf %get3A_544, %get3A_540 : vector<16xf32>
      %sub3A_548 = arith.subf %get3A_546, %get3A_540 : vector<16xf32>
      %mul3A_549 = arith.mulf %sub3A, %sub3A : vector<16xf32>
      %add3A_550 = arith.constant 9.99999971E-10 : f32
      %add3A_551 = vector.broadcast %add3A_550 : f32 to vector<16xf32>
      %add3A_552 = arith.addf %add3A_551, %mul3A_549 : vector<16xf32>
      %mul3A_553 = arith.mulf %sub3A_547, %sub3A_547 : vector<16xf32>
      %add3A_554 = arith.addf %add3A_552, %mul3A_553 : vector<16xf32>
      %mul3A_555 = arith.mulf %sub3A_548, %sub3A_548 : vector<16xf32>
      %add3A_556 = arith.addf %add3A_554, %mul3A_555 : vector<16xf32>
      %bitcast3A = vector.bitcast %add3A_556 : vector<16xf32> to vector<16xi32>
      %shift_right_arithmetic3A_557 = arith.constant 1 : i32
      %shift_right_arithmetic3A_558 = vector.broadcast %shift_right_arithmetic3A_557 : i32 to vector<16xi32>
      %shift_right_arithmetic3A_559 = arith.shrsi %bitcast3A, %shift_right_arithmetic3A_558 : vector<16xi32>
      %sub3A_560 = arith.constant 1597463007 : i32
      %sub3A_561 = vector.broadcast %sub3A_560 : i32 to vector<16xi32>
      %sub3A_562 = arith.subi %sub3A_561, %shift_right_arithmetic3A_559 : vector<16xi32>
      %bitcast3A_563 = vector.bitcast %sub3A_562 : vector<16xi32> to vector<16xf32>
      %mul3A_564 = arith.constant 5.000000e-01 : f32
      %mul3A_565 = vector.broadcast %mul3A_564 : f32 to vector<16xf32>
      %mul3A_566 = arith.mulf %mul3A_565, %add3A_556 : vector<16xf32>
      %mul3A_567 = arith.mulf %mul3A_566, %bitcast3A_563 : vector<16xf32>
      %mul3A_568 = arith.mulf %mul3A_567, %bitcast3A_563 : vector<16xf32>
      %sub3A_569 = arith.constant 1.500000e+00 : f32
      %sub3A_570 = vector.broadcast %sub3A_569 : f32 to vector<16xf32>
      %sub3A_571 = arith.subf %sub3A_570, %mul3A_568 : vector<16xf32>
      %mul3A_572 = arith.mulf %bitcast3A_563, %sub3A_571 : vector<16xf32>
      %mul3A_573 = arith.constant 5.000000e-01 : f32
      %mul3A_574 = vector.broadcast %mul3A_573 : f32 to vector<16xf32>
      %mul3A_575 = arith.mulf %mul3A_574, %add3A_556 : vector<16xf32>
      %mul3A_576 = arith.mulf %mul3A_575, %mul3A_572 : vector<16xf32>
      %mul3A_577 = arith.mulf %mul3A_576, %mul3A_572 : vector<16xf32>
      %sub3A_578 = arith.constant 1.500000e+00 : f32
      %sub3A_579 = vector.broadcast %sub3A_578 : f32 to vector<16xf32>
      %sub3A_580 = arith.subf %sub3A_579, %mul3A_577 : vector<16xf32>
      %mul3A_581 = arith.mulf %mul3A_572, %sub3A_580 : vector<16xf32>
      %jit3A = arith.constant 9.99999974E-6 : f32
      %jit3A_582 = arith.constant 0.000000e+00 : f32
      %broadcast_in_dim3A = vector.broadcast %jit3A : f32 to vector<16xf32>
      %broadcast_in_dim3A_583 = vector.broadcast %jit3A_582 : f32 to vector<16xf32>
      %select_n3A = arith.select %and3A_538, %broadcast_in_dim3A, %broadcast_in_dim3A_583 : vector<16xi1>, vector<16xf32>
      %mul3A_584 = arith.mulf %select_n3A, %mul3A_581 : vector<16xf32>
      %add3A_585 = arith.addf %sub3A, %sub3A_547 : vector<16xf32>
      %add3A_586 = arith.addf %add3A_585, %sub3A_548 : vector<16xf32>
      %neg3A = arith.constant 0.000000e+00 : f32
      %neg3A_587 = vector.broadcast %neg3A : f32 to vector<16xf32>
      %neg3A_588 = arith.subf %neg3A_587, %add3A_586 : vector<16xf32>
      %mul3A_589 = arith.mulf %neg3A_588, %mul3A_584 : vector<16xf32>
      %swap3A = arith.index_cast %mul3A_516 : i32 to index
      %swap3A_590 = tpu.vector_load %arg40[%swap3A] {strides = array<i32>} : memref<1344xf32, #tpu.memory_space<vmem>>, vector<16xf32>,
      tpu.vector_store %arg40[%swap3A], %mul3A_589 {strides = array<i32>} : memref<1344xf32, #tpu.memory_space<vmem>>, vector<16xf32>,
      %mul3A_591 = arith.mulf %sub3A, %mul3A_584 : vector<16xf32>
      %swap3A_592 = arith.index_cast %mul3A_516 : i32 to index
      %swap3A_593 = tpu.vector_load %arg41[%swap3A_592] {strides = array<i32>} : memref<1344xf32, #tpu.memory_space<vmem>>, vector<16xf32>,
      tpu.vector_store %arg41[%swap3A_592], %mul3A_591 {strides = array<i32>} : memref<1344xf32, #tpu.memory_space<vmem>>, vector<16xf32>,
      %mul3A_594 = arith.mulf %sub3A_547, %mul3A_584 : vector<16xf32>
      %swap3A_595 = arith.index_cast %mul3A_516 : i32 to index
      %swap3A_596 = tpu.vector_load %arg42[%swap3A_595] {strides = array<i32>} : memref<1344xf32, #tpu.memory_space<vmem>>, vector<16xf32>,
      tpu.vector_store %arg42[%swap3A_595], %mul3A_594 {strides = array<i32>} : memref<1344xf32, #tpu.memory_space<vmem>>, vector<16xf32>,
      %mul3A_597 = arith.mulf %sub3A_548, %mul3A_584 : vector<16xf32>
      %swap3A_598 = arith.index_cast %mul3A_516 : i32 to index
      %swap3A_599 = tpu.vector_load %arg43[%swap3A_598] {strides = array<i32>} : memref<1344xf32, #tpu.memory_space<vmem>>, vector<16xf32>,
      tpu.vector_store %arg43[%swap3A_598], %mul3A_597 {strides = array<i32>} : memref<1344xf32, #tpu.memory_space<vmem>>, vector<16xf32>,
      %get3A_600 = arith.index_cast %mul3A_516 : i32 to index
      %get3A_601 = tpu.vector_load %arg36[%get3A_600] {strides = array<i32>} : memref<1344xi32, #tpu.memory_space<vmem>>, vector<16xi32>,
      %ge3A = vector.broadcast %mul3A_0 : i32 to vector<16xi32>
      %ge3A_602 = arith.cmpi sge, %get3A_601, %ge3A : vector<16xi32>
      %add3A_603 = arith.constant 1000000 : i32
      %add3A_604 = arith.addi %mul3A_0, %add3A_603 : i32
      %lt3A_605 = vector.broadcast %add3A_604 : i32 to vector<16xi32>
      %lt3A_606 = arith.cmpi slt, %get3A_601, %lt3A_605 : vector<16xi32>
      %and3A_607 = arith.andi %ge3A_602, %lt3A_606 : vector<16xi1>
      %sub3A_608 = vector.broadcast %mul3A_0 : i32 to vector<16xi32>
      %sub3A_609 = arith.subi %get3A_601, %sub3A_608 : vector<16xi32>
      %and3A_610 = arith.constant 32767 : i32
      %and3A_611 = vector.broadcast %and3A_610 : i32 to vector<16xi32>
      %and3A_612 = arith.andi %get3A_601, %and3A_611 : vector<16xi32>
      %add3A_613 = arith.constant 1000000 : i32
      %add3A_614 = vector.broadcast %add3A_613 : i32 to vector<16xi32>
      %add3A_615 = arith.addi %add3A_614, %and3A_612 : vector<16xi32>
      %select_n3A_616 = arith.select %and3A_607, %sub3A_609, %add3A_615 : vector<16xi1>, vector<16xi32>
      %swap3A_617 = arith.index_cast %mul3A_516 : i32 to index
      %swap3A_618 = tpu.vector_load %arg36[%swap3A_617] {strides = array<i32>} : memref<1344xi32, #tpu.memory_space<vmem>>, vector<16xi32>,
      tpu.vector_store %arg36[%swap3A_617], %select_n3A_616 {strides = array<i32>} : memref<1344xi32, #tpu.memory_space<vmem>>, vector<16xi32>,
      %get3A_619 = arith.index_cast %mul3A_516 : i32 to index
      %get3A_620 = tpu.vector_load %arg37[%get3A_619] {strides = array<i32>} : memref<1344xi32, #tpu.memory_space<vmem>>, vector<16xi32>,
      %ge3A_621 = vector.broadcast %mul3A_0 : i32 to vector<16xi32>
      %ge3A_622 = arith.cmpi sge, %get3A_620, %ge3A_621 : vector<16xi32>
      %add3A_623 = arith.constant 1000000 : i32
      %add3A_624 = arith.addi %mul3A_0, %add3A_623 : i32
      %lt3A_625 = vector.broadcast %add3A_624 : i32 to vector<16xi32>
      %lt3A_626 = arith.cmpi slt, %get3A_620, %lt3A_625 : vector<16xi32>
      %and3A_627 = arith.andi %ge3A_622, %lt3A_626 : vector<16xi1>
      %sub3A_628 = vector.broadcast %mul3A_0 : i32 to vector<16xi32>
      %sub3A_629 = arith.subi %get3A_620, %sub3A_628 : vector<16xi32>
      %and3A_630 = arith.constant 32767 : i32
      %and3A_631 = vector.broadcast %and3A_630 : i32 to vector<16xi32>
      %and3A_632 = arith.andi %get3A_620, %and3A_631 : vector<16xi32>
      %add3A_633 = arith.constant 1000000 : i32
      %add3A_634 = vector.broadcast %add3A_633 : i32 to vector<16xi32>
      %add3A_635 = arith.addi %add3A_634, %and3A_632 : vector<16xi32>
      %select_n3A_636 = arith.select %and3A_627, %sub3A_629, %add3A_635 : vector<16xi1>, vector<16xi32>
      %swap3A_637 = arith.index_cast %mul3A_516 : i32 to index
      %swap3A_638 = tpu.vector_load %arg37[%swap3A_637] {strides = array<i32>} : memref<1344xi32, #tpu.memory_space<vmem>>, vector<16xi32>,
      tpu.vector_store %arg37[%swap3A_637], %select_n3A_636 {strides = array<i32>} : memref<1344xi32, #tpu.memory_space<vmem>>, vector<16xi32>,
      %get3A_639 = arith.index_cast %mul3A_516 : i32 to index
      %get3A_640 = tpu.vector_load %arg38[%get3A_639] {strides = array<i32>} : memref<1344xi32, #tpu.memory_space<vmem>>, vector<16xi32>,
      %ge3A_641 = vector.broadcast %mul3A_0 : i32 to vector<16xi32>
      %ge3A_642 = arith.cmpi sge, %get3A_640, %ge3A_641 : vector<16xi32>
      %add3A_643 = arith.constant 1000000 : i32
      %add3A_644 = arith.addi %mul3A_0, %add3A_643 : i32
      %lt3A_645 = vector.broadcast %add3A_644 : i32 to vector<16xi32>
      %lt3A_646 = arith.cmpi slt, %get3A_640, %lt3A_645 : vector<16xi32>
      %and3A_647 = arith.andi %ge3A_642, %lt3A_646 : vector<16xi1>
      %sub3A_648 = vector.broadcast %mul3A_0 : i32 to vector<16xi32>
      %sub3A_649 = arith.subi %get3A_640, %sub3A_648 : vector<16xi32>
      %and3A_650 = arith.constant 32767 : i32
      %and3A_651 = vector.broadcast %and3A_650 : i32 to vector<16xi32>
      %and3A_652 = arith.andi %get3A_640, %and3A_651 : vector<16xi32>
      %add3A_653 = arith.constant 1000000 : i32
      %add3A_654 = vector.broadcast %add3A_653 : i32 to vector<16xi32>
      %add3A_655 = arith.addi %add3A_654, %and3A_652 : vector<16xi32>
      %select_n3A_656 = arith.select %and3A_647, %sub3A_649, %add3A_655 : vector<16xi1>, vector<16xi32>
      %swap3A_657 = arith.index_cast %mul3A_516 : i32 to index
      %swap3A_658 = tpu.vector_load %arg38[%swap3A_657] {strides = array<i32>} : memref<1344xi32, #tpu.memory_space<vmem>>, vector<16xi32>,
      tpu.vector_store %arg38[%swap3A_657], %select_n3A_656 {strides = array<i32>} : memref<1344xi32, #tpu.memory_space<vmem>>, vector<16xi32>,
      %get3A_659 = arith.index_cast %mul3A_516 : i32 to index
      %get3A_660 = tpu.vector_load %arg39[%get3A_659] {strides = array<i32>} : memref<1344xi32, #tpu.memory_space<vmem>>, vector<16xi32>,
      %ge3A_661 = vector.broadcast %mul3A_0 : i32 to vector<16xi32>
      %ge3A_662 = arith.cmpi sge, %get3A_660, %ge3A_661 : vector<16xi32>
      %add3A_663 = arith.constant 1000000 : i32
      %add3A_664 = arith.addi %mul3A_0, %add3A_663 : i32
      %lt3A_665 = vector.broadcast %add3A_664 : i32 to vector<16xi32>
      %lt3A_666 = arith.cmpi slt, %get3A_660, %lt3A_665 : vector<16xi32>
      %and3A_667 = arith.andi %ge3A_662, %lt3A_666 : vector<16xi1>
      %sub3A_668 = vector.broadcast %mul3A_0 : i32 to vector<16xi32>
      %sub3A_669 = arith.subi %get3A_660, %sub3A_668 : vector<16xi32>
      %and3A_670 = arith.constant 32767 : i32
      %and3A_671 = vector.broadcast %and3A_670 : i32 to vector<16xi32>
      %and3A_672 = arith.andi %get3A_660, %and3A_671 : vector<16xi32>
      %add3A_673 = arith.constant 1000000 : i32
      %add3A_674 = vector.broadcast %add3A_673 : i32 to vector<16xi32>
      %add3A_675 = arith.addi %add3A_674, %and3A_672 : vector<16xi32>
      %select_n3A_676 = arith.select %and3A_667, %sub3A_669, %add3A_675 : vector<16xi1>, vector<16xi32>
      %swap3A_677 = arith.index_cast %mul3A_516 : i32 to index
      %swap3A_678 = tpu.vector_load %arg39[%swap3A_677] {strides = array<i32>} : memref<1344xi32, #tpu.memory_space<vmem>>, vector<16xi32>,
      tpu.vector_store %arg39[%swap3A_677], %select_n3A_676 {strides = array<i32>} : memref<1344xi32, #tpu.memory_space<vmem>>, vector<16xi32>,
    }
    %scan3A_228 = arith.constant 84 : i32
    %dma_start3A_229 = arith.constant 0 : i32
    %dma_start3A_230 = tpu.memref_slice %arg6[%dma_start3A_229] : memref<1048576xf32, #tpu.memory_space<vmem_shared>> -> memref<1048576xf32, #tpu.memory_space<vmem_shared>>
    tpu.enqueue_indirect_dma source(%arg40 : memref<1344xf32, #tpu.memory_space<vmem>>) target(%dma_start3A_230 : memref<1048576xf32, #tpu.memory_space<vmem_shared>>) offsets(%arg36 : memref<1344xi32, #tpu.memory_space<vmem>>) semaphore(%arg52 : memref<!tpu.dma_semaphore, #tpu.memory_space<semaphore_mem>>) {add = true}
    %dma_start3A_231 = arith.constant 0 : i32
    %dma_start3A_232 = tpu.memref_slice %arg6[%dma_start3A_231] : memref<1048576xf32, #tpu.memory_space<vmem_shared>> -> memref<1048576xf32, #tpu.memory_space<vmem_shared>>
    tpu.enqueue_indirect_dma source(%arg41 : memref<1344xf32, #tpu.memory_space<vmem>>) target(%dma_start3A_232 : memref<1048576xf32, #tpu.memory_space<vmem_shared>>) offsets(%arg37 : memref<1344xi32, #tpu.memory_space<vmem>>) semaphore(%arg52 : memref<!tpu.dma_semaphore, #tpu.memory_space<semaphore_mem>>) {add = true}
    %dma_start3A_233 = arith.constant 0 : i32
    %dma_start3A_234 = tpu.memref_slice %arg6[%dma_start3A_233] : memref<1048576xf32, #tpu.memory_space<vmem_shared>> -> memref<1048576xf32, #tpu.memory_space<vmem_shared>>
    tpu.enqueue_indirect_dma source(%arg42 : memref<1344xf32, #tpu.memory_space<vmem>>) target(%dma_start3A_234 : memref<1048576xf32, #tpu.memory_space<vmem_shared>>) offsets(%arg38 : memref<1344xi32, #tpu.memory_space<vmem>>) semaphore(%arg52 : memref<!tpu.dma_semaphore, #tpu.memory_space<semaphore_mem>>) {add = true}
    %dma_start3A_235 = arith.constant 0 : i32
    %dma_start3A_236 = tpu.memref_slice %arg6[%dma_start3A_235] : memref<1048576xf32, #tpu.memory_space<vmem_shared>> -> memref<1048576xf32, #tpu.memory_space<vmem_shared>>
    tpu.enqueue_indirect_dma source(%arg43 : memref<1344xf32, #tpu.memory_space<vmem>>) target(%dma_start3A_236 : memref<1048576xf32, #tpu.memory_space<vmem_shared>>) offsets(%arg39 : memref<1344xi32, #tpu.memory_space<vmem>>) semaphore(%arg52 : memref<!tpu.dma_semaphore, #tpu.memory_space<semaphore_mem>>) {add = true}
    %dma_wait3A_237 = arith.constant 0 : i32
    %dma_wait3A_238 = tpu.memref_slice %arg6[%dma_wait3A_237] : memref<1048576xf32, #tpu.memory_space<vmem_shared>> -> memref<1048576xf32, #tpu.memory_space<vmem_shared>>
    tpu.wait_indirect_dma semaphore(%arg52 : memref<!tpu.dma_semaphore, #tpu.memory_space<semaphore_mem>>) src(%arg40 : memref<1344xf32, #tpu.memory_space<vmem>>) dst(%dma_wait3A_238 : memref<1048576xf32, #tpu.memory_space<vmem_shared>>)
    %dma_wait3A_239 = arith.constant 0 : i32
    %dma_wait3A_240 = tpu.memref_slice %arg6[%dma_wait3A_239] : memref<1048576xf32, #tpu.memory_space<vmem_shared>> -> memref<1048576xf32, #tpu.memory_space<vmem_shared>>
    tpu.wait_indirect_dma semaphore(%arg52 : memref<!tpu.dma_semaphore, #tpu.memory_space<semaphore_mem>>) src(%arg41 : memref<1344xf32, #tpu.memory_space<vmem>>) dst(%dma_wait3A_240 : memref<1048576xf32, #tpu.memory_space<vmem_shared>>)
    %dma_wait3A_241 = arith.constant 0 : i32
    %dma_wait3A_242 = tpu.memref_slice %arg6[%dma_wait3A_241] : memref<1048576xf32, #tpu.memory_space<vmem_shared>> -> memref<1048576xf32, #tpu.memory_space<vmem_shared>>
    tpu.wait_indirect_dma semaphore(%arg52 : memref<!tpu.dma_semaphore, #tpu.memory_space<semaphore_mem>>) src(%arg42 : memref<1344xf32, #tpu.memory_space<vmem>>) dst(%dma_wait3A_242 : memref<1048576xf32, #tpu.memory_space<vmem_shared>>)
    %dma_wait3A_243 = arith.constant 0 : i32
    %dma_wait3A_244 = tpu.memref_slice %arg6[%dma_wait3A_243] : memref<1048576xf32, #tpu.memory_space<vmem_shared>> -> memref<1048576xf32, #tpu.memory_space<vmem_shared>>
    tpu.wait_indirect_dma semaphore(%arg52 : memref<!tpu.dma_semaphore, #tpu.memory_space<semaphore_mem>>) src(%arg43 : memref<1344xf32, #tpu.memory_space<vmem>>) dst(%dma_wait3A_244 : memref<1048576xf32, #tpu.memory_space<vmem_shared>>)
    %add3A_245 = arith.constant 6720 : i32
    %add3A_246 = arith.addi %mul3A_2, %add3A_245 : i32
    "tpu.region"() ({
      %run_scoped3A = tpu.sem_alloc : memref<!tpu.dma_semaphore, #tpu.memory_space<semaphore_mem>>
      %dma_start3A_514 = tpu.memref_slice %arg4[%add3A_246] : memref<172032xi32, #tpu.memory_space<hbm>> -> memref<1344xi32, #tpu.memory_space<hbm>>
      %dma_start3A_515 = tpu.memref_slice %arg4[%add3A_246] : memref<172032xi32, #tpu.memory_space<hbm>> -> memref<1344xi32, #tpu.memory_space<hbm>>
      tpu.enqueue_dma source(%dma_start3A_515 : memref<1344xi32, #tpu.memory_space<hbm>>) target(%arg32 : memref<1344xi32, #tpu.memory_space<vmem>>) target_semaphore(%run_scoped3A : memref<!tpu.dma_semaphore, #tpu.memory_space<semaphore_mem>>)
      %dma_wait3A_516 = tpu.memref_slice %arg4[%add3A_246] : memref<172032xi32, #tpu.memory_space<hbm>> -> memref<1344xi32, #tpu.memory_space<hbm>>
      %dma_wait3A_517 = tpu.memref_slice %arg4[%add3A_246] : memref<172032xi32, #tpu.memory_space<hbm>> -> memref<1344xi32, #tpu.memory_space<hbm>>
      tpu.wait_dma2 semaphore(%run_scoped3A : memref<!tpu.dma_semaphore, #tpu.memory_space<semaphore_mem>>) src(%dma_wait3A_517 : memref<1344xi32, #tpu.memory_space<hbm>>) dst(%arg32 : memref<1344xi32, #tpu.memory_space<vmem>>)
      tpu.yield
    }) : () -> ()
    %scan3A_247 = arith.constant 0 : i32
    %scan3A_248 = arith.constant 0 : i32
    %scan3A_249 = arith.constant 84 : i32
    %scan3A_250 = arith.addi %scan3A_248, %scan3A_249 : i32
    %scan3A_251 = arith.constant 1 : i32
    scf.for %scan3A_514 = %scan3A_248 to %scan3A_250 step %scan3A_251  : i32 {
      %mul3A_515 = arith.constant 16 : i32
      %mul3A_516 = arith.muli %scan3A_514, %mul3A_515 : i32
      %get3A = arith.index_cast %mul3A_516 : i32 to index
      %get3A_517 = tpu.vector_load %arg32[%get3A] {strides = array<i32>} : memref<1344xi32, #tpu.memory_space<vmem>>, vector<16xi32>,
      %shift_right_arithmetic3A = arith.constant 16 : i32
      %shift_right_arithmetic3A_518 = vector.broadcast %shift_right_arithmetic3A : i32 to vector<16xi32>
      %shift_right_arithmetic3A_519 = arith.shrsi %get3A_517, %shift_right_arithmetic3A_518 : vector<16xi32>
      %shift_right_arithmetic3A_520 = arith.constant 8 : i32
      %shift_right_arithmetic3A_521 = vector.broadcast %shift_right_arithmetic3A_520 : i32 to vector<16xi32>
      %shift_right_arithmetic3A_522 = arith.shrsi %get3A_517, %shift_right_arithmetic3A_521 : vector<16xi32>
      %and3A = arith.constant 255 : i32
      %and3A_523 = vector.broadcast %and3A : i32 to vector<16xi32>
      %and3A_524 = arith.andi %shift_right_arithmetic3A_522, %and3A_523 : vector<16xi32>
      %and3A_525 = arith.constant 255 : i32
      %and3A_526 = vector.broadcast %and3A_525 : i32 to vector<16xi32>
      %and3A_527 = arith.andi %get3A_517, %and3A_526 : vector<16xi32>
      %lt3A_528 = arith.constant 255 : i32
      %lt3A_529 = vector.broadcast %lt3A_528 : i32 to vector<16xi32>
      %lt3A_530 = arith.cmpi slt, %shift_right_arithmetic3A_519, %lt3A_529 : vector<16xi32>
      %jit3A = arith.constant 65536 : i32
      %jit3A_531 = arith.constant 0 : i32
      %broadcast_in_dim3A = vector.broadcast %jit3A : i32 to vector<16xi32>
      %broadcast_in_dim3A_532 = vector.broadcast %jit3A_531 : i32 to vector<16xi32>
      %select_n3A = arith.select %lt3A_530, %broadcast_in_dim3A, %broadcast_in_dim3A_532 : vector<16xi1>, vector<16xi32>
      %add3A_533 = arith.addi %get3A_517, %select_n3A : vector<16xi32>
      %swap3A = arith.index_cast %mul3A_516 : i32 to index
      %swap3A_534 = tpu.vector_load %arg33[%swap3A] {strides = array<i32>} : memref<1344xi32, #tpu.memory_space<vmem>>, vector<16xi32>,
      tpu.vector_store %arg33[%swap3A], %add3A_533 {strides = array<i32>} : memref<1344xi32, #tpu.memory_space<vmem>>, vector<16xi32>,
      %lt3A_535 = arith.constant 255 : i32
      %lt3A_536 = vector.broadcast %lt3A_535 : i32 to vector<16xi32>
      %lt3A_537 = arith.cmpi slt, %and3A_524, %lt3A_536 : vector<16xi32>
      %jit3A_538 = arith.constant 256 : i32
      %jit3A_539 = arith.constant 0 : i32
      %broadcast_in_dim3A_540 = vector.broadcast %jit3A_538 : i32 to vector<16xi32>
      %broadcast_in_dim3A_541 = vector.broadcast %jit3A_539 : i32 to vector<16xi32>
      %select_n3A_542 = arith.select %lt3A_537, %broadcast_in_dim3A_540, %broadcast_in_dim3A_541 : vector<16xi1>, vector<16xi32>
      %add3A_543 = arith.addi %get3A_517, %select_n3A_542 : vector<16xi32>
      %swap3A_544 = arith.index_cast %mul3A_516 : i32 to index
      %swap3A_545 = tpu.vector_load %arg34[%swap3A_544] {strides = array<i32>} : memref<1344xi32, #tpu.memory_space<vmem>>, vector<16xi32>,
      tpu.vector_store %arg34[%swap3A_544], %add3A_543 {strides = array<i32>} : memref<1344xi32, #tpu.memory_space<vmem>>, vector<16xi32>,
      %lt3A_546 = arith.constant 255 : i32
      %lt3A_547 = vector.broadcast %lt3A_546 : i32 to vector<16xi32>
      %lt3A_548 = arith.cmpi slt, %and3A_527, %lt3A_547 : vector<16xi32>
      %jit3A_549 = arith.constant 1 : i32
      %jit3A_550 = arith.constant 0 : i32
      %broadcast_in_dim3A_551 = vector.broadcast %jit3A_549 : i32 to vector<16xi32>
      %broadcast_in_dim3A_552 = vector.broadcast %jit3A_550 : i32 to vector<16xi32>
      %select_n3A_553 = arith.select %lt3A_548, %broadcast_in_dim3A_551, %broadcast_in_dim3A_552 : vector<16xi1>, vector<16xi32>
      %add3A_554 = arith.addi %get3A_517, %select_n3A_553 : vector<16xi32>
      %swap3A_555 = arith.index_cast %mul3A_516 : i32 to index
      %swap3A_556 = tpu.vector_load %arg35[%swap3A_555] {strides = array<i32>} : memref<1344xi32, #tpu.memory_space<vmem>>, vector<16xi32>,
      tpu.vector_store %arg35[%swap3A_555], %add3A_554 {strides = array<i32>} : memref<1344xi32, #tpu.memory_space<vmem>>, vector<16xi32>,
    }
    %scan3A_252 = arith.constant 84 : i32
    %dma_start3A_253 = arith.constant 0 : i32
    %dma_start3A_254 = tpu.memref_slice %arg3[%dma_start3A_253] : memref<16777216xi32, #tpu.memory_space<hbm>> -> memref<16777216xi32, #tpu.memory_space<hbm>>
    tpu.enqueue_indirect_dma source(%dma_start3A_254 : memref<16777216xi32, #tpu.memory_space<hbm>>) target(%arg36 : memref<1344xi32, #tpu.memory_space<vmem>>) offsets(%arg32 : memref<1344xi32, #tpu.memory_space<vmem>>) semaphore(%arg46 : memref<!tpu.dma_semaphore, #tpu.memory_space<semaphore_mem>>)
    %dma_start3A_255 = arith.constant 0 : i32
    %dma_start3A_256 = tpu.memref_slice %arg3[%dma_start3A_255] : memref<16777216xi32, #tpu.memory_space<hbm>> -> memref<16777216xi32, #tpu.memory_space<hbm>>
    tpu.enqueue_indirect_dma source(%dma_start3A_256 : memref<16777216xi32, #tpu.memory_space<hbm>>) target(%arg37 : memref<1344xi32, #tpu.memory_space<vmem>>) offsets(%arg33 : memref<1344xi32, #tpu.memory_space<vmem>>) semaphore(%arg46 : memref<!tpu.dma_semaphore, #tpu.memory_space<semaphore_mem>>)
    %dma_start3A_257 = arith.constant 0 : i32
    %dma_start3A_258 = tpu.memref_slice %arg3[%dma_start3A_257] : memref<16777216xi32, #tpu.memory_space<hbm>> -> memref<16777216xi32, #tpu.memory_space<hbm>>
    tpu.enqueue_indirect_dma source(%dma_start3A_258 : memref<16777216xi32, #tpu.memory_space<hbm>>) target(%arg38 : memref<1344xi32, #tpu.memory_space<vmem>>) offsets(%arg34 : memref<1344xi32, #tpu.memory_space<vmem>>) semaphore(%arg46 : memref<!tpu.dma_semaphore, #tpu.memory_space<semaphore_mem>>)
    %dma_start3A_259 = arith.constant 0 : i32
    %dma_start3A_260 = tpu.memref_slice %arg3[%dma_start3A_259] : memref<16777216xi32, #tpu.memory_space<hbm>> -> memref<16777216xi32, #tpu.memory_space<hbm>>
    tpu.enqueue_indirect_dma source(%dma_start3A_260 : memref<16777216xi32, #tpu.memory_space<hbm>>) target(%arg39 : memref<1344xi32, #tpu.memory_space<vmem>>) offsets(%arg35 : memref<1344xi32, #tpu.memory_space<vmem>>) semaphore(%arg46 : memref<!tpu.dma_semaphore, #tpu.memory_space<semaphore_mem>>)
    %dma_wait3A_261 = arith.constant 0 : i32
    %dma_wait3A_262 = tpu.memref_slice %arg3[%dma_wait3A_261] : memref<16777216xi32, #tpu.memory_space<hbm>> -> memref<16777216xi32, #tpu.memory_space<hbm>>
    tpu.wait_indirect_dma semaphore(%arg45 : memref<!tpu.dma_semaphore, #tpu.memory_space<semaphore_mem>>) src(%dma_wait3A_262 : memref<16777216xi32, #tpu.memory_space<hbm>>) dst(%arg24 : memref<1344xi32, #tpu.memory_space<vmem>>)
    %dma_wait3A_263 = arith.constant 0 : i32
    %dma_wait3A_264 = tpu.memref_slice %arg3[%dma_wait3A_263] : memref<16777216xi32, #tpu.memory_space<hbm>> -> memref<16777216xi32, #tpu.memory_space<hbm>>
    tpu.wait_indirect_dma semaphore(%arg45 : memref<!tpu.dma_semaphore, #tpu.memory_space<semaphore_mem>>) src(%dma_wait3A_264 : memref<16777216xi32, #tpu.memory_space<hbm>>) dst(%arg25 : memref<1344xi32, #tpu.memory_space<vmem>>)
    %dma_wait3A_265 = arith.constant 0 : i32
    %dma_wait3A_266 = tpu.memref_slice %arg3[%dma_wait3A_265] : memref<16777216xi32, #tpu.memory_space<hbm>> -> memref<16777216xi32, #tpu.memory_space<hbm>>
    tpu.wait_indirect_dma semaphore(%arg45 : memref<!tpu.dma_semaphore, #tpu.memory_space<semaphore_mem>>) src(%dma_wait3A_266 : memref<16777216xi32, #tpu.memory_space<hbm>>) dst(%arg26 : memref<1344xi32, #tpu.memory_space<vmem>>)
    %dma_wait3A_267 = arith.constant 0 : i32
    %dma_wait3A_268 = tpu.memref_slice %arg3[%dma_wait3A_267] : memref<16777216xi32, #tpu.memory_space<hbm>> -> memref<16777216xi32, #tpu.memory_space<hbm>>
    tpu.wait_indirect_dma semaphore(%arg45 : memref<!tpu.dma_semaphore, #tpu.memory_space<semaphore_mem>>) src(%dma_wait3A_268 : memref<16777216xi32, #tpu.memory_space<hbm>>) dst(%arg27 : memref<1344xi32, #tpu.memory_space<vmem>>)
    %dma_start3A_269 = arith.constant 0 : i32
    %dma_start3A_270 = tpu.memref_slice %arg2[%dma_start3A_269] : memref<2000000xf32, #tpu.memory_space<hbm>> -> memref<2000000xf32, #tpu.memory_space<hbm>>
    tpu.enqueue_indirect_dma source(%dma_start3A_270 : memref<2000000xf32, #tpu.memory_space<hbm>>) target(%arg28 : memref<1344xf32, #tpu.memory_space<vmem>>) offsets(%arg24 : memref<1344xi32, #tpu.memory_space<vmem>>) semaphore(%arg48 : memref<!tpu.dma_semaphore, #tpu.memory_space<semaphore_mem>>)
    %dma_start3A_271 = arith.constant 0 : i32
    %dma_start3A_272 = tpu.memref_slice %arg2[%dma_start3A_271] : memref<2000000xf32, #tpu.memory_space<hbm>> -> memref<2000000xf32, #tpu.memory_space<hbm>>
    tpu.enqueue_indirect_dma source(%dma_start3A_272 : memref<2000000xf32, #tpu.memory_space<hbm>>) target(%arg29 : memref<1344xf32, #tpu.memory_space<vmem>>) offsets(%arg25 : memref<1344xi32, #tpu.memory_space<vmem>>) semaphore(%arg48 : memref<!tpu.dma_semaphore, #tpu.memory_space<semaphore_mem>>)
    %dma_start3A_273 = arith.constant 0 : i32
    %dma_start3A_274 = tpu.memref_slice %arg2[%dma_start3A_273] : memref<2000000xf32, #tpu.memory_space<hbm>> -> memref<2000000xf32, #tpu.memory_space<hbm>>
    tpu.enqueue_indirect_dma source(%dma_start3A_274 : memref<2000000xf32, #tpu.memory_space<hbm>>) target(%arg30 : memref<1344xf32, #tpu.memory_space<vmem>>) offsets(%arg26 : memref<1344xi32, #tpu.memory_space<vmem>>) semaphore(%arg48 : memref<!tpu.dma_semaphore, #tpu.memory_space<semaphore_mem>>)
    %dma_start3A_275 = arith.constant 0 : i32
    %dma_start3A_276 = tpu.memref_slice %arg2[%dma_start3A_275] : memref<2000000xf32, #tpu.memory_space<hbm>> -> memref<2000000xf32, #tpu.memory_space<hbm>>
    tpu.enqueue_indirect_dma source(%dma_start3A_276 : memref<2000000xf32, #tpu.memory_space<hbm>>) target(%arg31 : memref<1344xf32, #tpu.memory_space<vmem>>) offsets(%arg27 : memref<1344xi32, #tpu.memory_space<vmem>>) semaphore(%arg48 : memref<!tpu.dma_semaphore, #tpu.memory_space<semaphore_mem>>)
    %dma_wait3A_277 = arith.constant 0 : i32
    %dma_wait3A_278 = tpu.memref_slice %arg2[%dma_wait3A_277] : memref<2000000xf32, #tpu.memory_space<hbm>> -> memref<2000000xf32, #tpu.memory_space<hbm>>
    tpu.wait_indirect_dma semaphore(%arg47 : memref<!tpu.dma_semaphore, #tpu.memory_space<semaphore_mem>>) src(%dma_wait3A_278 : memref<2000000xf32, #tpu.memory_space<hbm>>) dst(%arg16 : memref<1344xf32, #tpu.memory_space<vmem>>)
    %dma_wait3A_279 = arith.constant 0 : i32
    %dma_wait3A_280 = tpu.memref_slice %arg2[%dma_wait3A_279] : memref<2000000xf32, #tpu.memory_space<hbm>> -> memref<2000000xf32, #tpu.memory_space<hbm>>
    tpu.wait_indirect_dma semaphore(%arg47 : memref<!tpu.dma_semaphore, #tpu.memory_space<semaphore_mem>>) src(%dma_wait3A_280 : memref<2000000xf32, #tpu.memory_space<hbm>>) dst(%arg17 : memref<1344xf32, #tpu.memory_space<vmem>>)
    %dma_wait3A_281 = arith.constant 0 : i32
    %dma_wait3A_282 = tpu.memref_slice %arg2[%dma_wait3A_281] : memref<2000000xf32, #tpu.memory_space<hbm>> -> memref<2000000xf32, #tpu.memory_space<hbm>>
    tpu.wait_indirect_dma semaphore(%arg47 : memref<!tpu.dma_semaphore, #tpu.memory_space<semaphore_mem>>) src(%dma_wait3A_282 : memref<2000000xf32, #tpu.memory_space<hbm>>) dst(%arg18 : memref<1344xf32, #tpu.memory_space<vmem>>)
    %dma_wait3A_283 = arith.constant 0 : i32
    %dma_wait3A_284 = tpu.memref_slice %arg2[%dma_wait3A_283] : memref<2000000xf32, #tpu.memory_space<hbm>> -> memref<2000000xf32, #tpu.memory_space<hbm>>
    tpu.wait_indirect_dma semaphore(%arg47 : memref<!tpu.dma_semaphore, #tpu.memory_space<semaphore_mem>>) src(%dma_wait3A_284 : memref<2000000xf32, #tpu.memory_space<hbm>>) dst(%arg19 : memref<1344xf32, #tpu.memory_space<vmem>>)
    %scan3A_285 = arith.constant 0 : i32
    %scan3A_286 = arith.constant 0 : i32
    %scan3A_287 = arith.constant 84 : i32
    %scan3A_288 = arith.addi %scan3A_286, %scan3A_287 : i32
    %scan3A_289 = arith.constant 1 : i32
    scf.for %scan3A_514 = %scan3A_286 to %scan3A_288 step %scan3A_289  : i32 {
      %mul3A_515 = arith.constant 16 : i32
      %mul3A_516 = arith.muli %scan3A_514, %mul3A_515 : i32
      %get3A = arith.index_cast %mul3A_516 : i32 to index
      %get3A_517 = tpu.vector_load %arg8[%get3A] {strides = array<i32>} : memref<1344xi32, #tpu.memory_space<vmem>>, vector<16xi32>,
      %shift_right_arithmetic3A = arith.constant 16 : i32
      %shift_right_arithmetic3A_518 = vector.broadcast %shift_right_arithmetic3A : i32 to vector<16xi32>
      %shift_right_arithmetic3A_519 = arith.shrsi %get3A_517, %shift_right_arithmetic3A_518 : vector<16xi32>
      %shift_right_arithmetic3A_520 = arith.constant 8 : i32
      %shift_right_arithmetic3A_521 = vector.broadcast %shift_right_arithmetic3A_520 : i32 to vector<16xi32>
      %shift_right_arithmetic3A_522 = arith.shrsi %get3A_517, %shift_right_arithmetic3A_521 : vector<16xi32>
      %and3A = arith.constant 255 : i32
      %and3A_523 = vector.broadcast %and3A : i32 to vector<16xi32>
      %and3A_524 = arith.andi %shift_right_arithmetic3A_522, %and3A_523 : vector<16xi32>
      %and3A_525 = arith.constant 255 : i32
      %and3A_526 = vector.broadcast %and3A_525 : i32 to vector<16xi32>
      %and3A_527 = arith.andi %get3A_517, %and3A_526 : vector<16xi32>
      %lt3A_528 = arith.constant 255 : i32
      %lt3A_529 = vector.broadcast %lt3A_528 : i32 to vector<16xi32>
      %lt3A_530 = arith.cmpi slt, %shift_right_arithmetic3A_519, %lt3A_529 : vector<16xi32>
      %lt3A_531 = arith.constant 255 : i32
      %lt3A_532 = vector.broadcast %lt3A_531 : i32 to vector<16xi32>
      %lt3A_533 = arith.cmpi slt, %and3A_524, %lt3A_532 : vector<16xi32>
      %and3A_534 = arith.andi %lt3A_530, %lt3A_533 : vector<16xi1>
      %lt3A_535 = arith.constant 255 : i32
      %lt3A_536 = vector.broadcast %lt3A_535 : i32 to vector<16xi32>
      %lt3A_537 = arith.cmpi slt, %and3A_527, %lt3A_536 : vector<16xi32>
      %and3A_538 = arith.andi %and3A_534, %lt3A_537 : vector<16xi1>
      %get3A_539 = arith.index_cast %mul3A_516 : i32 to index
      %get3A_540 = tpu.vector_load %arg16[%get3A_539] {strides = array<i32>} : memref<1344xf32, #tpu.memory_space<vmem>>, vector<16xf32>,
      %get3A_541 = arith.index_cast %mul3A_516 : i32 to index
      %get3A_542 = tpu.vector_load %arg17[%get3A_541] {strides = array<i32>} : memref<1344xf32, #tpu.memory_space<vmem>>, vector<16xf32>,
      %get3A_543 = arith.index_cast %mul3A_516 : i32 to index
      %get3A_544 = tpu.vector_load %arg18[%get3A_543] {strides = array<i32>} : memref<1344xf32, #tpu.memory_space<vmem>>, vector<16xf32>,
      %get3A_545 = arith.index_cast %mul3A_516 : i32 to index
      %get3A_546 = tpu.vector_load %arg19[%get3A_545] {strides = array<i32>} : memref<1344xf32, #tpu.memory_space<vmem>>, vector<16xf32>,
      %sub3A = arith.subf %get3A_542, %get3A_540 : vector<16xf32>
      %sub3A_547 = arith.subf %get3A_544, %get3A_540 : vector<16xf32>
      %sub3A_548 = arith.subf %get3A_546, %get3A_540 : vector<16xf32>
      %mul3A_549 = arith.mulf %sub3A, %sub3A : vector<16xf32>
      %add3A_550 = arith.constant 9.99999971E-10 : f32
      %add3A_551 = vector.broadcast %add3A_550 : f32 to vector<16xf32>
      %add3A_552 = arith.addf %add3A_551, %mul3A_549 : vector<16xf32>
      %mul3A_553 = arith.mulf %sub3A_547, %sub3A_547 : vector<16xf32>
      %add3A_554 = arith.addf %add3A_552, %mul3A_553 : vector<16xf32>
      %mul3A_555 = arith.mulf %sub3A_548, %sub3A_548 : vector<16xf32>
      %add3A_556 = arith.addf %add3A_554, %mul3A_555 : vector<16xf32>
      %bitcast3A = vector.bitcast %add3A_556 : vector<16xf32> to vector<16xi32>
      %shift_right_arithmetic3A_557 = arith.constant 1 : i32
      %shift_right_arithmetic3A_558 = vector.broadcast %shift_right_arithmetic3A_557 : i32 to vector<16xi32>
      %shift_right_arithmetic3A_559 = arith.shrsi %bitcast3A, %shift_right_arithmetic3A_558 : vector<16xi32>
      %sub3A_560 = arith.constant 1597463007 : i32
      %sub3A_561 = vector.broadcast %sub3A_560 : i32 to vector<16xi32>
      %sub3A_562 = arith.subi %sub3A_561, %shift_right_arithmetic3A_559 : vector<16xi32>
      %bitcast3A_563 = vector.bitcast %sub3A_562 : vector<16xi32> to vector<16xf32>
      %mul3A_564 = arith.constant 5.000000e-01 : f32
      %mul3A_565 = vector.broadcast %mul3A_564 : f32 to vector<16xf32>
      %mul3A_566 = arith.mulf %mul3A_565, %add3A_556 : vector<16xf32>
      %mul3A_567 = arith.mulf %mul3A_566, %bitcast3A_563 : vector<16xf32>
      %mul3A_568 = arith.mulf %mul3A_567, %bitcast3A_563 : vector<16xf32>
      %sub3A_569 = arith.constant 1.500000e+00 : f32
      %sub3A_570 = vector.broadcast %sub3A_569 : f32 to vector<16xf32>
      %sub3A_571 = arith.subf %sub3A_570, %mul3A_568 : vector<16xf32>
      %mul3A_572 = arith.mulf %bitcast3A_563, %sub3A_571 : vector<16xf32>
      %mul3A_573 = arith.constant 5.000000e-01 : f32
      %mul3A_574 = vector.broadcast %mul3A_573 : f32 to vector<16xf32>
      %mul3A_575 = arith.mulf %mul3A_574, %add3A_556 : vector<16xf32>
      %mul3A_576 = arith.mulf %mul3A_575, %mul3A_572 : vector<16xf32>
      %mul3A_577 = arith.mulf %mul3A_576, %mul3A_572 : vector<16xf32>
      %sub3A_578 = arith.constant 1.500000e+00 : f32
      %sub3A_579 = vector.broadcast %sub3A_578 : f32 to vector<16xf32>
      %sub3A_580 = arith.subf %sub3A_579, %mul3A_577 : vector<16xf32>
      %mul3A_581 = arith.mulf %mul3A_572, %sub3A_580 : vector<16xf32>
      %jit3A = arith.constant 9.99999974E-6 : f32
      %jit3A_582 = arith.constant 0.000000e+00 : f32
      %broadcast_in_dim3A = vector.broadcast %jit3A : f32 to vector<16xf32>
      %broadcast_in_dim3A_583 = vector.broadcast %jit3A_582 : f32 to vector<16xf32>
      %select_n3A = arith.select %and3A_538, %broadcast_in_dim3A, %broadcast_in_dim3A_583 : vector<16xi1>, vector<16xf32>
      %mul3A_584 = arith.mulf %select_n3A, %mul3A_581 : vector<16xf32>
      %add3A_585 = arith.addf %sub3A, %sub3A_547 : vector<16xf32>
      %add3A_586 = arith.addf %add3A_585, %sub3A_548 : vector<16xf32>
      %neg3A = arith.constant 0.000000e+00 : f32
      %neg3A_587 = vector.broadcast %neg3A : f32 to vector<16xf32>
      %neg3A_588 = arith.subf %neg3A_587, %add3A_586 : vector<16xf32>
      %mul3A_589 = arith.mulf %neg3A_588, %mul3A_584 : vector<16xf32>
      %swap3A = arith.index_cast %mul3A_516 : i32 to index
      %swap3A_590 = tpu.vector_load %arg16[%swap3A] {strides = array<i32>} : memref<1344xf32, #tpu.memory_space<vmem>>, vector<16xf32>,
      tpu.vector_store %arg16[%swap3A], %mul3A_589 {strides = array<i32>} : memref<1344xf32, #tpu.memory_space<vmem>>, vector<16xf32>,
      %mul3A_591 = arith.mulf %sub3A, %mul3A_584 : vector<16xf32>
      %swap3A_592 = arith.index_cast %mul3A_516 : i32 to index
      %swap3A_593 = tpu.vector_load %arg17[%swap3A_592] {strides = array<i32>} : memref<1344xf32, #tpu.memory_space<vmem>>, vector<16xf32>,
      tpu.vector_store %arg17[%swap3A_592], %mul3A_591 {strides = array<i32>} : memref<1344xf32, #tpu.memory_space<vmem>>, vector<16xf32>,
      %mul3A_594 = arith.mulf %sub3A_547, %mul3A_584 : vector<16xf32>
      %swap3A_595 = arith.index_cast %mul3A_516 : i32 to index
      %swap3A_596 = tpu.vector_load %arg18[%swap3A_595] {strides = array<i32>} : memref<1344xf32, #tpu.memory_space<vmem>>, vector<16xf32>,
      tpu.vector_store %arg18[%swap3A_595], %mul3A_594 {strides = array<i32>} : memref<1344xf32, #tpu.memory_space<vmem>>, vector<16xf32>,
      %mul3A_597 = arith.mulf %sub3A_548, %mul3A_584 : vector<16xf32>
      %swap3A_598 = arith.index_cast %mul3A_516 : i32 to index
      %swap3A_599 = tpu.vector_load %arg19[%swap3A_598] {strides = array<i32>} : memref<1344xf32, #tpu.memory_space<vmem>>, vector<16xf32>,
      tpu.vector_store %arg19[%swap3A_598], %mul3A_597 {strides = array<i32>} : memref<1344xf32, #tpu.memory_space<vmem>>, vector<16xf32>,
      %get3A_600 = arith.index_cast %mul3A_516 : i32 to index
      %get3A_601 = tpu.vector_load %arg12[%get3A_600] {strides = array<i32>} : memref<1344xi32, #tpu.memory_space<vmem>>, vector<16xi32>,
      %ge3A = vector.broadcast %mul3A_0 : i32 to vector<16xi32>
      %ge3A_602 = arith.cmpi sge, %get3A_601, %ge3A : vector<16xi32>
      %add3A_603 = arith.constant 1000000 : i32
      %add3A_604 = arith.addi %mul3A_0, %add3A_603 : i32
      %lt3A_605 = vector.broadcast %add3A_604 : i32 to vector<16xi32>
      %lt3A_606 = arith.cmpi slt, %get3A_601, %lt3A_605 : vector<16xi32>
      %and3A_607 = arith.andi %ge3A_602, %lt3A_606 : vector<16xi1>
      %sub3A_608 = vector.broadcast %mul3A_0 : i32 to vector<16xi32>
      %sub3A_609 = arith.subi %get3A_601, %sub3A_608 : vector<16xi32>
      %and3A_610 = arith.constant 32767 : i32
      %and3A_611 = vector.broadcast %and3A_610 : i32 to vector<16xi32>
      %and3A_612 = arith.andi %get3A_601, %and3A_611 : vector<16xi32>
      %add3A_613 = arith.constant 1000000 : i32
      %add3A_614 = vector.broadcast %add3A_613 : i32 to vector<16xi32>
      %add3A_615 = arith.addi %add3A_614, %and3A_612 : vector<16xi32>
      %select_n3A_616 = arith.select %and3A_607, %sub3A_609, %add3A_615 : vector<16xi1>, vector<16xi32>
      %swap3A_617 = arith.index_cast %mul3A_516 : i32 to index
      %swap3A_618 = tpu.vector_load %arg12[%swap3A_617] {strides = array<i32>} : memref<1344xi32, #tpu.memory_space<vmem>>, vector<16xi32>,
      tpu.vector_store %arg12[%swap3A_617], %select_n3A_616 {strides = array<i32>} : memref<1344xi32, #tpu.memory_space<vmem>>, vector<16xi32>,
      %get3A_619 = arith.index_cast %mul3A_516 : i32 to index
      %get3A_620 = tpu.vector_load %arg13[%get3A_619] {strides = array<i32>} : memref<1344xi32, #tpu.memory_space<vmem>>, vector<16xi32>,
      %ge3A_621 = vector.broadcast %mul3A_0 : i32 to vector<16xi32>
      %ge3A_622 = arith.cmpi sge, %get3A_620, %ge3A_621 : vector<16xi32>
      %add3A_623 = arith.constant 1000000 : i32
      %add3A_624 = arith.addi %mul3A_0, %add3A_623 : i32
      %lt3A_625 = vector.broadcast %add3A_624 : i32 to vector<16xi32>
      %lt3A_626 = arith.cmpi slt, %get3A_620, %lt3A_625 : vector<16xi32>
      %and3A_627 = arith.andi %ge3A_622, %lt3A_626 : vector<16xi1>
      %sub3A_628 = vector.broadcast %mul3A_0 : i32 to vector<16xi32>
      %sub3A_629 = arith.subi %get3A_620, %sub3A_628 : vector<16xi32>
      %and3A_630 = arith.constant 32767 : i32
      %and3A_631 = vector.broadcast %and3A_630 : i32 to vector<16xi32>
      %and3A_632 = arith.andi %get3A_620, %and3A_631 : vector<16xi32>
      %add3A_633 = arith.constant 1000000 : i32
      %add3A_634 = vector.broadcast %add3A_633 : i32 to vector<16xi32>
      %add3A_635 = arith.addi %add3A_634, %and3A_632 : vector<16xi32>
      %select_n3A_636 = arith.select %and3A_627, %sub3A_629, %add3A_635 : vector<16xi1>, vector<16xi32>
      %swap3A_637 = arith.index_cast %mul3A_516 : i32 to index
      %swap3A_638 = tpu.vector_load %arg13[%swap3A_637] {strides = array<i32>} : memref<1344xi32, #tpu.memory_space<vmem>>, vector<16xi32>,
      tpu.vector_store %arg13[%swap3A_637], %select_n3A_636 {strides = array<i32>} : memref<1344xi32, #tpu.memory_space<vmem>>, vector<16xi32>,
      %get3A_639 = arith.index_cast %mul3A_516 : i32 to index
      %get3A_640 = tpu.vector_load %arg14[%get3A_639] {strides = array<i32>} : memref<1344xi32, #tpu.memory_space<vmem>>, vector<16xi32>,
      %ge3A_641 = vector.broadcast %mul3A_0 : i32 to vector<16xi32>
      %ge3A_642 = arith.cmpi sge, %get3A_640, %ge3A_641 : vector<16xi32>
      %add3A_643 = arith.constant 1000000 : i32
      %add3A_644 = arith.addi %mul3A_0, %add3A_643 : i32
      %lt3A_645 = vector.broadcast %add3A_644 : i32 to vector<16xi32>
      %lt3A_646 = arith.cmpi slt, %get3A_640, %lt3A_645 : vector<16xi32>
      %and3A_647 = arith.andi %ge3A_642, %lt3A_646 : vector<16xi1>
      %sub3A_648 = vector.broadcast %mul3A_0 : i32 to vector<16xi32>
      %sub3A_649 = arith.subi %get3A_640, %sub3A_648 : vector<16xi32>
      %and3A_650 = arith.constant 32767 : i32
      %and3A_651 = vector.broadcast %and3A_650 : i32 to vector<16xi32>
      %and3A_652 = arith.andi %get3A_640, %and3A_651 : vector<16xi32>
      %add3A_653 = arith.constant 1000000 : i32
      %add3A_654 = vector.broadcast %add3A_653 : i32 to vector<16xi32>
      %add3A_655 = arith.addi %add3A_654, %and3A_652 : vector<16xi32>
      %select_n3A_656 = arith.select %and3A_647, %sub3A_649, %add3A_655 : vector<16xi1>, vector<16xi32>
      %swap3A_657 = arith.index_cast %mul3A_516 : i32 to index
      %swap3A_658 = tpu.vector_load %arg14[%swap3A_657] {strides = array<i32>} : memref<1344xi32, #tpu.memory_space<vmem>>, vector<16xi32>,
      tpu.vector_store %arg14[%swap3A_657], %select_n3A_656 {strides = array<i32>} : memref<1344xi32, #tpu.memory_space<vmem>>, vector<16xi32>,
      %get3A_659 = arith.index_cast %mul3A_516 : i32 to index
      %get3A_660 = tpu.vector_load %arg15[%get3A_659] {strides = array<i32>} : memref<1344xi32, #tpu.memory_space<vmem>>, vector<16xi32>,
      %ge3A_661 = vector.broadcast %mul3A_0 : i32 to vector<16xi32>
      %ge3A_662 = arith.cmpi sge, %get3A_660, %ge3A_661 : vector<16xi32>
      %add3A_663 = arith.constant 1000000 : i32
      %add3A_664 = arith.addi %mul3A_0, %add3A_663 : i32
      %lt3A_665 = vector.broadcast %add3A_664 : i32 to vector<16xi32>
      %lt3A_666 = arith.cmpi slt, %get3A_660, %lt3A_665 : vector<16xi32>
      %and3A_667 = arith.andi %ge3A_662, %lt3A_666 : vector<16xi1>
      %sub3A_668 = vector.broadcast %mul3A_0 : i32 to vector<16xi32>
      %sub3A_669 = arith.subi %get3A_660, %sub3A_668 : vector<16xi32>
      %and3A_670 = arith.constant 32767 : i32
      %and3A_671 = vector.broadcast %and3A_670 : i32 to vector<16xi32>
      %and3A_672 = arith.andi %get3A_660, %and3A_671 : vector<16xi32>
      %add3A_673 = arith.constant 1000000 : i32
      %add3A_674 = vector.broadcast %add3A_673 : i32 to vector<16xi32>
      %add3A_675 = arith.addi %add3A_674, %and3A_672 : vector<16xi32>
      %select_n3A_676 = arith.select %and3A_667, %sub3A_669, %add3A_675 : vector<16xi1>, vector<16xi32>
      %swap3A_677 = arith.index_cast %mul3A_516 : i32 to index
      %swap3A_678 = tpu.vector_load %arg15[%swap3A_677] {strides = array<i32>} : memref<1344xi32, #tpu.memory_space<vmem>>, vector<16xi32>,
      tpu.vector_store %arg15[%swap3A_677], %select_n3A_676 {strides = array<i32>} : memref<1344xi32, #tpu.memory_space<vmem>>, vector<16xi32>,
    }
    %scan3A_290 = arith.constant 84 : i32
    %dma_start3A_291 = arith.constant 0 : i32
    %dma_start3A_292 = tpu.memref_slice %arg6[%dma_start3A_291] : memref<1048576xf32, #tpu.memory_space<vmem_shared>> -> memref<1048576xf32, #tpu.memory_space<vmem_shared>>
    tpu.enqueue_indirect_dma source(%arg16 : memref<1344xf32, #tpu.memory_space<vmem>>) target(%dma_start3A_292 : memref<1048576xf32, #tpu.memory_space<vmem_shared>>) offsets(%arg12 : memref<1344xi32, #tpu.memory_space<vmem>>) semaphore(%arg50 : memref<!tpu.dma_semaphore, #tpu.memory_space<semaphore_mem>>) {add = true}
    %dma_start3A_293 = arith.constant 0 : i32
    %dma_start3A_294 = tpu.memref_slice %arg6[%dma_start3A_293] : memref<1048576xf32, #tpu.memory_space<vmem_shared>> -> memref<1048576xf32, #tpu.memory_space<vmem_shared>>
    tpu.enqueue_indirect_dma source(%arg17 : memref<1344xf32, #tpu.memory_space<vmem>>) target(%dma_start3A_294 : memref<1048576xf32, #tpu.memory_space<vmem_shared>>) offsets(%arg13 : memref<1344xi32, #tpu.memory_space<vmem>>) semaphore(%arg50 : memref<!tpu.dma_semaphore, #tpu.memory_space<semaphore_mem>>) {add = true}
    %dma_start3A_295 = arith.constant 0 : i32
    %dma_start3A_296 = tpu.memref_slice %arg6[%dma_start3A_295] : memref<1048576xf32, #tpu.memory_space<vmem_shared>> -> memref<1048576xf32, #tpu.memory_space<vmem_shared>>
    tpu.enqueue_indirect_dma source(%arg18 : memref<1344xf32, #tpu.memory_space<vmem>>) target(%dma_start3A_296 : memref<1048576xf32, #tpu.memory_space<vmem_shared>>) offsets(%arg14 : memref<1344xi32, #tpu.memory_space<vmem>>) semaphore(%arg50 : memref<!tpu.dma_semaphore, #tpu.memory_space<semaphore_mem>>) {add = true}
    %dma_start3A_297 = arith.constant 0 : i32
    %dma_start3A_298 = tpu.memref_slice %arg6[%dma_start3A_297] : memref<1048576xf32, #tpu.memory_space<vmem_shared>> -> memref<1048576xf32, #tpu.memory_space<vmem_shared>>
    tpu.enqueue_indirect_dma source(%arg19 : memref<1344xf32, #tpu.memory_space<vmem>>) target(%dma_start3A_298 : memref<1048576xf32, #tpu.memory_space<vmem_shared>>) offsets(%arg15 : memref<1344xi32, #tpu.memory_space<vmem>>) semaphore(%arg50 : memref<!tpu.dma_semaphore, #tpu.memory_space<semaphore_mem>>) {add = true}
    %dma_wait3A_299 = arith.constant 0 : i32
    %dma_wait3A_300 = tpu.memref_slice %arg6[%dma_wait3A_299] : memref<1048576xf32, #tpu.memory_space<vmem_shared>> -> memref<1048576xf32, #tpu.memory_space<vmem_shared>>
    tpu.wait_indirect_dma semaphore(%arg50 : memref<!tpu.dma_semaphore, #tpu.memory_space<semaphore_mem>>) src(%arg16 : memref<1344xf32, #tpu.memory_space<vmem>>) dst(%dma_wait3A_300 : memref<1048576xf32, #tpu.memory_space<vmem_shared>>)
    %dma_wait3A_301 = arith.constant 0 : i32
    %dma_wait3A_302 = tpu.memref_slice %arg6[%dma_wait3A_301] : memref<1048576xf32, #tpu.memory_space<vmem_shared>> -> memref<1048576xf32, #tpu.memory_space<vmem_shared>>
    tpu.wait_indirect_dma semaphore(%arg50 : memref<!tpu.dma_semaphore, #tpu.memory_space<semaphore_mem>>) src(%arg17 : memref<1344xf32, #tpu.memory_space<vmem>>) dst(%dma_wait3A_302 : memref<1048576xf32, #tpu.memory_space<vmem_shared>>)
    %dma_wait3A_303 = arith.constant 0 : i32
    %dma_wait3A_304 = tpu.memref_slice %arg6[%dma_wait3A_303] : memref<1048576xf32, #tpu.memory_space<vmem_shared>> -> memref<1048576xf32, #tpu.memory_space<vmem_shared>>
    tpu.wait_indirect_dma semaphore(%arg50 : memref<!tpu.dma_semaphore, #tpu.memory_space<semaphore_mem>>) src(%arg18 : memref<1344xf32, #tpu.memory_space<vmem>>) dst(%dma_wait3A_304 : memref<1048576xf32, #tpu.memory_space<vmem_shared>>)
    %dma_wait3A_305 = arith.constant 0 : i32
    %dma_wait3A_306 = tpu.memref_slice %arg6[%dma_wait3A_305] : memref<1048576xf32, #tpu.memory_space<vmem_shared>> -> memref<1048576xf32, #tpu.memory_space<vmem_shared>>
    tpu.wait_indirect_dma semaphore(%arg50 : memref<!tpu.dma_semaphore, #tpu.memory_space<semaphore_mem>>) src(%arg19 : memref<1344xf32, #tpu.memory_space<vmem>>) dst(%dma_wait3A_306 : memref<1048576xf32, #tpu.memory_space<vmem_shared>>)
    %add3A_307 = arith.constant 8064 : i32
    %add3A_308 = arith.addi %mul3A_2, %add3A_307 : i32
    "tpu.region"() ({
      %run_scoped3A = tpu.sem_alloc : memref<!tpu.dma_semaphore, #tpu.memory_space<semaphore_mem>>
      %dma_start3A_514 = tpu.memref_slice %arg4[%add3A_308] : memref<172032xi32, #tpu.memory_space<hbm>> -> memref<1344xi32, #tpu.memory_space<hbm>>
      %dma_start3A_515 = tpu.memref_slice %arg4[%add3A_308] : memref<172032xi32, #tpu.memory_space<hbm>> -> memref<1344xi32, #tpu.memory_space<hbm>>
      tpu.enqueue_dma source(%dma_start3A_515 : memref<1344xi32, #tpu.memory_space<hbm>>) target(%arg8 : memref<1344xi32, #tpu.memory_space<vmem>>) target_semaphore(%run_scoped3A : memref<!tpu.dma_semaphore, #tpu.memory_space<semaphore_mem>>)
      %dma_wait3A_516 = tpu.memref_slice %arg4[%add3A_308] : memref<172032xi32, #tpu.memory_space<hbm>> -> memref<1344xi32, #tpu.memory_space<hbm>>
      %dma_wait3A_517 = tpu.memref_slice %arg4[%add3A_308] : memref<172032xi32, #tpu.memory_space<hbm>> -> memref<1344xi32, #tpu.memory_space<hbm>>
      tpu.wait_dma2 semaphore(%run_scoped3A : memref<!tpu.dma_semaphore, #tpu.memory_space<semaphore_mem>>) src(%dma_wait3A_517 : memref<1344xi32, #tpu.memory_space<hbm>>) dst(%arg8 : memref<1344xi32, #tpu.memory_space<vmem>>)
      tpu.yield
    }) : () -> ()
    %scan3A_309 = arith.constant 0 : i32
    %scan3A_310 = arith.constant 0 : i32
    %scan3A_311 = arith.constant 84 : i32
    %scan3A_312 = arith.addi %scan3A_310, %scan3A_311 : i32
    %scan3A_313 = arith.constant 1 : i32
    scf.for %scan3A_514 = %scan3A_310 to %scan3A_312 step %scan3A_313  : i32 {
      %mul3A_515 = arith.constant 16 : i32
      %mul3A_516 = arith.muli %scan3A_514, %mul3A_515 : i32
      %get3A = arith.index_cast %mul3A_516 : i32 to index
      %get3A_517 = tpu.vector_load %arg8[%get3A] {strides = array<i32>} : memref<1344xi32, #tpu.memory_space<vmem>>, vector<16xi32>,
      %shift_right_arithmetic3A = arith.constant 16 : i32
      %shift_right_arithmetic3A_518 = vector.broadcast %shift_right_arithmetic3A : i32 to vector<16xi32>
      %shift_right_arithmetic3A_519 = arith.shrsi %get3A_517, %shift_right_arithmetic3A_518 : vector<16xi32>
      %shift_right_arithmetic3A_520 = arith.constant 8 : i32
      %shift_right_arithmetic3A_521 = vector.broadcast %shift_right_arithmetic3A_520 : i32 to vector<16xi32>
      %shift_right_arithmetic3A_522 = arith.shrsi %get3A_517, %shift_right_arithmetic3A_521 : vector<16xi32>
      %and3A = arith.constant 255 : i32
      %and3A_523 = vector.broadcast %and3A : i32 to vector<16xi32>
      %and3A_524 = arith.andi %shift_right_arithmetic3A_522, %and3A_523 : vector<16xi32>
      %and3A_525 = arith.constant 255 : i32
      %and3A_526 = vector.broadcast %and3A_525 : i32 to vector<16xi32>
      %and3A_527 = arith.andi %get3A_517, %and3A_526 : vector<16xi32>
      %lt3A_528 = arith.constant 255 : i32
      %lt3A_529 = vector.broadcast %lt3A_528 : i32 to vector<16xi32>
      %lt3A_530 = arith.cmpi slt, %shift_right_arithmetic3A_519, %lt3A_529 : vector<16xi32>
      %jit3A = arith.constant 65536 : i32
      %jit3A_531 = arith.constant 0 : i32
      %broadcast_in_dim3A = vector.broadcast %jit3A : i32 to vector<16xi32>
      %broadcast_in_dim3A_532 = vector.broadcast %jit3A_531 : i32 to vector<16xi32>
      %select_n3A = arith.select %lt3A_530, %broadcast_in_dim3A, %broadcast_in_dim3A_532 : vector<16xi1>, vector<16xi32>
      %add3A_533 = arith.addi %get3A_517, %select_n3A : vector<16xi32>
      %swap3A = arith.index_cast %mul3A_516 : i32 to index
      %swap3A_534 = tpu.vector_load %arg9[%swap3A] {strides = array<i32>} : memref<1344xi32, #tpu.memory_space<vmem>>, vector<16xi32>,
      tpu.vector_store %arg9[%swap3A], %add3A_533 {strides = array<i32>} : memref<1344xi32, #tpu.memory_space<vmem>>, vector<16xi32>,
      %lt3A_535 = arith.constant 255 : i32
      %lt3A_536 = vector.broadcast %lt3A_535 : i32 to vector<16xi32>
      %lt3A_537 = arith.cmpi slt, %and3A_524, %lt3A_536 : vector<16xi32>
      %jit3A_538 = arith.constant 256 : i32
      %jit3A_539 = arith.constant 0 : i32
      %broadcast_in_dim3A_540 = vector.broadcast %jit3A_538 : i32 to vector<16xi32>
      %broadcast_in_dim3A_541 = vector.broadcast %jit3A_539 : i32 to vector<16xi32>
      %select_n3A_542 = arith.select %lt3A_537, %broadcast_in_dim3A_540, %broadcast_in_dim3A_541 : vector<16xi1>, vector<16xi32>
      %add3A_543 = arith.addi %get3A_517, %select_n3A_542 : vector<16xi32>
      %swap3A_544 = arith.index_cast %mul3A_516 : i32 to index
      %swap3A_545 = tpu.vector_load %arg10[%swap3A_544] {strides = array<i32>} : memref<1344xi32, #tpu.memory_space<vmem>>, vector<16xi32>,
      tpu.vector_store %arg10[%swap3A_544], %add3A_543 {strides = array<i32>} : memref<1344xi32, #tpu.memory_space<vmem>>, vector<16xi32>,
      %lt3A_546 = arith.constant 255 : i32
      %lt3A_547 = vector.broadcast %lt3A_546 : i32 to vector<16xi32>
      %lt3A_548 = arith.cmpi slt, %and3A_527, %lt3A_547 : vector<16xi32>
      %jit3A_549 = arith.constant 1 : i32
      %jit3A_550 = arith.constant 0 : i32
      %broadcast_in_dim3A_551 = vector.broadcast %jit3A_549 : i32 to vector<16xi32>
      %broadcast_in_dim3A_552 = vector.broadcast %jit3A_550 : i32 to vector<16xi32>
      %select_n3A_553 = arith.select %lt3A_548, %broadcast_in_dim3A_551, %broadcast_in_dim3A_552 : vector<16xi1>, vector<16xi32>
      %add3A_554 = arith.addi %get3A_517, %select_n3A_553 : vector<16xi32>
      %swap3A_555 = arith.index_cast %mul3A_516 : i32 to index
      %swap3A_556 = tpu.vector_load %arg11[%swap3A_555] {strides = array<i32>} : memref<1344xi32, #tpu.memory_space<vmem>>, vector<16xi32>,
      tpu.vector_store %arg11[%swap3A_555], %add3A_554 {strides = array<i32>} : memref<1344xi32, #tpu.memory_space<vmem>>, vector<16xi32>,
    }
    %scan3A_314 = arith.constant 84 : i32
    %dma_start3A_315 = arith.constant 0 : i32
    %dma_start3A_316 = tpu.memref_slice %arg3[%dma_start3A_315] : memref<16777216xi32, #tpu.memory_space<hbm>> -> memref<16777216xi32, #tpu.memory_space<hbm>>
    tpu.enqueue_indirect_dma source(%dma_start3A_316 : memref<16777216xi32, #tpu.memory_space<hbm>>) target(%arg12 : memref<1344xi32, #tpu.memory_space<vmem>>) offsets(%arg8 : memref<1344xi32, #tpu.memory_space<vmem>>) semaphore(%arg44 : memref<!tpu.dma_semaphore, #tpu.memory_space<semaphore_mem>>)
    %dma_start3A_317 = arith.constant 0 : i32
    %dma_start3A_318 = tpu.memref_slice %arg3[%dma_start3A_317] : memref<16777216xi32, #tpu.memory_space<hbm>> -> memref<16777216xi32, #tpu.memory_space<hbm>>
    tpu.enqueue_indirect_dma source(%dma_start3A_318 : memref<16777216xi32, #tpu.memory_space<hbm>>) target(%arg13 : memref<1344xi32, #tpu.memory_space<vmem>>) offsets(%arg9 : memref<1344xi32, #tpu.memory_space<vmem>>) semaphore(%arg44 : memref<!tpu.dma_semaphore, #tpu.memory_space<semaphore_mem>>)
    %dma_start3A_319 = arith.constant 0 : i32
    %dma_start3A_320 = tpu.memref_slice %arg3[%dma_start3A_319] : memref<16777216xi32, #tpu.memory_space<hbm>> -> memref<16777216xi32, #tpu.memory_space<hbm>>
    tpu.enqueue_indirect_dma source(%dma_start3A_320 : memref<16777216xi32, #tpu.memory_space<hbm>>) target(%arg14 : memref<1344xi32, #tpu.memory_space<vmem>>) offsets(%arg10 : memref<1344xi32, #tpu.memory_space<vmem>>) semaphore(%arg44 : memref<!tpu.dma_semaphore, #tpu.memory_space<semaphore_mem>>)
    %dma_start3A_321 = arith.constant 0 : i32
    %dma_start3A_322 = tpu.memref_slice %arg3[%dma_start3A_321] : memref<16777216xi32, #tpu.memory_space<hbm>> -> memref<16777216xi32, #tpu.memory_space<hbm>>
    tpu.enqueue_indirect_dma source(%dma_start3A_322 : memref<16777216xi32, #tpu.memory_space<hbm>>) target(%arg15 : memref<1344xi32, #tpu.memory_space<vmem>>) offsets(%arg11 : memref<1344xi32, #tpu.memory_space<vmem>>) semaphore(%arg44 : memref<!tpu.dma_semaphore, #tpu.memory_space<semaphore_mem>>)
    %dma_wait3A_323 = arith.constant 0 : i32
    %dma_wait3A_324 = tpu.memref_slice %arg3[%dma_wait3A_323] : memref<16777216xi32, #tpu.memory_space<hbm>> -> memref<16777216xi32, #tpu.memory_space<hbm>>
    tpu.wait_indirect_dma semaphore(%arg46 : memref<!tpu.dma_semaphore, #tpu.memory_space<semaphore_mem>>) src(%dma_wait3A_324 : memref<16777216xi32, #tpu.memory_space<hbm>>) dst(%arg36 : memref<1344xi32, #tpu.memory_space<vmem>>)
    %dma_wait3A_325 = arith.constant 0 : i32
    %dma_wait3A_326 = tpu.memref_slice %arg3[%dma_wait3A_325] : memref<16777216xi32, #tpu.memory_space<hbm>> -> memref<16777216xi32, #tpu.memory_space<hbm>>
    tpu.wait_indirect_dma semaphore(%arg46 : memref<!tpu.dma_semaphore, #tpu.memory_space<semaphore_mem>>) src(%dma_wait3A_326 : memref<16777216xi32, #tpu.memory_space<hbm>>) dst(%arg37 : memref<1344xi32, #tpu.memory_space<vmem>>)
    %dma_wait3A_327 = arith.constant 0 : i32
    %dma_wait3A_328 = tpu.memref_slice %arg3[%dma_wait3A_327] : memref<16777216xi32, #tpu.memory_space<hbm>> -> memref<16777216xi32, #tpu.memory_space<hbm>>
    tpu.wait_indirect_dma semaphore(%arg46 : memref<!tpu.dma_semaphore, #tpu.memory_space<semaphore_mem>>) src(%dma_wait3A_328 : memref<16777216xi32, #tpu.memory_space<hbm>>) dst(%arg38 : memref<1344xi32, #tpu.memory_space<vmem>>)
    %dma_wait3A_329 = arith.constant 0 : i32
    %dma_wait3A_330 = tpu.memref_slice %arg3[%dma_wait3A_329] : memref<16777216xi32, #tpu.memory_space<hbm>> -> memref<16777216xi32, #tpu.memory_space<hbm>>
    tpu.wait_indirect_dma semaphore(%arg46 : memref<!tpu.dma_semaphore, #tpu.memory_space<semaphore_mem>>) src(%dma_wait3A_330 : memref<16777216xi32, #tpu.memory_space<hbm>>) dst(%arg39 : memref<1344xi32, #tpu.memory_space<vmem>>)
    %dma_start3A_331 = arith.constant 0 : i32
    %dma_start3A_332 = tpu.memref_slice %arg2[%dma_start3A_331] : memref<2000000xf32, #tpu.memory_space<hbm>> -> memref<2000000xf32, #tpu.memory_space<hbm>>
    tpu.enqueue_indirect_dma source(%dma_start3A_332 : memref<2000000xf32, #tpu.memory_space<hbm>>) target(%arg40 : memref<1344xf32, #tpu.memory_space<vmem>>) offsets(%arg36 : memref<1344xi32, #tpu.memory_space<vmem>>) semaphore(%arg49 : memref<!tpu.dma_semaphore, #tpu.memory_space<semaphore_mem>>)
    %dma_start3A_333 = arith.constant 0 : i32
    %dma_start3A_334 = tpu.memref_slice %arg2[%dma_start3A_333] : memref<2000000xf32, #tpu.memory_space<hbm>> -> memref<2000000xf32, #tpu.memory_space<hbm>>
    tpu.enqueue_indirect_dma source(%dma_start3A_334 : memref<2000000xf32, #tpu.memory_space<hbm>>) target(%arg41 : memref<1344xf32, #tpu.memory_space<vmem>>) offsets(%arg37 : memref<1344xi32, #tpu.memory_space<vmem>>) semaphore(%arg49 : memref<!tpu.dma_semaphore, #tpu.memory_space<semaphore_mem>>)
    %dma_start3A_335 = arith.constant 0 : i32
    %dma_start3A_336 = tpu.memref_slice %arg2[%dma_start3A_335] : memref<2000000xf32, #tpu.memory_space<hbm>> -> memref<2000000xf32, #tpu.memory_space<hbm>>
    tpu.enqueue_indirect_dma source(%dma_start3A_336 : memref<2000000xf32, #tpu.memory_space<hbm>>) target(%arg42 : memref<1344xf32, #tpu.memory_space<vmem>>) offsets(%arg38 : memref<1344xi32, #tpu.memory_space<vmem>>) semaphore(%arg49 : memref<!tpu.dma_semaphore, #tpu.memory_space<semaphore_mem>>)
    %dma_start3A_337 = arith.constant 0 : i32
    %dma_start3A_338 = tpu.memref_slice %arg2[%dma_start3A_337] : memref<2000000xf32, #tpu.memory_space<hbm>> -> memref<2000000xf32, #tpu.memory_space<hbm>>
    tpu.enqueue_indirect_dma source(%dma_start3A_338 : memref<2000000xf32, #tpu.memory_space<hbm>>) target(%arg43 : memref<1344xf32, #tpu.memory_space<vmem>>) offsets(%arg39 : memref<1344xi32, #tpu.memory_space<vmem>>) semaphore(%arg49 : memref<!tpu.dma_semaphore, #tpu.memory_space<semaphore_mem>>)
    %dma_wait3A_339 = arith.constant 0 : i32
    %dma_wait3A_340 = tpu.memref_slice %arg2[%dma_wait3A_339] : memref<2000000xf32, #tpu.memory_space<hbm>> -> memref<2000000xf32, #tpu.memory_space<hbm>>
    tpu.wait_indirect_dma semaphore(%arg48 : memref<!tpu.dma_semaphore, #tpu.memory_space<semaphore_mem>>) src(%dma_wait3A_340 : memref<2000000xf32, #tpu.memory_space<hbm>>) dst(%arg28 : memref<1344xf32, #tpu.memory_space<vmem>>)
    %dma_wait3A_341 = arith.constant 0 : i32
    %dma_wait3A_342 = tpu.memref_slice %arg2[%dma_wait3A_341] : memref<2000000xf32, #tpu.memory_space<hbm>> -> memref<2000000xf32, #tpu.memory_space<hbm>>
    tpu.wait_indirect_dma semaphore(%arg48 : memref<!tpu.dma_semaphore, #tpu.memory_space<semaphore_mem>>) src(%dma_wait3A_342 : memref<2000000xf32, #tpu.memory_space<hbm>>) dst(%arg29 : memref<1344xf32, #tpu.memory_space<vmem>>)
    %dma_wait3A_343 = arith.constant 0 : i32
    %dma_wait3A_344 = tpu.memref_slice %arg2[%dma_wait3A_343] : memref<2000000xf32, #tpu.memory_space<hbm>> -> memref<2000000xf32, #tpu.memory_space<hbm>>
    tpu.wait_indirect_dma semaphore(%arg48 : memref<!tpu.dma_semaphore, #tpu.memory_space<semaphore_mem>>) src(%dma_wait3A_344 : memref<2000000xf32, #tpu.memory_space<hbm>>) dst(%arg30 : memref<1344xf32, #tpu.memory_space<vmem>>)
    %dma_wait3A_345 = arith.constant 0 : i32
    %dma_wait3A_346 = tpu.memref_slice %arg2[%dma_wait3A_345] : memref<2000000xf32, #tpu.memory_space<hbm>> -> memref<2000000xf32, #tpu.memory_space<hbm>>
    tpu.wait_indirect_dma semaphore(%arg48 : memref<!tpu.dma_semaphore, #tpu.memory_space<semaphore_mem>>) src(%dma_wait3A_346 : memref<2000000xf32, #tpu.memory_space<hbm>>) dst(%arg31 : memref<1344xf32, #tpu.memory_space<vmem>>)
    %scan3A_347 = arith.constant 0 : i32
    %scan3A_348 = arith.constant 0 : i32
    %scan3A_349 = arith.constant 84 : i32
    %scan3A_350 = arith.addi %scan3A_348, %scan3A_349 : i32
    %scan3A_351 = arith.constant 1 : i32
    scf.for %scan3A_514 = %scan3A_348 to %scan3A_350 step %scan3A_351  : i32 {
      %mul3A_515 = arith.constant 16 : i32
      %mul3A_516 = arith.muli %scan3A_514, %mul3A_515 : i32
      %get3A = arith.index_cast %mul3A_516 : i32 to index
      %get3A_517 = tpu.vector_load %arg20[%get3A] {strides = array<i32>} : memref<1344xi32, #tpu.memory_space<vmem>>, vector<16xi32>,
      %shift_right_arithmetic3A = arith.constant 16 : i32
      %shift_right_arithmetic3A_518 = vector.broadcast %shift_right_arithmetic3A : i32 to vector<16xi32>
      %shift_right_arithmetic3A_519 = arith.shrsi %get3A_517, %shift_right_arithmetic3A_518 : vector<16xi32>
      %shift_right_arithmetic3A_520 = arith.constant 8 : i32
      %shift_right_arithmetic3A_521 = vector.broadcast %shift_right_arithmetic3A_520 : i32 to vector<16xi32>
      %shift_right_arithmetic3A_522 = arith.shrsi %get3A_517, %shift_right_arithmetic3A_521 : vector<16xi32>
      %and3A = arith.constant 255 : i32
      %and3A_523 = vector.broadcast %and3A : i32 to vector<16xi32>
      %and3A_524 = arith.andi %shift_right_arithmetic3A_522, %and3A_523 : vector<16xi32>
      %and3A_525 = arith.constant 255 : i32
      %and3A_526 = vector.broadcast %and3A_525 : i32 to vector<16xi32>
      %and3A_527 = arith.andi %get3A_517, %and3A_526 : vector<16xi32>
      %lt3A_528 = arith.constant 255 : i32
      %lt3A_529 = vector.broadcast %lt3A_528 : i32 to vector<16xi32>
      %lt3A_530 = arith.cmpi slt, %shift_right_arithmetic3A_519, %lt3A_529 : vector<16xi32>
      %lt3A_531 = arith.constant 255 : i32
      %lt3A_532 = vector.broadcast %lt3A_531 : i32 to vector<16xi32>
      %lt3A_533 = arith.cmpi slt, %and3A_524, %lt3A_532 : vector<16xi32>
      %and3A_534 = arith.andi %lt3A_530, %lt3A_533 : vector<16xi1>
      %lt3A_535 = arith.constant 255 : i32
      %lt3A_536 = vector.broadcast %lt3A_535 : i32 to vector<16xi32>
      %lt3A_537 = arith.cmpi slt, %and3A_527, %lt3A_536 : vector<16xi32>
      %and3A_538 = arith.andi %and3A_534, %lt3A_537 : vector<16xi1>
      %get3A_539 = arith.index_cast %mul3A_516 : i32 to index
      %get3A_540 = tpu.vector_load %arg28[%get3A_539] {strides = array<i32>} : memref<1344xf32, #tpu.memory_space<vmem>>, vector<16xf32>,
      %get3A_541 = arith.index_cast %mul3A_516 : i32 to index
      %get3A_542 = tpu.vector_load %arg29[%get3A_541] {strides = array<i32>} : memref<1344xf32, #tpu.memory_space<vmem>>, vector<16xf32>,
      %get3A_543 = arith.index_cast %mul3A_516 : i32 to index
      %get3A_544 = tpu.vector_load %arg30[%get3A_543] {strides = array<i32>} : memref<1344xf32, #tpu.memory_space<vmem>>, vector<16xf32>,
      %get3A_545 = arith.index_cast %mul3A_516 : i32 to index
      %get3A_546 = tpu.vector_load %arg31[%get3A_545] {strides = array<i32>} : memref<1344xf32, #tpu.memory_space<vmem>>, vector<16xf32>,
      %sub3A = arith.subf %get3A_542, %get3A_540 : vector<16xf32>
      %sub3A_547 = arith.subf %get3A_544, %get3A_540 : vector<16xf32>
      %sub3A_548 = arith.subf %get3A_546, %get3A_540 : vector<16xf32>
      %mul3A_549 = arith.mulf %sub3A, %sub3A : vector<16xf32>
      %add3A_550 = arith.constant 9.99999971E-10 : f32
      %add3A_551 = vector.broadcast %add3A_550 : f32 to vector<16xf32>
      %add3A_552 = arith.addf %add3A_551, %mul3A_549 : vector<16xf32>
      %mul3A_553 = arith.mulf %sub3A_547, %sub3A_547 : vector<16xf32>
      %add3A_554 = arith.addf %add3A_552, %mul3A_553 : vector<16xf32>
      %mul3A_555 = arith.mulf %sub3A_548, %sub3A_548 : vector<16xf32>
      %add3A_556 = arith.addf %add3A_554, %mul3A_555 : vector<16xf32>
      %bitcast3A = vector.bitcast %add3A_556 : vector<16xf32> to vector<16xi32>
      %shift_right_arithmetic3A_557 = arith.constant 1 : i32
      %shift_right_arithmetic3A_558 = vector.broadcast %shift_right_arithmetic3A_557 : i32 to vector<16xi32>
      %shift_right_arithmetic3A_559 = arith.shrsi %bitcast3A, %shift_right_arithmetic3A_558 : vector<16xi32>
      %sub3A_560 = arith.constant 1597463007 : i32
      %sub3A_561 = vector.broadcast %sub3A_560 : i32 to vector<16xi32>
      %sub3A_562 = arith.subi %sub3A_561, %shift_right_arithmetic3A_559 : vector<16xi32>
      %bitcast3A_563 = vector.bitcast %sub3A_562 : vector<16xi32> to vector<16xf32>
      %mul3A_564 = arith.constant 5.000000e-01 : f32
      %mul3A_565 = vector.broadcast %mul3A_564 : f32 to vector<16xf32>
      %mul3A_566 = arith.mulf %mul3A_565, %add3A_556 : vector<16xf32>
      %mul3A_567 = arith.mulf %mul3A_566, %bitcast3A_563 : vector<16xf32>
      %mul3A_568 = arith.mulf %mul3A_567, %bitcast3A_563 : vector<16xf32>
      %sub3A_569 = arith.constant 1.500000e+00 : f32
      %sub3A_570 = vector.broadcast %sub3A_569 : f32 to vector<16xf32>
      %sub3A_571 = arith.subf %sub3A_570, %mul3A_568 : vector<16xf32>
      %mul3A_572 = arith.mulf %bitcast3A_563, %sub3A_571 : vector<16xf32>
      %mul3A_573 = arith.constant 5.000000e-01 : f32
      %mul3A_574 = vector.broadcast %mul3A_573 : f32 to vector<16xf32>
      %mul3A_575 = arith.mulf %mul3A_574, %add3A_556 : vector<16xf32>
      %mul3A_576 = arith.mulf %mul3A_575, %mul3A_572 : vector<16xf32>
      %mul3A_577 = arith.mulf %mul3A_576, %mul3A_572 : vector<16xf32>
      %sub3A_578 = arith.constant 1.500000e+00 : f32
      %sub3A_579 = vector.broadcast %sub3A_578 : f32 to vector<16xf32>
      %sub3A_580 = arith.subf %sub3A_579, %mul3A_577 : vector<16xf32>
      %mul3A_581 = arith.mulf %mul3A_572, %sub3A_580 : vector<16xf32>
      %jit3A = arith.constant 9.99999974E-6 : f32
      %jit3A_582 = arith.constant 0.000000e+00 : f32
      %broadcast_in_dim3A = vector.broadcast %jit3A : f32 to vector<16xf32>
      %broadcast_in_dim3A_583 = vector.broadcast %jit3A_582 : f32 to vector<16xf32>
      %select_n3A = arith.select %and3A_538, %broadcast_in_dim3A, %broadcast_in_dim3A_583 : vector<16xi1>, vector<16xf32>
      %mul3A_584 = arith.mulf %select_n3A, %mul3A_581 : vector<16xf32>
      %add3A_585 = arith.addf %sub3A, %sub3A_547 : vector<16xf32>
      %add3A_586 = arith.addf %add3A_585, %sub3A_548 : vector<16xf32>
      %neg3A = arith.constant 0.000000e+00 : f32
      %neg3A_587 = vector.broadcast %neg3A : f32 to vector<16xf32>
      %neg3A_588 = arith.subf %neg3A_587, %add3A_586 : vector<16xf32>
      %mul3A_589 = arith.mulf %neg3A_588, %mul3A_584 : vector<16xf32>
      %swap3A = arith.index_cast %mul3A_516 : i32 to index
      %swap3A_590 = tpu.vector_load %arg28[%swap3A] {strides = array<i32>} : memref<1344xf32, #tpu.memory_space<vmem>>, vector<16xf32>,
      tpu.vector_store %arg28[%swap3A], %mul3A_589 {strides = array<i32>} : memref<1344xf32, #tpu.memory_space<vmem>>, vector<16xf32>,
      %mul3A_591 = arith.mulf %sub3A, %mul3A_584 : vector<16xf32>
      %swap3A_592 = arith.index_cast %mul3A_516 : i32 to index
      %swap3A_593 = tpu.vector_load %arg29[%swap3A_592] {strides = array<i32>} : memref<1344xf32, #tpu.memory_space<vmem>>, vector<16xf32>,
      tpu.vector_store %arg29[%swap3A_592], %mul3A_591 {strides = array<i32>} : memref<1344xf32, #tpu.memory_space<vmem>>, vector<16xf32>,
      %mul3A_594 = arith.mulf %sub3A_547, %mul3A_584 : vector<16xf32>
      %swap3A_595 = arith.index_cast %mul3A_516 : i32 to index
      %swap3A_596 = tpu.vector_load %arg30[%swap3A_595] {strides = array<i32>} : memref<1344xf32, #tpu.memory_space<vmem>>, vector<16xf32>,
      tpu.vector_store %arg30[%swap3A_595], %mul3A_594 {strides = array<i32>} : memref<1344xf32, #tpu.memory_space<vmem>>, vector<16xf32>,
      %mul3A_597 = arith.mulf %sub3A_548, %mul3A_584 : vector<16xf32>
      %swap3A_598 = arith.index_cast %mul3A_516 : i32 to index
      %swap3A_599 = tpu.vector_load %arg31[%swap3A_598] {strides = array<i32>} : memref<1344xf32, #tpu.memory_space<vmem>>, vector<16xf32>,
      tpu.vector_store %arg31[%swap3A_598], %mul3A_597 {strides = array<i32>} : memref<1344xf32, #tpu.memory_space<vmem>>, vector<16xf32>,
      %get3A_600 = arith.index_cast %mul3A_516 : i32 to index
      %get3A_601 = tpu.vector_load %arg24[%get3A_600] {strides = array<i32>} : memref<1344xi32, #tpu.memory_space<vmem>>, vector<16xi32>,
      %ge3A = vector.broadcast %mul3A_0 : i32 to vector<16xi32>
      %ge3A_602 = arith.cmpi sge, %get3A_601, %ge3A : vector<16xi32>
      %add3A_603 = arith.constant 1000000 : i32
      %add3A_604 = arith.addi %mul3A_0, %add3A_603 : i32
      %lt3A_605 = vector.broadcast %add3A_604 : i32 to vector<16xi32>
      %lt3A_606 = arith.cmpi slt, %get3A_601, %lt3A_605 : vector<16xi32>
      %and3A_607 = arith.andi %ge3A_602, %lt3A_606 : vector<16xi1>
      %sub3A_608 = vector.broadcast %mul3A_0 : i32 to vector<16xi32>
      %sub3A_609 = arith.subi %get3A_601, %sub3A_608 : vector<16xi32>
      %and3A_610 = arith.constant 32767 : i32
      %and3A_611 = vector.broadcast %and3A_610 : i32 to vector<16xi32>
      %and3A_612 = arith.andi %get3A_601, %and3A_611 : vector<16xi32>
      %add3A_613 = arith.constant 1000000 : i32
      %add3A_614 = vector.broadcast %add3A_613 : i32 to vector<16xi32>
      %add3A_615 = arith.addi %add3A_614, %and3A_612 : vector<16xi32>
      %select_n3A_616 = arith.select %and3A_607, %sub3A_609, %add3A_615 : vector<16xi1>, vector<16xi32>
      %swap3A_617 = arith.index_cast %mul3A_516 : i32 to index
      %swap3A_618 = tpu.vector_load %arg24[%swap3A_617] {strides = array<i32>} : memref<1344xi32, #tpu.memory_space<vmem>>, vector<16xi32>,
      tpu.vector_store %arg24[%swap3A_617], %select_n3A_616 {strides = array<i32>} : memref<1344xi32, #tpu.memory_space<vmem>>, vector<16xi32>,
      %get3A_619 = arith.index_cast %mul3A_516 : i32 to index
      %get3A_620 = tpu.vector_load %arg25[%get3A_619] {strides = array<i32>} : memref<1344xi32, #tpu.memory_space<vmem>>, vector<16xi32>,
      %ge3A_621 = vector.broadcast %mul3A_0 : i32 to vector<16xi32>
      %ge3A_622 = arith.cmpi sge, %get3A_620, %ge3A_621 : vector<16xi32>
      %add3A_623 = arith.constant 1000000 : i32
      %add3A_624 = arith.addi %mul3A_0, %add3A_623 : i32
      %lt3A_625 = vector.broadcast %add3A_624 : i32 to vector<16xi32>
      %lt3A_626 = arith.cmpi slt, %get3A_620, %lt3A_625 : vector<16xi32>
      %and3A_627 = arith.andi %ge3A_622, %lt3A_626 : vector<16xi1>
      %sub3A_628 = vector.broadcast %mul3A_0 : i32 to vector<16xi32>
      %sub3A_629 = arith.subi %get3A_620, %sub3A_628 : vector<16xi32>
      %and3A_630 = arith.constant 32767 : i32
      %and3A_631 = vector.broadcast %and3A_630 : i32 to vector<16xi32>
      %and3A_632 = arith.andi %get3A_620, %and3A_631 : vector<16xi32>
      %add3A_633 = arith.constant 1000000 : i32
      %add3A_634 = vector.broadcast %add3A_633 : i32 to vector<16xi32>
      %add3A_635 = arith.addi %add3A_634, %and3A_632 : vector<16xi32>
      %select_n3A_636 = arith.select %and3A_627, %sub3A_629, %add3A_635 : vector<16xi1>, vector<16xi32>
      %swap3A_637 = arith.index_cast %mul3A_516 : i32 to index
      %swap3A_638 = tpu.vector_load %arg25[%swap3A_637] {strides = array<i32>} : memref<1344xi32, #tpu.memory_space<vmem>>, vector<16xi32>,
      tpu.vector_store %arg25[%swap3A_637], %select_n3A_636 {strides = array<i32>} : memref<1344xi32, #tpu.memory_space<vmem>>, vector<16xi32>,
      %get3A_639 = arith.index_cast %mul3A_516 : i32 to index
      %get3A_640 = tpu.vector_load %arg26[%get3A_639] {strides = array<i32>} : memref<1344xi32, #tpu.memory_space<vmem>>, vector<16xi32>,
      %ge3A_641 = vector.broadcast %mul3A_0 : i32 to vector<16xi32>
      %ge3A_642 = arith.cmpi sge, %get3A_640, %ge3A_641 : vector<16xi32>
      %add3A_643 = arith.constant 1000000 : i32
      %add3A_644 = arith.addi %mul3A_0, %add3A_643 : i32
      %lt3A_645 = vector.broadcast %add3A_644 : i32 to vector<16xi32>
      %lt3A_646 = arith.cmpi slt, %get3A_640, %lt3A_645 : vector<16xi32>
      %and3A_647 = arith.andi %ge3A_642, %lt3A_646 : vector<16xi1>
      %sub3A_648 = vector.broadcast %mul3A_0 : i32 to vector<16xi32>
      %sub3A_649 = arith.subi %get3A_640, %sub3A_648 : vector<16xi32>
      %and3A_650 = arith.constant 32767 : i32
      %and3A_651 = vector.broadcast %and3A_650 : i32 to vector<16xi32>
      %and3A_652 = arith.andi %get3A_640, %and3A_651 : vector<16xi32>
      %add3A_653 = arith.constant 1000000 : i32
      %add3A_654 = vector.broadcast %add3A_653 : i32 to vector<16xi32>
      %add3A_655 = arith.addi %add3A_654, %and3A_652 : vector<16xi32>
      %select_n3A_656 = arith.select %and3A_647, %sub3A_649, %add3A_655 : vector<16xi1>, vector<16xi32>
      %swap3A_657 = arith.index_cast %mul3A_516 : i32 to index
      %swap3A_658 = tpu.vector_load %arg26[%swap3A_657] {strides = array<i32>} : memref<1344xi32, #tpu.memory_space<vmem>>, vector<16xi32>,
      tpu.vector_store %arg26[%swap3A_657], %select_n3A_656 {strides = array<i32>} : memref<1344xi32, #tpu.memory_space<vmem>>, vector<16xi32>,
      %get3A_659 = arith.index_cast %mul3A_516 : i32 to index
      %get3A_660 = tpu.vector_load %arg27[%get3A_659] {strides = array<i32>} : memref<1344xi32, #tpu.memory_space<vmem>>, vector<16xi32>,
      %ge3A_661 = vector.broadcast %mul3A_0 : i32 to vector<16xi32>
      %ge3A_662 = arith.cmpi sge, %get3A_660, %ge3A_661 : vector<16xi32>
      %add3A_663 = arith.constant 1000000 : i32
      %add3A_664 = arith.addi %mul3A_0, %add3A_663 : i32
      %lt3A_665 = vector.broadcast %add3A_664 : i32 to vector<16xi32>
      %lt3A_666 = arith.cmpi slt, %get3A_660, %lt3A_665 : vector<16xi32>
      %and3A_667 = arith.andi %ge3A_662, %lt3A_666 : vector<16xi1>
      %sub3A_668 = vector.broadcast %mul3A_0 : i32 to vector<16xi32>
      %sub3A_669 = arith.subi %get3A_660, %sub3A_668 : vector<16xi32>
      %and3A_670 = arith.constant 32767 : i32
      %and3A_671 = vector.broadcast %and3A_670 : i32 to vector<16xi32>
      %and3A_672 = arith.andi %get3A_660, %and3A_671 : vector<16xi32>
      %add3A_673 = arith.constant 1000000 : i32
      %add3A_674 = vector.broadcast %add3A_673 : i32 to vector<16xi32>
      %add3A_675 = arith.addi %add3A_674, %and3A_672 : vector<16xi32>
      %select_n3A_676 = arith.select %and3A_667, %sub3A_669, %add3A_675 : vector<16xi1>, vector<16xi32>
      %swap3A_677 = arith.index_cast %mul3A_516 : i32 to index
      %swap3A_678 = tpu.vector_load %arg27[%swap3A_677] {strides = array<i32>} : memref<1344xi32, #tpu.memory_space<vmem>>, vector<16xi32>,
      tpu.vector_store %arg27[%swap3A_677], %select_n3A_676 {strides = array<i32>} : memref<1344xi32, #tpu.memory_space<vmem>>, vector<16xi32>,
    }
    %scan3A_352 = arith.constant 84 : i32
    %dma_start3A_353 = arith.constant 0 : i32
    %dma_start3A_354 = tpu.memref_slice %arg6[%dma_start3A_353] : memref<1048576xf32, #tpu.memory_space<vmem_shared>> -> memref<1048576xf32, #tpu.memory_space<vmem_shared>>
    tpu.enqueue_indirect_dma source(%arg28 : memref<1344xf32, #tpu.memory_space<vmem>>) target(%dma_start3A_354 : memref<1048576xf32, #tpu.memory_space<vmem_shared>>) offsets(%arg24 : memref<1344xi32, #tpu.memory_space<vmem>>) semaphore(%arg51 : memref<!tpu.dma_semaphore, #tpu.memory_space<semaphore_mem>>) {add = true}
    %dma_start3A_355 = arith.constant 0 : i32
    %dma_start3A_356 = tpu.memref_slice %arg6[%dma_start3A_355] : memref<1048576xf32, #tpu.memory_space<vmem_shared>> -> memref<1048576xf32, #tpu.memory_space<vmem_shared>>
    tpu.enqueue_indirect_dma source(%arg29 : memref<1344xf32, #tpu.memory_space<vmem>>) target(%dma_start3A_356 : memref<1048576xf32, #tpu.memory_space<vmem_shared>>) offsets(%arg25 : memref<1344xi32, #tpu.memory_space<vmem>>) semaphore(%arg51 : memref<!tpu.dma_semaphore, #tpu.memory_space<semaphore_mem>>) {add = true}
    %dma_start3A_357 = arith.constant 0 : i32
    %dma_start3A_358 = tpu.memref_slice %arg6[%dma_start3A_357] : memref<1048576xf32, #tpu.memory_space<vmem_shared>> -> memref<1048576xf32, #tpu.memory_space<vmem_shared>>
    tpu.enqueue_indirect_dma source(%arg30 : memref<1344xf32, #tpu.memory_space<vmem>>) target(%dma_start3A_358 : memref<1048576xf32, #tpu.memory_space<vmem_shared>>) offsets(%arg26 : memref<1344xi32, #tpu.memory_space<vmem>>) semaphore(%arg51 : memref<!tpu.dma_semaphore, #tpu.memory_space<semaphore_mem>>) {add = true}
    %dma_start3A_359 = arith.constant 0 : i32
    %dma_start3A_360 = tpu.memref_slice %arg6[%dma_start3A_359] : memref<1048576xf32, #tpu.memory_space<vmem_shared>> -> memref<1048576xf32, #tpu.memory_space<vmem_shared>>
    tpu.enqueue_indirect_dma source(%arg31 : memref<1344xf32, #tpu.memory_space<vmem>>) target(%dma_start3A_360 : memref<1048576xf32, #tpu.memory_space<vmem_shared>>) offsets(%arg27 : memref<1344xi32, #tpu.memory_space<vmem>>) semaphore(%arg51 : memref<!tpu.dma_semaphore, #tpu.memory_space<semaphore_mem>>) {add = true}
    %dma_wait3A_361 = arith.constant 0 : i32
    %dma_wait3A_362 = tpu.memref_slice %arg6[%dma_wait3A_361] : memref<1048576xf32, #tpu.memory_space<vmem_shared>> -> memref<1048576xf32, #tpu.memory_space<vmem_shared>>
    tpu.wait_indirect_dma semaphore(%arg51 : memref<!tpu.dma_semaphore, #tpu.memory_space<semaphore_mem>>) src(%arg28 : memref<1344xf32, #tpu.memory_space<vmem>>) dst(%dma_wait3A_362 : memref<1048576xf32, #tpu.memory_space<vmem_shared>>)
    %dma_wait3A_363 = arith.constant 0 : i32
    %dma_wait3A_364 = tpu.memref_slice %arg6[%dma_wait3A_363] : memref<1048576xf32, #tpu.memory_space<vmem_shared>> -> memref<1048576xf32, #tpu.memory_space<vmem_shared>>
    tpu.wait_indirect_dma semaphore(%arg51 : memref<!tpu.dma_semaphore, #tpu.memory_space<semaphore_mem>>) src(%arg29 : memref<1344xf32, #tpu.memory_space<vmem>>) dst(%dma_wait3A_364 : memref<1048576xf32, #tpu.memory_space<vmem_shared>>)
    %dma_wait3A_365 = arith.constant 0 : i32
    %dma_wait3A_366 = tpu.memref_slice %arg6[%dma_wait3A_365] : memref<1048576xf32, #tpu.memory_space<vmem_shared>> -> memref<1048576xf32, #tpu.memory_space<vmem_shared>>
    tpu.wait_indirect_dma semaphore(%arg51 : memref<!tpu.dma_semaphore, #tpu.memory_space<semaphore_mem>>) src(%arg30 : memref<1344xf32, #tpu.memory_space<vmem>>) dst(%dma_wait3A_366 : memref<1048576xf32, #tpu.memory_space<vmem_shared>>)
    %dma_wait3A_367 = arith.constant 0 : i32
    %dma_wait3A_368 = tpu.memref_slice %arg6[%dma_wait3A_367] : memref<1048576xf32, #tpu.memory_space<vmem_shared>> -> memref<1048576xf32, #tpu.memory_space<vmem_shared>>
    tpu.wait_indirect_dma semaphore(%arg51 : memref<!tpu.dma_semaphore, #tpu.memory_space<semaphore_mem>>) src(%arg31 : memref<1344xf32, #tpu.memory_space<vmem>>) dst(%dma_wait3A_368 : memref<1048576xf32, #tpu.memory_space<vmem_shared>>)
    %add3A_369 = arith.constant 9408 : i32
    %add3A_370 = arith.addi %mul3A_2, %add3A_369 : i32
    "tpu.region"() ({
      %run_scoped3A = tpu.sem_alloc : memref<!tpu.dma_semaphore, #tpu.memory_space<semaphore_mem>>
      %dma_start3A_514 = tpu.memref_slice %arg4[%add3A_370] : memref<172032xi32, #tpu.memory_space<hbm>> -> memref<1344xi32, #tpu.memory_space<hbm>>
      %dma_start3A_515 = tpu.memref_slice %arg4[%add3A_370] : memref<172032xi32, #tpu.memory_space<hbm>> -> memref<1344xi32, #tpu.memory_space<hbm>>
      tpu.enqueue_dma source(%dma_start3A_515 : memref<1344xi32, #tpu.memory_space<hbm>>) target(%arg20 : memref<1344xi32, #tpu.memory_space<vmem>>) target_semaphore(%run_scoped3A : memref<!tpu.dma_semaphore, #tpu.memory_space<semaphore_mem>>)
      %dma_wait3A_516 = tpu.memref_slice %arg4[%add3A_370] : memref<172032xi32, #tpu.memory_space<hbm>> -> memref<1344xi32, #tpu.memory_space<hbm>>
      %dma_wait3A_517 = tpu.memref_slice %arg4[%add3A_370] : memref<172032xi32, #tpu.memory_space<hbm>> -> memref<1344xi32, #tpu.memory_space<hbm>>
      tpu.wait_dma2 semaphore(%run_scoped3A : memref<!tpu.dma_semaphore, #tpu.memory_space<semaphore_mem>>) src(%dma_wait3A_517 : memref<1344xi32, #tpu.memory_space<hbm>>) dst(%arg20 : memref<1344xi32, #tpu.memory_space<vmem>>)
      tpu.yield
    }) : () -> ()
    %scan3A_371 = arith.constant 0 : i32
    %scan3A_372 = arith.constant 0 : i32
    %scan3A_373 = arith.constant 84 : i32
    %scan3A_374 = arith.addi %scan3A_372, %scan3A_373 : i32
    %scan3A_375 = arith.constant 1 : i32
    scf.for %scan3A_514 = %scan3A_372 to %scan3A_374 step %scan3A_375  : i32 {
      %mul3A_515 = arith.constant 16 : i32
      %mul3A_516 = arith.muli %scan3A_514, %mul3A_515 : i32
      %get3A = arith.index_cast %mul3A_516 : i32 to index
      %get3A_517 = tpu.vector_load %arg20[%get3A] {strides = array<i32>} : memref<1344xi32, #tpu.memory_space<vmem>>, vector<16xi32>,
      %shift_right_arithmetic3A = arith.constant 16 : i32
      %shift_right_arithmetic3A_518 = vector.broadcast %shift_right_arithmetic3A : i32 to vector<16xi32>
      %shift_right_arithmetic3A_519 = arith.shrsi %get3A_517, %shift_right_arithmetic3A_518 : vector<16xi32>
      %shift_right_arithmetic3A_520 = arith.constant 8 : i32
      %shift_right_arithmetic3A_521 = vector.broadcast %shift_right_arithmetic3A_520 : i32 to vector<16xi32>
      %shift_right_arithmetic3A_522 = arith.shrsi %get3A_517, %shift_right_arithmetic3A_521 : vector<16xi32>
      %and3A = arith.constant 255 : i32
      %and3A_523 = vector.broadcast %and3A : i32 to vector<16xi32>
      %and3A_524 = arith.andi %shift_right_arithmetic3A_522, %and3A_523 : vector<16xi32>
      %and3A_525 = arith.constant 255 : i32
      %and3A_526 = vector.broadcast %and3A_525 : i32 to vector<16xi32>
      %and3A_527 = arith.andi %get3A_517, %and3A_526 : vector<16xi32>
      %lt3A_528 = arith.constant 255 : i32
      %lt3A_529 = vector.broadcast %lt3A_528 : i32 to vector<16xi32>
      %lt3A_530 = arith.cmpi slt, %shift_right_arithmetic3A_519, %lt3A_529 : vector<16xi32>
      %jit3A = arith.constant 65536 : i32
      %jit3A_531 = arith.constant 0 : i32
      %broadcast_in_dim3A = vector.broadcast %jit3A : i32 to vector<16xi32>
      %broadcast_in_dim3A_532 = vector.broadcast %jit3A_531 : i32 to vector<16xi32>
      %select_n3A = arith.select %lt3A_530, %broadcast_in_dim3A, %broadcast_in_dim3A_532 : vector<16xi1>, vector<16xi32>
      %add3A_533 = arith.addi %get3A_517, %select_n3A : vector<16xi32>
      %swap3A = arith.index_cast %mul3A_516 : i32 to index
      %swap3A_534 = tpu.vector_load %arg21[%swap3A] {strides = array<i32>} : memref<1344xi32, #tpu.memory_space<vmem>>, vector<16xi32>,
      tpu.vector_store %arg21[%swap3A], %add3A_533 {strides = array<i32>} : memref<1344xi32, #tpu.memory_space<vmem>>, vector<16xi32>,
      %lt3A_535 = arith.constant 255 : i32
      %lt3A_536 = vector.broadcast %lt3A_535 : i32 to vector<16xi32>
      %lt3A_537 = arith.cmpi slt, %and3A_524, %lt3A_536 : vector<16xi32>
      %jit3A_538 = arith.constant 256 : i32
      %jit3A_539 = arith.constant 0 : i32
      %broadcast_in_dim3A_540 = vector.broadcast %jit3A_538 : i32 to vector<16xi32>
      %broadcast_in_dim3A_541 = vector.broadcast %jit3A_539 : i32 to vector<16xi32>
      %select_n3A_542 = arith.select %lt3A_537, %broadcast_in_dim3A_540, %broadcast_in_dim3A_541 : vector<16xi1>, vector<16xi32>
      %add3A_543 = arith.addi %get3A_517, %select_n3A_542 : vector<16xi32>
      %swap3A_544 = arith.index_cast %mul3A_516 : i32 to index
      %swap3A_545 = tpu.vector_load %arg22[%swap3A_544] {strides = array<i32>} : memref<1344xi32, #tpu.memory_space<vmem>>, vector<16xi32>,
      tpu.vector_store %arg22[%swap3A_544], %add3A_543 {strides = array<i32>} : memref<1344xi32, #tpu.memory_space<vmem>>, vector<16xi32>,
      %lt3A_546 = arith.constant 255 : i32
      %lt3A_547 = vector.broadcast %lt3A_546 : i32 to vector<16xi32>
      %lt3A_548 = arith.cmpi slt, %and3A_527, %lt3A_547 : vector<16xi32>
      %jit3A_549 = arith.constant 1 : i32
      %jit3A_550 = arith.constant 0 : i32
      %broadcast_in_dim3A_551 = vector.broadcast %jit3A_549 : i32 to vector<16xi32>
      %broadcast_in_dim3A_552 = vector.broadcast %jit3A_550 : i32 to vector<16xi32>
      %select_n3A_553 = arith.select %lt3A_548, %broadcast_in_dim3A_551, %broadcast_in_dim3A_552 : vector<16xi1>, vector<16xi32>
      %add3A_554 = arith.addi %get3A_517, %select_n3A_553 : vector<16xi32>
      %swap3A_555 = arith.index_cast %mul3A_516 : i32 to index
      %swap3A_556 = tpu.vector_load %arg23[%swap3A_555] {strides = array<i32>} : memref<1344xi32, #tpu.memory_space<vmem>>, vector<16xi32>,
      tpu.vector_store %arg23[%swap3A_555], %add3A_554 {strides = array<i32>} : memref<1344xi32, #tpu.memory_space<vmem>>, vector<16xi32>,
    }
    %scan3A_376 = arith.constant 84 : i32
    %dma_start3A_377 = arith.constant 0 : i32
    %dma_start3A_378 = tpu.memref_slice %arg3[%dma_start3A_377] : memref<16777216xi32, #tpu.memory_space<hbm>> -> memref<16777216xi32, #tpu.memory_space<hbm>>
    tpu.enqueue_indirect_dma source(%dma_start3A_378 : memref<16777216xi32, #tpu.memory_space<hbm>>) target(%arg24 : memref<1344xi32, #tpu.memory_space<vmem>>) offsets(%arg20 : memref<1344xi32, #tpu.memory_space<vmem>>) semaphore(%arg45 : memref<!tpu.dma_semaphore, #tpu.memory_space<semaphore_mem>>)
    %dma_start3A_379 = arith.constant 0 : i32
    %dma_start3A_380 = tpu.memref_slice %arg3[%dma_start3A_379] : memref<16777216xi32, #tpu.memory_space<hbm>> -> memref<16777216xi32, #tpu.memory_space<hbm>>
    tpu.enqueue_indirect_dma source(%dma_start3A_380 : memref<16777216xi32, #tpu.memory_space<hbm>>) target(%arg25 : memref<1344xi32, #tpu.memory_space<vmem>>) offsets(%arg21 : memref<1344xi32, #tpu.memory_space<vmem>>) semaphore(%arg45 : memref<!tpu.dma_semaphore, #tpu.memory_space<semaphore_mem>>)
    %dma_start3A_381 = arith.constant 0 : i32
    %dma_start3A_382 = tpu.memref_slice %arg3[%dma_start3A_381] : memref<16777216xi32, #tpu.memory_space<hbm>> -> memref<16777216xi32, #tpu.memory_space<hbm>>
    tpu.enqueue_indirect_dma source(%dma_start3A_382 : memref<16777216xi32, #tpu.memory_space<hbm>>) target(%arg26 : memref<1344xi32, #tpu.memory_space<vmem>>) offsets(%arg22 : memref<1344xi32, #tpu.memory_space<vmem>>) semaphore(%arg45 : memref<!tpu.dma_semaphore, #tpu.memory_space<semaphore_mem>>)
    %dma_start3A_383 = arith.constant 0 : i32
    %dma_start3A_384 = tpu.memref_slice %arg3[%dma_start3A_383] : memref<16777216xi32, #tpu.memory_space<hbm>> -> memref<16777216xi32, #tpu.memory_space<hbm>>
    tpu.enqueue_indirect_dma source(%dma_start3A_384 : memref<16777216xi32, #tpu.memory_space<hbm>>) target(%arg27 : memref<1344xi32, #tpu.memory_space<vmem>>) offsets(%arg23 : memref<1344xi32, #tpu.memory_space<vmem>>) semaphore(%arg45 : memref<!tpu.dma_semaphore, #tpu.memory_space<semaphore_mem>>)
    %dma_wait3A_385 = arith.constant 0 : i32
    %dma_wait3A_386 = tpu.memref_slice %arg3[%dma_wait3A_385] : memref<16777216xi32, #tpu.memory_space<hbm>> -> memref<16777216xi32, #tpu.memory_space<hbm>>
    tpu.wait_indirect_dma semaphore(%arg44 : memref<!tpu.dma_semaphore, #tpu.memory_space<semaphore_mem>>) src(%dma_wait3A_386 : memref<16777216xi32, #tpu.memory_space<hbm>>) dst(%arg12 : memref<1344xi32, #tpu.memory_space<vmem>>)
    %dma_wait3A_387 = arith.constant 0 : i32
    %dma_wait3A_388 = tpu.memref_slice %arg3[%dma_wait3A_387] : memref<16777216xi32, #tpu.memory_space<hbm>> -> memref<16777216xi32, #tpu.memory_space<hbm>>
    tpu.wait_indirect_dma semaphore(%arg44 : memref<!tpu.dma_semaphore, #tpu.memory_space<semaphore_mem>>) src(%dma_wait3A_388 : memref<16777216xi32, #tpu.memory_space<hbm>>) dst(%arg13 : memref<1344xi32, #tpu.memory_space<vmem>>)
    %dma_wait3A_389 = arith.constant 0 : i32
    %dma_wait3A_390 = tpu.memref_slice %arg3[%dma_wait3A_389] : memref<16777216xi32, #tpu.memory_space<hbm>> -> memref<16777216xi32, #tpu.memory_space<hbm>>
    tpu.wait_indirect_dma semaphore(%arg44 : memref<!tpu.dma_semaphore, #tpu.memory_space<semaphore_mem>>) src(%dma_wait3A_390 : memref<16777216xi32, #tpu.memory_space<hbm>>) dst(%arg14 : memref<1344xi32, #tpu.memory_space<vmem>>)
    %dma_wait3A_391 = arith.constant 0 : i32
    %dma_wait3A_392 = tpu.memref_slice %arg3[%dma_wait3A_391] : memref<16777216xi32, #tpu.memory_space<hbm>> -> memref<16777216xi32, #tpu.memory_space<hbm>>
    tpu.wait_indirect_dma semaphore(%arg44 : memref<!tpu.dma_semaphore, #tpu.memory_space<semaphore_mem>>) src(%dma_wait3A_392 : memref<16777216xi32, #tpu.memory_space<hbm>>) dst(%arg15 : memref<1344xi32, #tpu.memory_space<vmem>>)
    %dma_start3A_393 = arith.constant 0 : i32
    %dma_start3A_394 = tpu.memref_slice %arg2[%dma_start3A_393] : memref<2000000xf32, #tpu.memory_space<hbm>> -> memref<2000000xf32, #tpu.memory_space<hbm>>
    tpu.enqueue_indirect_dma source(%dma_start3A_394 : memref<2000000xf32, #tpu.memory_space<hbm>>) target(%arg16 : memref<1344xf32, #tpu.memory_space<vmem>>) offsets(%arg12 : memref<1344xi32, #tpu.memory_space<vmem>>) semaphore(%arg47 : memref<!tpu.dma_semaphore, #tpu.memory_space<semaphore_mem>>)
    %dma_start3A_395 = arith.constant 0 : i32
    %dma_start3A_396 = tpu.memref_slice %arg2[%dma_start3A_395] : memref<2000000xf32, #tpu.memory_space<hbm>> -> memref<2000000xf32, #tpu.memory_space<hbm>>
    tpu.enqueue_indirect_dma source(%dma_start3A_396 : memref<2000000xf32, #tpu.memory_space<hbm>>) target(%arg17 : memref<1344xf32, #tpu.memory_space<vmem>>) offsets(%arg13 : memref<1344xi32, #tpu.memory_space<vmem>>) semaphore(%arg47 : memref<!tpu.dma_semaphore, #tpu.memory_space<semaphore_mem>>)
    %dma_start3A_397 = arith.constant 0 : i32
    %dma_start3A_398 = tpu.memref_slice %arg2[%dma_start3A_397] : memref<2000000xf32, #tpu.memory_space<hbm>> -> memref<2000000xf32, #tpu.memory_space<hbm>>
    tpu.enqueue_indirect_dma source(%dma_start3A_398 : memref<2000000xf32, #tpu.memory_space<hbm>>) target(%arg18 : memref<1344xf32, #tpu.memory_space<vmem>>) offsets(%arg14 : memref<1344xi32, #tpu.memory_space<vmem>>) semaphore(%arg47 : memref<!tpu.dma_semaphore, #tpu.memory_space<semaphore_mem>>)
    %dma_start3A_399 = arith.constant 0 : i32
    %dma_start3A_400 = tpu.memref_slice %arg2[%dma_start3A_399] : memref<2000000xf32, #tpu.memory_space<hbm>> -> memref<2000000xf32, #tpu.memory_space<hbm>>
    tpu.enqueue_indirect_dma source(%dma_start3A_400 : memref<2000000xf32, #tpu.memory_space<hbm>>) target(%arg19 : memref<1344xf32, #tpu.memory_space<vmem>>) offsets(%arg15 : memref<1344xi32, #tpu.memory_space<vmem>>) semaphore(%arg47 : memref<!tpu.dma_semaphore, #tpu.memory_space<semaphore_mem>>)
    %dma_wait3A_401 = arith.constant 0 : i32
    %dma_wait3A_402 = tpu.memref_slice %arg2[%dma_wait3A_401] : memref<2000000xf32, #tpu.memory_space<hbm>> -> memref<2000000xf32, #tpu.memory_space<hbm>>
    tpu.wait_indirect_dma semaphore(%arg49 : memref<!tpu.dma_semaphore, #tpu.memory_space<semaphore_mem>>) src(%dma_wait3A_402 : memref<2000000xf32, #tpu.memory_space<hbm>>) dst(%arg40 : memref<1344xf32, #tpu.memory_space<vmem>>)
    %dma_wait3A_403 = arith.constant 0 : i32
    %dma_wait3A_404 = tpu.memref_slice %arg2[%dma_wait3A_403] : memref<2000000xf32, #tpu.memory_space<hbm>> -> memref<2000000xf32, #tpu.memory_space<hbm>>
    tpu.wait_indirect_dma semaphore(%arg49 : memref<!tpu.dma_semaphore, #tpu.memory_space<semaphore_mem>>) src(%dma_wait3A_404 : memref<2000000xf32, #tpu.memory_space<hbm>>) dst(%arg41 : memref<1344xf32, #tpu.memory_space<vmem>>)
    %dma_wait3A_405 = arith.constant 0 : i32
    %dma_wait3A_406 = tpu.memref_slice %arg2[%dma_wait3A_405] : memref<2000000xf32, #tpu.memory_space<hbm>> -> memref<2000000xf32, #tpu.memory_space<hbm>>
    tpu.wait_indirect_dma semaphore(%arg49 : memref<!tpu.dma_semaphore, #tpu.memory_space<semaphore_mem>>) src(%dma_wait3A_406 : memref<2000000xf32, #tpu.memory_space<hbm>>) dst(%arg42 : memref<1344xf32, #tpu.memory_space<vmem>>)
    %dma_wait3A_407 = arith.constant 0 : i32
    %dma_wait3A_408 = tpu.memref_slice %arg2[%dma_wait3A_407] : memref<2000000xf32, #tpu.memory_space<hbm>> -> memref<2000000xf32, #tpu.memory_space<hbm>>
    tpu.wait_indirect_dma semaphore(%arg49 : memref<!tpu.dma_semaphore, #tpu.memory_space<semaphore_mem>>) src(%dma_wait3A_408 : memref<2000000xf32, #tpu.memory_space<hbm>>) dst(%arg43 : memref<1344xf32, #tpu.memory_space<vmem>>)
    %scan3A_409 = arith.constant 0 : i32
    %scan3A_410 = arith.constant 0 : i32
    %scan3A_411 = arith.constant 84 : i32
    %scan3A_412 = arith.addi %scan3A_410, %scan3A_411 : i32
    %scan3A_413 = arith.constant 1 : i32
    scf.for %scan3A_514 = %scan3A_410 to %scan3A_412 step %scan3A_413  : i32 {
      %mul3A_515 = arith.constant 16 : i32
      %mul3A_516 = arith.muli %scan3A_514, %mul3A_515 : i32
      %get3A = arith.index_cast %mul3A_516 : i32 to index
      %get3A_517 = tpu.vector_load %arg32[%get3A] {strides = array<i32>} : memref<1344xi32, #tpu.memory_space<vmem>>, vector<16xi32>,
      %shift_right_arithmetic3A = arith.constant 16 : i32
      %shift_right_arithmetic3A_518 = vector.broadcast %shift_right_arithmetic3A : i32 to vector<16xi32>
      %shift_right_arithmetic3A_519 = arith.shrsi %get3A_517, %shift_right_arithmetic3A_518 : vector<16xi32>
      %shift_right_arithmetic3A_520 = arith.constant 8 : i32
      %shift_right_arithmetic3A_521 = vector.broadcast %shift_right_arithmetic3A_520 : i32 to vector<16xi32>
      %shift_right_arithmetic3A_522 = arith.shrsi %get3A_517, %shift_right_arithmetic3A_521 : vector<16xi32>
      %and3A = arith.constant 255 : i32
      %and3A_523 = vector.broadcast %and3A : i32 to vector<16xi32>
      %and3A_524 = arith.andi %shift_right_arithmetic3A_522, %and3A_523 : vector<16xi32>
      %and3A_525 = arith.constant 255 : i32
      %and3A_526 = vector.broadcast %and3A_525 : i32 to vector<16xi32>
      %and3A_527 = arith.andi %get3A_517, %and3A_526 : vector<16xi32>
      %lt3A_528 = arith.constant 255 : i32
      %lt3A_529 = vector.broadcast %lt3A_528 : i32 to vector<16xi32>
      %lt3A_530 = arith.cmpi slt, %shift_right_arithmetic3A_519, %lt3A_529 : vector<16xi32>
      %lt3A_531 = arith.constant 255 : i32
      %lt3A_532 = vector.broadcast %lt3A_531 : i32 to vector<16xi32>
      %lt3A_533 = arith.cmpi slt, %and3A_524, %lt3A_532 : vector<16xi32>
      %and3A_534 = arith.andi %lt3A_530, %lt3A_533 : vector<16xi1>
      %lt3A_535 = arith.constant 255 : i32
      %lt3A_536 = vector.broadcast %lt3A_535 : i32 to vector<16xi32>
      %lt3A_537 = arith.cmpi slt, %and3A_527, %lt3A_536 : vector<16xi32>
      %and3A_538 = arith.andi %and3A_534, %lt3A_537 : vector<16xi1>
      %get3A_539 = arith.index_cast %mul3A_516 : i32 to index
      %get3A_540 = tpu.vector_load %arg40[%get3A_539] {strides = array<i32>} : memref<1344xf32, #tpu.memory_space<vmem>>, vector<16xf32>,
      %get3A_541 = arith.index_cast %mul3A_516 : i32 to index
      %get3A_542 = tpu.vector_load %arg41[%get3A_541] {strides = array<i32>} : memref<1344xf32, #tpu.memory_space<vmem>>, vector<16xf32>,
      %get3A_543 = arith.index_cast %mul3A_516 : i32 to index
      %get3A_544 = tpu.vector_load %arg42[%get3A_543] {strides = array<i32>} : memref<1344xf32, #tpu.memory_space<vmem>>, vector<16xf32>,
      %get3A_545 = arith.index_cast %mul3A_516 : i32 to index
      %get3A_546 = tpu.vector_load %arg43[%get3A_545] {strides = array<i32>} : memref<1344xf32, #tpu.memory_space<vmem>>, vector<16xf32>,
      %sub3A = arith.subf %get3A_542, %get3A_540 : vector<16xf32>
      %sub3A_547 = arith.subf %get3A_544, %get3A_540 : vector<16xf32>
      %sub3A_548 = arith.subf %get3A_546, %get3A_540 : vector<16xf32>
      %mul3A_549 = arith.mulf %sub3A, %sub3A : vector<16xf32>
      %add3A_550 = arith.constant 9.99999971E-10 : f32
      %add3A_551 = vector.broadcast %add3A_550 : f32 to vector<16xf32>
      %add3A_552 = arith.addf %add3A_551, %mul3A_549 : vector<16xf32>
      %mul3A_553 = arith.mulf %sub3A_547, %sub3A_547 : vector<16xf32>
      %add3A_554 = arith.addf %add3A_552, %mul3A_553 : vector<16xf32>
      %mul3A_555 = arith.mulf %sub3A_548, %sub3A_548 : vector<16xf32>
      %add3A_556 = arith.addf %add3A_554, %mul3A_555 : vector<16xf32>
      %bitcast3A = vector.bitcast %add3A_556 : vector<16xf32> to vector<16xi32>
      %shift_right_arithmetic3A_557 = arith.constant 1 : i32
      %shift_right_arithmetic3A_558 = vector.broadcast %shift_right_arithmetic3A_557 : i32 to vector<16xi32>
      %shift_right_arithmetic3A_559 = arith.shrsi %bitcast3A, %shift_right_arithmetic3A_558 : vector<16xi32>
      %sub3A_560 = arith.constant 1597463007 : i32
      %sub3A_561 = vector.broadcast %sub3A_560 : i32 to vector<16xi32>
      %sub3A_562 = arith.subi %sub3A_561, %shift_right_arithmetic3A_559 : vector<16xi32>
      %bitcast3A_563 = vector.bitcast %sub3A_562 : vector<16xi32> to vector<16xf32>
      %mul3A_564 = arith.constant 5.000000e-01 : f32
      %mul3A_565 = vector.broadcast %mul3A_564 : f32 to vector<16xf32>
      %mul3A_566 = arith.mulf %mul3A_565, %add3A_556 : vector<16xf32>
      %mul3A_567 = arith.mulf %mul3A_566, %bitcast3A_563 : vector<16xf32>
      %mul3A_568 = arith.mulf %mul3A_567, %bitcast3A_563 : vector<16xf32>
      %sub3A_569 = arith.constant 1.500000e+00 : f32
      %sub3A_570 = vector.broadcast %sub3A_569 : f32 to vector<16xf32>
      %sub3A_571 = arith.subf %sub3A_570, %mul3A_568 : vector<16xf32>
      %mul3A_572 = arith.mulf %bitcast3A_563, %sub3A_571 : vector<16xf32>
      %mul3A_573 = arith.constant 5.000000e-01 : f32
      %mul3A_574 = vector.broadcast %mul3A_573 : f32 to vector<16xf32>
      %mul3A_575 = arith.mulf %mul3A_574, %add3A_556 : vector<16xf32>
      %mul3A_576 = arith.mulf %mul3A_575, %mul3A_572 : vector<16xf32>
      %mul3A_577 = arith.mulf %mul3A_576, %mul3A_572 : vector<16xf32>
      %sub3A_578 = arith.constant 1.500000e+00 : f32
      %sub3A_579 = vector.broadcast %sub3A_578 : f32 to vector<16xf32>
      %sub3A_580 = arith.subf %sub3A_579, %mul3A_577 : vector<16xf32>
      %mul3A_581 = arith.mulf %mul3A_572, %sub3A_580 : vector<16xf32>
      %jit3A = arith.constant 9.99999974E-6 : f32
      %jit3A_582 = arith.constant 0.000000e+00 : f32
      %broadcast_in_dim3A = vector.broadcast %jit3A : f32 to vector<16xf32>
      %broadcast_in_dim3A_583 = vector.broadcast %jit3A_582 : f32 to vector<16xf32>
      %select_n3A = arith.select %and3A_538, %broadcast_in_dim3A, %broadcast_in_dim3A_583 : vector<16xi1>, vector<16xf32>
      %mul3A_584 = arith.mulf %select_n3A, %mul3A_581 : vector<16xf32>
      %add3A_585 = arith.addf %sub3A, %sub3A_547 : vector<16xf32>
      %add3A_586 = arith.addf %add3A_585, %sub3A_548 : vector<16xf32>
      %neg3A = arith.constant 0.000000e+00 : f32
      %neg3A_587 = vector.broadcast %neg3A : f32 to vector<16xf32>
      %neg3A_588 = arith.subf %neg3A_587, %add3A_586 : vector<16xf32>
      %mul3A_589 = arith.mulf %neg3A_588, %mul3A_584 : vector<16xf32>
      %swap3A = arith.index_cast %mul3A_516 : i32 to index
      %swap3A_590 = tpu.vector_load %arg40[%swap3A] {strides = array<i32>} : memref<1344xf32, #tpu.memory_space<vmem>>, vector<16xf32>,
      tpu.vector_store %arg40[%swap3A], %mul3A_589 {strides = array<i32>} : memref<1344xf32, #tpu.memory_space<vmem>>, vector<16xf32>,
      %mul3A_591 = arith.mulf %sub3A, %mul3A_584 : vector<16xf32>
      %swap3A_592 = arith.index_cast %mul3A_516 : i32 to index
      %swap3A_593 = tpu.vector_load %arg41[%swap3A_592] {strides = array<i32>} : memref<1344xf32, #tpu.memory_space<vmem>>, vector<16xf32>,
      tpu.vector_store %arg41[%swap3A_592], %mul3A_591 {strides = array<i32>} : memref<1344xf32, #tpu.memory_space<vmem>>, vector<16xf32>,
      %mul3A_594 = arith.mulf %sub3A_547, %mul3A_584 : vector<16xf32>
      %swap3A_595 = arith.index_cast %mul3A_516 : i32 to index
      %swap3A_596 = tpu.vector_load %arg42[%swap3A_595] {strides = array<i32>} : memref<1344xf32, #tpu.memory_space<vmem>>, vector<16xf32>,
      tpu.vector_store %arg42[%swap3A_595], %mul3A_594 {strides = array<i32>} : memref<1344xf32, #tpu.memory_space<vmem>>, vector<16xf32>,
      %mul3A_597 = arith.mulf %sub3A_548, %mul3A_584 : vector<16xf32>
      %swap3A_598 = arith.index_cast %mul3A_516 : i32 to index
      %swap3A_599 = tpu.vector_load %arg43[%swap3A_598] {strides = array<i32>} : memref<1344xf32, #tpu.memory_space<vmem>>, vector<16xf32>,
      tpu.vector_store %arg43[%swap3A_598], %mul3A_597 {strides = array<i32>} : memref<1344xf32, #tpu.memory_space<vmem>>, vector<16xf32>,
      %get3A_600 = arith.index_cast %mul3A_516 : i32 to index
      %get3A_601 = tpu.vector_load %arg36[%get3A_600] {strides = array<i32>} : memref<1344xi32, #tpu.memory_space<vmem>>, vector<16xi32>,
      %ge3A = vector.broadcast %mul3A_0 : i32 to vector<16xi32>
      %ge3A_602 = arith.cmpi sge, %get3A_601, %ge3A : vector<16xi32>
      %add3A_603 = arith.constant 1000000 : i32
      %add3A_604 = arith.addi %mul3A_0, %add3A_603 : i32
      %lt3A_605 = vector.broadcast %add3A_604 : i32 to vector<16xi32>
      %lt3A_606 = arith.cmpi slt, %get3A_601, %lt3A_605 : vector<16xi32>
      %and3A_607 = arith.andi %ge3A_602, %lt3A_606 : vector<16xi1>
      %sub3A_608 = vector.broadcast %mul3A_0 : i32 to vector<16xi32>
      %sub3A_609 = arith.subi %get3A_601, %sub3A_608 : vector<16xi32>
      %and3A_610 = arith.constant 32767 : i32
      %and3A_611 = vector.broadcast %and3A_610 : i32 to vector<16xi32>
      %and3A_612 = arith.andi %get3A_601, %and3A_611 : vector<16xi32>
      %add3A_613 = arith.constant 1000000 : i32
      %add3A_614 = vector.broadcast %add3A_613 : i32 to vector<16xi32>
      %add3A_615 = arith.addi %add3A_614, %and3A_612 : vector<16xi32>
      %select_n3A_616 = arith.select %and3A_607, %sub3A_609, %add3A_615 : vector<16xi1>, vector<16xi32>
      %swap3A_617 = arith.index_cast %mul3A_516 : i32 to index
      %swap3A_618 = tpu.vector_load %arg36[%swap3A_617] {strides = array<i32>} : memref<1344xi32, #tpu.memory_space<vmem>>, vector<16xi32>,
      tpu.vector_store %arg36[%swap3A_617], %select_n3A_616 {strides = array<i32>} : memref<1344xi32, #tpu.memory_space<vmem>>, vector<16xi32>,
      %get3A_619 = arith.index_cast %mul3A_516 : i32 to index
      %get3A_620 = tpu.vector_load %arg37[%get3A_619] {strides = array<i32>} : memref<1344xi32, #tpu.memory_space<vmem>>, vector<16xi32>,
      %ge3A_621 = vector.broadcast %mul3A_0 : i32 to vector<16xi32>
      %ge3A_622 = arith.cmpi sge, %get3A_620, %ge3A_621 : vector<16xi32>
      %add3A_623 = arith.constant 1000000 : i32
      %add3A_624 = arith.addi %mul3A_0, %add3A_623 : i32
      %lt3A_625 = vector.broadcast %add3A_624 : i32 to vector<16xi32>
      %lt3A_626 = arith.cmpi slt, %get3A_620, %lt3A_625 : vector<16xi32>
      %and3A_627 = arith.andi %ge3A_622, %lt3A_626 : vector<16xi1>
      %sub3A_628 = vector.broadcast %mul3A_0 : i32 to vector<16xi32>
      %sub3A_629 = arith.subi %get3A_620, %sub3A_628 : vector<16xi32>
      %and3A_630 = arith.constant 32767 : i32
      %and3A_631 = vector.broadcast %and3A_630 : i32 to vector<16xi32>
      %and3A_632 = arith.andi %get3A_620, %and3A_631 : vector<16xi32>
      %add3A_633 = arith.constant 1000000 : i32
      %add3A_634 = vector.broadcast %add3A_633 : i32 to vector<16xi32>
      %add3A_635 = arith.addi %add3A_634, %and3A_632 : vector<16xi32>
      %select_n3A_636 = arith.select %and3A_627, %sub3A_629, %add3A_635 : vector<16xi1>, vector<16xi32>
      %swap3A_637 = arith.index_cast %mul3A_516 : i32 to index
      %swap3A_638 = tpu.vector_load %arg37[%swap3A_637] {strides = array<i32>} : memref<1344xi32, #tpu.memory_space<vmem>>, vector<16xi32>,
      tpu.vector_store %arg37[%swap3A_637], %select_n3A_636 {strides = array<i32>} : memref<1344xi32, #tpu.memory_space<vmem>>, vector<16xi32>,
      %get3A_639 = arith.index_cast %mul3A_516 : i32 to index
      %get3A_640 = tpu.vector_load %arg38[%get3A_639] {strides = array<i32>} : memref<1344xi32, #tpu.memory_space<vmem>>, vector<16xi32>,
      %ge3A_641 = vector.broadcast %mul3A_0 : i32 to vector<16xi32>
      %ge3A_642 = arith.cmpi sge, %get3A_640, %ge3A_641 : vector<16xi32>
      %add3A_643 = arith.constant 1000000 : i32
      %add3A_644 = arith.addi %mul3A_0, %add3A_643 : i32
      %lt3A_645 = vector.broadcast %add3A_644 : i32 to vector<16xi32>
      %lt3A_646 = arith.cmpi slt, %get3A_640, %lt3A_645 : vector<16xi32>
      %and3A_647 = arith.andi %ge3A_642, %lt3A_646 : vector<16xi1>
      %sub3A_648 = vector.broadcast %mul3A_0 : i32 to vector<16xi32>
      %sub3A_649 = arith.subi %get3A_640, %sub3A_648 : vector<16xi32>
      %and3A_650 = arith.constant 32767 : i32
      %and3A_651 = vector.broadcast %and3A_650 : i32 to vector<16xi32>
      %and3A_652 = arith.andi %get3A_640, %and3A_651 : vector<16xi32>
      %add3A_653 = arith.constant 1000000 : i32
      %add3A_654 = vector.broadcast %add3A_653 : i32 to vector<16xi32>
      %add3A_655 = arith.addi %add3A_654, %and3A_652 : vector<16xi32>
      %select_n3A_656 = arith.select %and3A_647, %sub3A_649, %add3A_655 : vector<16xi1>, vector<16xi32>
      %swap3A_657 = arith.index_cast %mul3A_516 : i32 to index
      %swap3A_658 = tpu.vector_load %arg38[%swap3A_657] {strides = array<i32>} : memref<1344xi32, #tpu.memory_space<vmem>>, vector<16xi32>,
      tpu.vector_store %arg38[%swap3A_657], %select_n3A_656 {strides = array<i32>} : memref<1344xi32, #tpu.memory_space<vmem>>, vector<16xi32>,
      %get3A_659 = arith.index_cast %mul3A_516 : i32 to index
      %get3A_660 = tpu.vector_load %arg39[%get3A_659] {strides = array<i32>} : memref<1344xi32, #tpu.memory_space<vmem>>, vector<16xi32>,
      %ge3A_661 = vector.broadcast %mul3A_0 : i32 to vector<16xi32>
      %ge3A_662 = arith.cmpi sge, %get3A_660, %ge3A_661 : vector<16xi32>
      %add3A_663 = arith.constant 1000000 : i32
      %add3A_664 = arith.addi %mul3A_0, %add3A_663 : i32
      %lt3A_665 = vector.broadcast %add3A_664 : i32 to vector<16xi32>
      %lt3A_666 = arith.cmpi slt, %get3A_660, %lt3A_665 : vector<16xi32>
      %and3A_667 = arith.andi %ge3A_662, %lt3A_666 : vector<16xi1>
      %sub3A_668 = vector.broadcast %mul3A_0 : i32 to vector<16xi32>
      %sub3A_669 = arith.subi %get3A_660, %sub3A_668 : vector<16xi32>
      %and3A_670 = arith.constant 32767 : i32
      %and3A_671 = vector.broadcast %and3A_670 : i32 to vector<16xi32>
      %and3A_672 = arith.andi %get3A_660, %and3A_671 : vector<16xi32>
      %add3A_673 = arith.constant 1000000 : i32
      %add3A_674 = vector.broadcast %add3A_673 : i32 to vector<16xi32>
      %add3A_675 = arith.addi %add3A_674, %and3A_672 : vector<16xi32>
      %select_n3A_676 = arith.select %and3A_667, %sub3A_669, %add3A_675 : vector<16xi1>, vector<16xi32>
      %swap3A_677 = arith.index_cast %mul3A_516 : i32 to index
      %swap3A_678 = tpu.vector_load %arg39[%swap3A_677] {strides = array<i32>} : memref<1344xi32, #tpu.memory_space<vmem>>, vector<16xi32>,
      tpu.vector_store %arg39[%swap3A_677], %select_n3A_676 {strides = array<i32>} : memref<1344xi32, #tpu.memory_space<vmem>>, vector<16xi32>,
    }
    %scan3A_414 = arith.constant 84 : i32
    %dma_start3A_415 = arith.constant 0 : i32
    %dma_start3A_416 = tpu.memref_slice %arg6[%dma_start3A_415] : memref<1048576xf32, #tpu.memory_space<vmem_shared>> -> memref<1048576xf32, #tpu.memory_space<vmem_shared>>
    tpu.enqueue_indirect_dma source(%arg40 : memref<1344xf32, #tpu.memory_space<vmem>>) target(%dma_start3A_416 : memref<1048576xf32, #tpu.memory_space<vmem_shared>>) offsets(%arg36 : memref<1344xi32, #tpu.memory_space<vmem>>) semaphore(%arg52 : memref<!tpu.dma_semaphore, #tpu.memory_space<semaphore_mem>>) {add = true}
    %dma_start3A_417 = arith.constant 0 : i32
    %dma_start3A_418 = tpu.memref_slice %arg6[%dma_start3A_417] : memref<1048576xf32, #tpu.memory_space<vmem_shared>> -> memref<1048576xf32, #tpu.memory_space<vmem_shared>>
    tpu.enqueue_indirect_dma source(%arg41 : memref<1344xf32, #tpu.memory_space<vmem>>) target(%dma_start3A_418 : memref<1048576xf32, #tpu.memory_space<vmem_shared>>) offsets(%arg37 : memref<1344xi32, #tpu.memory_space<vmem>>) semaphore(%arg52 : memref<!tpu.dma_semaphore, #tpu.memory_space<semaphore_mem>>) {add = true}
    %dma_start3A_419 = arith.constant 0 : i32
    %dma_start3A_420 = tpu.memref_slice %arg6[%dma_start3A_419] : memref<1048576xf32, #tpu.memory_space<vmem_shared>> -> memref<1048576xf32, #tpu.memory_space<vmem_shared>>
    tpu.enqueue_indirect_dma source(%arg42 : memref<1344xf32, #tpu.memory_space<vmem>>) target(%dma_start3A_420 : memref<1048576xf32, #tpu.memory_space<vmem_shared>>) offsets(%arg38 : memref<1344xi32, #tpu.memory_space<vmem>>) semaphore(%arg52 : memref<!tpu.dma_semaphore, #tpu.memory_space<semaphore_mem>>) {add = true}
    %dma_start3A_421 = arith.constant 0 : i32
    %dma_start3A_422 = tpu.memref_slice %arg6[%dma_start3A_421] : memref<1048576xf32, #tpu.memory_space<vmem_shared>> -> memref<1048576xf32, #tpu.memory_space<vmem_shared>>
    tpu.enqueue_indirect_dma source(%arg43 : memref<1344xf32, #tpu.memory_space<vmem>>) target(%dma_start3A_422 : memref<1048576xf32, #tpu.memory_space<vmem_shared>>) offsets(%arg39 : memref<1344xi32, #tpu.memory_space<vmem>>) semaphore(%arg52 : memref<!tpu.dma_semaphore, #tpu.memory_space<semaphore_mem>>) {add = true}
    %dma_wait3A_423 = arith.constant 0 : i32
    %dma_wait3A_424 = tpu.memref_slice %arg6[%dma_wait3A_423] : memref<1048576xf32, #tpu.memory_space<vmem_shared>> -> memref<1048576xf32, #tpu.memory_space<vmem_shared>>
    tpu.wait_indirect_dma semaphore(%arg52 : memref<!tpu.dma_semaphore, #tpu.memory_space<semaphore_mem>>) src(%arg40 : memref<1344xf32, #tpu.memory_space<vmem>>) dst(%dma_wait3A_424 : memref<1048576xf32, #tpu.memory_space<vmem_shared>>)
    %dma_wait3A_425 = arith.constant 0 : i32
    %dma_wait3A_426 = tpu.memref_slice %arg6[%dma_wait3A_425] : memref<1048576xf32, #tpu.memory_space<vmem_shared>> -> memref<1048576xf32, #tpu.memory_space<vmem_shared>>
    tpu.wait_indirect_dma semaphore(%arg52 : memref<!tpu.dma_semaphore, #tpu.memory_space<semaphore_mem>>) src(%arg41 : memref<1344xf32, #tpu.memory_space<vmem>>) dst(%dma_wait3A_426 : memref<1048576xf32, #tpu.memory_space<vmem_shared>>)
    %dma_wait3A_427 = arith.constant 0 : i32
    %dma_wait3A_428 = tpu.memref_slice %arg6[%dma_wait3A_427] : memref<1048576xf32, #tpu.memory_space<vmem_shared>> -> memref<1048576xf32, #tpu.memory_space<vmem_shared>>
    tpu.wait_indirect_dma semaphore(%arg52 : memref<!tpu.dma_semaphore, #tpu.memory_space<semaphore_mem>>) src(%arg42 : memref<1344xf32, #tpu.memory_space<vmem>>) dst(%dma_wait3A_428 : memref<1048576xf32, #tpu.memory_space<vmem_shared>>)
    %dma_wait3A_429 = arith.constant 0 : i32
    %dma_wait3A_430 = tpu.memref_slice %arg6[%dma_wait3A_429] : memref<1048576xf32, #tpu.memory_space<vmem_shared>> -> memref<1048576xf32, #tpu.memory_space<vmem_shared>>
    tpu.wait_indirect_dma semaphore(%arg52 : memref<!tpu.dma_semaphore, #tpu.memory_space<semaphore_mem>>) src(%arg43 : memref<1344xf32, #tpu.memory_space<vmem>>) dst(%dma_wait3A_430 : memref<1048576xf32, #tpu.memory_space<vmem_shared>>)
    %dma_wait3A_431 = arith.constant 0 : i32
    %dma_wait3A_432 = tpu.memref_slice %arg3[%dma_wait3A_431] : memref<16777216xi32, #tpu.memory_space<hbm>> -> memref<16777216xi32, #tpu.memory_space<hbm>>
    tpu.wait_indirect_dma semaphore(%arg45 : memref<!tpu.dma_semaphore, #tpu.memory_space<semaphore_mem>>) src(%dma_wait3A_432 : memref<16777216xi32, #tpu.memory_space<hbm>>) dst(%arg24 : memref<1344xi32, #tpu.memory_space<vmem>>)
    %dma_wait3A_433 = arith.constant 0 : i32
    %dma_wait3A_434 = tpu.memref_slice %arg3[%dma_wait3A_433] : memref<16777216xi32, #tpu.memory_space<hbm>> -> memref<16777216xi32, #tpu.memory_space<hbm>>
    tpu.wait_indirect_dma semaphore(%arg45 : memref<!tpu.dma_semaphore, #tpu.memory_space<semaphore_mem>>) src(%dma_wait3A_434 : memref<16777216xi32, #tpu.memory_space<hbm>>) dst(%arg25 : memref<1344xi32, #tpu.memory_space<vmem>>)
    %dma_wait3A_435 = arith.constant 0 : i32
    %dma_wait3A_436 = tpu.memref_slice %arg3[%dma_wait3A_435] : memref<16777216xi32, #tpu.memory_space<hbm>> -> memref<16777216xi32, #tpu.memory_space<hbm>>
    tpu.wait_indirect_dma semaphore(%arg45 : memref<!tpu.dma_semaphore, #tpu.memory_space<semaphore_mem>>) src(%dma_wait3A_436 : memref<16777216xi32, #tpu.memory_space<hbm>>) dst(%arg26 : memref<1344xi32, #tpu.memory_space<vmem>>)
    %dma_wait3A_437 = arith.constant 0 : i32
    %dma_wait3A_438 = tpu.memref_slice %arg3[%dma_wait3A_437] : memref<16777216xi32, #tpu.memory_space<hbm>> -> memref<16777216xi32, #tpu.memory_space<hbm>>
    tpu.wait_indirect_dma semaphore(%arg45 : memref<!tpu.dma_semaphore, #tpu.memory_space<semaphore_mem>>) src(%dma_wait3A_438 : memref<16777216xi32, #tpu.memory_space<hbm>>) dst(%arg27 : memref<1344xi32, #tpu.memory_space<vmem>>)
    %dma_start3A_439 = arith.constant 0 : i32
    %dma_start3A_440 = tpu.memref_slice %arg2[%dma_start3A_439] : memref<2000000xf32, #tpu.memory_space<hbm>> -> memref<2000000xf32, #tpu.memory_space<hbm>>
    tpu.enqueue_indirect_dma source(%dma_start3A_440 : memref<2000000xf32, #tpu.memory_space<hbm>>) target(%arg28 : memref<1344xf32, #tpu.memory_space<vmem>>) offsets(%arg24 : memref<1344xi32, #tpu.memory_space<vmem>>) semaphore(%arg48 : memref<!tpu.dma_semaphore, #tpu.memory_space<semaphore_mem>>)
    %dma_start3A_441 = arith.constant 0 : i32
    %dma_start3A_442 = tpu.memref_slice %arg2[%dma_start3A_441] : memref<2000000xf32, #tpu.memory_space<hbm>> -> memref<2000000xf32, #tpu.memory_space<hbm>>
    tpu.enqueue_indirect_dma source(%dma_start3A_442 : memref<2000000xf32, #tpu.memory_space<hbm>>) target(%arg29 : memref<1344xf32, #tpu.memory_space<vmem>>) offsets(%arg25 : memref<1344xi32, #tpu.memory_space<vmem>>) semaphore(%arg48 : memref<!tpu.dma_semaphore, #tpu.memory_space<semaphore_mem>>)
    %dma_start3A_443 = arith.constant 0 : i32
    %dma_start3A_444 = tpu.memref_slice %arg2[%dma_start3A_443] : memref<2000000xf32, #tpu.memory_space<hbm>> -> memref<2000000xf32, #tpu.memory_space<hbm>>
    tpu.enqueue_indirect_dma source(%dma_start3A_444 : memref<2000000xf32, #tpu.memory_space<hbm>>) target(%arg30 : memref<1344xf32, #tpu.memory_space<vmem>>) offsets(%arg26 : memref<1344xi32, #tpu.memory_space<vmem>>) semaphore(%arg48 : memref<!tpu.dma_semaphore, #tpu.memory_space<semaphore_mem>>)
    %dma_start3A_445 = arith.constant 0 : i32
    %dma_start3A_446 = tpu.memref_slice %arg2[%dma_start3A_445] : memref<2000000xf32, #tpu.memory_space<hbm>> -> memref<2000000xf32, #tpu.memory_space<hbm>>
    tpu.enqueue_indirect_dma source(%dma_start3A_446 : memref<2000000xf32, #tpu.memory_space<hbm>>) target(%arg31 : memref<1344xf32, #tpu.memory_space<vmem>>) offsets(%arg27 : memref<1344xi32, #tpu.memory_space<vmem>>) semaphore(%arg48 : memref<!tpu.dma_semaphore, #tpu.memory_space<semaphore_mem>>)
    %dma_wait3A_447 = arith.constant 0 : i32
    %dma_wait3A_448 = tpu.memref_slice %arg2[%dma_wait3A_447] : memref<2000000xf32, #tpu.memory_space<hbm>> -> memref<2000000xf32, #tpu.memory_space<hbm>>
    tpu.wait_indirect_dma semaphore(%arg47 : memref<!tpu.dma_semaphore, #tpu.memory_space<semaphore_mem>>) src(%dma_wait3A_448 : memref<2000000xf32, #tpu.memory_space<hbm>>) dst(%arg16 : memref<1344xf32, #tpu.memory_space<vmem>>)
    %dma_wait3A_449 = arith.constant 0 : i32
    %dma_wait3A_450 = tpu.memref_slice %arg2[%dma_wait3A_449] : memref<2000000xf32, #tpu.memory_space<hbm>> -> memref<2000000xf32, #tpu.memory_space<hbm>>
    tpu.wait_indirect_dma semaphore(%arg47 : memref<!tpu.dma_semaphore, #tpu.memory_space<semaphore_mem>>) src(%dma_wait3A_450 : memref<2000000xf32, #tpu.memory_space<hbm>>) dst(%arg17 : memref<1344xf32, #tpu.memory_space<vmem>>)
    %dma_wait3A_451 = arith.constant 0 : i32
    %dma_wait3A_452 = tpu.memref_slice %arg2[%dma_wait3A_451] : memref<2000000xf32, #tpu.memory_space<hbm>> -> memref<2000000xf32, #tpu.memory_space<hbm>>
    tpu.wait_indirect_dma semaphore(%arg47 : memref<!tpu.dma_semaphore, #tpu.memory_space<semaphore_mem>>) src(%dma_wait3A_452 : memref<2000000xf32, #tpu.memory_space<hbm>>) dst(%arg18 : memref<1344xf32, #tpu.memory_space<vmem>>)
    %dma_wait3A_453 = arith.constant 0 : i32
    %dma_wait3A_454 = tpu.memref_slice %arg2[%dma_wait3A_453] : memref<2000000xf32, #tpu.memory_space<hbm>> -> memref<2000000xf32, #tpu.memory_space<hbm>>
    tpu.wait_indirect_dma semaphore(%arg47 : memref<!tpu.dma_semaphore, #tpu.memory_space<semaphore_mem>>) src(%dma_wait3A_454 : memref<2000000xf32, #tpu.memory_space<hbm>>) dst(%arg19 : memref<1344xf32, #tpu.memory_space<vmem>>)
    %scan3A_455 = arith.constant 0 : i32
    %scan3A_456 = arith.constant 0 : i32
    %scan3A_457 = arith.constant 84 : i32
    %scan3A_458 = arith.addi %scan3A_456, %scan3A_457 : i32
    %scan3A_459 = arith.constant 1 : i32
    scf.for %scan3A_514 = %scan3A_456 to %scan3A_458 step %scan3A_459  : i32 {
      %mul3A_515 = arith.constant 16 : i32
      %mul3A_516 = arith.muli %scan3A_514, %mul3A_515 : i32
      %get3A = arith.index_cast %mul3A_516 : i32 to index
      %get3A_517 = tpu.vector_load %arg8[%get3A] {strides = array<i32>} : memref<1344xi32, #tpu.memory_space<vmem>>, vector<16xi32>,
      %shift_right_arithmetic3A = arith.constant 16 : i32
      %shift_right_arithmetic3A_518 = vector.broadcast %shift_right_arithmetic3A : i32 to vector<16xi32>
      %shift_right_arithmetic3A_519 = arith.shrsi %get3A_517, %shift_right_arithmetic3A_518 : vector<16xi32>
      %shift_right_arithmetic3A_520 = arith.constant 8 : i32
      %shift_right_arithmetic3A_521 = vector.broadcast %shift_right_arithmetic3A_520 : i32 to vector<16xi32>
      %shift_right_arithmetic3A_522 = arith.shrsi %get3A_517, %shift_right_arithmetic3A_521 : vector<16xi32>
      %and3A = arith.constant 255 : i32
      %and3A_523 = vector.broadcast %and3A : i32 to vector<16xi32>
      %and3A_524 = arith.andi %shift_right_arithmetic3A_522, %and3A_523 : vector<16xi32>
      %and3A_525 = arith.constant 255 : i32
      %and3A_526 = vector.broadcast %and3A_525 : i32 to vector<16xi32>
      %and3A_527 = arith.andi %get3A_517, %and3A_526 : vector<16xi32>
      %lt3A_528 = arith.constant 255 : i32
      %lt3A_529 = vector.broadcast %lt3A_528 : i32 to vector<16xi32>
      %lt3A_530 = arith.cmpi slt, %shift_right_arithmetic3A_519, %lt3A_529 : vector<16xi32>
      %lt3A_531 = arith.constant 255 : i32
      %lt3A_532 = vector.broadcast %lt3A_531 : i32 to vector<16xi32>
      %lt3A_533 = arith.cmpi slt, %and3A_524, %lt3A_532 : vector<16xi32>
      %and3A_534 = arith.andi %lt3A_530, %lt3A_533 : vector<16xi1>
      %lt3A_535 = arith.constant 255 : i32
      %lt3A_536 = vector.broadcast %lt3A_535 : i32 to vector<16xi32>
      %lt3A_537 = arith.cmpi slt, %and3A_527, %lt3A_536 : vector<16xi32>
      %and3A_538 = arith.andi %and3A_534, %lt3A_537 : vector<16xi1>
      %get3A_539 = arith.index_cast %mul3A_516 : i32 to index
      %get3A_540 = tpu.vector_load %arg16[%get3A_539] {strides = array<i32>} : memref<1344xf32, #tpu.memory_space<vmem>>, vector<16xf32>,
      %get3A_541 = arith.index_cast %mul3A_516 : i32 to index
      %get3A_542 = tpu.vector_load %arg17[%get3A_541] {strides = array<i32>} : memref<1344xf32, #tpu.memory_space<vmem>>, vector<16xf32>,
      %get3A_543 = arith.index_cast %mul3A_516 : i32 to index
      %get3A_544 = tpu.vector_load %arg18[%get3A_543] {strides = array<i32>} : memref<1344xf32, #tpu.memory_space<vmem>>, vector<16xf32>,
      %get3A_545 = arith.index_cast %mul3A_516 : i32 to index
      %get3A_546 = tpu.vector_load %arg19[%get3A_545] {strides = array<i32>} : memref<1344xf32, #tpu.memory_space<vmem>>, vector<16xf32>,
      %sub3A = arith.subf %get3A_542, %get3A_540 : vector<16xf32>
      %sub3A_547 = arith.subf %get3A_544, %get3A_540 : vector<16xf32>
      %sub3A_548 = arith.subf %get3A_546, %get3A_540 : vector<16xf32>
      %mul3A_549 = arith.mulf %sub3A, %sub3A : vector<16xf32>
      %add3A_550 = arith.constant 9.99999971E-10 : f32
      %add3A_551 = vector.broadcast %add3A_550 : f32 to vector<16xf32>
      %add3A_552 = arith.addf %add3A_551, %mul3A_549 : vector<16xf32>
      %mul3A_553 = arith.mulf %sub3A_547, %sub3A_547 : vector<16xf32>
      %add3A_554 = arith.addf %add3A_552, %mul3A_553 : vector<16xf32>
      %mul3A_555 = arith.mulf %sub3A_548, %sub3A_548 : vector<16xf32>
      %add3A_556 = arith.addf %add3A_554, %mul3A_555 : vector<16xf32>
      %bitcast3A = vector.bitcast %add3A_556 : vector<16xf32> to vector<16xi32>
      %shift_right_arithmetic3A_557 = arith.constant 1 : i32
      %shift_right_arithmetic3A_558 = vector.broadcast %shift_right_arithmetic3A_557 : i32 to vector<16xi32>
      %shift_right_arithmetic3A_559 = arith.shrsi %bitcast3A, %shift_right_arithmetic3A_558 : vector<16xi32>
      %sub3A_560 = arith.constant 1597463007 : i32
      %sub3A_561 = vector.broadcast %sub3A_560 : i32 to vector<16xi32>
      %sub3A_562 = arith.subi %sub3A_561, %shift_right_arithmetic3A_559 : vector<16xi32>
      %bitcast3A_563 = vector.bitcast %sub3A_562 : vector<16xi32> to vector<16xf32>
      %mul3A_564 = arith.constant 5.000000e-01 : f32
      %mul3A_565 = vector.broadcast %mul3A_564 : f32 to vector<16xf32>
      %mul3A_566 = arith.mulf %mul3A_565, %add3A_556 : vector<16xf32>
      %mul3A_567 = arith.mulf %mul3A_566, %bitcast3A_563 : vector<16xf32>
      %mul3A_568 = arith.mulf %mul3A_567, %bitcast3A_563 : vector<16xf32>
      %sub3A_569 = arith.constant 1.500000e+00 : f32
      %sub3A_570 = vector.broadcast %sub3A_569 : f32 to vector<16xf32>
      %sub3A_571 = arith.subf %sub3A_570, %mul3A_568 : vector<16xf32>
      %mul3A_572 = arith.mulf %bitcast3A_563, %sub3A_571 : vector<16xf32>
      %mul3A_573 = arith.constant 5.000000e-01 : f32
      %mul3A_574 = vector.broadcast %mul3A_573 : f32 to vector<16xf32>
      %mul3A_575 = arith.mulf %mul3A_574, %add3A_556 : vector<16xf32>
      %mul3A_576 = arith.mulf %mul3A_575, %mul3A_572 : vector<16xf32>
      %mul3A_577 = arith.mulf %mul3A_576, %mul3A_572 : vector<16xf32>
      %sub3A_578 = arith.constant 1.500000e+00 : f32
      %sub3A_579 = vector.broadcast %sub3A_578 : f32 to vector<16xf32>
      %sub3A_580 = arith.subf %sub3A_579, %mul3A_577 : vector<16xf32>
      %mul3A_581 = arith.mulf %mul3A_572, %sub3A_580 : vector<16xf32>
      %jit3A = arith.constant 9.99999974E-6 : f32
      %jit3A_582 = arith.constant 0.000000e+00 : f32
      %broadcast_in_dim3A = vector.broadcast %jit3A : f32 to vector<16xf32>
      %broadcast_in_dim3A_583 = vector.broadcast %jit3A_582 : f32 to vector<16xf32>
      %select_n3A = arith.select %and3A_538, %broadcast_in_dim3A, %broadcast_in_dim3A_583 : vector<16xi1>, vector<16xf32>
      %mul3A_584 = arith.mulf %select_n3A, %mul3A_581 : vector<16xf32>
      %add3A_585 = arith.addf %sub3A, %sub3A_547 : vector<16xf32>
      %add3A_586 = arith.addf %add3A_585, %sub3A_548 : vector<16xf32>
      %neg3A = arith.constant 0.000000e+00 : f32
      %neg3A_587 = vector.broadcast %neg3A : f32 to vector<16xf32>
      %neg3A_588 = arith.subf %neg3A_587, %add3A_586 : vector<16xf32>
      %mul3A_589 = arith.mulf %neg3A_588, %mul3A_584 : vector<16xf32>
      %swap3A = arith.index_cast %mul3A_516 : i32 to index
      %swap3A_590 = tpu.vector_load %arg16[%swap3A] {strides = array<i32>} : memref<1344xf32, #tpu.memory_space<vmem>>, vector<16xf32>,
      tpu.vector_store %arg16[%swap3A], %mul3A_589 {strides = array<i32>} : memref<1344xf32, #tpu.memory_space<vmem>>, vector<16xf32>,
      %mul3A_591 = arith.mulf %sub3A, %mul3A_584 : vector<16xf32>
      %swap3A_592 = arith.index_cast %mul3A_516 : i32 to index
      %swap3A_593 = tpu.vector_load %arg17[%swap3A_592] {strides = array<i32>} : memref<1344xf32, #tpu.memory_space<vmem>>, vector<16xf32>,
      tpu.vector_store %arg17[%swap3A_592], %mul3A_591 {strides = array<i32>} : memref<1344xf32, #tpu.memory_space<vmem>>, vector<16xf32>,
      %mul3A_594 = arith.mulf %sub3A_547, %mul3A_584 : vector<16xf32>
      %swap3A_595 = arith.index_cast %mul3A_516 : i32 to index
      %swap3A_596 = tpu.vector_load %arg18[%swap3A_595] {strides = array<i32>} : memref<1344xf32, #tpu.memory_space<vmem>>, vector<16xf32>,
      tpu.vector_store %arg18[%swap3A_595], %mul3A_594 {strides = array<i32>} : memref<1344xf32, #tpu.memory_space<vmem>>, vector<16xf32>,
      %mul3A_597 = arith.mulf %sub3A_548, %mul3A_584 : vector<16xf32>
      %swap3A_598 = arith.index_cast %mul3A_516 : i32 to index
      %swap3A_599 = tpu.vector_load %arg19[%swap3A_598] {strides = array<i32>} : memref<1344xf32, #tpu.memory_space<vmem>>, vector<16xf32>,
      tpu.vector_store %arg19[%swap3A_598], %mul3A_597 {strides = array<i32>} : memref<1344xf32, #tpu.memory_space<vmem>>, vector<16xf32>,
      %get3A_600 = arith.index_cast %mul3A_516 : i32 to index
      %get3A_601 = tpu.vector_load %arg12[%get3A_600] {strides = array<i32>} : memref<1344xi32, #tpu.memory_space<vmem>>, vector<16xi32>,
      %ge3A = vector.broadcast %mul3A_0 : i32 to vector<16xi32>
      %ge3A_602 = arith.cmpi sge, %get3A_601, %ge3A : vector<16xi32>
      %add3A_603 = arith.constant 1000000 : i32
      %add3A_604 = arith.addi %mul3A_0, %add3A_603 : i32
      %lt3A_605 = vector.broadcast %add3A_604 : i32 to vector<16xi32>
      %lt3A_606 = arith.cmpi slt, %get3A_601, %lt3A_605 : vector<16xi32>
      %and3A_607 = arith.andi %ge3A_602, %lt3A_606 : vector<16xi1>
      %sub3A_608 = vector.broadcast %mul3A_0 : i32 to vector<16xi32>
      %sub3A_609 = arith.subi %get3A_601, %sub3A_608 : vector<16xi32>
      %and3A_610 = arith.constant 32767 : i32
      %and3A_611 = vector.broadcast %and3A_610 : i32 to vector<16xi32>
      %and3A_612 = arith.andi %get3A_601, %and3A_611 : vector<16xi32>
      %add3A_613 = arith.constant 1000000 : i32
      %add3A_614 = vector.broadcast %add3A_613 : i32 to vector<16xi32>
      %add3A_615 = arith.addi %add3A_614, %and3A_612 : vector<16xi32>
      %select_n3A_616 = arith.select %and3A_607, %sub3A_609, %add3A_615 : vector<16xi1>, vector<16xi32>
      %swap3A_617 = arith.index_cast %mul3A_516 : i32 to index
      %swap3A_618 = tpu.vector_load %arg12[%swap3A_617] {strides = array<i32>} : memref<1344xi32, #tpu.memory_space<vmem>>, vector<16xi32>,
      tpu.vector_store %arg12[%swap3A_617], %select_n3A_616 {strides = array<i32>} : memref<1344xi32, #tpu.memory_space<vmem>>, vector<16xi32>,
      %get3A_619 = arith.index_cast %mul3A_516 : i32 to index
      %get3A_620 = tpu.vector_load %arg13[%get3A_619] {strides = array<i32>} : memref<1344xi32, #tpu.memory_space<vmem>>, vector<16xi32>,
      %ge3A_621 = vector.broadcast %mul3A_0 : i32 to vector<16xi32>
      %ge3A_622 = arith.cmpi sge, %get3A_620, %ge3A_621 : vector<16xi32>
      %add3A_623 = arith.constant 1000000 : i32
      %add3A_624 = arith.addi %mul3A_0, %add3A_623 : i32
      %lt3A_625 = vector.broadcast %add3A_624 : i32 to vector<16xi32>
      %lt3A_626 = arith.cmpi slt, %get3A_620, %lt3A_625 : vector<16xi32>
      %and3A_627 = arith.andi %ge3A_622, %lt3A_626 : vector<16xi1>
      %sub3A_628 = vector.broadcast %mul3A_0 : i32 to vector<16xi32>
      %sub3A_629 = arith.subi %get3A_620, %sub3A_628 : vector<16xi32>
      %and3A_630 = arith.constant 32767 : i32
      %and3A_631 = vector.broadcast %and3A_630 : i32 to vector<16xi32>
      %and3A_632 = arith.andi %get3A_620, %and3A_631 : vector<16xi32>
      %add3A_633 = arith.constant 1000000 : i32
      %add3A_634 = vector.broadcast %add3A_633 : i32 to vector<16xi32>
      %add3A_635 = arith.addi %add3A_634, %and3A_632 : vector<16xi32>
      %select_n3A_636 = arith.select %and3A_627, %sub3A_629, %add3A_635 : vector<16xi1>, vector<16xi32>
      %swap3A_637 = arith.index_cast %mul3A_516 : i32 to index
      %swap3A_638 = tpu.vector_load %arg13[%swap3A_637] {strides = array<i32>} : memref<1344xi32, #tpu.memory_space<vmem>>, vector<16xi32>,
      tpu.vector_store %arg13[%swap3A_637], %select_n3A_636 {strides = array<i32>} : memref<1344xi32, #tpu.memory_space<vmem>>, vector<16xi32>,
      %get3A_639 = arith.index_cast %mul3A_516 : i32 to index
      %get3A_640 = tpu.vector_load %arg14[%get3A_639] {strides = array<i32>} : memref<1344xi32, #tpu.memory_space<vmem>>, vector<16xi32>,
      %ge3A_641 = vector.broadcast %mul3A_0 : i32 to vector<16xi32>
      %ge3A_642 = arith.cmpi sge, %get3A_640, %ge3A_641 : vector<16xi32>
      %add3A_643 = arith.constant 1000000 : i32
      %add3A_644 = arith.addi %mul3A_0, %add3A_643 : i32
      %lt3A_645 = vector.broadcast %add3A_644 : i32 to vector<16xi32>
      %lt3A_646 = arith.cmpi slt, %get3A_640, %lt3A_645 : vector<16xi32>
      %and3A_647 = arith.andi %ge3A_642, %lt3A_646 : vector<16xi1>
      %sub3A_648 = vector.broadcast %mul3A_0 : i32 to vector<16xi32>
      %sub3A_649 = arith.subi %get3A_640, %sub3A_648 : vector<16xi32>
      %and3A_650 = arith.constant 32767 : i32
      %and3A_651 = vector.broadcast %and3A_650 : i32 to vector<16xi32>
      %and3A_652 = arith.andi %get3A_640, %and3A_651 : vector<16xi32>
      %add3A_653 = arith.constant 1000000 : i32
      %add3A_654 = vector.broadcast %add3A_653 : i32 to vector<16xi32>
      %add3A_655 = arith.addi %add3A_654, %and3A_652 : vector<16xi32>
      %select_n3A_656 = arith.select %and3A_647, %sub3A_649, %add3A_655 : vector<16xi1>, vector<16xi32>
      %swap3A_657 = arith.index_cast %mul3A_516 : i32 to index
      %swap3A_658 = tpu.vector_load %arg14[%swap3A_657] {strides = array<i32>} : memref<1344xi32, #tpu.memory_space<vmem>>, vector<16xi32>,
      tpu.vector_store %arg14[%swap3A_657], %select_n3A_656 {strides = array<i32>} : memref<1344xi32, #tpu.memory_space<vmem>>, vector<16xi32>,
      %get3A_659 = arith.index_cast %mul3A_516 : i32 to index
      %get3A_660 = tpu.vector_load %arg15[%get3A_659] {strides = array<i32>} : memref<1344xi32, #tpu.memory_space<vmem>>, vector<16xi32>,
      %ge3A_661 = vector.broadcast %mul3A_0 : i32 to vector<16xi32>
      %ge3A_662 = arith.cmpi sge, %get3A_660, %ge3A_661 : vector<16xi32>
      %add3A_663 = arith.constant 1000000 : i32
      %add3A_664 = arith.addi %mul3A_0, %add3A_663 : i32
      %lt3A_665 = vector.broadcast %add3A_664 : i32 to vector<16xi32>
      %lt3A_666 = arith.cmpi slt, %get3A_660, %lt3A_665 : vector<16xi32>
      %and3A_667 = arith.andi %ge3A_662, %lt3A_666 : vector<16xi1>
      %sub3A_668 = vector.broadcast %mul3A_0 : i32 to vector<16xi32>
      %sub3A_669 = arith.subi %get3A_660, %sub3A_668 : vector<16xi32>
      %and3A_670 = arith.constant 32767 : i32
      %and3A_671 = vector.broadcast %and3A_670 : i32 to vector<16xi32>
      %and3A_672 = arith.andi %get3A_660, %and3A_671 : vector<16xi32>
      %add3A_673 = arith.constant 1000000 : i32
      %add3A_674 = vector.broadcast %add3A_673 : i32 to vector<16xi32>
      %add3A_675 = arith.addi %add3A_674, %and3A_672 : vector<16xi32>
      %select_n3A_676 = arith.select %and3A_667, %sub3A_669, %add3A_675 : vector<16xi1>, vector<16xi32>
      %swap3A_677 = arith.index_cast %mul3A_516 : i32 to index
      %swap3A_678 = tpu.vector_load %arg15[%swap3A_677] {strides = array<i32>} : memref<1344xi32, #tpu.memory_space<vmem>>, vector<16xi32>,
      tpu.vector_store %arg15[%swap3A_677], %select_n3A_676 {strides = array<i32>} : memref<1344xi32, #tpu.memory_space<vmem>>, vector<16xi32>,
    }
    %scan3A_460 = arith.constant 84 : i32
    %dma_start3A_461 = arith.constant 0 : i32
    %dma_start3A_462 = tpu.memref_slice %arg6[%dma_start3A_461] : memref<1048576xf32, #tpu.memory_space<vmem_shared>> -> memref<1048576xf32, #tpu.memory_space<vmem_shared>>
    tpu.enqueue_indirect_dma source(%arg16 : memref<1344xf32, #tpu.memory_space<vmem>>) target(%dma_start3A_462 : memref<1048576xf32, #tpu.memory_space<vmem_shared>>) offsets(%arg12 : memref<1344xi32, #tpu.memory_space<vmem>>) semaphore(%arg50 : memref<!tpu.dma_semaphore, #tpu.memory_space<semaphore_mem>>) {add = true}
    %dma_start3A_463 = arith.constant 0 : i32
    %dma_start3A_464 = tpu.memref_slice %arg6[%dma_start3A_463] : memref<1048576xf32, #tpu.memory_space<vmem_shared>> -> memref<1048576xf32, #tpu.memory_space<vmem_shared>>
    tpu.enqueue_indirect_dma source(%arg17 : memref<1344xf32, #tpu.memory_space<vmem>>) target(%dma_start3A_464 : memref<1048576xf32, #tpu.memory_space<vmem_shared>>) offsets(%arg13 : memref<1344xi32, #tpu.memory_space<vmem>>) semaphore(%arg50 : memref<!tpu.dma_semaphore, #tpu.memory_space<semaphore_mem>>) {add = true}
    %dma_start3A_465 = arith.constant 0 : i32
    %dma_start3A_466 = tpu.memref_slice %arg6[%dma_start3A_465] : memref<1048576xf32, #tpu.memory_space<vmem_shared>> -> memref<1048576xf32, #tpu.memory_space<vmem_shared>>
    tpu.enqueue_indirect_dma source(%arg18 : memref<1344xf32, #tpu.memory_space<vmem>>) target(%dma_start3A_466 : memref<1048576xf32, #tpu.memory_space<vmem_shared>>) offsets(%arg14 : memref<1344xi32, #tpu.memory_space<vmem>>) semaphore(%arg50 : memref<!tpu.dma_semaphore, #tpu.memory_space<semaphore_mem>>) {add = true}
    %dma_start3A_467 = arith.constant 0 : i32
    %dma_start3A_468 = tpu.memref_slice %arg6[%dma_start3A_467] : memref<1048576xf32, #tpu.memory_space<vmem_shared>> -> memref<1048576xf32, #tpu.memory_space<vmem_shared>>
    tpu.enqueue_indirect_dma source(%arg19 : memref<1344xf32, #tpu.memory_space<vmem>>) target(%dma_start3A_468 : memref<1048576xf32, #tpu.memory_space<vmem_shared>>) offsets(%arg15 : memref<1344xi32, #tpu.memory_space<vmem>>) semaphore(%arg50 : memref<!tpu.dma_semaphore, #tpu.memory_space<semaphore_mem>>) {add = true}
    %dma_wait3A_469 = arith.constant 0 : i32
    %dma_wait3A_470 = tpu.memref_slice %arg2[%dma_wait3A_469] : memref<2000000xf32, #tpu.memory_space<hbm>> -> memref<2000000xf32, #tpu.memory_space<hbm>>
    tpu.wait_indirect_dma semaphore(%arg48 : memref<!tpu.dma_semaphore, #tpu.memory_space<semaphore_mem>>) src(%dma_wait3A_470 : memref<2000000xf32, #tpu.memory_space<hbm>>) dst(%arg28 : memref<1344xf32, #tpu.memory_space<vmem>>)
    %dma_wait3A_471 = arith.constant 0 : i32
    %dma_wait3A_472 = tpu.memref_slice %arg2[%dma_wait3A_471] : memref<2000000xf32, #tpu.memory_space<hbm>> -> memref<2000000xf32, #tpu.memory_space<hbm>>
    tpu.wait_indirect_dma semaphore(%arg48 : memref<!tpu.dma_semaphore, #tpu.memory_space<semaphore_mem>>) src(%dma_wait3A_472 : memref<2000000xf32, #tpu.memory_space<hbm>>) dst(%arg29 : memref<1344xf32, #tpu.memory_space<vmem>>)
    %dma_wait3A_473 = arith.constant 0 : i32
    %dma_wait3A_474 = tpu.memref_slice %arg2[%dma_wait3A_473] : memref<2000000xf32, #tpu.memory_space<hbm>> -> memref<2000000xf32, #tpu.memory_space<hbm>>
    tpu.wait_indirect_dma semaphore(%arg48 : memref<!tpu.dma_semaphore, #tpu.memory_space<semaphore_mem>>) src(%dma_wait3A_474 : memref<2000000xf32, #tpu.memory_space<hbm>>) dst(%arg30 : memref<1344xf32, #tpu.memory_space<vmem>>)
    %dma_wait3A_475 = arith.constant 0 : i32
    %dma_wait3A_476 = tpu.memref_slice %arg2[%dma_wait3A_475] : memref<2000000xf32, #tpu.memory_space<hbm>> -> memref<2000000xf32, #tpu.memory_space<hbm>>
    tpu.wait_indirect_dma semaphore(%arg48 : memref<!tpu.dma_semaphore, #tpu.memory_space<semaphore_mem>>) src(%dma_wait3A_476 : memref<2000000xf32, #tpu.memory_space<hbm>>) dst(%arg31 : memref<1344xf32, #tpu.memory_space<vmem>>)
    %scan3A_477 = arith.constant 0 : i32
    %scan3A_478 = arith.constant 0 : i32
    %scan3A_479 = arith.constant 84 : i32
    %scan3A_480 = arith.addi %scan3A_478, %scan3A_479 : i32
    %scan3A_481 = arith.constant 1 : i32
    scf.for %scan3A_514 = %scan3A_478 to %scan3A_480 step %scan3A_481  : i32 {
      %mul3A_515 = arith.constant 16 : i32
      %mul3A_516 = arith.muli %scan3A_514, %mul3A_515 : i32
      %get3A = arith.index_cast %mul3A_516 : i32 to index
      %get3A_517 = tpu.vector_load %arg20[%get3A] {strides = array<i32>} : memref<1344xi32, #tpu.memory_space<vmem>>, vector<16xi32>,
      %shift_right_arithmetic3A = arith.constant 16 : i32
      %shift_right_arithmetic3A_518 = vector.broadcast %shift_right_arithmetic3A : i32 to vector<16xi32>
      %shift_right_arithmetic3A_519 = arith.shrsi %get3A_517, %shift_right_arithmetic3A_518 : vector<16xi32>
      %shift_right_arithmetic3A_520 = arith.constant 8 : i32
      %shift_right_arithmetic3A_521 = vector.broadcast %shift_right_arithmetic3A_520 : i32 to vector<16xi32>
      %shift_right_arithmetic3A_522 = arith.shrsi %get3A_517, %shift_right_arithmetic3A_521 : vector<16xi32>
      %and3A = arith.constant 255 : i32
      %and3A_523 = vector.broadcast %and3A : i32 to vector<16xi32>
      %and3A_524 = arith.andi %shift_right_arithmetic3A_522, %and3A_523 : vector<16xi32>
      %and3A_525 = arith.constant 255 : i32
      %and3A_526 = vector.broadcast %and3A_525 : i32 to vector<16xi32>
      %and3A_527 = arith.andi %get3A_517, %and3A_526 : vector<16xi32>
      %lt3A_528 = arith.constant 255 : i32
      %lt3A_529 = vector.broadcast %lt3A_528 : i32 to vector<16xi32>
      %lt3A_530 = arith.cmpi slt, %shift_right_arithmetic3A_519, %lt3A_529 : vector<16xi32>
      %lt3A_531 = arith.constant 255 : i32
      %lt3A_532 = vector.broadcast %lt3A_531 : i32 to vector<16xi32>
      %lt3A_533 = arith.cmpi slt, %and3A_524, %lt3A_532 : vector<16xi32>
      %and3A_534 = arith.andi %lt3A_530, %lt3A_533 : vector<16xi1>
      %lt3A_535 = arith.constant 255 : i32
      %lt3A_536 = vector.broadcast %lt3A_535 : i32 to vector<16xi32>
      %lt3A_537 = arith.cmpi slt, %and3A_527, %lt3A_536 : vector<16xi32>
      %and3A_538 = arith.andi %and3A_534, %lt3A_537 : vector<16xi1>
      %get3A_539 = arith.index_cast %mul3A_516 : i32 to index
      %get3A_540 = tpu.vector_load %arg28[%get3A_539] {strides = array<i32>} : memref<1344xf32, #tpu.memory_space<vmem>>, vector<16xf32>,
      %get3A_541 = arith.index_cast %mul3A_516 : i32 to index
      %get3A_542 = tpu.vector_load %arg29[%get3A_541] {strides = array<i32>} : memref<1344xf32, #tpu.memory_space<vmem>>, vector<16xf32>,
      %get3A_543 = arith.index_cast %mul3A_516 : i32 to index
      %get3A_544 = tpu.vector_load %arg30[%get3A_543] {strides = array<i32>} : memref<1344xf32, #tpu.memory_space<vmem>>, vector<16xf32>,
      %get3A_545 = arith.index_cast %mul3A_516 : i32 to index
      %get3A_546 = tpu.vector_load %arg31[%get3A_545] {strides = array<i32>} : memref<1344xf32, #tpu.memory_space<vmem>>, vector<16xf32>,
      %sub3A = arith.subf %get3A_542, %get3A_540 : vector<16xf32>
      %sub3A_547 = arith.subf %get3A_544, %get3A_540 : vector<16xf32>
      %sub3A_548 = arith.subf %get3A_546, %get3A_540 : vector<16xf32>
      %mul3A_549 = arith.mulf %sub3A, %sub3A : vector<16xf32>
      %add3A_550 = arith.constant 9.99999971E-10 : f32
      %add3A_551 = vector.broadcast %add3A_550 : f32 to vector<16xf32>
      %add3A_552 = arith.addf %add3A_551, %mul3A_549 : vector<16xf32>
      %mul3A_553 = arith.mulf %sub3A_547, %sub3A_547 : vector<16xf32>
      %add3A_554 = arith.addf %add3A_552, %mul3A_553 : vector<16xf32>
      %mul3A_555 = arith.mulf %sub3A_548, %sub3A_548 : vector<16xf32>
      %add3A_556 = arith.addf %add3A_554, %mul3A_555 : vector<16xf32>
      %bitcast3A = vector.bitcast %add3A_556 : vector<16xf32> to vector<16xi32>
      %shift_right_arithmetic3A_557 = arith.constant 1 : i32
      %shift_right_arithmetic3A_558 = vector.broadcast %shift_right_arithmetic3A_557 : i32 to vector<16xi32>
      %shift_right_arithmetic3A_559 = arith.shrsi %bitcast3A, %shift_right_arithmetic3A_558 : vector<16xi32>
      %sub3A_560 = arith.constant 1597463007 : i32
      %sub3A_561 = vector.broadcast %sub3A_560 : i32 to vector<16xi32>
      %sub3A_562 = arith.subi %sub3A_561, %shift_right_arithmetic3A_559 : vector<16xi32>
      %bitcast3A_563 = vector.bitcast %sub3A_562 : vector<16xi32> to vector<16xf32>
      %mul3A_564 = arith.constant 5.000000e-01 : f32
      %mul3A_565 = vector.broadcast %mul3A_564 : f32 to vector<16xf32>
      %mul3A_566 = arith.mulf %mul3A_565, %add3A_556 : vector<16xf32>
      %mul3A_567 = arith.mulf %mul3A_566, %bitcast3A_563 : vector<16xf32>
      %mul3A_568 = arith.mulf %mul3A_567, %bitcast3A_563 : vector<16xf32>
      %sub3A_569 = arith.constant 1.500000e+00 : f32
      %sub3A_570 = vector.broadcast %sub3A_569 : f32 to vector<16xf32>
      %sub3A_571 = arith.subf %sub3A_570, %mul3A_568 : vector<16xf32>
      %mul3A_572 = arith.mulf %bitcast3A_563, %sub3A_571 : vector<16xf32>
      %mul3A_573 = arith.constant 5.000000e-01 : f32
      %mul3A_574 = vector.broadcast %mul3A_573 : f32 to vector<16xf32>
      %mul3A_575 = arith.mulf %mul3A_574, %add3A_556 : vector<16xf32>
      %mul3A_576 = arith.mulf %mul3A_575, %mul3A_572 : vector<16xf32>
      %mul3A_577 = arith.mulf %mul3A_576, %mul3A_572 : vector<16xf32>
      %sub3A_578 = arith.constant 1.500000e+00 : f32
      %sub3A_579 = vector.broadcast %sub3A_578 : f32 to vector<16xf32>
      %sub3A_580 = arith.subf %sub3A_579, %mul3A_577 : vector<16xf32>
      %mul3A_581 = arith.mulf %mul3A_572, %sub3A_580 : vector<16xf32>
      %jit3A = arith.constant 9.99999974E-6 : f32
      %jit3A_582 = arith.constant 0.000000e+00 : f32
      %broadcast_in_dim3A = vector.broadcast %jit3A : f32 to vector<16xf32>
      %broadcast_in_dim3A_583 = vector.broadcast %jit3A_582 : f32 to vector<16xf32>
      %select_n3A = arith.select %and3A_538, %broadcast_in_dim3A, %broadcast_in_dim3A_583 : vector<16xi1>, vector<16xf32>
      %mul3A_584 = arith.mulf %select_n3A, %mul3A_581 : vector<16xf32>
      %add3A_585 = arith.addf %sub3A, %sub3A_547 : vector<16xf32>
      %add3A_586 = arith.addf %add3A_585, %sub3A_548 : vector<16xf32>
      %neg3A = arith.constant 0.000000e+00 : f32
      %neg3A_587 = vector.broadcast %neg3A : f32 to vector<16xf32>
      %neg3A_588 = arith.subf %neg3A_587, %add3A_586 : vector<16xf32>
      %mul3A_589 = arith.mulf %neg3A_588, %mul3A_584 : vector<16xf32>
      %swap3A = arith.index_cast %mul3A_516 : i32 to index
      %swap3A_590 = tpu.vector_load %arg28[%swap3A] {strides = array<i32>} : memref<1344xf32, #tpu.memory_space<vmem>>, vector<16xf32>,
      tpu.vector_store %arg28[%swap3A], %mul3A_589 {strides = array<i32>} : memref<1344xf32, #tpu.memory_space<vmem>>, vector<16xf32>,
      %mul3A_591 = arith.mulf %sub3A, %mul3A_584 : vector<16xf32>
      %swap3A_592 = arith.index_cast %mul3A_516 : i32 to index
      %swap3A_593 = tpu.vector_load %arg29[%swap3A_592] {strides = array<i32>} : memref<1344xf32, #tpu.memory_space<vmem>>, vector<16xf32>,
      tpu.vector_store %arg29[%swap3A_592], %mul3A_591 {strides = array<i32>} : memref<1344xf32, #tpu.memory_space<vmem>>, vector<16xf32>,
      %mul3A_594 = arith.mulf %sub3A_547, %mul3A_584 : vector<16xf32>
      %swap3A_595 = arith.index_cast %mul3A_516 : i32 to index
      %swap3A_596 = tpu.vector_load %arg30[%swap3A_595] {strides = array<i32>} : memref<1344xf32, #tpu.memory_space<vmem>>, vector<16xf32>,
      tpu.vector_store %arg30[%swap3A_595], %mul3A_594 {strides = array<i32>} : memref<1344xf32, #tpu.memory_space<vmem>>, vector<16xf32>,
      %mul3A_597 = arith.mulf %sub3A_548, %mul3A_584 : vector<16xf32>
      %swap3A_598 = arith.index_cast %mul3A_516 : i32 to index
      %swap3A_599 = tpu.vector_load %arg31[%swap3A_598] {strides = array<i32>} : memref<1344xf32, #tpu.memory_space<vmem>>, vector<16xf32>,
      tpu.vector_store %arg31[%swap3A_598], %mul3A_597 {strides = array<i32>} : memref<1344xf32, #tpu.memory_space<vmem>>, vector<16xf32>,
      %get3A_600 = arith.index_cast %mul3A_516 : i32 to index
      %get3A_601 = tpu.vector_load %arg24[%get3A_600] {strides = array<i32>} : memref<1344xi32, #tpu.memory_space<vmem>>, vector<16xi32>,
      %ge3A = vector.broadcast %mul3A_0 : i32 to vector<16xi32>
      %ge3A_602 = arith.cmpi sge, %get3A_601, %ge3A : vector<16xi32>
      %add3A_603 = arith.constant 1000000 : i32
      %add3A_604 = arith.addi %mul3A_0, %add3A_603 : i32
      %lt3A_605 = vector.broadcast %add3A_604 : i32 to vector<16xi32>
      %lt3A_606 = arith.cmpi slt, %get3A_601, %lt3A_605 : vector<16xi32>
      %and3A_607 = arith.andi %ge3A_602, %lt3A_606 : vector<16xi1>
      %sub3A_608 = vector.broadcast %mul3A_0 : i32 to vector<16xi32>
      %sub3A_609 = arith.subi %get3A_601, %sub3A_608 : vector<16xi32>
      %and3A_610 = arith.constant 32767 : i32
      %and3A_611 = vector.broadcast %and3A_610 : i32 to vector<16xi32>
      %and3A_612 = arith.andi %get3A_601, %and3A_611 : vector<16xi32>
      %add3A_613 = arith.constant 1000000 : i32
      %add3A_614 = vector.broadcast %add3A_613 : i32 to vector<16xi32>
      %add3A_615 = arith.addi %add3A_614, %and3A_612 : vector<16xi32>
      %select_n3A_616 = arith.select %and3A_607, %sub3A_609, %add3A_615 : vector<16xi1>, vector<16xi32>
      %swap3A_617 = arith.index_cast %mul3A_516 : i32 to index
      %swap3A_618 = tpu.vector_load %arg24[%swap3A_617] {strides = array<i32>} : memref<1344xi32, #tpu.memory_space<vmem>>, vector<16xi32>,
      tpu.vector_store %arg24[%swap3A_617], %select_n3A_616 {strides = array<i32>} : memref<1344xi32, #tpu.memory_space<vmem>>, vector<16xi32>,
      %get3A_619 = arith.index_cast %mul3A_516 : i32 to index
      %get3A_620 = tpu.vector_load %arg25[%get3A_619] {strides = array<i32>} : memref<1344xi32, #tpu.memory_space<vmem>>, vector<16xi32>,
      %ge3A_621 = vector.broadcast %mul3A_0 : i32 to vector<16xi32>
      %ge3A_622 = arith.cmpi sge, %get3A_620, %ge3A_621 : vector<16xi32>
      %add3A_623 = arith.constant 1000000 : i32
      %add3A_624 = arith.addi %mul3A_0, %add3A_623 : i32
      %lt3A_625 = vector.broadcast %add3A_624 : i32 to vector<16xi32>
      %lt3A_626 = arith.cmpi slt, %get3A_620, %lt3A_625 : vector<16xi32>
      %and3A_627 = arith.andi %ge3A_622, %lt3A_626 : vector<16xi1>
      %sub3A_628 = vector.broadcast %mul3A_0 : i32 to vector<16xi32>
      %sub3A_629 = arith.subi %get3A_620, %sub3A_628 : vector<16xi32>
      %and3A_630 = arith.constant 32767 : i32
      %and3A_631 = vector.broadcast %and3A_630 : i32 to vector<16xi32>
      %and3A_632 = arith.andi %get3A_620, %and3A_631 : vector<16xi32>
      %add3A_633 = arith.constant 1000000 : i32
      %add3A_634 = vector.broadcast %add3A_633 : i32 to vector<16xi32>
      %add3A_635 = arith.addi %add3A_634, %and3A_632 : vector<16xi32>
      %select_n3A_636 = arith.select %and3A_627, %sub3A_629, %add3A_635 : vector<16xi1>, vector<16xi32>
      %swap3A_637 = arith.index_cast %mul3A_516 : i32 to index
      %swap3A_638 = tpu.vector_load %arg25[%swap3A_637] {strides = array<i32>} : memref<1344xi32, #tpu.memory_space<vmem>>, vector<16xi32>,
      tpu.vector_store %arg25[%swap3A_637], %select_n3A_636 {strides = array<i32>} : memref<1344xi32, #tpu.memory_space<vmem>>, vector<16xi32>,
      %get3A_639 = arith.index_cast %mul3A_516 : i32 to index
      %get3A_640 = tpu.vector_load %arg26[%get3A_639] {strides = array<i32>} : memref<1344xi32, #tpu.memory_space<vmem>>, vector<16xi32>,
      %ge3A_641 = vector.broadcast %mul3A_0 : i32 to vector<16xi32>
      %ge3A_642 = arith.cmpi sge, %get3A_640, %ge3A_641 : vector<16xi32>
      %add3A_643 = arith.constant 1000000 : i32
      %add3A_644 = arith.addi %mul3A_0, %add3A_643 : i32
      %lt3A_645 = vector.broadcast %add3A_644 : i32 to vector<16xi32>
      %lt3A_646 = arith.cmpi slt, %get3A_640, %lt3A_645 : vector<16xi32>
      %and3A_647 = arith.andi %ge3A_642, %lt3A_646 : vector<16xi1>
      %sub3A_648 = vector.broadcast %mul3A_0 : i32 to vector<16xi32>
      %sub3A_649 = arith.subi %get3A_640, %sub3A_648 : vector<16xi32>
      %and3A_650 = arith.constant 32767 : i32
      %and3A_651 = vector.broadcast %and3A_650 : i32 to vector<16xi32>
      %and3A_652 = arith.andi %get3A_640, %and3A_651 : vector<16xi32>
      %add3A_653 = arith.constant 1000000 : i32
      %add3A_654 = vector.broadcast %add3A_653 : i32 to vector<16xi32>
      %add3A_655 = arith.addi %add3A_654, %and3A_652 : vector<16xi32>
      %select_n3A_656 = arith.select %and3A_647, %sub3A_649, %add3A_655 : vector<16xi1>, vector<16xi32>
      %swap3A_657 = arith.index_cast %mul3A_516 : i32 to index
      %swap3A_658 = tpu.vector_load %arg26[%swap3A_657] {strides = array<i32>} : memref<1344xi32, #tpu.memory_space<vmem>>, vector<16xi32>,
      tpu.vector_store %arg26[%swap3A_657], %select_n3A_656 {strides = array<i32>} : memref<1344xi32, #tpu.memory_space<vmem>>, vector<16xi32>,
      %get3A_659 = arith.index_cast %mul3A_516 : i32 to index
      %get3A_660 = tpu.vector_load %arg27[%get3A_659] {strides = array<i32>} : memref<1344xi32, #tpu.memory_space<vmem>>, vector<16xi32>,
      %ge3A_661 = vector.broadcast %mul3A_0 : i32 to vector<16xi32>
      %ge3A_662 = arith.cmpi sge, %get3A_660, %ge3A_661 : vector<16xi32>
      %add3A_663 = arith.constant 1000000 : i32
      %add3A_664 = arith.addi %mul3A_0, %add3A_663 : i32
      %lt3A_665 = vector.broadcast %add3A_664 : i32 to vector<16xi32>
      %lt3A_666 = arith.cmpi slt, %get3A_660, %lt3A_665 : vector<16xi32>
      %and3A_667 = arith.andi %ge3A_662, %lt3A_666 : vector<16xi1>
      %sub3A_668 = vector.broadcast %mul3A_0 : i32 to vector<16xi32>
      %sub3A_669 = arith.subi %get3A_660, %sub3A_668 : vector<16xi32>
      %and3A_670 = arith.constant 32767 : i32
      %and3A_671 = vector.broadcast %and3A_670 : i32 to vector<16xi32>
      %and3A_672 = arith.andi %get3A_660, %and3A_671 : vector<16xi32>
      %add3A_673 = arith.constant 1000000 : i32
      %add3A_674 = vector.broadcast %add3A_673 : i32 to vector<16xi32>
      %add3A_675 = arith.addi %add3A_674, %and3A_672 : vector<16xi32>
      %select_n3A_676 = arith.select %and3A_667, %sub3A_669, %add3A_675 : vector<16xi1>, vector<16xi32>
      %swap3A_677 = arith.index_cast %mul3A_516 : i32 to index
      %swap3A_678 = tpu.vector_load %arg27[%swap3A_677] {strides = array<i32>} : memref<1344xi32, #tpu.memory_space<vmem>>, vector<16xi32>,
      tpu.vector_store %arg27[%swap3A_677], %select_n3A_676 {strides = array<i32>} : memref<1344xi32, #tpu.memory_space<vmem>>, vector<16xi32>,
    }
    %scan3A_482 = arith.constant 84 : i32
    %dma_start3A_483 = arith.constant 0 : i32
    %dma_start3A_484 = tpu.memref_slice %arg6[%dma_start3A_483] : memref<1048576xf32, #tpu.memory_space<vmem_shared>> -> memref<1048576xf32, #tpu.memory_space<vmem_shared>>
    tpu.enqueue_indirect_dma source(%arg28 : memref<1344xf32, #tpu.memory_space<vmem>>) target(%dma_start3A_484 : memref<1048576xf32, #tpu.memory_space<vmem_shared>>) offsets(%arg24 : memref<1344xi32, #tpu.memory_space<vmem>>) semaphore(%arg51 : memref<!tpu.dma_semaphore, #tpu.memory_space<semaphore_mem>>) {add = true}
    %dma_start3A_485 = arith.constant 0 : i32
    %dma_start3A_486 = tpu.memref_slice %arg6[%dma_start3A_485] : memref<1048576xf32, #tpu.memory_space<vmem_shared>> -> memref<1048576xf32, #tpu.memory_space<vmem_shared>>
    tpu.enqueue_indirect_dma source(%arg29 : memref<1344xf32, #tpu.memory_space<vmem>>) target(%dma_start3A_486 : memref<1048576xf32, #tpu.memory_space<vmem_shared>>) offsets(%arg25 : memref<1344xi32, #tpu.memory_space<vmem>>) semaphore(%arg51 : memref<!tpu.dma_semaphore, #tpu.memory_space<semaphore_mem>>) {add = true}
    %dma_start3A_487 = arith.constant 0 : i32
    %dma_start3A_488 = tpu.memref_slice %arg6[%dma_start3A_487] : memref<1048576xf32, #tpu.memory_space<vmem_shared>> -> memref<1048576xf32, #tpu.memory_space<vmem_shared>>
    tpu.enqueue_indirect_dma source(%arg30 : memref<1344xf32, #tpu.memory_space<vmem>>) target(%dma_start3A_488 : memref<1048576xf32, #tpu.memory_space<vmem_shared>>) offsets(%arg26 : memref<1344xi32, #tpu.memory_space<vmem>>) semaphore(%arg51 : memref<!tpu.dma_semaphore, #tpu.memory_space<semaphore_mem>>) {add = true}
    %dma_start3A_489 = arith.constant 0 : i32
    %dma_start3A_490 = tpu.memref_slice %arg6[%dma_start3A_489] : memref<1048576xf32, #tpu.memory_space<vmem_shared>> -> memref<1048576xf32, #tpu.memory_space<vmem_shared>>
    tpu.enqueue_indirect_dma source(%arg31 : memref<1344xf32, #tpu.memory_space<vmem>>) target(%dma_start3A_490 : memref<1048576xf32, #tpu.memory_space<vmem_shared>>) offsets(%arg27 : memref<1344xi32, #tpu.memory_space<vmem>>) semaphore(%arg51 : memref<!tpu.dma_semaphore, #tpu.memory_space<semaphore_mem>>) {add = true}
    %dma_wait3A_491 = arith.constant 0 : i32
    %dma_wait3A_492 = tpu.memref_slice %arg6[%dma_wait3A_491] : memref<1048576xf32, #tpu.memory_space<vmem_shared>> -> memref<1048576xf32, #tpu.memory_space<vmem_shared>>
    tpu.wait_indirect_dma semaphore(%arg50 : memref<!tpu.dma_semaphore, #tpu.memory_space<semaphore_mem>>) src(%arg16 : memref<1344xf32, #tpu.memory_space<vmem>>) dst(%dma_wait3A_492 : memref<1048576xf32, #tpu.memory_space<vmem_shared>>)
    %dma_wait3A_493 = arith.constant 0 : i32
    %dma_wait3A_494 = tpu.memref_slice %arg6[%dma_wait3A_493] : memref<1048576xf32, #tpu.memory_space<vmem_shared>> -> memref<1048576xf32, #tpu.memory_space<vmem_shared>>
    tpu.wait_indirect_dma semaphore(%arg50 : memref<!tpu.dma_semaphore, #tpu.memory_space<semaphore_mem>>) src(%arg17 : memref<1344xf32, #tpu.memory_space<vmem>>) dst(%dma_wait3A_494 : memref<1048576xf32, #tpu.memory_space<vmem_shared>>)
    %dma_wait3A_495 = arith.constant 0 : i32
    %dma_wait3A_496 = tpu.memref_slice %arg6[%dma_wait3A_495] : memref<1048576xf32, #tpu.memory_space<vmem_shared>> -> memref<1048576xf32, #tpu.memory_space<vmem_shared>>
    tpu.wait_indirect_dma semaphore(%arg50 : memref<!tpu.dma_semaphore, #tpu.memory_space<semaphore_mem>>) src(%arg18 : memref<1344xf32, #tpu.memory_space<vmem>>) dst(%dma_wait3A_496 : memref<1048576xf32, #tpu.memory_space<vmem_shared>>)
    %dma_wait3A_497 = arith.constant 0 : i32
    %dma_wait3A_498 = tpu.memref_slice %arg6[%dma_wait3A_497] : memref<1048576xf32, #tpu.memory_space<vmem_shared>> -> memref<1048576xf32, #tpu.memory_space<vmem_shared>>
    tpu.wait_indirect_dma semaphore(%arg50 : memref<!tpu.dma_semaphore, #tpu.memory_space<semaphore_mem>>) src(%arg19 : memref<1344xf32, #tpu.memory_space<vmem>>) dst(%dma_wait3A_498 : memref<1048576xf32, #tpu.memory_space<vmem_shared>>)
    %dma_wait3A_499 = arith.constant 0 : i32
    %dma_wait3A_500 = tpu.memref_slice %arg6[%dma_wait3A_499] : memref<1048576xf32, #tpu.memory_space<vmem_shared>> -> memref<1048576xf32, #tpu.memory_space<vmem_shared>>
    tpu.wait_indirect_dma semaphore(%arg51 : memref<!tpu.dma_semaphore, #tpu.memory_space<semaphore_mem>>) src(%arg28 : memref<1344xf32, #tpu.memory_space<vmem>>) dst(%dma_wait3A_500 : memref<1048576xf32, #tpu.memory_space<vmem_shared>>)
    %dma_wait3A_501 = arith.constant 0 : i32
    %dma_wait3A_502 = tpu.memref_slice %arg6[%dma_wait3A_501] : memref<1048576xf32, #tpu.memory_space<vmem_shared>> -> memref<1048576xf32, #tpu.memory_space<vmem_shared>>
    tpu.wait_indirect_dma semaphore(%arg51 : memref<!tpu.dma_semaphore, #tpu.memory_space<semaphore_mem>>) src(%arg29 : memref<1344xf32, #tpu.memory_space<vmem>>) dst(%dma_wait3A_502 : memref<1048576xf32, #tpu.memory_space<vmem_shared>>)
    %dma_wait3A_503 = arith.constant 0 : i32
    %dma_wait3A_504 = tpu.memref_slice %arg6[%dma_wait3A_503] : memref<1048576xf32, #tpu.memory_space<vmem_shared>> -> memref<1048576xf32, #tpu.memory_space<vmem_shared>>
    tpu.wait_indirect_dma semaphore(%arg51 : memref<!tpu.dma_semaphore, #tpu.memory_space<semaphore_mem>>) src(%arg30 : memref<1344xf32, #tpu.memory_space<vmem>>) dst(%dma_wait3A_504 : memref<1048576xf32, #tpu.memory_space<vmem_shared>>)
    %dma_wait3A_505 = arith.constant 0 : i32
    %dma_wait3A_506 = tpu.memref_slice %arg6[%dma_wait3A_505] : memref<1048576xf32, #tpu.memory_space<vmem_shared>> -> memref<1048576xf32, #tpu.memory_space<vmem_shared>>
    tpu.wait_indirect_dma semaphore(%arg51 : memref<!tpu.dma_semaphore, #tpu.memory_space<semaphore_mem>>) src(%arg31 : memref<1344xf32, #tpu.memory_space<vmem>>) dst(%dma_wait3A_506 : memref<1048576xf32, #tpu.memory_space<vmem_shared>>)
    %barrier3A_507 = arith.constant 0 : index
    tpu.barrier barrier_id(%barrier3A_507)
    %lt3A = arith.constant 15 : i32
    %lt3A_508 = arith.cmpi slt, %arg1, %lt3A : i32
    %convert_element_type3A = arith.extui %lt3A_508 : i1 to i32
    %cond3A = arith.constant 0 : i32
    %cond3A_509 = arith.cmpi ne, %convert_element_type3A, %cond3A : i32
    scf.if %cond3A_509 {
      %scan3A_514 = arith.constant 0 : i32
      %scan3A_515 = arith.constant 0 : i32
      %scan3A_516 = arith.constant 16 : i32
      %scan3A_517 = arith.addi %scan3A_515, %scan3A_516 : i32
      %scan3A_518 = arith.constant 1 : i32
      scf.for %scan3A_520 = %scan3A_515 to %scan3A_517 step %scan3A_518  : i32 {
        %mul3A_521 = arith.constant 65536 : i32
        %mul3A_522 = arith.muli %arg1, %mul3A_521 : i32
        %mul3A_523 = arith.constant 4096 : i32
        %mul3A_524 = arith.muli %scan3A_520, %mul3A_523 : i32
        %add3A_525 = arith.addi %mul3A_522, %mul3A_524 : i32
        "tpu.region"() ({
          %run_scoped3A = tpu.sem_alloc : memref<!tpu.dma_semaphore, #tpu.memory_space<semaphore_mem>>
          %dma_start3A_527 = tpu.memref_slice %arg6[%add3A_525] : memref<1048576xf32, #tpu.memory_space<vmem_shared>> -> memref<4096xf32, #tpu.memory_space<vmem_shared>>
          %dma_start3A_528 = tpu.memref_slice %arg6[%add3A_525] : memref<1048576xf32, #tpu.memory_space<vmem_shared>> -> memref<4096xf32, #tpu.memory_space<vmem_shared>>
          tpu.enqueue_dma source(%dma_start3A_528 : memref<4096xf32, #tpu.memory_space<vmem_shared>>) target(%arg7 : memref<4096xf32, #tpu.memory_space<vmem>>) target_semaphore(%run_scoped3A : memref<!tpu.dma_semaphore, #tpu.memory_space<semaphore_mem>>)
          %dma_wait3A_529 = tpu.memref_slice %arg6[%add3A_525] : memref<1048576xf32, #tpu.memory_space<vmem_shared>> -> memref<4096xf32, #tpu.memory_space<vmem_shared>>
          %dma_wait3A_530 = tpu.memref_slice %arg6[%add3A_525] : memref<1048576xf32, #tpu.memory_space<vmem_shared>> -> memref<4096xf32, #tpu.memory_space<vmem_shared>>
          tpu.wait_dma2 semaphore(%run_scoped3A : memref<!tpu.dma_semaphore, #tpu.memory_space<semaphore_mem>>) src(%dma_wait3A_530 : memref<4096xf32, #tpu.memory_space<vmem_shared>>) dst(%arg7 : memref<4096xf32, #tpu.memory_space<vmem>>)
          tpu.yield
        }) : () -> ()
        %add3A_526 = arith.addi %mul3A_0, %add3A_525 : i32
        "tpu.region"() ({
          %run_scoped3A = tpu.sem_alloc : memref<!tpu.dma_semaphore, #tpu.memory_space<semaphore_mem>>
          %dma_start3A_527 = tpu.memref_slice %arg5[%add3A_526] : memref<2000000xf32, #tpu.memory_space<hbm>> -> memref<4096xf32, #tpu.memory_space<hbm>>
          %dma_start3A_528 = tpu.memref_slice %arg5[%add3A_526] : memref<2000000xf32, #tpu.memory_space<hbm>> -> memref<4096xf32, #tpu.memory_space<hbm>>
          tpu.enqueue_dma source(%arg7 : memref<4096xf32, #tpu.memory_space<vmem>>) target(%dma_start3A_528 : memref<4096xf32, #tpu.memory_space<hbm>>) target_semaphore(%run_scoped3A : memref<!tpu.dma_semaphore, #tpu.memory_space<semaphore_mem>>)
          %dma_wait3A_529 = tpu.memref_slice %arg5[%add3A_526] : memref<2000000xf32, #tpu.memory_space<hbm>> -> memref<4096xf32, #tpu.memory_space<hbm>>
          %dma_wait3A_530 = tpu.memref_slice %arg5[%add3A_526] : memref<2000000xf32, #tpu.memory_space<hbm>> -> memref<4096xf32, #tpu.memory_space<hbm>>
          tpu.wait_dma2 semaphore(%run_scoped3A : memref<!tpu.dma_semaphore, #tpu.memory_space<semaphore_mem>>) src(%arg7 : memref<4096xf32, #tpu.memory_space<vmem>>) dst(%dma_wait3A_530 : memref<4096xf32, #tpu.memory_space<hbm>>)
          tpu.yield
        }) : () -> ()
      }
      %scan3A_519 = arith.constant 16 : i32
    } else {
    }
    %eq3A = arith.constant 15 : i32
    %eq3A_510 = arith.cmpi eq, %arg1, %eq3A : i32
    %convert_element_type3A_511 = arith.extui %eq3A_510 : i1 to i32
    %cond3A_512 = arith.constant 0 : i32
    %cond3A_513 = arith.cmpi ne, %convert_element_type3A_511, %cond3A_512 : i32
    scf.if %cond3A_513 {
      %scan3A_514 = arith.constant 0 : i32
      %scan3A_515 = arith.constant 0 : i32
      %scan3A_516 = arith.constant 4 : i32
      %scan3A_517 = arith.addi %scan3A_515, %scan3A_516 : i32
      %scan3A_518 = arith.constant 1 : i32
      scf.for %scan3A_525 = %scan3A_515 to %scan3A_517 step %scan3A_518  : i32 {
        %mul3A_526 = arith.constant 65536 : i32
        %mul3A_527 = arith.muli %arg1, %mul3A_526 : i32
        %mul3A_528 = arith.constant 4096 : i32
        %mul3A_529 = arith.muli %scan3A_525, %mul3A_528 : i32
        %add3A_530 = arith.addi %mul3A_527, %mul3A_529 : i32
        "tpu.region"() ({
          %run_scoped3A = tpu.sem_alloc : memref<!tpu.dma_semaphore, #tpu.memory_space<semaphore_mem>>
          %dma_start3A_532 = tpu.memref_slice %arg6[%add3A_530] : memref<1048576xf32, #tpu.memory_space<vmem_shared>> -> memref<4096xf32, #tpu.memory_space<vmem_shared>>
          %dma_start3A_533 = tpu.memref_slice %arg6[%add3A_530] : memref<1048576xf32, #tpu.memory_space<vmem_shared>> -> memref<4096xf32, #tpu.memory_space<vmem_shared>>
          tpu.enqueue_dma source(%dma_start3A_533 : memref<4096xf32, #tpu.memory_space<vmem_shared>>) target(%arg7 : memref<4096xf32, #tpu.memory_space<vmem>>) target_semaphore(%run_scoped3A : memref<!tpu.dma_semaphore, #tpu.memory_space<semaphore_mem>>)
          %dma_wait3A_534 = tpu.memref_slice %arg6[%add3A_530] : memref<1048576xf32, #tpu.memory_space<vmem_shared>> -> memref<4096xf32, #tpu.memory_space<vmem_shared>>
          %dma_wait3A_535 = tpu.memref_slice %arg6[%add3A_530] : memref<1048576xf32, #tpu.memory_space<vmem_shared>> -> memref<4096xf32, #tpu.memory_space<vmem_shared>>
          tpu.wait_dma2 semaphore(%run_scoped3A : memref<!tpu.dma_semaphore, #tpu.memory_space<semaphore_mem>>) src(%dma_wait3A_535 : memref<4096xf32, #tpu.memory_space<vmem_shared>>) dst(%arg7 : memref<4096xf32, #tpu.memory_space<vmem>>)
          tpu.yield
        }) : () -> ()
        %add3A_531 = arith.addi %mul3A_0, %add3A_530 : i32
        "tpu.region"() ({
          %run_scoped3A = tpu.sem_alloc : memref<!tpu.dma_semaphore, #tpu.memory_space<semaphore_mem>>
          %dma_start3A_532 = tpu.memref_slice %arg5[%add3A_531] : memref<2000000xf32, #tpu.memory_space<hbm>> -> memref<4096xf32, #tpu.memory_space<hbm>>
          %dma_start3A_533 = tpu.memref_slice %arg5[%add3A_531] : memref<2000000xf32, #tpu.memory_space<hbm>> -> memref<4096xf32, #tpu.memory_space<hbm>>
          tpu.enqueue_dma source(%arg7 : memref<4096xf32, #tpu.memory_space<vmem>>) target(%dma_start3A_533 : memref<4096xf32, #tpu.memory_space<hbm>>) target_semaphore(%run_scoped3A : memref<!tpu.dma_semaphore, #tpu.memory_space<semaphore_mem>>)
          %dma_wait3A_534 = tpu.memref_slice %arg5[%add3A_531] : memref<2000000xf32, #tpu.memory_space<hbm>> -> memref<4096xf32, #tpu.memory_space<hbm>>
          %dma_wait3A_535 = tpu.memref_slice %arg5[%add3A_531] : memref<2000000xf32, #tpu.memory_space<hbm>> -> memref<4096xf32, #tpu.memory_space<hbm>>
          tpu.wait_dma2 semaphore(%run_scoped3A : memref<!tpu.dma_semaphore, #tpu.memory_space<semaphore_mem>>) src(%arg7 : memref<4096xf32, #tpu.memory_space<vmem>>) dst(%dma_wait3A_535 : memref<4096xf32, #tpu.memory_space<hbm>>)
          tpu.yield
        }) : () -> ()
      }
      %scan3A_519 = arith.constant 4 : i32
      %mul3A_520 = arith.constant 65536 : i32
      %mul3A_521 = arith.muli %arg1, %mul3A_520 : i32
      %add3A_522 = arith.constant 16384 : i32
      %add3A_523 = arith.addi %mul3A_521, %add3A_522 : i32
      "tpu.region"() ({
        %run_scoped3A = tpu.sem_alloc : memref<!tpu.dma_semaphore, #tpu.memory_space<semaphore_mem>>
        %dma_start3A_525 = arith.constant 0 : i32
        %dma_start3A_526 = tpu.memref_slice %arg7[%dma_start3A_525] : memref<4096xf32, #tpu.memory_space<vmem>> -> memref<576xf32, #tpu.memory_space<vmem>>
        %dma_start3A_527 = tpu.memref_slice %arg6[%add3A_523] : memref<1048576xf32, #tpu.memory_space<vmem_shared>> -> memref<576xf32, #tpu.memory_space<vmem_shared>>
        %dma_start3A_528 = arith.constant 0 : i32
        %dma_start3A_529 = tpu.memref_slice %arg7[%dma_start3A_528] : memref<4096xf32, #tpu.memory_space<vmem>> -> memref<576xf32, #tpu.memory_space<vmem>>
        %dma_start3A_530 = tpu.memref_slice %arg6[%add3A_523] : memref<1048576xf32, #tpu.memory_space<vmem_shared>> -> memref<576xf32, #tpu.memory_space<vmem_shared>>
        tpu.enqueue_dma source(%dma_start3A_530 : memref<576xf32, #tpu.memory_space<vmem_shared>>) target(%dma_start3A_529 : memref<576xf32, #tpu.memory_space<vmem>>) target_semaphore(%run_scoped3A : memref<!tpu.dma_semaphore, #tpu.memory_space<semaphore_mem>>)
        %dma_wait3A_531 = arith.constant 0 : i32
        %dma_wait3A_532 = tpu.memref_slice %arg7[%dma_wait3A_531] : memref<4096xf32, #tpu.memory_space<vmem>> -> memref<576xf32, #tpu.memory_space<vmem>>
        %dma_wait3A_533 = tpu.memref_slice %arg6[%add3A_523] : memref<1048576xf32, #tpu.memory_space<vmem_shared>> -> memref<576xf32, #tpu.memory_space<vmem_shared>>
        %dma_wait3A_534 = arith.constant 0 : i32
        %dma_wait3A_535 = tpu.memref_slice %arg7[%dma_wait3A_534] : memref<4096xf32, #tpu.memory_space<vmem>> -> memref<576xf32, #tpu.memory_space<vmem>>
        %dma_wait3A_536 = tpu.memref_slice %arg6[%add3A_523] : memref<1048576xf32, #tpu.memory_space<vmem_shared>> -> memref<576xf32, #tpu.memory_space<vmem_shared>>
        tpu.wait_dma2 semaphore(%run_scoped3A : memref<!tpu.dma_semaphore, #tpu.memory_space<semaphore_mem>>) src(%dma_wait3A_536 : memref<576xf32, #tpu.memory_space<vmem_shared>>) dst(%dma_wait3A_535 : memref<576xf32, #tpu.memory_space<vmem>>)
        tpu.yield
      }) : () -> ()
      %add3A_524 = arith.addi %mul3A_0, %add3A_523 : i32
      "tpu.region"() ({
        %run_scoped3A = tpu.sem_alloc : memref<!tpu.dma_semaphore, #tpu.memory_space<semaphore_mem>>
        %dma_start3A_525 = arith.constant 0 : i32
        %dma_start3A_526 = tpu.memref_slice %arg7[%dma_start3A_525] : memref<4096xf32, #tpu.memory_space<vmem>> -> memref<576xf32, #tpu.memory_space<vmem>>
        %dma_start3A_527 = tpu.memref_slice %arg5[%add3A_524] : memref<2000000xf32, #tpu.memory_space<hbm>> -> memref<576xf32, #tpu.memory_space<hbm>>
        %dma_start3A_528 = tpu.memref_slice %arg5[%add3A_524] : memref<2000000xf32, #tpu.memory_space<hbm>> -> memref<576xf32, #tpu.memory_space<hbm>>
        %dma_start3A_529 = arith.constant 0 : i32
        %dma_start3A_530 = tpu.memref_slice %arg7[%dma_start3A_529] : memref<4096xf32, #tpu.memory_space<vmem>> -> memref<576xf32, #tpu.memory_space<vmem>>
        tpu.enqueue_dma source(%dma_start3A_530 : memref<576xf32, #tpu.memory_space<vmem>>) target(%dma_start3A_528 : memref<576xf32, #tpu.memory_space<hbm>>) target_semaphore(%run_scoped3A : memref<!tpu.dma_semaphore, #tpu.memory_space<semaphore_mem>>)
        %dma_wait3A_531 = arith.constant 0 : i32
        %dma_wait3A_532 = tpu.memref_slice %arg7[%dma_wait3A_531] : memref<4096xf32, #tpu.memory_space<vmem>> -> memref<576xf32, #tpu.memory_space<vmem>>
        %dma_wait3A_533 = tpu.memref_slice %arg5[%add3A_524] : memref<2000000xf32, #tpu.memory_space<hbm>> -> memref<576xf32, #tpu.memory_space<hbm>>
        %dma_wait3A_534 = tpu.memref_slice %arg5[%add3A_524] : memref<2000000xf32, #tpu.memory_space<hbm>> -> memref<576xf32, #tpu.memory_space<hbm>>
        %dma_wait3A_535 = arith.constant 0 : i32
        %dma_wait3A_536 = tpu.memref_slice %arg7[%dma_wait3A_535] : memref<4096xf32, #tpu.memory_space<vmem>> -> memref<576xf32, #tpu.memory_space<vmem>>
        tpu.wait_dma2 semaphore(%run_scoped3A : memref<!tpu.dma_semaphore, #tpu.memory_space<semaphore_mem>>) src(%dma_wait3A_536 : memref<576xf32, #tpu.memory_space<vmem>>) dst(%dma_wait3A_534 : memref<576xf32, #tpu.memory_space<hbm>>)
        tpu.yield
      }) : () -> ()
    } else {
    }
    return
  }
}

</mosaic_0001>

<sc_bundles>
// kernel: kernel.3.cloned.1.call-start
scs
__scs_entry_jumppad:
0x0: {  	(pc) =	sbr.rel $0x88, $3  }
0x1: {  	(tag) =	ssettag $0x0;
	lr =	simm.s32 $0x1  }
0x2: {  	[smem:$0x3F9E] =	sst lr;
	_ =	strace $0xD0000000  }
0x3: {  	_ = 	snop  }
0x4: {  	_ = 	snop  }
0x5: {  	_ = 	snop  }
0x6: {  	_ = 	snop  }
0x7: {  	_ = 	snop  }
__scs_overlays_trampoline_lowered:
0x8: {  	[smem:$0x3FAD] =	sst s0  }
0x9: {  	[smem:$0x3FAE] =	sst s1  }
0xa: {  	[smem:$0x3FAF] =	sst s2  }
0xb: {  	[smem:$0x3FB0] =	sst s3  }
0xc: {  	[smem:$0x3FB1] =	sst s4  }
0xd: {  	[smem:$0x3FB2] =	sst s5  }
0xe: {  	[smem:$0x3FB3] =	sst s6  }
0xf: {  	[smem:$0x3FB4] =	sst s7  }
0x10: {  	[smem:$0x3FB5] =	sst s8  }
0x11: {  	[smem:$0x3FB6] =	sst s9;
	s0 =	simm.s32 @!p0 $0x0  }
0x12: {  	s1 =	sld [smem:$0x3F9C];
	s0 =	simm.s32 @p0 $0x1  }
0x13: {  	[smem:$0x3FB7] =	sst s0;
	s0 =	simm.s32 @!p1 $0x0  }
0x14: {  	s2 =	sld [smem:$0x3F9B];
	s0 =	simm.s32 @p1 $0x1  }
0x15: {  	[smem:$0x3FB8] =	sst s0;
	s0 =	simm.s32 @!p2 $0x0  }
0x16: {  	s3 =	sld [smem:$0x3FDB];
	s0 =	simm.s32 @p2 $0x1  }
0x17: {  	s4 =	simm.s32 $0x1BF5;
	[smem:$0x3FBA] =	sst s0  }
0x18: {  	s0 =	sld [smem:$0x3F9D];
	_ =	swait.ge [sflag:s4], $0x0  }
0x19: {  	s7 =	sld [smem:$0x3F9E]  }
0x1a: {  	s8 =	sadd.s32 $0xFFFFE003, lr  }
0x1b: {  	s9 =	sadd.s32 $0xFFFFFEF7, lr;
	s5 =	simm.s32 $0xFFFFFFFF;
	p2 =	slt.u32 s8, $0xFFFFF086  }
0x1c: {  	p1 =	slt.u32 s9, $0xF7A;
	s5 =	simm.s32 @!p2 $0x0  }
0x1d: {  	s5 =	simm.s32 @p1 $0x1;
	p0 =	seq.s32 s7, s2  }
0x1e: {  	s7 =	smul.u32 @!p0 $0xF7A, s2;
	p2 =	seq.s32 @!p0 s5, $0x0  }
0x1f: {  	s9 =	smul.u32 $0xF7A, s1;
	s8 =	simm.s32 @!p0 $0x1BF5;
	p2 =	por !p2, p0  }
0x20: {  	[sflag:s8] =	ssyncset.s32 @!p0 $0xFFFFF086;
	s6 =	sadd.s32 @!p0 s3, s7;
	s7 =	simm.s32 @!p0 $0x108  }
0x21: {  	s3 =	sadd.s32 s3, s9;
	s6 =	sadd.s32 @!p0 $0x88, s6;
	s7 =	simm.s32 @p2 $0x1082  }
0x22: {  	[simem:s7], [sflag:s8] =	dma.local @!p0 [hbm:s6], $0xF7A  }
0x23: {  	s9 =	sor.u32 $0xD0000000, s2;
	s6 =	simm.s32 $0x108;
	_ =	swait.ge @!p0 [sflag:s8], $0x0  }
0x24: {  	s3 =	sadd.s32 $0x88, s3;
	s6 =	simm.s32 @!p1 $0x1082;
	[sflag:s4] =	ssyncset.s32 $0xFFFFF086  }
0x25: {  	[simem:s6], [sflag:s4] =	dma.local [hbm:s3], $0xF7A  }
0x26: {  	[smem:$0x3F9E] =	sst s1;
	(tag) =	ssettag s2;
	_ =	strace s9  }
0x27: {  	s1 =	sld [smem:$0x3FAE]  }
0x28: {  	s2 =	sld [smem:$0x3FAF]  }
0x29: {  	s4 =	sld [smem:$0x3FB1]  }
0x2a: {  	p0 =	seq.s32 s5, $0x0;
	s5 =	sld [smem:$0x3FB2]  }
0x2b: {  	s6 =	sld [smem:$0x3FB3]  }
0x2c: {  	s7 =	sld [smem:$0x3FB4]  }
0x2d: {  	s3 =	simm.s32 $0x108;
	s8 =	sld [smem:$0x3FB5]  }
0x2e: {  	s3 =	simm.s32 @!p0 $0x1082;
	s9 =	sld [smem:$0x3FB6]  }
0x2f: {  	lr =	sadd.s32 s0, s3;
	s0 =	sld [smem:$0x3FAD]  }
0x30: {  	s3 =	sld [smem:$0x3FB0]  }
0x31: {  	[smem:$0x3FB9] =	sst s10  }
0x32: {  	s10 =	sld [smem:$0x3FB7];
	_ =	sdelay $0x3  }
0x33: {  	p0 =	seq.s32 s10, $0x1;
	s10 =	sld [smem:$0x3FB9];
	_ =	sdelay $0x3  }
0x34: {  	[smem:$0x3FB9] =	sst s10  }
0x35: {  	s10 =	sld [smem:$0x3FB8];
	_ =	sdelay $0x3  }
0x36: {  	p1 =	seq.s32 s10, $0x1;
	s10 =	sld [smem:$0x3FB9];
	_ =	sdelay $0x3  }
0x37: {  	[smem:$0x3FB9] =	sst s10  }
0x38: {  	s10 =	sld [smem:$0x3FBA]  }
0x39: {  	_ = 	snop;
	(pc) =	sbr.ind lr, $3  }
0x3a: {  	_ = 	snop  }
0x3b: {  	_ = 	snop  }
0x3c: {  	p2 =	seq.s32 s10, $0x1;
	s10 =	sld [smem:$0x3FB9]  }
0x3d: {  	_ =	shalt  }
0x3e: {  	_ =	shalt  }
0x3f: {  	_ =	shalt  }
0x40: {  	_ =	shalt  }
0x41: {  	_ =	shalt  }
0x42: {  	_ =	shalt  }
0x43: {  	_ =	shalt  }
0x44: {  	_ =	shalt  }
0x45: {  	_ =	shalt  }
0x46: {  	_ =	shalt  }
0x47: {  	_ =	shalt  }
0x48: {  	_ =	shalt  }
0x49: {  	_ =	shalt  }
0x4a: {  	_ =	shalt  }
0x4b: {  	_ =	shalt  }
0x4c: {  	_ =	shalt  }
0x4d: {  	_ =	shalt  }
0x4e: {  	_ =	shalt  }
0x4f: {  	_ =	shalt  }
0x50: {  	_ =	shalt  }
0x51: {  	_ =	shalt  }
0x52: {  	_ =	shalt  }
0x53: {  	_ =	shalt  }
0x54: {  	_ =	shalt  }
0x55: {  	_ =	shalt  }
0x56: {  	_ =	shalt  }
0x57: {  	_ =	shalt  }
0x58: {  	_ =	shalt  }
0x59: {  	_ =	shalt  }
0x5a: {  	_ =	shalt  }
0x5b: {  	_ =	shalt  }
0x5c: {  	_ =	shalt  }
0x5d: {  	_ =	shalt  }
0x5e: {  	_ =	shalt  }
0x5f: {  	_ =	shalt  }
0x60: {  	_ =	shalt  }
0x61: {  	_ =	shalt  }
0x62: {  	_ =	shalt  }
0x63: {  	_ =	shalt  }
0x64: {  	_ =	shalt  }
0x65: {  	_ =	shalt  }
0x66: {  	_ =	shalt  }
0x67: {  	_ =	shalt  }
0x68: {  	_ =	shalt  }
0x69: {  	_ =	shalt  }
0x6a: {  	_ =	shalt  }
0x6b: {  	_ =	shalt  }
0x6c: {  	_ =	shalt  }
0x6d: {  	_ =	shalt  }
0x6e: {  	_ =	shalt  }
0x6f: {  	_ =	shalt  }
0x70: {  	_ =	shalt  }
0x71: {  	_ =	shalt  }
0x72: {  	_ =	shalt  }
0x73: {  	_ =	shalt  }
0x74: {  	_ =	shalt  }
0x75: {  	_ =	shalt  }
0x76: {  	_ =	shalt  }
0x77: {  	_ =	shalt  }
0x78: {  	_ =	shalt  }
0x79: {  	_ =	shalt  }
0x7a: {  	_ =	shalt  }
0x7b: {  	_ =	shalt  }
0x7c: {  	_ =	shalt  }
0x7d: {  	_ =	shalt  }
0x7e: {  	_ =	shalt  }
0x7f: {  	_ =	shalt  }
0x80: {  	_ =	shalt  }
0x81: {  	_ =	shalt  }
0x82: {  	_ =	shalt  }
0x83: {  	_ =	shalt  }
0x84: {  	_ =	shalt  }
0x85: {  	_ =	shalt  }
0x86: {  	_ =	shalt  }
0x87: {  	_ =	shalt  }
.Lfunc_end0:
.L_simem_size_0:
called_computation.1_lowered:
.L_overlay_start_0:
0x88: {  	s2 =	sld [smem:$0x3FD9]  }
0x89: {  	s3 =	sld [smem:$0x3FFE];
	_ =	sdelay $0x1  }
0x8a: {  	s1 =	srdreg.scid  }
0x8b: {  	s0 =	sand.u32 $0x1, s1  }
0x8c: {  	s17 =	sshll.u32 s0, $0xA;
	s2 =	sadd.s32 s3, s2  }
0x8d: {  	s2 =	sadd.s32 s2, s17  }
0x8e: {  	[smem:$0x3FC5] =	sst s2  }
0x8f: {  	_ = 	snop  }
0x90: {  	s2 =	sld [smem:$0x3FD0];
	(tm) =	ssettm $0x1  }
0x91: {  	s18 =	sld [smem:$0x3FFB];
	_ =	sdelay $0x3  }
0x92: {  	_ =	strace s18  }
0x93: {  	s3 =	sld [smem:$0x3FFC];
	_ =	sdelay $0x3  }
0x94: {  	_ =	strace s3  }
0x95: {  	s3 =	sld [smem:$0x3FFD];
	_ =	sdelay $0x3  }
0x96: {  	_ =	strace s3  }
0x97: {  	_ =	strace $0x8FFFFFFF  }
0x98: {  	s19 =	sld [smem:$0x3FDB];
	_ =	sdelay $0x1  }
0x99: {  	s4 =	simm.s32 $_scs_section_size  }
0x9a: {  	s5 =	simm.s32 $_size__tile_overlayer_lowered;
	s6 =	simm.s32 $_tile_overlayer_lowered  }
0x9b: {  	s22 =	simm.s32 $0x1BFF;
	s21 =	sshll.u32 s6, $0x1;
	s3 =	sadd.s32 s4, s19  }
0x9c: {  	s7 =	simm.s32 $0x0;
	s20 =	sshll.u32 s5, $0x1;
	s5 =	sadd.s32 s21, s3  }
0x9d: {  	[timem:s7], [sflag:s22] =	dma.local [hbm:s5], s20  }
0x9e: {  	_ =	swait.ge [sflag:s22], s20  }
0x9f: {  	s4 =	ssub.s32 $0x0, s20;
	[sflag:s22] =	ssyncset.done $0x0  }
0xa0: {  	[sflag:s22] =	ssyncadd.s32 s4;
	_ =	sdelay $0x1  }
0xa1: {  	s23 =	simm.s32 $0x1B8B  }
0xa2: {  	_ =	swait.ge [sflag:s23], $0x1  }
0xa3: {  	[sflag:s23] =	ssyncset.done $0x0  }
0xa4: {  	s25 =	simm.s32 $0x1B8E;
	s24 =	sld [smem:$0x3FFE];
	[sflag:s23] =	ssyncadd.s32 $0xFFFFFFFF  }
0xa5: {  	s26 =	simm.s32 $execute0_lowered;
	[smem:$0x3FD2] =	sst s25  }
0xa6: {  	s5 =	sshll.u32 s26, $0x1;
	_ =	strace $0x80000049;
	[dreg:$0x1] =	wrdreg $0xFFFFFFFF  }
0xa7: {  	s28 =	simm.s32 $_size_execute0_lowered;
	s3 =	sadd.s32 s3, s5;
	[dreg:$0x0] =	wrdreg $0x0  }
0xa8: {  	s5 =	sshll.u32 s28, $0x1;
	[dreg:$0x2] =	wrdreg s3  }
0xa9: {  	[dreg:$0x3] =	wrdreg s5  }
0xaa: {  	[dreg:$0x4] =	wrdreg $0xC0  }
0xab: {  	_ =	task [dreg:s7], $0x5FFFF  }
0xac: {  	[dreg:$0x1] =	wrdreg $0xFFFFFFFF  }
0xad: {  	[dreg:$0x0] =	wrdreg $0x60  }
0xae: {  	[dreg:$0x2] =	wrdreg s24  }
0xaf: {  	[dreg:$0x3] =	wrdreg s2  }
0xb0: {  	[dreg:$0x4] =	wrdreg $0x0  }
0xb1: {  	[dreg:$0x5] =	wrdreg $0x9  }
0xb2: {  	_ =	task.clear_ibuf [dreg:s7], $0x6FFFF;
	_ =	strace $0x90000049  }
0xb3: {  	s29 =	simm.s32 $0x9;
	_ =	strace $0x8000004B  }
0xb4: {  	_ =	swait.ge [sflag:s29], $0x1  }
0xb5: {  	[sflag:s29] =	ssyncadd.s32 $0xFFFFFFFF  }
0xb6: {  	_ =	strace $0x9000004B  }
0xb7: {  	_ =	sfence  }
0xb8: {  	s30 =	sld [smem:$0x0];
	_ =	sdelay $0x2  }
0xb9: {  	s31 =	sshll.u32 s1, $0xD;
	s1 =	sshrl.u32 s1, $0x2  }
0xba: {  	s3 =	sand.u32 $0x4000, s31;
	s1 =	sadd.s32 s1, s30  }
0xbb: {  	s0 =	sor.u32 s3, s0;
	s1 =	sshll.u32 s1, $0x11  }
0xbc: {  	s0 =	sor.u32 s1, s0  }
0xbd: {  	s0 =	sadd.s32 $0x8F2B, s0  }
0xbe: {  	[sflag:s0] =	ssyncadd.remote.s32 $0x1  }
0xbf: {  	_ =	sfence.sel $0xFFFF  }
0xc0: {  	[dreg:$0x0] =	wrdreg $0xFFFFFFFF;
	(pc) =	sbr.abs _section_cstart, $3  }
0xc1: {  	[dreg:$0x1] =	wrdreg $0xFFFFFFFF  }
0xc2: {  	_ =	task.clear_ibuf [dreg:s7], $0x2FFFF;
	_ =	strace $0x9FFFFFFF  }
0xc3: {  	(tm) =	ssettm $0x7FFFFFFF  }
tec
execute0_lowered:
.L_overlay_start_1:
0x0: {  	(tag) =	ssettag $0x1  }
0x1: {  	s0 =	rddreg [dreg:$0x0]  }
0x2: {  	s2 =	rddreg [dreg:$0x1]  }
0x3: {  	s1 =	rddreg [dreg:$0x2];
	s3 =	simm.s32 $0x0;
	s4 =	srdreg.scid  }
0x4: {  	s11 =	stileid.u32;
	[smem:$0x7FF] =	sst s3  }
0x5: {  	s6 =	sand.u32 $0x1, s4;
	s8 =	smul.u32 $0x2A00, s11;
	s4 =	sadd.s32 $0x200800, s0  }
0x6: {  	s5 =	sadd.s32 $0x800, s0;
	s15 =	sshll.u32 s11, $0x10;
	s22 =	sadd.s32 $0xF4000, s1  }
0x7: {  	_ =	strace $0x8000004A;
	s12 =	sadd.s32 s15, s1;
	[dreg:$0xd] =	wrdreg s22  }
0x8: {  	s10 =	sadd.s32 $0x23DA00, s0;
	s24 =	sadd.s32 $0x1000, s12;
	[dreg:$0x5] =	wrdreg s12  }
0x9: {  	p0 =	sne.s32 s11, $0xF;
	s11 =	sadd.s32 $0x5000, s12;
	[dreg:$0x10] =	wrdreg s24  }
0xa: {  	s0 =	smul.u32 $0xF4240, s6;
	s13 =	sadd.s32 $0x6000, s12;
	[dreg:$0x18] =	wrdreg s11  }
0xb: {  	s8 =	sshrl.u32 s8, $0x3;
	s22 =	sadd.s32 $0xE000, s12;
	[dreg:$0x19] =	wrdreg s13  }
0xc: {  	s14 =	sadd.s32 s2, s8;
	[smem:$0x7F8] =	sst s22  }
0xd: {  	s2 =	sadd.s32 s15, s0;
	s15 =	sadd.s32 $0x8000, s12;
	[dreg:$0x4] =	wrdreg s14  }
0xe: {  	s29 =	simm.s32 $0x16D80;
	s24 =	sadd.s32 $0xF0000, s1;
	[dreg:$0x1b] =	wrdreg s15  }
0xf: {  	s31 =	simm.s32 $0x17300;
	s16 =	sadd.s32 $0xA8, s14;
	[smem:$0x7FA] =	sst s24  }
0x10: {  	s30 =	simm.s32 $0x2;
	s17 =	sadd.s32 $0x150, s14;
	[dreg:$0x6] =	wrdreg s16  }
0x11: {  	s7 =	ssub.s32 $0x2, s6;
	s8 =	sadd.s32 $0x1F8, s14;
	[dreg:$0x7] =	wrdreg s17  }
0x12: {  	s9 =	sshrl.u32 s7, $0x1;
	s18 =	sadd.s32 $0x2A0, s14;
	[dreg:$0x8] =	wrdreg s8  }
0x13: {  	s7 =	ssub.s32 s7, s9;
	s19 =	sadd.s32 $0x348, s14;
	[dreg:$0x9] =	wrdreg s18  }
0x14: {  	s6 =	sadd.s32 $0xF4240, s0;
	s20 =	sadd.s32 $0x3F0, s14;
	[dreg:$0xa] =	wrdreg s19  }
0x15: {  	s21 =	sshrl.u32 s0, $0x3;
	s9 =	sadd.s32 $0x498, s14;
	[dreg:$0xb] =	wrdreg s20  }
0x16: {  	s22 =	simm.s32 $0x8;
	s7 =	smax.u32 s7, $0x1;
	[dreg:$0xc] =	wrdreg s9  }
0x17: {  	s2 =	sshrl.u32 s2, $0x3;
	s14 =	sadd.s32 $0x7000, s12;
	[dreg:$0xf] =	wrdreg s7  }
0x18: {  	s8 =	sadd.s32 s10, s21;
	s9 =	sadd.s32 $0x3000, s12;
	[dreg:$0x1a] =	wrdreg s14  }
0x19: {  	s21 =	sadd.s32 s2, s10;
	s10 =	sadd.s32 $0x4000, s12;
	[dreg:$0x16] =	wrdreg s9  }
0x1a: {  	s11 =	simm.s32 $0x6;
	s16 =	sadd.s32 $0x9000, s12;
	[dreg:$0x17] =	wrdreg s10  }
0x1b: {  	s13 =	simm.s32 $0x9;
	s17 =	sadd.s32 $0xA000, s12;
	[dreg:$0x1c] =	wrdreg s16  }
0x1c: {  	s24 =	simm.s32 $0x10000;
	s18 =	sadd.s32 $0xB000, s12;
	[dreg:$0x1d] =	wrdreg s17  }
0x1d: {  	s15 =	simm.s32 $0x1;
	s19 =	sadd.s32 $0xC000, s12;
	[dreg:$0x1e] =	wrdreg s18  }
0x1e: {  	s20 =	sadd.s32 $0xD000, s12;
	s14 =	simm.s32 $0x13100;
	[dreg:$0x1f] =	wrdreg s19  }
0x1f: {  	s2 =	simm.s32 $0x17880;
	s23 =	sadd.s32 $0x1E800, s8;
	[smem:$0x7F7] =	sst s20  }
0x20: {  	s25 =	sadd.s32 $0x1E000, s8;
	s26 =	sadd.s32 $0x1E200, s8;
	[dreg:$0xe] =	wrdreg s23  }
0x21: {  	s28 =	sadd.s32 $0x1E400, s8;
	s7 =	sadd.s32 $0x1E600, s8;
	[dreg:$0x11] =	wrdreg s25  }
0x22: {  	s8 =	sadd.s32 $0x2000, s12;
	s9 =	simm.s32 $0x540;
	[dreg:$0x12] =	wrdreg s26  }
0x23: {  	s10 =	simm.s32 $0x12600;
	s18 =	simm.s32 $0x13680;
	[dreg:$0x13] =	wrdreg s28  }
0x24: {  	s16 =	simm.s32 $0x7;
	s19 =	simm.s32 $0x3;
	[dreg:$0x14] =	wrdreg s7  }
0x25: {  	s20 =	simm.s32 $0x5;
	[dreg:$0x15] =	wrdreg s8;
	s23 =	sadd.s32 $0xF000, s12  }
.Ltmp0:
0x26: {  	s25 =	sadd.s32 $0xF1000, s1;
	[smem:$0x7F9] =	sst s23;
	(pc) =	sbr.rel .LBB2_1-.Ltmp0, $4  }
0x27: {  	s17 =	simm.s32 $0x0;
	s26 =	sadd.s32 $0xF2000, s1;
	[smem:$0x7FB] =	sst s25  }
0x28: {  	s28 =	sadd.s32 $0xF3000, s1;
	s8 =	simm.s32 $0xA;
	[smem:$0x7FC] =	sst s26  }
0x29: {  	v2 =	vimm.s32 $0x0;
	v3 =	vimm.s32 $0x100;
	s12 =	simm.s32 $0x12B80;
	s7 =	simm.s32 $0x18900;
	[smem:$0x7FD] =	sst s28  }
0x2a: {  	v4 =	vimm.f32 $0.0e+00;
	v0 =	vmov s0;
	v1 =	vmov s6;
	s26 =	simm.s32 $0x16800;
	s23 =	simm.s32 $0x18E80;
	s25 =	simm.s32 $0x4  }
.LBB2_36:
0x2b: {  	s0 =	sld [smem:$0x7FA];
	_ =	sdelay $0x2  }
0x2c: {  	[tilespmem:s24], [sflag:$0xA] =	stream.linear.gather [spmem:s0], $0x1000, $0x38;
	[tilespmem:$0x1D600] =	vst v63  }
0x2d: {  	_ =	swait.ge [sflag:s8], $0x1000  }
0x2e: {  	[sflag:s8] =	ssyncset.done $0x0  }
0x2f: {  	s28 =	rddreg [dreg:$0x11];
	[sflag:s8] =	ssyncadd.s32 $0xFFFFF000  }
0x30: {  	[hbm4b:s28+s3] =	stream.linear.scatter [tilespmem:s24], [sflag:$0xA], $0x1000, $0x38;
	[tilespmem:$0x1D600] =	vst v63  }
0x31: {  	_ =	swait.ge [sflag:s8], $0x1000  }
0x32: {  	s6 =	sld [smem:$0x7FB]  }
0x33: {  	[sflag:s8] =	ssyncset.done $0x0  }
0x34: {  	[sflag:s8] =	ssyncadd.s32 $0xFFFFF000  }
0x35: {  	[tilespmem:s24], [sflag:$0xA] =	stream.linear.gather [spmem:s6], $0x1000, $0x38;
	[tilespmem:$0x1D600] =	vst v63  }
0x36: {  	_ =	swait.ge [sflag:s8], $0x1000  }
0x37: {  	[sflag:s8] =	ssyncset.done $0x0  }
0x38: {  	s28 =	rddreg [dreg:$0x12];
	[sflag:s8] =	ssyncadd.s32 $0xFFFFF000  }
0x39: {  	[hbm4b:s28+s3] =	stream.linear.scatter [tilespmem:s24], [sflag:$0xA], $0x1000, $0x38;
	[tilespmem:$0x1D600] =	vst v63  }
0x3a: {  	_ =	swait.ge [sflag:s8], $0x1000  }
0x3b: {  	s6 =	sld [smem:$0x7FC]  }
0x3c: {  	[sflag:s8] =	ssyncset.done $0x0  }
0x3d: {  	[sflag:s8] =	ssyncadd.s32 $0xFFFFF000  }
0x3e: {  	[tilespmem:s24], [sflag:$0xA] =	stream.linear.gather [spmem:s6], $0x1000, $0x38;
	[tilespmem:$0x1D600] =	vst v63  }
0x3f: {  	_ =	swait.ge [sflag:s8], $0x1000  }
0x40: {  	[sflag:s8] =	ssyncset.done $0x0  }
0x41: {  	s28 =	rddreg [dreg:$0x13];
	[sflag:s8] =	ssyncadd.s32 $0xFFFFF000  }
0x42: {  	[hbm4b:s28+s3] =	stream.linear.scatter [tilespmem:s24], [sflag:$0xA], $0x1000, $0x38;
	[tilespmem:$0x1D600] =	vst v63  }
0x43: {  	_ =	swait.ge [sflag:s8], $0x1000  }
0x44: {  	s6 =	sld [smem:$0x7FD]  }
0x45: {  	[sflag:s8] =	ssyncset.done $0x0  }
0x46: {  	[sflag:s8] =	ssyncadd.s32 $0xFFFFF000  }
0x47: {  	[tilespmem:s24], [sflag:$0xA] =	stream.linear.gather [spmem:s6], $0x1000, $0x38;
	[tilespmem:$0x1D600] =	vst v63  }
0x48: {  	_ =	swait.ge [sflag:s8], $0x1000  }
0x49: {  	[sflag:s8] =	ssyncset.done $0x0  }
0x4a: {  	s28 =	rddreg [dreg:$0x14];
	[sflag:s8] =	ssyncadd.s32 $0xFFFFF000  }
0x4b: {  	[hbm4b:s28+s3] =	stream.linear.scatter [tilespmem:s24], [sflag:$0xA], $0x1000, $0x38;
	[tilespmem:$0x1D600] =	vst v63  }
0x4c: {  	_ =	swait.ge [sflag:s8], $0x1000  }
0x4d: {  	[sflag:s8] =	ssyncset.done $0x0  }
0x4e: {  	s6 =	rddreg [dreg:$0xd];
	[sflag:s8] =	ssyncadd.s32 $0xFFFFF000  }
0x4f: {  	[tilespmem:s24], [sflag:$0xA] =	stream.linear.gather [spmem:s6], $0x240, $0x38;
	[tilespmem:$0x1D600] =	vst v63  }
0x50: {  	_ =	swait.ge [sflag:s8], $0x240  }
0x51: {  	[sflag:s8] =	ssyncset.done $0x0  }
0x52: {  	s28 =	rddreg [dreg:$0xe];
	[sflag:s8] =	ssyncadd.s32 $0xFFFFFDC0  }
0x53: {  	[hbm4b:s28+s3] =	stream.linear.scatter [tilespmem:s24], [sflag:$0xA], $0x240, $0x38;
	[tilespmem:$0x1D600] =	vst v63  }
0x54: {  	_ =	swait.ge [sflag:s8], $0x240  }
0x55: {  	[sflag:s8] =	ssyncset.done $0x0  }
0x56: {  	[sflag:s8] =	ssyncadd.s32 $0xFFFFFDC0  }
.LBB2_40:
0x57: {  	s17 =	sadd.s32 $0x1, s17;
	s0 =	rddreg [dreg:$0xf]  }
0x58: {  	p1 =	sne.s32 s17, s0  }
.Ltmp1:
0x59: {  	_ = 	snop;
	(pc) =	sbr.rel @!p1 .LBB2_41-.Ltmp1, $1  }
0x5a: {  	_ =	sdelay $0x3  }
.LBB2_1:
0x5b: {  	s0 =	rddreg [dreg:$0x4];
	s6 =	simm.s32 $0x11000  }
0x5c: {  	[tilespmem:s6], [sflag:$0xA] =	stream.linear.gather [hbm4b:s0+s3], $0x540, $0x38;
	[tilespmem:$0x1D600] =	vst v63  }
0x5d: {  	_ =	swait.ge [sflag:s8], $0x540  }
0x5e: {  	[sflag:s8] =	ssyncset.done $0x0  }
0x5f: {  	s0 =	simm.s32 $0x0;
	[sflag:s8] =	ssyncadd.s32 $0xFFFFFAC0  }
0x60: {  	v5 =	vld [tilespmem:s0+$0x11000];
	_ =	sdelay $0x3  }
0x61: {  	s6 =	simm.s32 $0x40  }
.LBB2_2:
0x62: {  	s28 =	sshra.s32 s6, $0x2;
	p1 =	sne.s32 s6, $0x14C0;
	s6 =	sadd.s32 $0x40, s6;
	v6 =	vand.u32 $0xFF, v5;
	vm0 =	vlt.s32 v5, $0xFF0000;
	v7 =	vand.u32 $0xFF00, v5;
	v8 =	vmovc v5  }
.Ltmp2:
0x63: {  	v5 =	vld [tilespmem:s28+$0x11000];
	v9 =	vsel vm0, $0x10000, v2;
	vm0 =	veq.s32 v7, $0xFF00;
	vm1 =	vne.s32 v6, $0xFF;
	(pc) =	sbr.rel @p1 .LBB2_2-.Ltmp2, $4  }
0x64: {  	v6 =	vadd.s32 v8, v9;
	v7 =	vsel vm0, $0x0, v3;
	v9 =	vsel vm1, $0x1, v2  }
0x65: {  	[tilespmem:s0+$0x11580] =	vst v6;
	v6 =	vadd.s32 v8, v7;
	v7 =	vadd.s32 v9, v8  }
0x66: {  	[tilespmem:s0+$0x12080] =	vst v7  }
0x67: {  	[tilespmem:s0+$0x11B00] =	vst v6;
	s0 =	smov.u32 s28  }
0x68: {  	v6 =	vand.u32 $0xFF, v5;
	vm0 =	vlt.s32 v5, $0xFF0000  }
0x69: {  	v7 =	vand.u32 $0xFF00, v5;
	v8 =	vsel vm0, $0x10000, v2;
	vm15 =	vne.s32 v6, $0xFF  }
0x6a: {  	vm1 =	veq.s32 v7, $0xFF00;
	v6 =	vadd.s32 v5, v8;
	v7 =	vsel vm15, $0x1, v2  }
0x6b: {  	v63 =	vsel vm1, $0x0, v3;
	[tilespmem:s0+$0x11580] =	vst v6;
	v6 =	vadd.s32 v7, v5  }
0x6c: {  	v5 =	vadd.s32 v5, v63;
	[tilespmem:s0+$0x12080] =	vst v6  }
0x6d: {  	s6 =	simm.s32 $0x11000;
	[tilespmem:s0+$0x11B00] =	vst v5  }
0x6e: {  	[tilespmem:s10], [sflag:$0x1] =	stream.indirect.gather [hbm4b:s5+s9], $0x1, s6, s9, $0xb8;
	[tilespmem:$0x1D600] =	vst v63  }
0x6f: {  	s28 =	simm.s32 $0x11580  }
0x70: {  	[tilespmem:s12], [sflag:$0x1] =	stream.indirect.gather [hbm4b:s5+s9], $0x1, s28, s9, $0xb8;
	[tilespmem:$0x1D600] =	vst v63  }
0x71: {  	s6 =	simm.s32 $0x11B00  }
0x72: {  	[tilespmem:s14], [sflag:$0x1] =	stream.indirect.gather [hbm4b:s5+s9], $0x1, s6, s9, $0xb8;
	[tilespmem:$0x1D600] =	vst v63  }
0x73: {  	s0 =	simm.s32 $0x40;
	s28 =	simm.s32 $0x12080;
	s6 =	simm.s32 $0x0  }
0x74: {  	[tilespmem:s18], [sflag:$0x1] =	stream.indirect.gather [hbm4b:s5+s9], $0x1, s28, s9, $0xb8;
	[tilespmem:$0x1D600] =	vst v63  }
.LBB2_4:
0x75: {  	p1 =	sne.s32 s0, $0x3FC0;
	[tilespmem:s6+$0x10000] =	vst v4;
	s6 =	smov.u32 s0;
	s0 =	sadd.s32 $0x40, s0  }
.Ltmp3:
0x76: {  	(pc) =	sbr.rel @p1 .LBB2_4-.Ltmp3, $2  }
0x77: {  	_ =	sdelay $0x2  }
0x78: {  	s6 =	sshra.s32 s6, $0x2  }
0x79: {  	[tilespmem:s6+$0x10000] =	vst v4;
	s0 =	rddreg [dreg:$0x5]  }
0x7a: {  	[spmem:s0] =	stream.linear.scatter [tilespmem:s24], [sflag:$0xA], $0x1000, $0x38;
	[tilespmem:$0x1D600] =	vst v63  }
0x7b: {  	_ =	swait.ge [sflag:s8], $0x1000  }
0x7c: {  	[sflag:s8] =	ssyncset.done $0x0  }
0x7d: {  	s28 =	rddreg [dreg:$0x10];
	[sflag:s8] =	ssyncadd.s32 $0xFFFFF000  }
0x7e: {  	[spmem:s28] =	stream.linear.scatter [tilespmem:s24], [sflag:$0xA], $0x1000, $0x38;
	[tilespmem:$0x1D600] =	vst v63  }
0x7f: {  	_ =	swait.ge [sflag:s8], $0x1000  }
0x80: {  	[sflag:s8] =	ssyncset.done $0x0  }
0x81: {  	s6 =	rddreg [dreg:$0x15];
	[sflag:s8] =	ssyncadd.s32 $0xFFFFF000  }
0x82: {  	[spmem:s6] =	stream.linear.scatter [tilespmem:s24], [sflag:$0xA], $0x1000, $0x38;
	[tilespmem:$0x1D600] =	vst v63  }
0x83: {  	_ =	swait.ge [sflag:s8], $0x1000  }
0x84: {  	[sflag:s8] =	ssyncset.done $0x0  }
0x85: {  	s28 =	rddreg [dreg:$0x16];
	[sflag:s8] =	ssyncadd.s32 $0xFFFFF000  }
0x86: {  	[spmem:s28] =	stream.linear.scatter [tilespmem:s24], [sflag:$0xA], $0x1000, $0x38;
	[tilespmem:$0x1D600] =	vst v63  }
0x87: {  	_ =	swait.ge [sflag:s8], $0x1000  }
0x88: {  	[sflag:s8] =	ssyncset.done $0x0  }
0x89: {  	s6 =	rddreg [dreg:$0x17];
	[sflag:s8] =	ssyncadd.s32 $0xFFFFF000  }
0x8a: {  	[spmem:s6] =	stream.linear.scatter [tilespmem:s24], [sflag:$0xA], $0x1000, $0x38;
	[tilespmem:$0x1D600] =	vst v63  }
0x8b: {  	_ =	swait.ge [sflag:s8], $0x1000  }
0x8c: {  	[sflag:s8] =	ssyncset.done $0x0  }
0x8d: {  	s28 =	rddreg [dreg:$0x18];
	[sflag:s8] =	ssyncadd.s32 $0xFFFFF000  }
0x8e: {  	[spmem:s28] =	stream.linear.scatter [tilespmem:s24], [sflag:$0xA], $0x1000, $0x38;
	[tilespmem:$0x1D600] =	vst v63  }
0x8f: {  	_ =	swait.ge [sflag:s8], $0x1000  }
0x90: {  	[sflag:s8] =	ssyncset.done $0x0  }
0x91: {  	s6 =	rddreg [dreg:$0x19];
	[sflag:s8] =	ssyncadd.s32 $0xFFFFF000  }
0x92: {  	[spmem:s6] =	stream.linear.scatter [tilespmem:s24], [sflag:$0xA], $0x1000, $0x38;
	[tilespmem:$0x1D600] =	vst v63  }
0x93: {  	_ =	swait.ge [sflag:s8], $0x1000  }
0x94: {  	[sflag:s8] =	ssyncset.done $0x0  }
0x95: {  	s28 =	rddreg [dreg:$0x1a];
	[sflag:s8] =	ssyncadd.s32 $0xFFFFF000  }
0x96: {  	[spmem:s28] =	stream.linear.scatter [tilespmem:s24], [sflag:$0xA], $0x1000, $0x38;
	[tilespmem:$0x1D600] =	vst v63  }
0x97: {  	_ =	swait.ge [sflag:s8], $0x1000  }
0x98: {  	[sflag:s8] =	ssyncset.done $0x0  }
0x99: {  	s6 =	rddreg [dreg:$0x1b];
	[sflag:s8] =	ssyncadd.s32 $0xFFFFF000  }
0x9a: {  	[spmem:s6] =	stream.linear.scatter [tilespmem:s24], [sflag:$0xA], $0x1000, $0x38;
	[tilespmem:$0x1D600] =	vst v63  }
0x9b: {  	_ =	swait.ge [sflag:s8], $0x1000  }
0x9c: {  	[sflag:s8] =	ssyncset.done $0x0  }
0x9d: {  	s28 =	rddreg [dreg:$0x1c];
	[sflag:s8] =	ssyncadd.s32 $0xFFFFF000  }
0x9e: {  	[spmem:s28] =	stream.linear.scatter [tilespmem:s24], [sflag:$0xA], $0x1000, $0x38;
	[tilespmem:$0x1D600] =	vst v63  }
0x9f: {  	_ =	swait.ge [sflag:s8], $0x1000  }
0xa0: {  	[sflag:s8] =	ssyncset.done $0x0  }
0xa1: {  	s6 =	rddreg [dreg:$0x1d];
	[sflag:s8] =	ssyncadd.s32 $0xFFFFF000  }
0xa2: {  	[spmem:s6] =	stream.linear.scatter [tilespmem:s24], [sflag:$0xA], $0x1000, $0x38;
	[tilespmem:$0x1D600] =	vst v63  }
0xa3: {  	_ =	swait.ge [sflag:s8], $0x1000  }
0xa4: {  	[sflag:s8] =	ssyncset.done $0x0  }
0xa5: {  	s28 =	rddreg [dreg:$0x1e];
	[sflag:s8] =	ssyncadd.s32 $0xFFFFF000  }
0xa6: {  	[spmem:s28] =	stream.linear.scatter [tilespmem:s24], [sflag:$0xA], $0x1000, $0x38;
	[tilespmem:$0x1D600] =	vst v63  }
0xa7: {  	_ =	swait.ge [sflag:s8], $0x1000  }
0xa8: {  	[sflag:s8] =	ssyncset.done $0x0  }
0xa9: {  	s6 =	rddreg [dreg:$0x1f];
	[sflag:s8] =	ssyncadd.s32 $0xFFFFF000  }
0xaa: {  	[spmem:s6] =	stream.linear.scatter [tilespmem:s24], [sflag:$0xA], $0x1000, $0x38;
	[tilespmem:$0x1D600] =	vst v63  }
0xab: {  	_ =	swait.ge [sflag:s8], $0x1000  }
0xac: {  	s28 =	sld [smem:$0x7F7]  }
0xad: {  	[sflag:s8] =	ssyncset.done $0x0  }
0xae: {  	[sflag:s8] =	ssyncadd.s32 $0xFFFFF000  }
0xaf: {  	[spmem:s28] =	stream.linear.scatter [tilespmem:s24], [sflag:$0xA], $0x1000, $0x38;
	[tilespmem:$0x1D600] =	vst v63  }
0xb0: {  	_ =	swait.ge [sflag:s8], $0x1000  }
0xb1: {  	s6 =	sld [smem:$0x7F8]  }
0xb2: {  	[sflag:s8] =	ssyncset.done $0x0  }
0xb3: {  	[sflag:s8] =	ssyncadd.s32 $0xFFFFF000  }
0xb4: {  	[spmem:s6] =	stream.linear.scatter [tilespmem:s24], [sflag:$0xA], $0x1000, $0x38;
	[tilespmem:$0x1D600] =	vst v63  }
0xb5: {  	_ =	swait.ge [sflag:s8], $0x1000  }
0xb6: {  	s28 =	sld [smem:$0x7F9]  }
0xb7: {  	[sflag:s8] =	ssyncset.done $0x0  }
0xb8: {  	[sflag:s8] =	ssyncadd.s32 $0xFFFFF000  }
0xb9: {  	[spmem:s28] =	stream.linear.scatter [tilespmem:s24], [sflag:$0xA], $0x1000, $0x38;
	[tilespmem:$0x1D600] =	vst v63  }
0xba: {  	_ =	swait.ge [sflag:s8], $0x1000  }
0xbb: {  	[sflag:s8] =	ssyncset.done $0x0  }
0xbc: {  	[sflag:s8] =	ssyncadd.s32 $0xFFFFF000  }
0xbd: {  	[bflag:$0x0] =	sbarrier.arrive $0xFFFF  }
0xbe: {  	s0 =	simm.s32 $0x0;
	s28 =	simm.s32 $0x15200;
	s6 =	rddreg [dreg:$0x6]  }
0xbf: {  	[tilespmem:s28], [sflag:$0xA] =	stream.linear.gather [hbm4b:s6+s0], $0x540, $0x38;
	[tilespmem:$0x1D600] =	vst v63  }
0xc0: {  	_ =	swait.ge [sflag:s8], $0x540  }
0xc1: {  	[sflag:s8] =	ssyncset.done $0x0  }
0xc2: {  	s0 =	simm.s32 $0x0;
	[sflag:s8] =	ssyncadd.s32 $0xFFFFFAC0  }
0xc3: {  	v5 =	vld [tilespmem:s0+$0x15200];
	_ =	sdelay $0x3  }
0xc4: {  	s6 =	simm.s32 $0x40  }
.LBB2_6:
0xc5: {  	s28 =	sshra.s32 s6, $0x2;
	p1 =	sne.s32 s6, $0x14C0;
	s6 =	sadd.s32 $0x40, s6;
	v6 =	vand.u32 $0xFF, v5;
	vm0 =	vlt.s32 v5, $0xFF0000;
	v7 =	vand.u32 $0xFF00, v5;
	v8 =	vmovc v5  }
.Ltmp4:
0xc6: {  	v5 =	vld [tilespmem:s28+$0x15200];
	v9 =	vsel vm0, $0x10000, v2;
	vm0 =	veq.s32 v7, $0xFF00;
	vm1 =	vne.s32 v6, $0xFF;
	(pc) =	sbr.rel @p1 .LBB2_6-.Ltmp4, $4  }
0xc7: {  	v6 =	vadd.s32 v8, v9;
	v7 =	vsel vm0, $0x0, v3;
	v9 =	vsel vm1, $0x1, v2  }
0xc8: {  	[tilespmem:s0+$0x15780] =	vst v6;
	v6 =	vadd.s32 v8, v7;
	v7 =	vadd.s32 v9, v8  }
0xc9: {  	[tilespmem:s0+$0x16280] =	vst v7  }
0xca: {  	[tilespmem:s0+$0x15D00] =	vst v6;
	s0 =	smov.u32 s28  }
0xcb: {  	v6 =	vand.u32 $0xFF, v5;
	vm0 =	vlt.s32 v5, $0xFF0000  }
0xcc: {  	v7 =	vand.u32 $0xFF00, v5;
	v8 =	vsel vm0, $0x10000, v2;
	vm15 =	vne.s32 v6, $0xFF  }
0xcd: {  	vm1 =	veq.s32 v7, $0xFF00;
	v6 =	vadd.s32 v5, v8;
	v7 =	vsel vm15, $0x1, v2  }
0xce: {  	v63 =	vsel vm1, $0x0, v3;
	[tilespmem:s0+$0x15780] =	vst v6;
	v6 =	vadd.s32 v7, v5  }
0xcf: {  	v5 =	vadd.s32 v5, v63;
	[tilespmem:s0+$0x16280] =	vst v6  }
0xd0: {  	s6 =	simm.s32 $0x15200;
	[tilespmem:s0+$0x15D00] =	vst v5  }
0xd1: {  	[tilespmem:s26], [sflag:$0x2] =	stream.indirect.gather [hbm4b:s5+s9], $0x1, s6, s9, $0xb8;
	[tilespmem:$0x1D600] =	vst v63  }
0xd2: {  	s28 =	simm.s32 $0x15780  }
0xd3: {  	[tilespmem:s29], [sflag:$0x2] =	stream.indirect.gather [hbm4b:s5+s9], $0x1, s28, s9, $0xb8;
	[tilespmem:$0x1D600] =	vst v63  }
0xd4: {  	s6 =	simm.s32 $0x15D00  }
0xd5: {  	[tilespmem:s31], [sflag:$0x2] =	stream.indirect.gather [hbm4b:s5+s9], $0x1, s6, s9, $0xb8;
	[tilespmem:$0x1D600] =	vst v63  }
0xd6: {  	s28 =	simm.s32 $0x16280  }
0xd7: {  	[tilespmem:s2], [sflag:$0x2] =	stream.indirect.gather [hbm4b:s5+s9], $0x1, s28, s9, $0xb8;
	[tilespmem:$0x1D600] =	vst v63  }
0xd8: {  	_ =	swait.ge [sflag:s15], $0x540  }
0xd9: {  	[sflag:s15] =	ssyncset.done $0x0  }
0xda: {  	[sflag:s15] =	ssyncadd.s32 $0xFFFFFAC0  }
0xdb: {  	_ =	swait.ge [sflag:s15], $0x540  }
0xdc: {  	[sflag:s15] =	ssyncset.done $0x0  }
0xdd: {  	[sflag:s15] =	ssyncadd.s32 $0xFFFFFAC0  }
0xde: {  	_ =	swait.ge [sflag:s15], $0x540  }
0xdf: {  	[sflag:s15] =	ssyncset.done $0x0  }
0xe0: {  	[sflag:s15] =	ssyncadd.s32 $0xFFFFFAC0  }
0xe1: {  	_ =	swait.ge [sflag:s15], $0x540  }
0xe2: {  	[sflag:s15] =	ssyncset.done $0x0  }
0xe3: {  	s6 =	simm.s32 $0x13C00;
	[sflag:s15] =	ssyncadd.s32 $0xFFFFFAC0  }
0xe4: {  	[tilespmem:s6], [sflag:$0x4] =	stream.indirect.gather [hbm4b:s4+s9], $0x1, s10, s9, $0xb8;
	[tilespmem:$0x1D600] =	vst v63  }
0xe5: {  	s28 =	simm.s32 $0x14180  }
0xe6: {  	[tilespmem:s28], [sflag:$0x4] =	stream.indirect.gather [hbm4b:s4+s9], $0x1, s12, s9, $0xb8;
	[tilespmem:$0x1D600] =	vst v63  }
0xe7: {  	s6 =	simm.s32 $0x14700  }
0xe8: {  	[tilespmem:s6], [sflag:$0x4] =	stream.indirect.gather [hbm4b:s4+s9], $0x1, s14, s9, $0xb8;
	[tilespmem:$0x1D600] =	vst v63  }
0xe9: {  	s28 =	simm.s32 $0x14C80  }
0xea: {  	[tilespmem:s28], [sflag:$0x4] =	stream.indirect.gather [hbm4b:s4+s9], $0x1, s18, s9, $0xb8;
	[tilespmem:$0x1D600] =	vst v63  }
0xeb: {  	s0 =	simm.s32 $0x0;
	s6 =	rddreg [dreg:$0x7];
	s28 =	simm.s32 $0x19400  }
0xec: {  	[tilespmem:s28], [sflag:$0xA] =	stream.linear.gather [hbm4b:s6+s0], $0x540, $0x38;
	[tilespmem:$0x1D600] =	vst v63  }
0xed: {  	_ =	swait.ge [sflag:s8], $0x540  }
0xee: {  	[sflag:s8] =	ssyncset.done $0x0  }
0xef: {  	s0 =	simm.s32 $0x0;
	[sflag:s8] =	ssyncadd.s32 $0xFFFFFAC0  }
0xf0: {  	v5 =	vld [tilespmem:s0+$0x19400];
	_ =	sdelay $0x3  }
0xf1: {  	s6 =	simm.s32 $0x40  }
.LBB2_8:
0xf2: {  	s28 =	sshra.s32 s6, $0x2;
	p1 =	sne.s32 s6, $0x14C0;
	s6 =	sadd.s32 $0x40, s6;
	v6 =	vand.u32 $0xFF, v5;
	vm0 =	vlt.s32 v5, $0xFF0000;
	v7 =	vand.u32 $0xFF00, v5;
	v8 =	vmovc v5  }
.Ltmp5:
0xf3: {  	v5 =	vld [tilespmem:s28+$0x19400];
	v9 =	vsel vm0, $0x10000, v2;
	vm0 =	veq.s32 v7, $0xFF00;
	vm1 =	vne.s32 v6, $0xFF;
	(pc) =	sbr.rel @p1 .LBB2_8-.Ltmp5, $4  }
0xf4: {  	v6 =	vadd.s32 v8, v9;
	v7 =	vsel vm0, $0x0, v3;
	v9 =	vsel vm1, $0x1, v2  }
0xf5: {  	[tilespmem:s0+$0x19980] =	vst v6;
	v6 =	vadd.s32 v8, v7;
	v7 =	vadd.s32 v9, v8  }
0xf6: {  	[tilespmem:s0+$0x1A480] =	vst v7  }
0xf7: {  	[tilespmem:s0+$0x19F00] =	vst v6;
	s0 =	smov.u32 s28  }
0xf8: {  	v6 =	vand.u32 $0xFF, v5;
	vm0 =	vlt.s32 v5, $0xFF0000  }
0xf9: {  	v7 =	vand.u32 $0xFF00, v5;
	v8 =	vsel vm0, $0x10000, v2;
	vm6 =	vne.s32 v6, $0xFF  }
0xfa: {  	vm1 =	veq.s32 v7, $0xFF00;
	v6 =	vadd.s32 v5, v8;
	v7 =	vsel vm6, $0x1, v2  }
0xfb: {  	v8 =	vsel vm1, $0x0, v3;
	[tilespmem:s0+$0x19980] =	vst v6;
	v6 =	vadd.s32 v7, v5  }
0xfc: {  	v5 =	vadd.s32 v5, v8;
	[tilespmem:s0+$0x1A480] =	vst v6  }
0xfd: {  	s6 =	simm.s32 $0x1AA00;
	[tilespmem:s0+$0x19F00] =	vst v5;
	s0 =	simm.s32 $0x19400  }
0xfe: {  	[tilespmem:s6], [sflag:$0x3] =	stream.indirect.gather [hbm4b:s5+s9], $0x1, s0, s9, $0xb8;
	[tilespmem:$0x1D600] =	vst v63  }
0xff: {  	s0 =	simm.s32 $0x19980;
	s6 =	simm.s32 $0x1AF80  }
0x100: {  	[tilespmem:s6], [sflag:$0x3] =	stream.indirect.gather [hbm4b:s5+s9], $0x1, s0, s9, $0xb8;
	[tilespmem:$0x1D600] =	vst v63  }
0x101: {  	s0 =	simm.s32 $0x19F00;
	s6 =	simm.s32 $0x1B500  }
0x102: {  	[tilespmem:s6], [sflag:$0x3] =	stream.indirect.gather [hbm4b:s5+s9], $0x1, s0, s9, $0xb8;
	[tilespmem:$0x1D600] =	vst v63  }
0x103: {  	s0 =	simm.s32 $0x1A480;
	s6 =	simm.s32 $0x1BA80  }
0x104: {  	[tilespmem:s6], [sflag:$0x3] =	stream.indirect.gather [hbm4b:s5+s9], $0x1, s0, s9, $0xb8;
	[tilespmem:$0x1D600] =	vst v63  }
0x105: {  	_ =	swait.ge [sflag:s30], $0x540  }
0x106: {  	[sflag:s30] =	ssyncset.done $0x0  }
0x107: {  	[sflag:s30] =	ssyncadd.s32 $0xFFFFFAC0  }
0x108: {  	_ =	swait.ge [sflag:s30], $0x540  }
0x109: {  	[sflag:s30] =	ssyncset.done $0x0  }
0x10a: {  	[sflag:s30] =	ssyncadd.s32 $0xFFFFFAC0  }
0x10b: {  	_ =	swait.ge [sflag:s30], $0x540  }
0x10c: {  	[sflag:s30] =	ssyncset.done $0x0  }
0x10d: {  	[sflag:s30] =	ssyncadd.s32 $0xFFFFFAC0  }
0x10e: {  	_ =	swait.ge [sflag:s30], $0x540  }
0x10f: {  	[sflag:s30] =	ssyncset.done $0x0  }
0x110: {  	s6 =	simm.s32 $0x17E00;
	[sflag:s30] =	ssyncadd.s32 $0xFFFFFAC0  }
0x111: {  	[tilespmem:s6], [sflag:$0x5] =	stream.indirect.gather [hbm4b:s4+s9], $0x1, s26, s9, $0xb8;
	[tilespmem:$0x1D600] =	vst v63  }
0x112: {  	s6 =	simm.s32 $0x18380  }
0x113: {  	[tilespmem:s6], [sflag:$0x5] =	stream.indirect.gather [hbm4b:s4+s9], $0x1, s29, s9, $0xb8;
	[tilespmem:$0x1D600] =	vst v63  }
0x114: {  	_ = 	snop  }
0x115: {  	[tilespmem:s7], [sflag:$0x5] =	stream.indirect.gather [hbm4b:s4+s9], $0x1, s31, s9, $0xb8;
	[tilespmem:$0x1D600] =	vst v63  }
0x116: {  	_ = 	snop  }
0x117: {  	[tilespmem:s23], [sflag:$0x5] =	stream.indirect.gather [hbm4b:s4+s9], $0x1, s2, s9, $0xb8;
	[tilespmem:$0x1D600] =	vst v63  }
0x118: {  	_ =	swait.ge [sflag:s25], $0x540  }
0x119: {  	[sflag:s25] =	ssyncset.done $0x0  }
0x11a: {  	[sflag:s25] =	ssyncadd.s32 $0xFFFFFAC0  }
0x11b: {  	_ =	swait.ge [sflag:s25], $0x540  }
0x11c: {  	[sflag:s25] =	ssyncset.done $0x0  }
0x11d: {  	[sflag:s25] =	ssyncadd.s32 $0xFFFFFAC0  }
0x11e: {  	_ =	swait.ge [sflag:s25], $0x540  }
0x11f: {  	[sflag:s25] =	ssyncset.done $0x0  }
0x120: {  	[sflag:s25] =	ssyncadd.s32 $0xFFFFFAC0  }
0x121: {  	_ =	swait.ge [sflag:s25], $0x540  }
0x122: {  	[sflag:s25] =	ssyncset.done $0x0  }
0x123: {  	s28 =	simm.s32 $0x0;
	[sflag:s25] =	ssyncadd.s32 $0xFFFFFAC0  }
0x124: {  	v5 =	vld [tilespmem:s28+$0x12600]  }
0x125: {  	v6 =	vld [tilespmem:s28+$0x13680];
	_ =	sdelay $0x3  }
0x126: {  	vm7 =	vge.s32 v5, v0  }
0x127: {  	v9 =	vld [tilespmem:s28+$0x13100];
	v7 =	vand.u32 $0x7FFF, v5;
	vm8 =	vlt.s32 v6, v1;
	vm2 =	vlt.s32 v5, v1  }
0x128: {  	v5 =	vsub.s32 v5, v0;
	v10 =	vand.u32 $0x7FFF, v6;
	vm9 =	vge.s32 v6, v0  }
0x129: {  	v6 =	vsub.s32 v6, v0;
	vm0 =	vmand vm7, vm2;
	v7 =	vadd.s32 $0xF4240, v7  }
0x12a: {  	v8 =	vld [tilespmem:s28+$0x11000];
	v5 =	vsel vm0, v5, v7;
	vm0 =	vmand vm9, vm8;
	v7 =	vadd.s32 $0xF4240, v10  }
0x12b: {  	[tilespmem:s28+$0x12600] =	vst v5;
	v5 =	vsel vm0, v6, v7;
	v7 =	vld [tilespmem:s28+$0x13C00]  }
0x12c: {  	vm10 =	vge.s32 v9, v0;
	vm11 =	vlt.s32 v9, v1;
	v6 =	vld [tilespmem:s28+$0x14180];
	[tilespmem:s28+$0x13680] =	vst v5;
	v5 =	vand.u32 $0x7FFF, v9  }
0x12d: {  	v11 =	vld [tilespmem:s28+$0x12B80];
	vm0 =	vmand vm10, vm11;
	v9 =	vsub.s32 v9, v0;
	v5 =	vadd.s32 $0xF4240, v5  }
0x12e: {  	v5 =	vsel vm0, v9, v5;
	v9 =	vld [tilespmem:s28+$0x14700];
	_ =	sdelay $0x1  }
0x12f: {  	v10 =	vld [tilespmem:s28+$0x14C80]  }
0x130: {  	[tilespmem:s28+$0x13100] =	vst v5;
	v5 =	vsub.f32 v6, v7  }
0x131: {  	v12 =	vand.u32 $0xFF, v8;
	v13 =	vand.u32 $0xFF00, v8;
	vm14 =	vlt.s32 v8, $0xFF0000  }
0x132: {  	vm15 =	vlt.s32 v11, v1;
	v8 =	vmul.f32 v5, v5;
	v6 =	vsub.f32 v9, v7  }
0x133: {  	vm3 =	vge.s32 v11, v0;
	vm12 =	vne.s32 v13, $0xFF00;
	vm13 =	vne.s32 v12, $0xFF  }
0x134: {  	v7 =	vsub.f32 v10, v7;
	v8 =	vadd.f32 $9.999999710e-10, v8;
	v10 =	vmul.f32 v6, v6  }
0x135: {  	vm1 =	vmand vm3, vm15;
	vm0 =	vmand vm12, vm13  }
0x136: {  	v9 =	vand.u32 $0x7FFF, v11;
	v8 =	vadd.f32 v10, v8;
	v10 =	vmul.f32 v7, v7  }
0x137: {  	v11 =	vsub.s32 v11, v0;
	v9 =	vadd.s32 $0xF4240, v9;
	v63 =	vadd.f32 v6, v5  }
0x138: {  	vm0 =	vmand vm0, vm14;
	v9 =	vsel vm1, v11, v9;
	v10 =	vadd.f32 v10, v8  }
0x139: {  	s0 =	simm.s32 $0x40;
	[tilespmem:s28+$0x12B80] =	vst v9;
	v9 =	vadd.f32 v7, v63;
	v8 =	vsel vm0, $0x3727C5AC, v4  }
.LBB2_10:
0x13a: {  	p1 =	sne.s32 s0, $0x14C0;
	v11 =	vshra.s32 v10, $0x1;
	v10 =	vmul.f32 $5.000000000e-01, v10;
	s6 =	smov.u32 s0;
	s0 =	sadd.s32 $0x40, s0  }
0x13b: {  	s6 =	sshra.s32 s6, $0x2;
	v11 =	vsub.s32 $0x5F3759DF, v11  }
0x13c: {  	v12 =	vld [tilespmem:s6+$0x11000];
	v13 =	vmul.f32 v11, v10  }
0x13d: {  	v14 =	vld [tilespmem:s6+$0x12600]  }
0x13e: {  	v15 =	vld [tilespmem:s6+$0x12B80];
	v13 =	vmul.f32 v11, v13;
	_ =	sdelay $0x1  }
0x13f: {  	v13 =	vsub.f32 $1.500000000e+00, v13  }
0x140: {  	v16 =	vand.u32 $0xFF, v12;
	v17 =	vand.u32 $0xFF00, v12;
	v18 =	vld [tilespmem:s6+$0x13100]  }
0x141: {  	vm0 =	vne.s32 v17, $0xFF00;
	vm1 =	vne.s32 v16, $0xFF;
	v11 =	vmul.f32 v11, v13  }
0x142: {  	vm2 =	vlt.s32 v12, $0xFF0000;
	vm0 =	vmand vm0, vm1;
	v12 =	vsub.s32 v15, v0  }
0x143: {  	vm1 =	vlt.s32 v15, v1;
	vm0 =	vmand vm0, vm2;
	v13 =	vld [tilespmem:s6+$0x13680];
	v10 =	vmul.f32 v11, v10  }
0x144: {  	vm3 =	vge.s32 v15, v0;
	v15 =	vand.u32 $0x7FFF, v15;
	vm2 =	vge.s32 v14, v0  }
0x145: {  	vm4 =	vge.s32 v18, v0;
	vm5 =	vlt.s32 v18, v1;
	v10 =	vmul.f32 v10, v11  }
0x146: {  	v9 =	vsub.f32 $0.0e+00, v9;
	v15 =	vadd.s32 $0xF4240, v15;
	vm4 =	vmand vm4, vm5  }
0x147: {  	v16 =	vsub.s32 v18, v0;
	v17 =	vand.u32 $0x7FFF, v18;
	v10 =	vsub.f32 $1.500000000e+00, v10  }
0x148: {  	v18 =	vand.u32 $0x7FFF, v14;
	vm5 =	vlt.s32 v13, v1;
	v19 =	vand.u32 $0x7FFF, v13  }
0x149: {  	vm6 =	vlt.s32 v14, v1;
	vm1 =	vmand vm3, vm1;
	v10 =	vmul.f32 v10, v11  }
0x14a: {  	vm2 =	vmand vm2, vm6;
	v11 =	vsub.s32 v14, v0;
	v14 =	vadd.s32 $0xF4240, v18  }
0x14b: {  	v11 =	vsel vm2, v11, v14;
	vm2 =	vge.s32 v13, v0;
	v8 =	vmul.f32 v10, v8  }
0x14c: {  	vm2 =	vmand vm2, vm5;
	v10 =	vsub.s32 v13, v0;
	[tilespmem:s6+$0x12600] =	vst v11;
	v11 =	vadd.s32 $0xF4240, v19  }
0x14d: {  	v13 =	vadd.s32 $0xF4240, v17;
	v10 =	vsel vm2, v10, v11;
	v9 =	vmul.f32 v8, v9  }
0x14e: {  	v11 =	vsel vm4, v16, v13;
	v5 =	vmul.f32 v8, v5;
	v7 =	vmul.f32 v8, v7;
	[tilespmem:s6+$0x13680] =	vst v10  }
0x14f: {  	v6 =	vmul.f32 v8, v6;
	v10 =	vsel vm1, v12, v15;
	[tilespmem:s28+$0x13C00] =	vst v9  }
0x150: {  	v8 =	vld [tilespmem:s6+$0x13C00];
	[tilespmem:s28+$0x14180] =	vst v5  }
0x151: {  	v5 =	vld [tilespmem:s6+$0x14180];
	[tilespmem:s28+$0x14700] =	vst v6  }
0x152: {  	v6 =	vld [tilespmem:s6+$0x14700];
	[tilespmem:s28+$0x14C80] =	vst v7;
	s28 =	smov.u32 s6  }
0x153: {  	[tilespmem:s28+$0x13100] =	vst v11  }
0x154: {  	v7 =	vld [tilespmem:s28+$0x14C80];
	[tilespmem:s28+$0x12B80] =	vst v10;
	_ =	sdelay $0x1  }
0x155: {  	v5 =	vsub.f32 v5, v8  }
0x156: {  	v6 =	vsub.f32 v6, v8  }
0x157: {  	v9 =	vmul.f32 v5, v5  }
0x158: {  	v7 =	vsub.f32 v7, v8;
	v8 =	vmul.f32 v6, v6;
	v10 =	vadd.f32 v6, v5  }
0x159: {  	v11 =	vadd.f32 $9.999999710e-10, v9  }
.Ltmp6:
0x15a: {  	v12 =	vmul.f32 v7, v7;
	v9 =	vadd.f32 v7, v10;
	(pc) =	sbr.rel @p1 .LBB2_10-.Ltmp6, $3  }
0x15b: {  	v8 =	vadd.f32 v8, v11;
	_ =	sdelay $0x1  }
0x15c: {  	v10 =	vadd.f32 v12, v8  }
0x15d: {  	v8 =	vsel vm0, $0x3727C5AC, v4  }
0x15e: {  	v11 =	vshra.s32 v10, $0x1;
	v63 =	vmul.f32 $5.000000000e-01, v10  }
0x15f: {  	v11 =	vsub.s32 $0x5F3759DF, v11  }
0x160: {  	v12 =	vmul.f32 v11, v63;
	_ =	sdelay $0x1  }
0x161: {  	v12 =	vmul.f32 v11, v12;
	_ =	sdelay $0x1  }
0x162: {  	v12 =	vsub.f32 $1.500000000e+00, v12;
	_ =	sdelay $0x1  }
0x163: {  	v11 =	vmul.f32 v11, v12;
	_ =	sdelay $0x1  }
0x164: {  	v10 =	vmul.f32 v11, v63;
	_ =	sdelay $0x1  }
0x165: {  	v10 =	vmul.f32 v10, v11;
	_ =	sdelay $0x1  }
0x166: {  	v10 =	vsub.f32 $1.500000000e+00, v10;
	_ =	sdelay $0x1  }
0x167: {  	v10 =	vmul.f32 v10, v11;
	_ =	sdelay $0x1  }
0x168: {  	v9 =	vsub.f32 $0.0e+00, v9;
	v8 =	vmul.f32 v10, v8;
	_ =	sdelay $0x1  }
0x169: {  	v9 =	vmul.f32 v8, v9  }
0x16a: {  	v5 =	vmul.f32 v8, v5  }
0x16b: {  	v6 =	vmul.f32 v8, v6;
	[tilespmem:s28+$0x13C00] =	vst v9  }
0x16c: {  	v7 =	vmul.f32 v8, v7;
	[tilespmem:s28+$0x14180] =	vst v5  }
0x16d: {  	[tilespmem:s28+$0x14700] =	vst v6  }
0x16e: {  	s0 =	simm.s32 $0x13C00;
	[tilespmem:s28+$0x14C80] =	vst v7  }
0x16f: {  	[spmem:s1] =	stream.indirect.scatter.add.f32 [tilespmem:s0], [sflag:$0x7], $0x1, s10, s9, $0xb8;
	[tilespmem:$0x1D600] =	vst v63  }
0x170: {  	s28 =	simm.s32 $0x14180  }
0x171: {  	[spmem:s1] =	stream.indirect.scatter.add.f32 [tilespmem:s28], [sflag:$0x7], $0x1, s12, s9, $0xb8;
	[tilespmem:$0x1D600] =	vst v63  }
0x172: {  	s6 =	simm.s32 $0x14700  }
0x173: {  	[spmem:s1] =	stream.indirect.scatter.add.f32 [tilespmem:s6], [sflag:$0x7], $0x1, s14, s9, $0xb8;
	[tilespmem:$0x1D600] =	vst v63  }
0x174: {  	s28 =	simm.s32 $0x14C80  }
0x175: {  	[spmem:s1] =	stream.indirect.scatter.add.f32 [tilespmem:s28], [sflag:$0x7], $0x1, s18, s9, $0xb8;
	[tilespmem:$0x1D600] =	vst v63  }
0x176: {  	_ =	swait.ge [sflag:s16], $0x540  }
0x177: {  	[sflag:s16] =	ssyncset.done $0x0  }
0x178: {  	[sflag:s16] =	ssyncadd.s32 $0xFFFFFAC0  }
0x179: {  	_ =	swait.ge [sflag:s16], $0x540  }
0x17a: {  	[sflag:s16] =	ssyncset.done $0x0  }
0x17b: {  	[sflag:s16] =	ssyncadd.s32 $0xFFFFFAC0  }
0x17c: {  	_ =	swait.ge [sflag:s16], $0x540  }
0x17d: {  	[sflag:s16] =	ssyncset.done $0x0  }
0x17e: {  	[sflag:s16] =	ssyncadd.s32 $0xFFFFFAC0  }
0x17f: {  	_ =	swait.ge [sflag:s16], $0x540  }
0x180: {  	s0 =	simm.s32 $0x0;
	[sflag:s16] =	ssyncset.done $0x0  }
0x181: {  	s28 =	simm.s32 $0x11000;
	s6 =	rddreg [dreg:$0x8];
	[sflag:s16] =	ssyncadd.s32 $0xFFFFFAC0  }
0x182: {  	[tilespmem:s28], [sflag:$0xA] =	stream.linear.gather [hbm4b:s6+s0], $0x540, $0x38;
	[tilespmem:$0x1D600] =	vst v63  }
0x183: {  	_ =	swait.ge [sflag:s8], $0x540  }
0x184: {  	[sflag:s8] =	ssyncset.done $0x0  }
0x185: {  	s0 =	simm.s32 $0x0;
	[sflag:s8] =	ssyncadd.s32 $0xFFFFFAC0  }
0x186: {  	v5 =	vld [tilespmem:s0+$0x11000];
	_ =	sdelay $0x3  }
0x187: {  	s6 =	simm.s32 $0x40  }
.LBB2_12:
0x188: {  	s28 =	sshra.s32 s6, $0x2;
	p1 =	sne.s32 s6, $0x14C0;
	s6 =	sadd.s32 $0x40, s6;
	v6 =	vand.u32 $0xFF, v5;
	vm0 =	vlt.s32 v5, $0xFF0000;
	v7 =	vand.u32 $0xFF00, v5;
	v8 =	vmovc v5  }
.Ltmp7:
0x189: {  	v5 =	vld [tilespmem:s28+$0x11000];
	v9 =	vsel vm0, $0x10000, v2;
	vm0 =	veq.s32 v7, $0xFF00;
	vm1 =	vne.s32 v6, $0xFF;
	(pc) =	sbr.rel @p1 .LBB2_12-.Ltmp7, $4  }
0x18a: {  	v6 =	vadd.s32 v8, v9;
	v7 =	vsel vm0, $0x0, v3;
	v9 =	vsel vm1, $0x1, v2  }
0x18b: {  	[tilespmem:s0+$0x11580] =	vst v6;
	v6 =	vadd.s32 v8, v7;
	v7 =	vadd.s32 v9, v8  }
0x18c: {  	[tilespmem:s0+$0x12080] =	vst v7  }
0x18d: {  	[tilespmem:s0+$0x11B00] =	vst v6;
	s0 =	smov.u32 s28  }
0x18e: {  	v6 =	vand.u32 $0xFF, v5;
	vm0 =	vlt.s32 v5, $0xFF0000  }
0x18f: {  	v7 =	vand.u32 $0xFF00, v5;
	v8 =	vsel vm0, $0x10000, v2;
	vm6 =	vne.s32 v6, $0xFF  }
0x190: {  	vm1 =	veq.s32 v7, $0xFF00;
	v6 =	vadd.s32 v5, v8;
	v7 =	vsel vm6, $0x1, v2  }
0x191: {  	v8 =	vsel vm1, $0x0, v3;
	[tilespmem:s0+$0x11580] =	vst v6;
	v6 =	vadd.s32 v7, v5  }
0x192: {  	v5 =	vadd.s32 v5, v8;
	[tilespmem:s0+$0x12080] =	vst v6  }
0x193: {  	s6 =	simm.s32 $0x11000;
	[tilespmem:s0+$0x11B00] =	vst v5  }
0x194: {  	[tilespmem:s10], [sflag:$0x1] =	stream.indirect.gather [hbm4b:s5+s9], $0x1, s6, s9, $0xb8;
	[tilespmem:$0x1D600] =	vst v63  }
0x195: {  	s6 =	simm.s32 $0x11580  }
0x196: {  	[tilespmem:s12], [sflag:$0x1] =	stream.indirect.gather [hbm4b:s5+s9], $0x1, s6, s9, $0xb8;
	[tilespmem:$0x1D600] =	vst v63  }
0x197: {  	s6 =	simm.s32 $0x11B00  }
0x198: {  	[tilespmem:s14], [sflag:$0x1] =	stream.indirect.gather [hbm4b:s5+s9], $0x1, s6, s9, $0xb8;
	[tilespmem:$0x1D600] =	vst v63  }
0x199: {  	s6 =	simm.s32 $0x12080  }
0x19a: {  	[tilespmem:s18], [sflag:$0x1] =	stream.indirect.gather [hbm4b:s5+s9], $0x1, s6, s9, $0xb8;
	[tilespmem:$0x1D600] =	vst v63  }
0x19b: {  	_ =	swait.ge [sflag:s19], $0x540  }
0x19c: {  	[sflag:s19] =	ssyncset.done $0x0  }
0x19d: {  	[sflag:s19] =	ssyncadd.s32 $0xFFFFFAC0  }
0x19e: {  	_ =	swait.ge [sflag:s19], $0x540  }
0x19f: {  	[sflag:s19] =	ssyncset.done $0x0  }
0x1a0: {  	[sflag:s19] =	ssyncadd.s32 $0xFFFFFAC0  }
0x1a1: {  	_ =	swait.ge [sflag:s19], $0x540  }
0x1a2: {  	[sflag:s19] =	ssyncset.done $0x0  }
0x1a3: {  	[sflag:s19] =	ssyncadd.s32 $0xFFFFFAC0  }
0x1a4: {  	_ =	swait.ge [sflag:s19], $0x540  }
0x1a5: {  	[sflag:s19] =	ssyncset.done $0x0  }
0x1a6: {  	s0 =	simm.s32 $0x1AA00;
	s6 =	simm.s32 $0x1C000;
	[sflag:s19] =	ssyncadd.s32 $0xFFFFFAC0  }
0x1a7: {  	[tilespmem:s6], [sflag:$0x6] =	stream.indirect.gather [hbm4b:s4+s9], $0x1, s0, s9, $0xb8;
	[tilespmem:$0x1D600] =	vst v63  }
0x1a8: {  	s0 =	simm.s32 $0x1AF80;
	s6 =	simm.s32 $0x1C580  }
0x1a9: {  	[tilespmem:s6], [sflag:$0x6] =	stream.indirect.gather [hbm4b:s4+s9], $0x1, s0, s9, $0xb8;
	[tilespmem:$0x1D600] =	vst v63  }
0x1aa: {  	s0 =	simm.s32 $0x1B500;
	s6 =	simm.s32 $0x1CB00  }
0x1ab: {  	[tilespmem:s6], [sflag:$0x6] =	stream.indirect.gather [hbm4b:s4+s9], $0x1, s0, s9, $0xb8;
	[tilespmem:$0x1D600] =	vst v63  }
0x1ac: {  	s0 =	simm.s32 $0x1BA80;
	s6 =	simm.s32 $0x1D080  }
0x1ad: {  	[tilespmem:s6], [sflag:$0x6] =	stream.indirect.gather [hbm4b:s4+s9], $0x1, s0, s9, $0xb8;
	[tilespmem:$0x1D600] =	vst v63  }
0x1ae: {  	_ =	swait.ge [sflag:s20], $0x540  }
0x1af: {  	[sflag:s20] =	ssyncset.done $0x0  }
0x1b0: {  	[sflag:s20] =	ssyncadd.s32 $0xFFFFFAC0  }
0x1b1: {  	_ =	swait.ge [sflag:s20], $0x540  }
0x1b2: {  	[sflag:s20] =	ssyncset.done $0x0  }
0x1b3: {  	[sflag:s20] =	ssyncadd.s32 $0xFFFFFAC0  }
0x1b4: {  	_ =	swait.ge [sflag:s20], $0x540  }
0x1b5: {  	[sflag:s20] =	ssyncset.done $0x0  }
0x1b6: {  	[sflag:s20] =	ssyncadd.s32 $0xFFFFFAC0  }
0x1b7: {  	_ =	swait.ge [sflag:s20], $0x540  }
0x1b8: {  	[sflag:s20] =	ssyncset.done $0x0  }
0x1b9: {  	s28 =	simm.s32 $0x0;
	[sflag:s20] =	ssyncadd.s32 $0xFFFFFAC0  }
0x1ba: {  	v5 =	vld [tilespmem:s28+$0x16800]  }
0x1bb: {  	v6 =	vld [tilespmem:s28+$0x17880];
	_ =	sdelay $0x3  }
0x1bc: {  	vm7 =	vge.s32 v5, v0  }
0x1bd: {  	v9 =	vld [tilespmem:s28+$0x17300];
	v7 =	vand.u32 $0x7FFF, v5;
	vm8 =	vlt.s32 v6, v1;
	vm2 =	vlt.s32 v5, v1  }
0x1be: {  	v5 =	vsub.s32 v5, v0;
	v10 =	vand.u32 $0x7FFF, v6;
	vm9 =	vge.s32 v6, v0  }
0x1bf: {  	v6 =	vsub.s32 v6, v0;
	vm0 =	vmand vm7, vm2;
	v7 =	vadd.s32 $0xF4240, v7  }
0x1c0: {  	v8 =	vld [tilespmem:s28+$0x15200];
	v5 =	vsel vm0, v5, v7;
	vm0 =	vmand vm9, vm8;
	v7 =	vadd.s32 $0xF4240, v10  }
0x1c1: {  	[tilespmem:s28+$0x16800] =	vst v5;
	v5 =	vsel vm0, v6, v7;
	v7 =	vld [tilespmem:s28+$0x17E00]  }
0x1c2: {  	vm10 =	vge.s32 v9, v0;
	vm11 =	vlt.s32 v9, v1;
	v6 =	vld [tilespmem:s28+$0x18380];
	[tilespmem:s28+$0x17880] =	vst v5;
	v5 =	vand.u32 $0x7FFF, v9  }
0x1c3: {  	v11 =	vld [tilespmem:s28+$0x16D80];
	vm0 =	vmand vm10, vm11;
	v9 =	vsub.s32 v9, v0;
	v5 =	vadd.s32 $0xF4240, v5  }
0x1c4: {  	v5 =	vsel vm0, v9, v5;
	v9 =	vld [tilespmem:s28+$0x18900];
	_ =	sdelay $0x1  }
0x1c5: {  	v10 =	vld [tilespmem:s28+$0x18E80]  }
0x1c6: {  	[tilespmem:s28+$0x17300] =	vst v5;
	v5 =	vsub.f32 v6, v7  }
0x1c7: {  	v12 =	vand.u32 $0xFF, v8;
	v13 =	vand.u32 $0xFF00, v8;
	vm14 =	vlt.s32 v8, $0xFF0000  }
0x1c8: {  	vm15 =	vlt.s32 v11, v1;
	v8 =	vmul.f32 v5, v5;
	v6 =	vsub.f32 v9, v7  }
0x1c9: {  	vm3 =	vge.s32 v11, v0;
	vm12 =	vne.s32 v13, $0xFF00;
	vm13 =	vne.s32 v12, $0xFF  }
0x1ca: {  	v7 =	vsub.f32 v10, v7;
	v8 =	vadd.f32 $9.999999710e-10, v8;
	v10 =	vmul.f32 v6, v6  }
0x1cb: {  	vm1 =	vmand vm3, vm15;
	vm0 =	vmand vm12, vm13  }
0x1cc: {  	v9 =	vand.u32 $0x7FFF, v11;
	v8 =	vadd.f32 v10, v8;
	v10 =	vmul.f32 v7, v7  }
0x1cd: {  	v11 =	vsub.s32 v11, v0;
	v9 =	vadd.s32 $0xF4240, v9;
	v63 =	vadd.f32 v6, v5  }
0x1ce: {  	vm0 =	vmand vm0, vm14;
	v9 =	vsel vm1, v11, v9;
	v10 =	vadd.f32 v10, v8  }
0x1cf: {  	s0 =	simm.s32 $0x40;
	[tilespmem:s28+$0x16D80] =	vst v9;
	v9 =	vadd.f32 v7, v63;
	v8 =	vsel vm0, $0x3727C5AC, v4  }
.LBB2_14:
0x1d0: {  	p1 =	sne.s32 s0, $0x14C0;
	v11 =	vshra.s32 v10, $0x1;
	v10 =	vmul.f32 $5.000000000e-01, v10;
	s6 =	smov.u32 s0;
	s0 =	sadd.s32 $0x40, s0  }
0x1d1: {  	s6 =	sshra.s32 s6, $0x2;
	v11 =	vsub.s32 $0x5F3759DF, v11  }
0x1d2: {  	v12 =	vld [tilespmem:s6+$0x15200];
	v13 =	vmul.f32 v11, v10  }
0x1d3: {  	v14 =	vld [tilespmem:s6+$0x16800]  }
0x1d4: {  	v15 =	vld [tilespmem:s6+$0x16D80];
	v13 =	vmul.f32 v11, v13;
	_ =	sdelay $0x1  }
0x1d5: {  	v13 =	vsub.f32 $1.500000000e+00, v13  }
0x1d6: {  	v16 =	vand.u32 $0xFF, v12;
	v17 =	vand.u32 $0xFF00, v12;
	v18 =	vld [tilespmem:s6+$0x17300]  }
0x1d7: {  	vm0 =	vne.s32 v17, $0xFF00;
	vm1 =	vne.s32 v16, $0xFF;
	v11 =	vmul.f32 v11, v13  }
0x1d8: {  	vm2 =	vlt.s32 v12, $0xFF0000;
	vm0 =	vmand vm0, vm1;
	v12 =	vsub.s32 v15, v0  }
0x1d9: {  	vm1 =	vlt.s32 v15, v1;
	vm0 =	vmand vm0, vm2;
	v13 =	vld [tilespmem:s6+$0x17880];
	v10 =	vmul.f32 v11, v10  }
0x1da: {  	vm3 =	vge.s32 v15, v0;
	v15 =	vand.u32 $0x7FFF, v15;
	vm2 =	vge.s32 v14, v0  }
0x1db: {  	vm4 =	vge.s32 v18, v0;
	vm5 =	vlt.s32 v18, v1;
	v10 =	vmul.f32 v10, v11  }
0x1dc: {  	v9 =	vsub.f32 $0.0e+00, v9;
	v15 =	vadd.s32 $0xF4240, v15;
	vm4 =	vmand vm4, vm5  }
0x1dd: {  	v16 =	vsub.s32 v18, v0;
	v17 =	vand.u32 $0x7FFF, v18;
	v10 =	vsub.f32 $1.500000000e+00, v10  }
0x1de: {  	v18 =	vand.u32 $0x7FFF, v14;
	vm5 =	vlt.s32 v13, v1;
	v19 =	vand.u32 $0x7FFF, v13  }
0x1df: {  	vm6 =	vlt.s32 v14, v1;
	vm1 =	vmand vm3, vm1;
	v10 =	vmul.f32 v10, v11  }
0x1e0: {  	vm2 =	vmand vm2, vm6;
	v11 =	vsub.s32 v14, v0;
	v14 =	vadd.s32 $0xF4240, v18  }
0x1e1: {  	v11 =	vsel vm2, v11, v14;
	vm2 =	vge.s32 v13, v0;
	v8 =	vmul.f32 v10, v8  }
0x1e2: {  	vm2 =	vmand vm2, vm5;
	v10 =	vsub.s32 v13, v0;
	[tilespmem:s6+$0x16800] =	vst v11;
	v11 =	vadd.s32 $0xF4240, v19  }
0x1e3: {  	v13 =	vadd.s32 $0xF4240, v17;
	v10 =	vsel vm2, v10, v11;
	v9 =	vmul.f32 v8, v9  }
0x1e4: {  	v11 =	vsel vm4, v16, v13;
	v5 =	vmul.f32 v8, v5;
	v7 =	vmul.f32 v8, v7;
	[tilespmem:s6+$0x17880] =	vst v10  }
0x1e5: {  	v6 =	vmul.f32 v8, v6;
	v10 =	vsel vm1, v12, v15;
	[tilespmem:s28+$0x17E00] =	vst v9  }
0x1e6: {  	v8 =	vld [tilespmem:s6+$0x17E00];
	[tilespmem:s28+$0x18380] =	vst v5  }
0x1e7: {  	v5 =	vld [tilespmem:s6+$0x18380];
	[tilespmem:s28+$0x18900] =	vst v6  }
0x1e8: {  	v6 =	vld [tilespmem:s6+$0x18900];
	[tilespmem:s28+$0x18E80] =	vst v7;
	s28 =	smov.u32 s6  }
0x1e9: {  	[tilespmem:s28+$0x17300] =	vst v11  }
0x1ea: {  	v7 =	vld [tilespmem:s28+$0x18E80];
	[tilespmem:s28+$0x16D80] =	vst v10;
	_ =	sdelay $0x1  }
0x1eb: {  	v5 =	vsub.f32 v5, v8  }
0x1ec: {  	v6 =	vsub.f32 v6, v8  }
0x1ed: {  	v9 =	vmul.f32 v5, v5  }
0x1ee: {  	v7 =	vsub.f32 v7, v8;
	v8 =	vmul.f32 v6, v6;
	v10 =	vadd.f32 v6, v5  }
0x1ef: {  	v11 =	vadd.f32 $9.999999710e-10, v9  }
.Ltmp8:
0x1f0: {  	v12 =	vmul.f32 v7, v7;
	v9 =	vadd.f32 v7, v10;
	(pc) =	sbr.rel @p1 .LBB2_14-.Ltmp8, $3  }
0x1f1: {  	v8 =	vadd.f32 v8, v11;
	_ =	sdelay $0x1  }
0x1f2: {  	v10 =	vadd.f32 v12, v8  }
0x1f3: {  	v8 =	vsel vm0, $0x3727C5AC, v4  }
0x1f4: {  	v11 =	vshra.s32 v10, $0x1;
	v63 =	vmul.f32 $5.000000000e-01, v10  }
0x1f5: {  	v11 =	vsub.s32 $0x5F3759DF, v11  }
0x1f6: {  	v12 =	vmul.f32 v11, v63;
	_ =	sdelay $0x1  }
0x1f7: {  	v12 =	vmul.f32 v11, v12;
	_ =	sdelay $0x1  }
0x1f8: {  	v12 =	vsub.f32 $1.500000000e+00, v12;
	_ =	sdelay $0x1  }
0x1f9: {  	v11 =	vmul.f32 v11, v12;
	_ =	sdelay $0x1  }
0x1fa: {  	v10 =	vmul.f32 v11, v63;
	_ =	sdelay $0x1  }
0x1fb: {  	v10 =	vmul.f32 v10, v11;
	_ =	sdelay $0x1  }
0x1fc: {  	v10 =	vsub.f32 $1.500000000e+00, v10;
	_ =	sdelay $0x1  }
0x1fd: {  	v10 =	vmul.f32 v10, v11;
	_ =	sdelay $0x1  }
0x1fe: {  	v9 =	vsub.f32 $0.0e+00, v9;
	v8 =	vmul.f32 v10, v8;
	_ =	sdelay $0x1  }
0x1ff: {  	v9 =	vmul.f32 v8, v9  }
0x200: {  	v5 =	vmul.f32 v8, v5  }
0x201: {  	v6 =	vmul.f32 v8, v6;
	[tilespmem:s28+$0x17E00] =	vst v9  }
0x202: {  	v7 =	vmul.f32 v8, v7;
	[tilespmem:s28+$0x18380] =	vst v5  }
0x203: {  	[tilespmem:s28+$0x18900] =	vst v6  }
0x204: {  	s0 =	simm.s32 $0x17E00;
	[tilespmem:s28+$0x18E80] =	vst v7  }
0x205: {  	[spmem:s1] =	stream.indirect.scatter.add.f32 [tilespmem:s0], [sflag:$0x8], $0x1, s26, s9, $0xb8;
	[tilespmem:$0x1D600] =	vst v63  }
0x206: {  	s28 =	simm.s32 $0x18380  }
0x207: {  	[spmem:s1] =	stream.indirect.scatter.add.f32 [tilespmem:s28], [sflag:$0x8], $0x1, s29, s9, $0xb8;
	[tilespmem:$0x1D600] =	vst v63  }
0x208: {  	_ = 	snop  }
0x209: {  	[spmem:s1] =	stream.indirect.scatter.add.f32 [tilespmem:s7], [sflag:$0x8], $0x1, s31, s9, $0xb8;
	[tilespmem:$0x1D600] =	vst v63  }
0x20a: {  	_ = 	snop  }
0x20b: {  	[spmem:s1] =	stream.indirect.scatter.add.f32 [tilespmem:s23], [sflag:$0x8], $0x1, s2, s9, $0xb8;
	[tilespmem:$0x1D600] =	vst v63  }
0x20c: {  	_ =	swait.ge [sflag:s22], $0x540  }
0x20d: {  	[sflag:s22] =	ssyncset.done $0x0  }
0x20e: {  	[sflag:s22] =	ssyncadd.s32 $0xFFFFFAC0  }
0x20f: {  	_ =	swait.ge [sflag:s22], $0x540  }
0x210: {  	[sflag:s22] =	ssyncset.done $0x0  }
0x211: {  	[sflag:s22] =	ssyncadd.s32 $0xFFFFFAC0  }
0x212: {  	_ =	swait.ge [sflag:s22], $0x540  }
0x213: {  	[sflag:s22] =	ssyncset.done $0x0  }
0x214: {  	[sflag:s22] =	ssyncadd.s32 $0xFFFFFAC0  }
0x215: {  	_ =	swait.ge [sflag:s22], $0x540  }
0x216: {  	s0 =	simm.s32 $0x0;
	[sflag:s22] =	ssyncset.done $0x0  }
0x217: {  	s28 =	simm.s32 $0x15200;
	s6 =	rddreg [dreg:$0x9];
	[sflag:s22] =	ssyncadd.s32 $0xFFFFFAC0  }
0x218: {  	[tilespmem:s28], [sflag:$0xA] =	stream.linear.gather [hbm4b:s6+s0], $0x540, $0x38;
	[tilespmem:$0x1D600] =	vst v63  }
0x219: {  	_ =	swait.ge [sflag:s8], $0x540  }
0x21a: {  	[sflag:s8] =	ssyncset.done $0x0  }
0x21b: {  	s0 =	simm.s32 $0x0;
	[sflag:s8] =	ssyncadd.s32 $0xFFFFFAC0  }
0x21c: {  	v5 =	vld [tilespmem:s0+$0x15200];
	_ =	sdelay $0x3  }
0x21d: {  	s6 =	simm.s32 $0x40  }
.LBB2_16:
0x21e: {  	s28 =	sshra.s32 s6, $0x2;
	p1 =	sne.s32 s6, $0x14C0;
	s6 =	sadd.s32 $0x40, s6;
	v6 =	vand.u32 $0xFF, v5;
	vm0 =	vlt.s32 v5, $0xFF0000;
	v7 =	vand.u32 $0xFF00, v5;
	v8 =	vmovc v5  }
.Ltmp9:
0x21f: {  	v5 =	vld [tilespmem:s28+$0x15200];
	v9 =	vsel vm0, $0x10000, v2;
	vm0 =	veq.s32 v7, $0xFF00;
	vm1 =	vne.s32 v6, $0xFF;
	(pc) =	sbr.rel @p1 .LBB2_16-.Ltmp9, $4  }
0x220: {  	v6 =	vadd.s32 v8, v9;
	v7 =	vsel vm0, $0x0, v3;
	v9 =	vsel vm1, $0x1, v2  }
0x221: {  	[tilespmem:s0+$0x15780] =	vst v6;
	v6 =	vadd.s32 v8, v7;
	v7 =	vadd.s32 v9, v8  }
0x222: {  	[tilespmem:s0+$0x16280] =	vst v7  }
0x223: {  	[tilespmem:s0+$0x15D00] =	vst v6;
	s0 =	smov.u32 s28  }
0x224: {  	v6 =	vand.u32 $0xFF, v5;
	vm0 =	vlt.s32 v5, $0xFF0000  }
0x225: {  	v7 =	vand.u32 $0xFF00, v5;
	v8 =	vsel vm0, $0x10000, v2;
	vm6 =	vne.s32 v6, $0xFF  }
0x226: {  	vm1 =	veq.s32 v7, $0xFF00;
	v6 =	vadd.s32 v5, v8;
	v7 =	vsel vm6, $0x1, v2  }
0x227: {  	v8 =	vsel vm1, $0x0, v3;
	[tilespmem:s0+$0x15780] =	vst v6;
	v6 =	vadd.s32 v7, v5  }
0x228: {  	v5 =	vadd.s32 v5, v8;
	[tilespmem:s0+$0x16280] =	vst v6  }
0x229: {  	s6 =	simm.s32 $0x15200;
	[tilespmem:s0+$0x15D00] =	vst v5  }
0x22a: {  	[tilespmem:s26], [sflag:$0x2] =	stream.indirect.gather [hbm4b:s5+s9], $0x1, s6, s9, $0xb8;
	[tilespmem:$0x1D600] =	vst v63  }
0x22b: {  	s6 =	simm.s32 $0x15780  }
0x22c: {  	[tilespmem:s29], [sflag:$0x2] =	stream.indirect.gather [hbm4b:s5+s9], $0x1, s6, s9, $0xb8;
	[tilespmem:$0x1D600] =	vst v63  }
0x22d: {  	s6 =	simm.s32 $0x15D00  }
0x22e: {  	[tilespmem:s31], [sflag:$0x2] =	stream.indirect.gather [hbm4b:s5+s9], $0x1, s6, s9, $0xb8;
	[tilespmem:$0x1D600] =	vst v63  }
0x22f: {  	s6 =	simm.s32 $0x16280  }
0x230: {  	[tilespmem:s2], [sflag:$0x2] =	stream.indirect.gather [hbm4b:s5+s9], $0x1, s6, s9, $0xb8;
	[tilespmem:$0x1D600] =	vst v63  }
0x231: {  	_ =	swait.ge [sflag:s15], $0x540  }
0x232: {  	[sflag:s15] =	ssyncset.done $0x0  }
0x233: {  	[sflag:s15] =	ssyncadd.s32 $0xFFFFFAC0  }
0x234: {  	_ =	swait.ge [sflag:s15], $0x540  }
0x235: {  	[sflag:s15] =	ssyncset.done $0x0  }
0x236: {  	[sflag:s15] =	ssyncadd.s32 $0xFFFFFAC0  }
0x237: {  	_ =	swait.ge [sflag:s15], $0x540  }
0x238: {  	[sflag:s15] =	ssyncset.done $0x0  }
0x239: {  	[sflag:s15] =	ssyncadd.s32 $0xFFFFFAC0  }
0x23a: {  	_ =	swait.ge [sflag:s15], $0x540  }
0x23b: {  	[sflag:s15] =	ssyncset.done $0x0  }
0x23c: {  	s6 =	simm.s32 $0x13C00;
	[sflag:s15] =	ssyncadd.s32 $0xFFFFFAC0  }
0x23d: {  	[tilespmem:s6], [sflag:$0x4] =	stream.indirect.gather [hbm4b:s4+s9], $0x1, s10, s9, $0xb8;
	[tilespmem:$0x1D600] =	vst v63  }
0x23e: {  	s6 =	simm.s32 $0x14180  }
0x23f: {  	[tilespmem:s6], [sflag:$0x4] =	stream.indirect.gather [hbm4b:s4+s9], $0x1, s12, s9, $0xb8;
	[tilespmem:$0x1D600] =	vst v63  }
0x240: {  	s6 =	simm.s32 $0x14700  }
0x241: {  	[tilespmem:s6], [sflag:$0x4] =	stream.indirect.gather [hbm4b:s4+s9], $0x1, s14, s9, $0xb8;
	[tilespmem:$0x1D600] =	vst v63  }
0x242: {  	s6 =	simm.s32 $0x14C80  }
0x243: {  	[tilespmem:s6], [sflag:$0x4] =	stream.indirect.gather [hbm4b:s4+s9], $0x1, s18, s9, $0xb8;
	[tilespmem:$0x1D600] =	vst v63  }
0x244: {  	_ =	swait.ge [sflag:s11], $0x540  }
0x245: {  	[sflag:s11] =	ssyncset.done $0x0  }
0x246: {  	[sflag:s11] =	ssyncadd.s32 $0xFFFFFAC0  }
0x247: {  	_ =	swait.ge [sflag:s11], $0x540  }
0x248: {  	[sflag:s11] =	ssyncset.done $0x0  }
0x249: {  	[sflag:s11] =	ssyncadd.s32 $0xFFFFFAC0  }
0x24a: {  	_ =	swait.ge [sflag:s11], $0x540  }
0x24b: {  	[sflag:s11] =	ssyncset.done $0x0  }
0x24c: {  	[sflag:s11] =	ssyncadd.s32 $0xFFFFFAC0  }
0x24d: {  	_ =	swait.ge [sflag:s11], $0x540  }
0x24e: {  	[sflag:s11] =	ssyncset.done $0x0  }
0x24f: {  	s28 =	simm.s32 $0x0;
	[sflag:s11] =	ssyncadd.s32 $0xFFFFFAC0  }
0x250: {  	v5 =	vld [tilespmem:s28+$0x1AA00]  }
0x251: {  	v6 =	vld [tilespmem:s28+$0x1BA80];
	_ =	sdelay $0x3  }
0x252: {  	vm7 =	vge.s32 v5, v0  }
0x253: {  	v9 =	vld [tilespmem:s28+$0x1B500];
	v7 =	vand.u32 $0x7FFF, v5;
	vm8 =	vlt.s32 v6, v1;
	vm2 =	vlt.s32 v5, v1  }
0x254: {  	v5 =	vsub.s32 v5, v0;
	v10 =	vand.u32 $0x7FFF, v6;
	vm9 =	vge.s32 v6, v0  }
0x255: {  	v6 =	vsub.s32 v6, v0;
	vm0 =	vmand vm7, vm2;
	v7 =	vadd.s32 $0xF4240, v7  }
0x256: {  	v8 =	vld [tilespmem:s28+$0x19400];
	v5 =	vsel vm0, v5, v7;
	vm0 =	vmand vm9, vm8;
	v7 =	vadd.s32 $0xF4240, v10  }
0x257: {  	[tilespmem:s28+$0x1AA00] =	vst v5;
	v5 =	vsel vm0, v6, v7;
	v7 =	vld [tilespmem:s28+$0x1C000]  }
0x258: {  	vm10 =	vge.s32 v9, v0;
	vm11 =	vlt.s32 v9, v1;
	v6 =	vld [tilespmem:s28+$0x1C580];
	[tilespmem:s28+$0x1BA80] =	vst v5;
	v5 =	vand.u32 $0x7FFF, v9  }
0x259: {  	v11 =	vld [tilespmem:s28+$0x1AF80];
	vm0 =	vmand vm10, vm11;
	v9 =	vsub.s32 v9, v0;
	v5 =	vadd.s32 $0xF4240, v5  }
0x25a: {  	v5 =	vsel vm0, v9, v5;
	v9 =	vld [tilespmem:s28+$0x1CB00];
	_ =	sdelay $0x1  }
0x25b: {  	v10 =	vld [tilespmem:s28+$0x1D080]  }
0x25c: {  	[tilespmem:s28+$0x1B500] =	vst v5;
	v5 =	vsub.f32 v6, v7  }
0x25d: {  	v12 =	vand.u32 $0xFF, v8;
	v13 =	vand.u32 $0xFF00, v8;
	vm14 =	vlt.s32 v8, $0xFF0000  }
0x25e: {  	vm15 =	vlt.s32 v11, v1;
	v8 =	vmul.f32 v5, v5;
	v6 =	vsub.f32 v9, v7  }
0x25f: {  	vm3 =	vge.s32 v11, v0;
	vm12 =	vne.s32 v13, $0xFF00;
	vm13 =	vne.s32 v12, $0xFF  }
0x260: {  	v7 =	vsub.f32 v10, v7;
	v8 =	vadd.f32 $9.999999710e-10, v8;
	v10 =	vmul.f32 v6, v6  }
0x261: {  	vm1 =	vmand vm3, vm15;
	vm0 =	vmand vm12, vm13  }
0x262: {  	v9 =	vand.u32 $0x7FFF, v11;
	v8 =	vadd.f32 v10, v8;
	v10 =	vmul.f32 v7, v7  }
0x263: {  	v11 =	vsub.s32 v11, v0;
	v9 =	vadd.s32 $0xF4240, v9;
	v63 =	vadd.f32 v6, v5  }
0x264: {  	vm0 =	vmand vm0, vm14;
	v9 =	vsel vm1, v11, v9;
	v10 =	vadd.f32 v10, v8  }
0x265: {  	s0 =	simm.s32 $0x40;
	[tilespmem:s28+$0x1AF80] =	vst v9;
	v9 =	vadd.f32 v7, v63;
	v8 =	vsel vm0, $0x3727C5AC, v4  }
.LBB2_18:
0x266: {  	p1 =	sne.s32 s0, $0x14C0;
	v11 =	vshra.s32 v10, $0x1;
	v10 =	vmul.f32 $5.000000000e-01, v10;
	s6 =	smov.u32 s0;
	s0 =	sadd.s32 $0x40, s0  }
0x267: {  	s6 =	sshra.s32 s6, $0x2;
	v11 =	vsub.s32 $0x5F3759DF, v11  }
0x268: {  	v12 =	vld [tilespmem:s6+$0x19400];
	v13 =	vmul.f32 v11, v10  }
0x269: {  	v14 =	vld [tilespmem:s6+$0x1AA00]  }
0x26a: {  	v15 =	vld [tilespmem:s6+$0x1AF80];
	v13 =	vmul.f32 v11, v13;
	_ =	sdelay $0x1  }
0x26b: {  	v13 =	vsub.f32 $1.500000000e+00, v13  }
0x26c: {  	v16 =	vand.u32 $0xFF, v12;
	v17 =	vand.u32 $0xFF00, v12;
	v18 =	vld [tilespmem:s6+$0x1B500]  }
0x26d: {  	vm0 =	vne.s32 v17, $0xFF00;
	vm1 =	vne.s32 v16, $0xFF;
	v11 =	vmul.f32 v11, v13  }
0x26e: {  	vm2 =	vlt.s32 v12, $0xFF0000;
	vm0 =	vmand vm0, vm1;
	v12 =	vsub.s32 v15, v0  }
0x26f: {  	vm1 =	vlt.s32 v15, v1;
	vm0 =	vmand vm0, vm2;
	v13 =	vld [tilespmem:s6+$0x1BA80];
	v10 =	vmul.f32 v11, v10  }
0x270: {  	vm3 =	vge.s32 v15, v0;
	v15 =	vand.u32 $0x7FFF, v15;
	vm2 =	vge.s32 v14, v0  }
0x271: {  	vm4 =	vge.s32 v18, v0;
	vm5 =	vlt.s32 v18, v1;
	v10 =	vmul.f32 v10, v11  }
0x272: {  	v9 =	vsub.f32 $0.0e+00, v9;
	v15 =	vadd.s32 $0xF4240, v15;
	vm4 =	vmand vm4, vm5  }
0x273: {  	v16 =	vsub.s32 v18, v0;
	v17 =	vand.u32 $0x7FFF, v18;
	v10 =	vsub.f32 $1.500000000e+00, v10  }
0x274: {  	v18 =	vand.u32 $0x7FFF, v14;
	vm5 =	vlt.s32 v13, v1;
	v19 =	vand.u32 $0x7FFF, v13  }
0x275: {  	vm6 =	vlt.s32 v14, v1;
	vm1 =	vmand vm3, vm1;
	v10 =	vmul.f32 v10, v11  }
0x276: {  	vm2 =	vmand vm2, vm6;
	v11 =	vsub.s32 v14, v0;
	v14 =	vadd.s32 $0xF4240, v18  }
0x277: {  	v11 =	vsel vm2, v11, v14;
	vm2 =	vge.s32 v13, v0;
	v8 =	vmul.f32 v10, v8  }
0x278: {  	vm2 =	vmand vm2, vm5;
	v10 =	vsub.s32 v13, v0;
	[tilespmem:s6+$0x1AA00] =	vst v11;
	v11 =	vadd.s32 $0xF4240, v19  }
0x279: {  	v13 =	vadd.s32 $0xF4240, v17;
	v10 =	vsel vm2, v10, v11;
	v9 =	vmul.f32 v8, v9  }
0x27a: {  	v11 =	vsel vm4, v16, v13;
	v5 =	vmul.f32 v8, v5;
	v7 =	vmul.f32 v8, v7;
	[tilespmem:s6+$0x1BA80] =	vst v10  }
0x27b: {  	v6 =	vmul.f32 v8, v6;
	v10 =	vsel vm1, v12, v15;
	[tilespmem:s28+$0x1C000] =	vst v9  }
0x27c: {  	v8 =	vld [tilespmem:s6+$0x1C000];
	[tilespmem:s28+$0x1C580] =	vst v5  }
0x27d: {  	v5 =	vld [tilespmem:s6+$0x1C580];
	[tilespmem:s28+$0x1CB00] =	vst v6  }
0x27e: {  	v6 =	vld [tilespmem:s6+$0x1CB00];
	[tilespmem:s28+$0x1D080] =	vst v7;
	s28 =	smov.u32 s6  }
0x27f: {  	[tilespmem:s28+$0x1B500] =	vst v11  }
0x280: {  	v7 =	vld [tilespmem:s28+$0x1D080];
	[tilespmem:s28+$0x1AF80] =	vst v10;
	_ =	sdelay $0x1  }
0x281: {  	v5 =	vsub.f32 v5, v8  }
0x282: {  	v6 =	vsub.f32 v6, v8  }
0x283: {  	v9 =	vmul.f32 v5, v5  }
0x284: {  	v7 =	vsub.f32 v7, v8;
	v8 =	vmul.f32 v6, v6;
	v10 =	vadd.f32 v6, v5  }
0x285: {  	v11 =	vadd.f32 $9.999999710e-10, v9  }
.Ltmp10:
0x286: {  	v12 =	vmul.f32 v7, v7;
	v9 =	vadd.f32 v7, v10;
	(pc) =	sbr.rel @p1 .LBB2_18-.Ltmp10, $3  }
0x287: {  	v8 =	vadd.f32 v8, v11;
	_ =	sdelay $0x1  }
0x288: {  	v10 =	vadd.f32 v12, v8  }
0x289: {  	v8 =	vsel vm0, $0x3727C5AC, v4  }
0x28a: {  	v11 =	vshra.s32 v10, $0x1;
	v63 =	vmul.f32 $5.000000000e-01, v10  }
0x28b: {  	v11 =	vsub.s32 $0x5F3759DF, v11  }
0x28c: {  	v12 =	vmul.f32 v11, v63;
	_ =	sdelay $0x1  }
0x28d: {  	v12 =	vmul.f32 v11, v12;
	_ =	sdelay $0x1  }
0x28e: {  	v12 =	vsub.f32 $1.500000000e+00, v12;
	_ =	sdelay $0x1  }
0x28f: {  	v11 =	vmul.f32 v11, v12;
	_ =	sdelay $0x1  }
0x290: {  	v10 =	vmul.f32 v11, v63;
	_ =	sdelay $0x1  }
0x291: {  	v10 =	vmul.f32 v10, v11;
	_ =	sdelay $0x1  }
0x292: {  	v10 =	vsub.f32 $1.500000000e+00, v10;
	_ =	sdelay $0x1  }
0x293: {  	v10 =	vmul.f32 v10, v11;
	_ =	sdelay $0x1  }
0x294: {  	v9 =	vsub.f32 $0.0e+00, v9;
	v8 =	vmul.f32 v10, v8;
	_ =	sdelay $0x1  }
0x295: {  	v9 =	vmul.f32 v8, v9  }
0x296: {  	v5 =	vmul.f32 v8, v5  }
0x297: {  	v6 =	vmul.f32 v8, v6;
	[tilespmem:s28+$0x1C000] =	vst v9  }
0x298: {  	v7 =	vmul.f32 v8, v7;
	[tilespmem:s28+$0x1C580] =	vst v5  }
0x299: {  	[tilespmem:s28+$0x1CB00] =	vst v6  }
0x29a: {  	s0 =	simm.s32 $0x1AA00;
	s6 =	simm.s32 $0x1C000;
	[tilespmem:s28+$0x1D080] =	vst v7  }
0x29b: {  	[spmem:s1] =	stream.indirect.scatter.add.f32 [tilespmem:s6], [sflag:$0x9], $0x1, s0, s9, $0xb8;
	[tilespmem:$0x1D600] =	vst v63  }
0x29c: {  	s28 =	simm.s32 $0x1C580;
	s6 =	simm.s32 $0x1AF80  }
0x29d: {  	[spmem:s1] =	stream.indirect.scatter.add.f32 [tilespmem:s28], [sflag:$0x9], $0x1, s6, s9, $0xb8;
	[tilespmem:$0x1D600] =	vst v63  }
0x29e: {  	s6 =	simm.s32 $0x1B500;
	s28 =	simm.s32 $0x1CB00  }
0x29f: {  	[spmem:s1] =	stream.indirect.scatter.add.f32 [tilespmem:s28], [sflag:$0x9], $0x1, s6, s9, $0xb8;
	[tilespmem:$0x1D600] =	vst v63  }
0x2a0: {  	s6 =	simm.s32 $0x1BA80;
	s28 =	simm.s32 $0x1D080  }
0x2a1: {  	[spmem:s1] =	stream.indirect.scatter.add.f32 [tilespmem:s28], [sflag:$0x9], $0x1, s6, s9, $0xb8;
	[tilespmem:$0x1D600] =	vst v63  }
0x2a2: {  	_ =	swait.ge [sflag:s13], $0x540  }
0x2a3: {  	[sflag:s13] =	ssyncset.done $0x0  }
0x2a4: {  	[sflag:s13] =	ssyncadd.s32 $0xFFFFFAC0  }
0x2a5: {  	_ =	swait.ge [sflag:s13], $0x540  }
0x2a6: {  	[sflag:s13] =	ssyncset.done $0x0  }
0x2a7: {  	[sflag:s13] =	ssyncadd.s32 $0xFFFFFAC0  }
0x2a8: {  	_ =	swait.ge [sflag:s13], $0x540  }
0x2a9: {  	[sflag:s13] =	ssyncset.done $0x0  }
0x2aa: {  	[sflag:s13] =	ssyncadd.s32 $0xFFFFFAC0  }
0x2ab: {  	_ =	swait.ge [sflag:s13], $0x540  }
0x2ac: {  	s0 =	simm.s32 $0x0;
	[sflag:s13] =	ssyncset.done $0x0  }
0x2ad: {  	s28 =	simm.s32 $0x19400;
	s6 =	rddreg [dreg:$0xa];
	[sflag:s13] =	ssyncadd.s32 $0xFFFFFAC0  }
0x2ae: {  	[tilespmem:s28], [sflag:$0xA] =	stream.linear.gather [hbm4b:s6+s0], $0x540, $0x38;
	[tilespmem:$0x1D600] =	vst v63  }
0x2af: {  	_ =	swait.ge [sflag:s8], $0x540  }
0x2b0: {  	[sflag:s8] =	ssyncset.done $0x0  }
0x2b1: {  	s0 =	simm.s32 $0x0;
	[sflag:s8] =	ssyncadd.s32 $0xFFFFFAC0  }
0x2b2: {  	v5 =	vld [tilespmem:s0+$0x19400];
	_ =	sdelay $0x3  }
0x2b3: {  	s6 =	simm.s32 $0x40  }
.LBB2_20:
0x2b4: {  	s28 =	sshra.s32 s6, $0x2;
	p1 =	sne.s32 s6, $0x14C0;
	s6 =	sadd.s32 $0x40, s6;
	v6 =	vand.u32 $0xFF, v5;
	vm0 =	vlt.s32 v5, $0xFF0000;
	v7 =	vand.u32 $0xFF00, v5;
	v8 =	vmovc v5  }
.Ltmp11:
0x2b5: {  	v5 =	vld [tilespmem:s28+$0x19400];
	v9 =	vsel vm0, $0x10000, v2;
	vm0 =	veq.s32 v7, $0xFF00;
	vm1 =	vne.s32 v6, $0xFF;
	(pc) =	sbr.rel @p1 .LBB2_20-.Ltmp11, $4  }
0x2b6: {  	v6 =	vadd.s32 v8, v9;
	v7 =	vsel vm0, $0x0, v3;
	v9 =	vsel vm1, $0x1, v2  }
0x2b7: {  	[tilespmem:s0+$0x19980] =	vst v6;
	v6 =	vadd.s32 v8, v7;
	v7 =	vadd.s32 v9, v8  }
0x2b8: {  	[tilespmem:s0+$0x1A480] =	vst v7  }
0x2b9: {  	[tilespmem:s0+$0x19F00] =	vst v6;
	s0 =	smov.u32 s28  }
0x2ba: {  	v6 =	vand.u32 $0xFF, v5;
	vm0 =	vlt.s32 v5, $0xFF0000  }
0x2bb: {  	v7 =	vand.u32 $0xFF00, v5;
	v8 =	vsel vm0, $0x10000, v2;
	vm6 =	vne.s32 v6, $0xFF  }
0x2bc: {  	vm1 =	veq.s32 v7, $0xFF00;
	v6 =	vadd.s32 v5, v8;
	v7 =	vsel vm6, $0x1, v2  }
0x2bd: {  	v8 =	vsel vm1, $0x0, v3;
	[tilespmem:s0+$0x19980] =	vst v6;
	v6 =	vadd.s32 v7, v5  }
0x2be: {  	v5 =	vadd.s32 v5, v8;
	[tilespmem:s0+$0x1A480] =	vst v6  }
0x2bf: {  	s6 =	simm.s32 $0x1AA00;
	[tilespmem:s0+$0x19F00] =	vst v5;
	s0 =	simm.s32 $0x19400  }
0x2c0: {  	[tilespmem:s6], [sflag:$0x3] =	stream.indirect.gather [hbm4b:s5+s9], $0x1, s0, s9, $0xb8;
	[tilespmem:$0x1D600] =	vst v63  }
0x2c1: {  	s0 =	simm.s32 $0x19980;
	s6 =	simm.s32 $0x1AF80  }
0x2c2: {  	[tilespmem:s6], [sflag:$0x3] =	stream.indirect.gather [hbm4b:s5+s9], $0x1, s0, s9, $0xb8;
	[tilespmem:$0x1D600] =	vst v63  }
0x2c3: {  	s0 =	simm.s32 $0x19F00;
	s6 =	simm.s32 $0x1B500  }
0x2c4: {  	[tilespmem:s6], [sflag:$0x3] =	stream.indirect.gather [hbm4b:s5+s9], $0x1, s0, s9, $0xb8;
	[tilespmem:$0x1D600] =	vst v63  }
0x2c5: {  	s0 =	simm.s32 $0x1A480;
	s6 =	simm.s32 $0x1BA80  }
0x2c6: {  	[tilespmem:s6], [sflag:$0x3] =	stream.indirect.gather [hbm4b:s5+s9], $0x1, s0, s9, $0xb8;
	[tilespmem:$0x1D600] =	vst v63  }
0x2c7: {  	_ =	swait.ge [sflag:s30], $0x540  }
0x2c8: {  	[sflag:s30] =	ssyncset.done $0x0  }
0x2c9: {  	[sflag:s30] =	ssyncadd.s32 $0xFFFFFAC0  }
0x2ca: {  	_ =	swait.ge [sflag:s30], $0x540  }
0x2cb: {  	[sflag:s30] =	ssyncset.done $0x0  }
0x2cc: {  	[sflag:s30] =	ssyncadd.s32 $0xFFFFFAC0  }
0x2cd: {  	_ =	swait.ge [sflag:s30], $0x540  }
0x2ce: {  	[sflag:s30] =	ssyncset.done $0x0  }
0x2cf: {  	[sflag:s30] =	ssyncadd.s32 $0xFFFFFAC0  }
0x2d0: {  	_ =	swait.ge [sflag:s30], $0x540  }
0x2d1: {  	[sflag:s30] =	ssyncset.done $0x0  }
0x2d2: {  	s6 =	simm.s32 $0x17E00;
	[sflag:s30] =	ssyncadd.s32 $0xFFFFFAC0  }
0x2d3: {  	[tilespmem:s6], [sflag:$0x5] =	stream.indirect.gather [hbm4b:s4+s9], $0x1, s26, s9, $0xb8;
	[tilespmem:$0x1D600] =	vst v63  }
0x2d4: {  	s6 =	simm.s32 $0x18380  }
0x2d5: {  	[tilespmem:s6], [sflag:$0x5] =	stream.indirect.gather [hbm4b:s4+s9], $0x1, s29, s9, $0xb8;
	[tilespmem:$0x1D600] =	vst v63  }
0x2d6: {  	_ = 	snop  }
0x2d7: {  	[tilespmem:s7], [sflag:$0x5] =	stream.indirect.gather [hbm4b:s4+s9], $0x1, s31, s9, $0xb8;
	[tilespmem:$0x1D600] =	vst v63  }
0x2d8: {  	_ = 	snop  }
0x2d9: {  	[tilespmem:s23], [sflag:$0x5] =	stream.indirect.gather [hbm4b:s4+s9], $0x1, s2, s9, $0xb8;
	[tilespmem:$0x1D600] =	vst v63  }
0x2da: {  	_ =	swait.ge [sflag:s25], $0x540  }
0x2db: {  	[sflag:s25] =	ssyncset.done $0x0  }
0x2dc: {  	[sflag:s25] =	ssyncadd.s32 $0xFFFFFAC0  }
0x2dd: {  	_ =	swait.ge [sflag:s25], $0x540  }
0x2de: {  	[sflag:s25] =	ssyncset.done $0x0  }
0x2df: {  	[sflag:s25] =	ssyncadd.s32 $0xFFFFFAC0  }
0x2e0: {  	_ =	swait.ge [sflag:s25], $0x540  }
0x2e1: {  	[sflag:s25] =	ssyncset.done $0x0  }
0x2e2: {  	[sflag:s25] =	ssyncadd.s32 $0xFFFFFAC0  }
0x2e3: {  	_ =	swait.ge [sflag:s25], $0x540  }
0x2e4: {  	[sflag:s25] =	ssyncset.done $0x0  }
0x2e5: {  	s28 =	simm.s32 $0x0;
	[sflag:s25] =	ssyncadd.s32 $0xFFFFFAC0  }
0x2e6: {  	v5 =	vld [tilespmem:s28+$0x12600]  }
0x2e7: {  	v6 =	vld [tilespmem:s28+$0x13680];
	_ =	sdelay $0x3  }
0x2e8: {  	vm7 =	vge.s32 v5, v0  }
0x2e9: {  	v9 =	vld [tilespmem:s28+$0x13100];
	v7 =	vand.u32 $0x7FFF, v5;
	vm8 =	vlt.s32 v6, v1;
	vm2 =	vlt.s32 v5, v1  }
0x2ea: {  	v5 =	vsub.s32 v5, v0;
	v10 =	vand.u32 $0x7FFF, v6;
	vm9 =	vge.s32 v6, v0  }
0x2eb: {  	v6 =	vsub.s32 v6, v0;
	vm0 =	vmand vm7, vm2;
	v7 =	vadd.s32 $0xF4240, v7  }
0x2ec: {  	v8 =	vld [tilespmem:s28+$0x11000];
	v5 =	vsel vm0, v5, v7;
	vm0 =	vmand vm9, vm8;
	v7 =	vadd.s32 $0xF4240, v10  }
0x2ed: {  	[tilespmem:s28+$0x12600] =	vst v5;
	v5 =	vsel vm0, v6, v7;
	v7 =	vld [tilespmem:s28+$0x13C00]  }
0x2ee: {  	vm10 =	vge.s32 v9, v0;
	vm11 =	vlt.s32 v9, v1;
	v6 =	vld [tilespmem:s28+$0x14180];
	[tilespmem:s28+$0x13680] =	vst v5;
	v5 =	vand.u32 $0x7FFF, v9  }
0x2ef: {  	v11 =	vld [tilespmem:s28+$0x12B80];
	vm0 =	vmand vm10, vm11;
	v9 =	vsub.s32 v9, v0;
	v5 =	vadd.s32 $0xF4240, v5  }
0x2f0: {  	v5 =	vsel vm0, v9, v5;
	v9 =	vld [tilespmem:s28+$0x14700];
	_ =	sdelay $0x1  }
0x2f1: {  	v10 =	vld [tilespmem:s28+$0x14C80]  }
0x2f2: {  	[tilespmem:s28+$0x13100] =	vst v5;
	v5 =	vsub.f32 v6, v7  }
0x2f3: {  	v12 =	vand.u32 $0xFF, v8;
	v13 =	vand.u32 $0xFF00, v8;
	vm14 =	vlt.s32 v8, $0xFF0000  }
0x2f4: {  	vm15 =	vlt.s32 v11, v1;
	v8 =	vmul.f32 v5, v5;
	v6 =	vsub.f32 v9, v7  }
0x2f5: {  	vm3 =	vge.s32 v11, v0;
	vm12 =	vne.s32 v13, $0xFF00;
	vm13 =	vne.s32 v12, $0xFF  }
0x2f6: {  	v7 =	vsub.f32 v10, v7;
	v8 =	vadd.f32 $9.999999710e-10, v8;
	v10 =	vmul.f32 v6, v6  }
0x2f7: {  	vm1 =	vmand vm3, vm15;
	vm0 =	vmand vm12, vm13  }
0x2f8: {  	v9 =	vand.u32 $0x7FFF, v11;
	v8 =	vadd.f32 v10, v8;
	v10 =	vmul.f32 v7, v7  }
0x2f9: {  	v11 =	vsub.s32 v11, v0;
	v9 =	vadd.s32 $0xF4240, v9;
	v63 =	vadd.f32 v6, v5  }
0x2fa: {  	vm0 =	vmand vm0, vm14;
	v9 =	vsel vm1, v11, v9;
	v10 =	vadd.f32 v10, v8  }
0x2fb: {  	s0 =	simm.s32 $0x40;
	[tilespmem:s28+$0x12B80] =	vst v9;
	v9 =	vadd.f32 v7, v63;
	v8 =	vsel vm0, $0x3727C5AC, v4  }
.LBB2_22:
0x2fc: {  	p1 =	sne.s32 s0, $0x14C0;
	v11 =	vshra.s32 v10, $0x1;
	v10 =	vmul.f32 $5.000000000e-01, v10;
	s6 =	smov.u32 s0;
	s0 =	sadd.s32 $0x40, s0  }
0x2fd: {  	s6 =	sshra.s32 s6, $0x2;
	v11 =	vsub.s32 $0x5F3759DF, v11  }
0x2fe: {  	v12 =	vld [tilespmem:s6+$0x11000];
	v13 =	vmul.f32 v11, v10  }
0x2ff: {  	v14 =	vld [tilespmem:s6+$0x12600]  }
0x300: {  	v15 =	vld [tilespmem:s6+$0x12B80];
	v13 =	vmul.f32 v11, v13;
	_ =	sdelay $0x1  }
0x301: {  	v13 =	vsub.f32 $1.500000000e+00, v13  }
0x302: {  	v16 =	vand.u32 $0xFF, v12;
	v17 =	vand.u32 $0xFF00, v12;
	v18 =	vld [tilespmem:s6+$0x13100]  }
0x303: {  	vm0 =	vne.s32 v17, $0xFF00;
	vm1 =	vne.s32 v16, $0xFF;
	v11 =	vmul.f32 v11, v13  }
0x304: {  	vm2 =	vlt.s32 v12, $0xFF0000;
	vm0 =	vmand vm0, vm1;
	v12 =	vsub.s32 v15, v0  }
0x305: {  	vm1 =	vlt.s32 v15, v1;
	vm0 =	vmand vm0, vm2;
	v13 =	vld [tilespmem:s6+$0x13680];
	v10 =	vmul.f32 v11, v10  }
0x306: {  	vm3 =	vge.s32 v15, v0;
	v15 =	vand.u32 $0x7FFF, v15;
	vm2 =	vge.s32 v14, v0  }
0x307: {  	vm4 =	vge.s32 v18, v0;
	vm5 =	vlt.s32 v18, v1;
	v10 =	vmul.f32 v10, v11  }
0x308: {  	v9 =	vsub.f32 $0.0e+00, v9;
	v15 =	vadd.s32 $0xF4240, v15;
	vm4 =	vmand vm4, vm5  }
0x309: {  	v16 =	vsub.s32 v18, v0;
	v17 =	vand.u32 $0x7FFF, v18;
	v10 =	vsub.f32 $1.500000000e+00, v10  }
0x30a: {  	v18 =	vand.u32 $0x7FFF, v14;
	vm5 =	vlt.s32 v13, v1;
	v19 =	vand.u32 $0x7FFF, v13  }
0x30b: {  	vm6 =	vlt.s32 v14, v1;
	vm1 =	vmand vm3, vm1;
	v10 =	vmul.f32 v10, v11  }
0x30c: {  	vm2 =	vmand vm2, vm6;
	v11 =	vsub.s32 v14, v0;
	v14 =	vadd.s32 $0xF4240, v18  }
0x30d: {  	v11 =	vsel vm2, v11, v14;
	vm2 =	vge.s32 v13, v0;
	v8 =	vmul.f32 v10, v8  }
0x30e: {  	vm2 =	vmand vm2, vm5;
	v10 =	vsub.s32 v13, v0;
	[tilespmem:s6+$0x12600] =	vst v11;
	v11 =	vadd.s32 $0xF4240, v19  }
0x30f: {  	v13 =	vadd.s32 $0xF4240, v17;
	v10 =	vsel vm2, v10, v11;
	v9 =	vmul.f32 v8, v9  }
0x310: {  	v11 =	vsel vm4, v16, v13;
	v5 =	vmul.f32 v8, v5;
	v7 =	vmul.f32 v8, v7;
	[tilespmem:s6+$0x13680] =	vst v10  }
0x311: {  	v6 =	vmul.f32 v8, v6;
	v10 =	vsel vm1, v12, v15;
	[tilespmem:s28+$0x13C00] =	vst v9  }
0x312: {  	v8 =	vld [tilespmem:s6+$0x13C00];
	[tilespmem:s28+$0x14180] =	vst v5  }
0x313: {  	v5 =	vld [tilespmem:s6+$0x14180];
	[tilespmem:s28+$0x14700] =	vst v6  }
0x314: {  	v6 =	vld [tilespmem:s6+$0x14700];
	[tilespmem:s28+$0x14C80] =	vst v7;
	s28 =	smov.u32 s6  }
0x315: {  	[tilespmem:s28+$0x13100] =	vst v11  }
0x316: {  	v7 =	vld [tilespmem:s28+$0x14C80];
	[tilespmem:s28+$0x12B80] =	vst v10;
	_ =	sdelay $0x1  }
0x317: {  	v5 =	vsub.f32 v5, v8  }
0x318: {  	v6 =	vsub.f32 v6, v8  }
0x319: {  	v9 =	vmul.f32 v5, v5  }
0x31a: {  	v7 =	vsub.f32 v7, v8;
	v8 =	vmul.f32 v6, v6;
	v10 =	vadd.f32 v6, v5  }
0x31b: {  	v11 =	vadd.f32 $9.999999710e-10, v9  }
.Ltmp12:
0x31c: {  	v12 =	vmul.f32 v7, v7;
	v9 =	vadd.f32 v7, v10;
	(pc) =	sbr.rel @p1 .LBB2_22-.Ltmp12, $3  }
0x31d: {  	v8 =	vadd.f32 v8, v11;
	_ =	sdelay $0x1  }
0x31e: {  	v10 =	vadd.f32 v12, v8  }
0x31f: {  	v8 =	vsel vm0, $0x3727C5AC, v4  }
0x320: {  	v11 =	vshra.s32 v10, $0x1;
	v63 =	vmul.f32 $5.000000000e-01, v10  }
0x321: {  	v11 =	vsub.s32 $0x5F3759DF, v11  }
0x322: {  	v12 =	vmul.f32 v11, v63;
	_ =	sdelay $0x1  }
0x323: {  	v12 =	vmul.f32 v11, v12;
	_ =	sdelay $0x1  }
0x324: {  	v12 =	vsub.f32 $1.500000000e+00, v12;
	_ =	sdelay $0x1  }
0x325: {  	v11 =	vmul.f32 v11, v12;
	_ =	sdelay $0x1  }
0x326: {  	v10 =	vmul.f32 v11, v63;
	_ =	sdelay $0x1  }
0x327: {  	v10 =	vmul.f32 v10, v11;
	_ =	sdelay $0x1  }
0x328: {  	v10 =	vsub.f32 $1.500000000e+00, v10;
	_ =	sdelay $0x1  }
0x329: {  	v10 =	vmul.f32 v10, v11;
	_ =	sdelay $0x1  }
0x32a: {  	v9 =	vsub.f32 $0.0e+00, v9;
	v8 =	vmul.f32 v10, v8;
	_ =	sdelay $0x1  }
0x32b: {  	v9 =	vmul.f32 v8, v9  }
0x32c: {  	v5 =	vmul.f32 v8, v5  }
0x32d: {  	v6 =	vmul.f32 v8, v6;
	[tilespmem:s28+$0x13C00] =	vst v9  }
0x32e: {  	v7 =	vmul.f32 v8, v7;
	[tilespmem:s28+$0x14180] =	vst v5  }
0x32f: {  	[tilespmem:s28+$0x14700] =	vst v6  }
0x330: {  	s0 =	simm.s32 $0x13C00;
	[tilespmem:s28+$0x14C80] =	vst v7  }
0x331: {  	[spmem:s1] =	stream.indirect.scatter.add.f32 [tilespmem:s0], [sflag:$0x7], $0x1, s10, s9, $0xb8;
	[tilespmem:$0x1D600] =	vst v63  }
0x332: {  	s28 =	simm.s32 $0x14180  }
0x333: {  	[spmem:s1] =	stream.indirect.scatter.add.f32 [tilespmem:s28], [sflag:$0x7], $0x1, s12, s9, $0xb8;
	[tilespmem:$0x1D600] =	vst v63  }
0x334: {  	s6 =	simm.s32 $0x14700  }
0x335: {  	[spmem:s1] =	stream.indirect.scatter.add.f32 [tilespmem:s6], [sflag:$0x7], $0x1, s14, s9, $0xb8;
	[tilespmem:$0x1D600] =	vst v63  }
0x336: {  	s28 =	simm.s32 $0x14C80  }
0x337: {  	[spmem:s1] =	stream.indirect.scatter.add.f32 [tilespmem:s28], [sflag:$0x7], $0x1, s18, s9, $0xb8;
	[tilespmem:$0x1D600] =	vst v63  }
0x338: {  	_ =	swait.ge [sflag:s16], $0x540  }
0x339: {  	[sflag:s16] =	ssyncset.done $0x0  }
0x33a: {  	[sflag:s16] =	ssyncadd.s32 $0xFFFFFAC0  }
0x33b: {  	_ =	swait.ge [sflag:s16], $0x540  }
0x33c: {  	[sflag:s16] =	ssyncset.done $0x0  }
0x33d: {  	[sflag:s16] =	ssyncadd.s32 $0xFFFFFAC0  }
0x33e: {  	_ =	swait.ge [sflag:s16], $0x540  }
0x33f: {  	[sflag:s16] =	ssyncset.done $0x0  }
0x340: {  	[sflag:s16] =	ssyncadd.s32 $0xFFFFFAC0  }
0x341: {  	_ =	swait.ge [sflag:s16], $0x540  }
0x342: {  	s0 =	simm.s32 $0x0;
	[sflag:s16] =	ssyncset.done $0x0  }
0x343: {  	s28 =	simm.s32 $0x11000;
	s6 =	rddreg [dreg:$0xb];
	[sflag:s16] =	ssyncadd.s32 $0xFFFFFAC0  }
0x344: {  	[tilespmem:s28], [sflag:$0xA] =	stream.linear.gather [hbm4b:s6+s0], $0x540, $0x38;
	[tilespmem:$0x1D600] =	vst v63  }
0x345: {  	_ =	swait.ge [sflag:s8], $0x540  }
0x346: {  	[sflag:s8] =	ssyncset.done $0x0  }
0x347: {  	s0 =	simm.s32 $0x0;
	[sflag:s8] =	ssyncadd.s32 $0xFFFFFAC0  }
0x348: {  	v5 =	vld [tilespmem:s0+$0x11000];
	_ =	sdelay $0x3  }
0x349: {  	s6 =	simm.s32 $0x40  }
.LBB2_24:
0x34a: {  	s28 =	sshra.s32 s6, $0x2;
	p1 =	sne.s32 s6, $0x14C0;
	s6 =	sadd.s32 $0x40, s6;
	v6 =	vand.u32 $0xFF, v5;
	vm0 =	vlt.s32 v5, $0xFF0000;
	v7 =	vand.u32 $0xFF00, v5;
	v8 =	vmovc v5  }
.Ltmp13:
0x34b: {  	v5 =	vld [tilespmem:s28+$0x11000];
	v9 =	vsel vm0, $0x10000, v2;
	vm0 =	veq.s32 v7, $0xFF00;
	vm1 =	vne.s32 v6, $0xFF;
	(pc) =	sbr.rel @p1 .LBB2_24-.Ltmp13, $4  }
0x34c: {  	v6 =	vadd.s32 v8, v9;
	v7 =	vsel vm0, $0x0, v3;
	v9 =	vsel vm1, $0x1, v2  }
0x34d: {  	[tilespmem:s0+$0x11580] =	vst v6;
	v6 =	vadd.s32 v8, v7;
	v7 =	vadd.s32 v9, v8  }
0x34e: {  	[tilespmem:s0+$0x12080] =	vst v7  }
0x34f: {  	[tilespmem:s0+$0x11B00] =	vst v6;
	s0 =	smov.u32 s28  }
0x350: {  	v6 =	vand.u32 $0xFF, v5;
	vm0 =	vlt.s32 v5, $0xFF0000  }
0x351: {  	v7 =	vand.u32 $0xFF00, v5;
	v8 =	vsel vm0, $0x10000, v2;
	vm6 =	vne.s32 v6, $0xFF  }
0x352: {  	vm1 =	veq.s32 v7, $0xFF00;
	v6 =	vadd.s32 v5, v8;
	v7 =	vsel vm6, $0x1, v2  }
0x353: {  	v8 =	vsel vm1, $0x0, v3;
	[tilespmem:s0+$0x11580] =	vst v6;
	v6 =	vadd.s32 v7, v5  }
0x354: {  	v5 =	vadd.s32 v5, v8;
	[tilespmem:s0+$0x12080] =	vst v6  }
0x355: {  	s6 =	simm.s32 $0x11000;
	[tilespmem:s0+$0x11B00] =	vst v5  }
0x356: {  	[tilespmem:s10], [sflag:$0x1] =	stream.indirect.gather [hbm4b:s5+s9], $0x1, s6, s9, $0xb8;
	[tilespmem:$0x1D600] =	vst v63  }
0x357: {  	s6 =	simm.s32 $0x11580  }
0x358: {  	[tilespmem:s12], [sflag:$0x1] =	stream.indirect.gather [hbm4b:s5+s9], $0x1, s6, s9, $0xb8;
	[tilespmem:$0x1D600] =	vst v63  }
0x359: {  	s6 =	simm.s32 $0x11B00  }
0x35a: {  	[tilespmem:s14], [sflag:$0x1] =	stream.indirect.gather [hbm4b:s5+s9], $0x1, s6, s9, $0xb8;
	[tilespmem:$0x1D600] =	vst v63  }
0x35b: {  	s6 =	simm.s32 $0x12080  }
0x35c: {  	[tilespmem:s18], [sflag:$0x1] =	stream.indirect.gather [hbm4b:s5+s9], $0x1, s6, s9, $0xb8;
	[tilespmem:$0x1D600] =	vst v63  }
0x35d: {  	_ =	swait.ge [sflag:s19], $0x540  }
0x35e: {  	[sflag:s19] =	ssyncset.done $0x0  }
0x35f: {  	[sflag:s19] =	ssyncadd.s32 $0xFFFFFAC0  }
0x360: {  	_ =	swait.ge [sflag:s19], $0x540  }
0x361: {  	[sflag:s19] =	ssyncset.done $0x0  }
0x362: {  	[sflag:s19] =	ssyncadd.s32 $0xFFFFFAC0  }
0x363: {  	_ =	swait.ge [sflag:s19], $0x540  }
0x364: {  	[sflag:s19] =	ssyncset.done $0x0  }
0x365: {  	[sflag:s19] =	ssyncadd.s32 $0xFFFFFAC0  }
0x366: {  	_ =	swait.ge [sflag:s19], $0x540  }
0x367: {  	[sflag:s19] =	ssyncset.done $0x0  }
0x368: {  	s0 =	simm.s32 $0x1AA00;
	s6 =	simm.s32 $0x1C000;
	[sflag:s19] =	ssyncadd.s32 $0xFFFFFAC0  }
0x369: {  	[tilespmem:s6], [sflag:$0x6] =	stream.indirect.gather [hbm4b:s4+s9], $0x1, s0, s9, $0xb8;
	[tilespmem:$0x1D600] =	vst v63  }
0x36a: {  	s0 =	simm.s32 $0x1AF80;
	s6 =	simm.s32 $0x1C580  }
0x36b: {  	[tilespmem:s6], [sflag:$0x6] =	stream.indirect.gather [hbm4b:s4+s9], $0x1, s0, s9, $0xb8;
	[tilespmem:$0x1D600] =	vst v63  }
0x36c: {  	s0 =	simm.s32 $0x1B500;
	s6 =	simm.s32 $0x1CB00  }
0x36d: {  	[tilespmem:s6], [sflag:$0x6] =	stream.indirect.gather [hbm4b:s4+s9], $0x1, s0, s9, $0xb8;
	[tilespmem:$0x1D600] =	vst v63  }
0x36e: {  	s0 =	simm.s32 $0x1BA80;
	s6 =	simm.s32 $0x1D080  }
0x36f: {  	[tilespmem:s6], [sflag:$0x6] =	stream.indirect.gather [hbm4b:s4+s9], $0x1, s0, s9, $0xb8;
	[tilespmem:$0x1D600] =	vst v63  }
0x370: {  	_ =	swait.ge [sflag:s20], $0x540  }
0x371: {  	[sflag:s20] =	ssyncset.done $0x0  }
0x372: {  	[sflag:s20] =	ssyncadd.s32 $0xFFFFFAC0  }
0x373: {  	_ =	swait.ge [sflag:s20], $0x540  }
0x374: {  	[sflag:s20] =	ssyncset.done $0x0  }
0x375: {  	[sflag:s20] =	ssyncadd.s32 $0xFFFFFAC0  }
0x376: {  	_ =	swait.ge [sflag:s20], $0x540  }
0x377: {  	[sflag:s20] =	ssyncset.done $0x0  }
0x378: {  	[sflag:s20] =	ssyncadd.s32 $0xFFFFFAC0  }
0x379: {  	_ =	swait.ge [sflag:s20], $0x540  }
0x37a: {  	[sflag:s20] =	ssyncset.done $0x0  }
0x37b: {  	s28 =	simm.s32 $0x0;
	[sflag:s20] =	ssyncadd.s32 $0xFFFFFAC0  }
0x37c: {  	v5 =	vld [tilespmem:s28+$0x16800]  }
0x37d: {  	v6 =	vld [tilespmem:s28+$0x17880];
	_ =	sdelay $0x3  }
0x37e: {  	vm7 =	vge.s32 v5, v0  }
0x37f: {  	v9 =	vld [tilespmem:s28+$0x17300];
	v7 =	vand.u32 $0x7FFF, v5;
	vm8 =	vlt.s32 v6, v1;
	vm2 =	vlt.s32 v5, v1  }
0x380: {  	v5 =	vsub.s32 v5, v0;
	v10 =	vand.u32 $0x7FFF, v6;
	vm9 =	vge.s32 v6, v0  }
0x381: {  	v6 =	vsub.s32 v6, v0;
	vm0 =	vmand vm7, vm2;
	v7 =	vadd.s32 $0xF4240, v7  }
0x382: {  	v8 =	vld [tilespmem:s28+$0x15200];
	v5 =	vsel vm0, v5, v7;
	vm0 =	vmand vm9, vm8;
	v7 =	vadd.s32 $0xF4240, v10  }
0x383: {  	[tilespmem:s28+$0x16800] =	vst v5;
	v5 =	vsel vm0, v6, v7;
	v7 =	vld [tilespmem:s28+$0x17E00]  }
0x384: {  	vm10 =	vge.s32 v9, v0;
	vm11 =	vlt.s32 v9, v1;
	v6 =	vld [tilespmem:s28+$0x18380];
	[tilespmem:s28+$0x17880] =	vst v5;
	v5 =	vand.u32 $0x7FFF, v9  }
0x385: {  	v11 =	vld [tilespmem:s28+$0x16D80];
	vm0 =	vmand vm10, vm11;
	v9 =	vsub.s32 v9, v0;
	v5 =	vadd.s32 $0xF4240, v5  }
0x386: {  	v5 =	vsel vm0, v9, v5;
	v9 =	vld [tilespmem:s28+$0x18900];
	_ =	sdelay $0x1  }
0x387: {  	v10 =	vld [tilespmem:s28+$0x18E80]  }
0x388: {  	[tilespmem:s28+$0x17300] =	vst v5;
	v5 =	vsub.f32 v6, v7  }
0x389: {  	v12 =	vand.u32 $0xFF, v8;
	v13 =	vand.u32 $0xFF00, v8;
	vm14 =	vlt.s32 v8, $0xFF0000  }
0x38a: {  	vm15 =	vlt.s32 v11, v1;
	v8 =	vmul.f32 v5, v5;
	v6 =	vsub.f32 v9, v7  }
0x38b: {  	vm3 =	vge.s32 v11, v0;
	vm12 =	vne.s32 v13, $0xFF00;
	vm13 =	vne.s32 v12, $0xFF  }
0x38c: {  	v7 =	vsub.f32 v10, v7;
	v8 =	vadd.f32 $9.999999710e-10, v8;
	v10 =	vmul.f32 v6, v6  }
0x38d: {  	vm1 =	vmand vm3, vm15;
	vm0 =	vmand vm12, vm13  }
0x38e: {  	v9 =	vand.u32 $0x7FFF, v11;
	v8 =	vadd.f32 v10, v8;
	v10 =	vmul.f32 v7, v7  }
0x38f: {  	v11 =	vsub.s32 v11, v0;
	v9 =	vadd.s32 $0xF4240, v9;
	v63 =	vadd.f32 v6, v5  }
0x390: {  	vm0 =	vmand vm0, vm14;
	v9 =	vsel vm1, v11, v9;
	v10 =	vadd.f32 v10, v8  }
0x391: {  	s0 =	simm.s32 $0x40;
	[tilespmem:s28+$0x16D80] =	vst v9;
	v9 =	vadd.f32 v7, v63;
	v8 =	vsel vm0, $0x3727C5AC, v4  }
.LBB2_26:
0x392: {  	p1 =	sne.s32 s0, $0x14C0;
	v11 =	vshra.s32 v10, $0x1;
	v10 =	vmul.f32 $5.000000000e-01, v10;
	s6 =	smov.u32 s0;
	s0 =	sadd.s32 $0x40, s0  }
0x393: {  	s6 =	sshra.s32 s6, $0x2;
	v11 =	vsub.s32 $0x5F3759DF, v11  }
0x394: {  	v12 =	vld [tilespmem:s6+$0x15200];
	v13 =	vmul.f32 v11, v10  }
0x395: {  	v14 =	vld [tilespmem:s6+$0x16800]  }
0x396: {  	v15 =	vld [tilespmem:s6+$0x16D80];
	v13 =	vmul.f32 v11, v13;
	_ =	sdelay $0x1  }
0x397: {  	v13 =	vsub.f32 $1.500000000e+00, v13  }
0x398: {  	v16 =	vand.u32 $0xFF, v12;
	v17 =	vand.u32 $0xFF00, v12;
	v18 =	vld [tilespmem:s6+$0x17300]  }
0x399: {  	vm0 =	vne.s32 v17, $0xFF00;
	vm1 =	vne.s32 v16, $0xFF;
	v11 =	vmul.f32 v11, v13  }
0x39a: {  	vm2 =	vlt.s32 v12, $0xFF0000;
	vm0 =	vmand vm0, vm1;
	v12 =	vsub.s32 v15, v0  }
0x39b: {  	vm1 =	vlt.s32 v15, v1;
	vm0 =	vmand vm0, vm2;
	v13 =	vld [tilespmem:s6+$0x17880];
	v10 =	vmul.f32 v11, v10  }
0x39c: {  	vm3 =	vge.s32 v15, v0;
	v15 =	vand.u32 $0x7FFF, v15;
	vm2 =	vge.s32 v14, v0  }
0x39d: {  	vm4 =	vge.s32 v18, v0;
	vm5 =	vlt.s32 v18, v1;
	v10 =	vmul.f32 v10, v11  }
0x39e: {  	v9 =	vsub.f32 $0.0e+00, v9;
	v15 =	vadd.s32 $0xF4240, v15;
	vm4 =	vmand vm4, vm5  }
0x39f: {  	v16 =	vsub.s32 v18, v0;
	v17 =	vand.u32 $0x7FFF, v18;
	v10 =	vsub.f32 $1.500000000e+00, v10  }
0x3a0: {  	v18 =	vand.u32 $0x7FFF, v14;
	vm5 =	vlt.s32 v13, v1;
	v19 =	vand.u32 $0x7FFF, v13  }
0x3a1: {  	vm6 =	vlt.s32 v14, v1;
	vm1 =	vmand vm3, vm1;
	v10 =	vmul.f32 v10, v11  }
0x3a2: {  	vm2 =	vmand vm2, vm6;
	v11 =	vsub.s32 v14, v0;
	v14 =	vadd.s32 $0xF4240, v18  }
0x3a3: {  	v11 =	vsel vm2, v11, v14;
	vm2 =	vge.s32 v13, v0;
	v8 =	vmul.f32 v10, v8  }
0x3a4: {  	vm2 =	vmand vm2, vm5;
	v10 =	vsub.s32 v13, v0;
	[tilespmem:s6+$0x16800] =	vst v11;
	v11 =	vadd.s32 $0xF4240, v19  }
0x3a5: {  	v13 =	vadd.s32 $0xF4240, v17;
	v10 =	vsel vm2, v10, v11;
	v9 =	vmul.f32 v8, v9  }
0x3a6: {  	v11 =	vsel vm4, v16, v13;
	v5 =	vmul.f32 v8, v5;
	v7 =	vmul.f32 v8, v7;
	[tilespmem:s6+$0x17880] =	vst v10  }
0x3a7: {  	v6 =	vmul.f32 v8, v6;
	v10 =	vsel vm1, v12, v15;
	[tilespmem:s28+$0x17E00] =	vst v9  }
0x3a8: {  	v8 =	vld [tilespmem:s6+$0x17E00];
	[tilespmem:s28+$0x18380] =	vst v5  }
0x3a9: {  	v5 =	vld [tilespmem:s6+$0x18380];
	[tilespmem:s28+$0x18900] =	vst v6  }
0x3aa: {  	v6 =	vld [tilespmem:s6+$0x18900];
	[tilespmem:s28+$0x18E80] =	vst v7;
	s28 =	smov.u32 s6  }
0x3ab: {  	[tilespmem:s28+$0x17300] =	vst v11  }
0x3ac: {  	v7 =	vld [tilespmem:s28+$0x18E80];
	[tilespmem:s28+$0x16D80] =	vst v10;
	_ =	sdelay $0x1  }
0x3ad: {  	v5 =	vsub.f32 v5, v8  }
0x3ae: {  	v6 =	vsub.f32 v6, v8  }
0x3af: {  	v9 =	vmul.f32 v5, v5  }
0x3b0: {  	v7 =	vsub.f32 v7, v8;
	v8 =	vmul.f32 v6, v6;
	v10 =	vadd.f32 v6, v5  }
0x3b1: {  	v11 =	vadd.f32 $9.999999710e-10, v9  }
.Ltmp14:
0x3b2: {  	v12 =	vmul.f32 v7, v7;
	v9 =	vadd.f32 v7, v10;
	(pc) =	sbr.rel @p1 .LBB2_26-.Ltmp14, $3  }
0x3b3: {  	v8 =	vadd.f32 v8, v11;
	_ =	sdelay $0x1  }
0x3b4: {  	v10 =	vadd.f32 v12, v8  }
0x3b5: {  	v8 =	vsel vm0, $0x3727C5AC, v4  }
0x3b6: {  	v11 =	vshra.s32 v10, $0x1;
	v63 =	vmul.f32 $5.000000000e-01, v10  }
0x3b7: {  	v11 =	vsub.s32 $0x5F3759DF, v11  }
0x3b8: {  	v12 =	vmul.f32 v11, v63;
	_ =	sdelay $0x1  }
0x3b9: {  	v12 =	vmul.f32 v11, v12;
	_ =	sdelay $0x1  }
0x3ba: {  	v12 =	vsub.f32 $1.500000000e+00, v12;
	_ =	sdelay $0x1  }
0x3bb: {  	v11 =	vmul.f32 v11, v12;
	_ =	sdelay $0x1  }
0x3bc: {  	v10 =	vmul.f32 v11, v63;
	_ =	sdelay $0x1  }
0x3bd: {  	v10 =	vmul.f32 v10, v11;
	_ =	sdelay $0x1  }
0x3be: {  	v10 =	vsub.f32 $1.500000000e+00, v10;
	_ =	sdelay $0x1  }
0x3bf: {  	v10 =	vmul.f32 v10, v11;
	_ =	sdelay $0x1  }
0x3c0: {  	v9 =	vsub.f32 $0.0e+00, v9;
	v8 =	vmul.f32 v10, v8;
	_ =	sdelay $0x1  }
0x3c1: {  	v9 =	vmul.f32 v8, v9  }
0x3c2: {  	v5 =	vmul.f32 v8, v5  }
0x3c3: {  	v6 =	vmul.f32 v8, v6;
	[tilespmem:s28+$0x17E00] =	vst v9  }
0x3c4: {  	v7 =	vmul.f32 v8, v7;
	[tilespmem:s28+$0x18380] =	vst v5  }
0x3c5: {  	[tilespmem:s28+$0x18900] =	vst v6  }
0x3c6: {  	s0 =	simm.s32 $0x17E00;
	[tilespmem:s28+$0x18E80] =	vst v7  }
0x3c7: {  	[spmem:s1] =	stream.indirect.scatter.add.f32 [tilespmem:s0], [sflag:$0x8], $0x1, s26, s9, $0xb8;
	[tilespmem:$0x1D600] =	vst v63  }
0x3c8: {  	s28 =	simm.s32 $0x18380  }
0x3c9: {  	[spmem:s1] =	stream.indirect.scatter.add.f32 [tilespmem:s28], [sflag:$0x8], $0x1, s29, s9, $0xb8;
	[tilespmem:$0x1D600] =	vst v63  }
0x3ca: {  	_ = 	snop  }
0x3cb: {  	[spmem:s1] =	stream.indirect.scatter.add.f32 [tilespmem:s7], [sflag:$0x8], $0x1, s31, s9, $0xb8;
	[tilespmem:$0x1D600] =	vst v63  }
0x3cc: {  	_ = 	snop  }
0x3cd: {  	[spmem:s1] =	stream.indirect.scatter.add.f32 [tilespmem:s23], [sflag:$0x8], $0x1, s2, s9, $0xb8;
	[tilespmem:$0x1D600] =	vst v63  }
0x3ce: {  	_ =	swait.ge [sflag:s22], $0x540  }
0x3cf: {  	[sflag:s22] =	ssyncset.done $0x0  }
0x3d0: {  	[sflag:s22] =	ssyncadd.s32 $0xFFFFFAC0  }
0x3d1: {  	_ =	swait.ge [sflag:s22], $0x540  }
0x3d2: {  	[sflag:s22] =	ssyncset.done $0x0  }
0x3d3: {  	[sflag:s22] =	ssyncadd.s32 $0xFFFFFAC0  }
0x3d4: {  	_ =	swait.ge [sflag:s22], $0x540  }
0x3d5: {  	[sflag:s22] =	ssyncset.done $0x0  }
0x3d6: {  	[sflag:s22] =	ssyncadd.s32 $0xFFFFFAC0  }
0x3d7: {  	_ =	swait.ge [sflag:s22], $0x540  }
0x3d8: {  	s0 =	simm.s32 $0x0;
	[sflag:s22] =	ssyncset.done $0x0  }
0x3d9: {  	s28 =	simm.s32 $0x15200;
	s6 =	rddreg [dreg:$0xc];
	[sflag:s22] =	ssyncadd.s32 $0xFFFFFAC0  }
0x3da: {  	[tilespmem:s28], [sflag:$0xA] =	stream.linear.gather [hbm4b:s6+s0], $0x540, $0x38;
	[tilespmem:$0x1D600] =	vst v63  }
0x3db: {  	_ =	swait.ge [sflag:s8], $0x540  }
0x3dc: {  	[sflag:s8] =	ssyncset.done $0x0  }
0x3dd: {  	s0 =	simm.s32 $0x0;
	[sflag:s8] =	ssyncadd.s32 $0xFFFFFAC0  }
0x3de: {  	v5 =	vld [tilespmem:s0+$0x15200];
	_ =	sdelay $0x3  }
0x3df: {  	s6 =	simm.s32 $0x40  }
.LBB2_28:
0x3e0: {  	s28 =	sshra.s32 s6, $0x2;
	p1 =	sne.s32 s6, $0x14C0;
	s6 =	sadd.s32 $0x40, s6;
	v6 =	vand.u32 $0xFF, v5;
	vm0 =	vlt.s32 v5, $0xFF0000;
	v7 =	vand.u32 $0xFF00, v5;
	v8 =	vmovc v5  }
.Ltmp15:
0x3e1: {  	v5 =	vld [tilespmem:s28+$0x15200];
	v9 =	vsel vm0, $0x10000, v2;
	vm0 =	veq.s32 v7, $0xFF00;
	vm1 =	vne.s32 v6, $0xFF;
	(pc) =	sbr.rel @p1 .LBB2_28-.Ltmp15, $4  }
0x3e2: {  	v6 =	vadd.s32 v8, v9;
	v7 =	vsel vm0, $0x0, v3;
	v9 =	vsel vm1, $0x1, v2  }
0x3e3: {  	[tilespmem:s0+$0x15780] =	vst v6;
	v6 =	vadd.s32 v8, v7;
	v7 =	vadd.s32 v9, v8  }
0x3e4: {  	[tilespmem:s0+$0x16280] =	vst v7  }
0x3e5: {  	[tilespmem:s0+$0x15D00] =	vst v6;
	s0 =	smov.u32 s28  }
0x3e6: {  	v6 =	vand.u32 $0xFF, v5;
	vm0 =	vlt.s32 v5, $0xFF0000  }
0x3e7: {  	v7 =	vand.u32 $0xFF00, v5;
	v8 =	vsel vm0, $0x10000, v2;
	vm6 =	vne.s32 v6, $0xFF  }
0x3e8: {  	vm1 =	veq.s32 v7, $0xFF00;
	v6 =	vadd.s32 v5, v8;
	v7 =	vsel vm6, $0x1, v2  }
0x3e9: {  	v8 =	vsel vm1, $0x0, v3;
	[tilespmem:s0+$0x15780] =	vst v6;
	v6 =	vadd.s32 v7, v5  }
0x3ea: {  	v5 =	vadd.s32 v5, v8;
	[tilespmem:s0+$0x16280] =	vst v6  }
0x3eb: {  	s6 =	simm.s32 $0x15200;
	[tilespmem:s0+$0x15D00] =	vst v5  }
0x3ec: {  	[tilespmem:s26], [sflag:$0x2] =	stream.indirect.gather [hbm4b:s5+s9], $0x1, s6, s9, $0xb8;
	[tilespmem:$0x1D600] =	vst v63  }
0x3ed: {  	s6 =	simm.s32 $0x15780  }
0x3ee: {  	[tilespmem:s29], [sflag:$0x2] =	stream.indirect.gather [hbm4b:s5+s9], $0x1, s6, s9, $0xb8;
	[tilespmem:$0x1D600] =	vst v63  }
0x3ef: {  	s6 =	simm.s32 $0x15D00  }
0x3f0: {  	[tilespmem:s31], [sflag:$0x2] =	stream.indirect.gather [hbm4b:s5+s9], $0x1, s6, s9, $0xb8;
	[tilespmem:$0x1D600] =	vst v63  }
0x3f1: {  	s6 =	simm.s32 $0x16280  }
0x3f2: {  	[tilespmem:s2], [sflag:$0x2] =	stream.indirect.gather [hbm4b:s5+s9], $0x1, s6, s9, $0xb8;
	[tilespmem:$0x1D600] =	vst v63  }
0x3f3: {  	_ =	swait.ge [sflag:s15], $0x540  }
0x3f4: {  	[sflag:s15] =	ssyncset.done $0x0  }
0x3f5: {  	[sflag:s15] =	ssyncadd.s32 $0xFFFFFAC0  }
0x3f6: {  	_ =	swait.ge [sflag:s15], $0x540  }
0x3f7: {  	[sflag:s15] =	ssyncset.done $0x0  }
0x3f8: {  	[sflag:s15] =	ssyncadd.s32 $0xFFFFFAC0  }
0x3f9: {  	_ =	swait.ge [sflag:s15], $0x540  }
0x3fa: {  	[sflag:s15] =	ssyncset.done $0x0  }
0x3fb: {  	[sflag:s15] =	ssyncadd.s32 $0xFFFFFAC0  }
0x3fc: {  	_ =	swait.ge [sflag:s15], $0x540  }
0x3fd: {  	[sflag:s15] =	ssyncset.done $0x0  }
0x3fe: {  	s6 =	simm.s32 $0x13C00;
	[sflag:s15] =	ssyncadd.s32 $0xFFFFFAC0  }
0x3ff: {  	[tilespmem:s6], [sflag:$0x4] =	stream.indirect.gather [hbm4b:s4+s9], $0x1, s10, s9, $0xb8;
	[tilespmem:$0x1D600] =	vst v63  }
0x400: {  	s6 =	simm.s32 $0x14180  }
0x401: {  	[tilespmem:s6], [sflag:$0x4] =	stream.indirect.gather [hbm4b:s4+s9], $0x1, s12, s9, $0xb8;
	[tilespmem:$0x1D600] =	vst v63  }
0x402: {  	s6 =	simm.s32 $0x14700  }
0x403: {  	[tilespmem:s6], [sflag:$0x4] =	stream.indirect.gather [hbm4b:s4+s9], $0x1, s14, s9, $0xb8;
	[tilespmem:$0x1D600] =	vst v63  }
0x404: {  	s6 =	simm.s32 $0x14C80  }
0x405: {  	[tilespmem:s6], [sflag:$0x4] =	stream.indirect.gather [hbm4b:s4+s9], $0x1, s18, s9, $0xb8;
	[tilespmem:$0x1D600] =	vst v63  }
0x406: {  	_ =	swait.ge [sflag:s11], $0x540  }
0x407: {  	[sflag:s11] =	ssyncset.done $0x0  }
0x408: {  	[sflag:s11] =	ssyncadd.s32 $0xFFFFFAC0  }
0x409: {  	_ =	swait.ge [sflag:s11], $0x540  }
0x40a: {  	[sflag:s11] =	ssyncset.done $0x0  }
0x40b: {  	[sflag:s11] =	ssyncadd.s32 $0xFFFFFAC0  }
0x40c: {  	_ =	swait.ge [sflag:s11], $0x540  }
0x40d: {  	[sflag:s11] =	ssyncset.done $0x0  }
0x40e: {  	[sflag:s11] =	ssyncadd.s32 $0xFFFFFAC0  }
0x40f: {  	_ =	swait.ge [sflag:s11], $0x540  }
0x410: {  	[sflag:s11] =	ssyncset.done $0x0  }
0x411: {  	s28 =	simm.s32 $0x0;
	[sflag:s11] =	ssyncadd.s32 $0xFFFFFAC0  }
0x412: {  	v5 =	vld [tilespmem:s28+$0x1AA00]  }
0x413: {  	v6 =	vld [tilespmem:s28+$0x1BA80];
	_ =	sdelay $0x3  }
0x414: {  	vm7 =	vge.s32 v5, v0  }
0x415: {  	v9 =	vld [tilespmem:s28+$0x1B500];
	v7 =	vand.u32 $0x7FFF, v5;
	vm8 =	vlt.s32 v6, v1;
	vm2 =	vlt.s32 v5, v1  }
0x416: {  	v5 =	vsub.s32 v5, v0;
	v10 =	vand.u32 $0x7FFF, v6;
	vm9 =	vge.s32 v6, v0  }
0x417: {  	v6 =	vsub.s32 v6, v0;
	vm0 =	vmand vm7, vm2;
	v7 =	vadd.s32 $0xF4240, v7  }
0x418: {  	v8 =	vld [tilespmem:s28+$0x19400];
	v5 =	vsel vm0, v5, v7;
	vm0 =	vmand vm9, vm8;
	v7 =	vadd.s32 $0xF4240, v10  }
0x419: {  	[tilespmem:s28+$0x1AA00] =	vst v5;
	v5 =	vsel vm0, v6, v7;
	v7 =	vld [tilespmem:s28+$0x1C000]  }
0x41a: {  	vm10 =	vge.s32 v9, v0;
	vm11 =	vlt.s32 v9, v1;
	v6 =	vld [tilespmem:s28+$0x1C580];
	[tilespmem:s28+$0x1BA80] =	vst v5;
	v5 =	vand.u32 $0x7FFF, v9  }
0x41b: {  	v11 =	vld [tilespmem:s28+$0x1AF80];
	vm0 =	vmand vm10, vm11;
	v9 =	vsub.s32 v9, v0;
	v5 =	vadd.s32 $0xF4240, v5  }
0x41c: {  	v5 =	vsel vm0, v9, v5;
	v9 =	vld [tilespmem:s28+$0x1CB00];
	_ =	sdelay $0x1  }
0x41d: {  	v10 =	vld [tilespmem:s28+$0x1D080]  }
0x41e: {  	[tilespmem:s28+$0x1B500] =	vst v5;
	v5 =	vsub.f32 v6, v7  }
0x41f: {  	v12 =	vand.u32 $0xFF, v8;
	v13 =	vand.u32 $0xFF00, v8;
	vm14 =	vlt.s32 v8, $0xFF0000  }
0x420: {  	vm15 =	vlt.s32 v11, v1;
	v8 =	vmul.f32 v5, v5;
	v6 =	vsub.f32 v9, v7  }
0x421: {  	vm3 =	vge.s32 v11, v0;
	vm12 =	vne.s32 v13, $0xFF00;
	vm13 =	vne.s32 v12, $0xFF  }
0x422: {  	v7 =	vsub.f32 v10, v7;
	v8 =	vadd.f32 $9.999999710e-10, v8;
	v10 =	vmul.f32 v6, v6  }
0x423: {  	vm1 =	vmand vm3, vm15;
	vm0 =	vmand vm12, vm13  }
0x424: {  	v9 =	vand.u32 $0x7FFF, v11;
	v8 =	vadd.f32 v10, v8;
	v10 =	vmul.f32 v7, v7  }
0x425: {  	v11 =	vsub.s32 v11, v0;
	v9 =	vadd.s32 $0xF4240, v9;
	v63 =	vadd.f32 v6, v5  }
0x426: {  	vm0 =	vmand vm0, vm14;
	v9 =	vsel vm1, v11, v9;
	v10 =	vadd.f32 v10, v8  }
0x427: {  	s0 =	simm.s32 $0x40;
	[tilespmem:s28+$0x1AF80] =	vst v9;
	v9 =	vadd.f32 v7, v63;
	v8 =	vsel vm0, $0x3727C5AC, v4  }
.LBB2_30:
0x428: {  	p1 =	sne.s32 s0, $0x14C0;
	v11 =	vshra.s32 v10, $0x1;
	v10 =	vmul.f32 $5.000000000e-01, v10;
	s6 =	smov.u32 s0;
	s0 =	sadd.s32 $0x40, s0  }
0x429: {  	s6 =	sshra.s32 s6, $0x2;
	v11 =	vsub.s32 $0x5F3759DF, v11  }
0x42a: {  	v12 =	vld [tilespmem:s6+$0x19400];
	v13 =	vmul.f32 v11, v10  }
0x42b: {  	v14 =	vld [tilespmem:s6+$0x1AA00]  }
0x42c: {  	v15 =	vld [tilespmem:s6+$0x1AF80];
	v13 =	vmul.f32 v11, v13;
	_ =	sdelay $0x1  }
0x42d: {  	v13 =	vsub.f32 $1.500000000e+00, v13  }
0x42e: {  	v16 =	vand.u32 $0xFF, v12;
	v17 =	vand.u32 $0xFF00, v12;
	v18 =	vld [tilespmem:s6+$0x1B500]  }
0x42f: {  	vm0 =	vne.s32 v17, $0xFF00;
	vm1 =	vne.s32 v16, $0xFF;
	v11 =	vmul.f32 v11, v13  }
0x430: {  	vm2 =	vlt.s32 v12, $0xFF0000;
	vm0 =	vmand vm0, vm1;
	v12 =	vsub.s32 v15, v0  }
0x431: {  	vm1 =	vlt.s32 v15, v1;
	vm0 =	vmand vm0, vm2;
	v13 =	vld [tilespmem:s6+$0x1BA80];
	v10 =	vmul.f32 v11, v10  }
0x432: {  	vm3 =	vge.s32 v15, v0;
	v15 =	vand.u32 $0x7FFF, v15;
	vm2 =	vge.s32 v14, v0  }
0x433: {  	vm4 =	vge.s32 v18, v0;
	vm5 =	vlt.s32 v18, v1;
	v10 =	vmul.f32 v10, v11  }
0x434: {  	v9 =	vsub.f32 $0.0e+00, v9;
	v15 =	vadd.s32 $0xF4240, v15;
	vm4 =	vmand vm4, vm5  }
0x435: {  	v16 =	vsub.s32 v18, v0;
	v17 =	vand.u32 $0x7FFF, v18;
	v10 =	vsub.f32 $1.500000000e+00, v10  }
0x436: {  	v18 =	vand.u32 $0x7FFF, v14;
	vm5 =	vlt.s32 v13, v1;
	v19 =	vand.u32 $0x7FFF, v13  }
0x437: {  	vm6 =	vlt.s32 v14, v1;
	vm1 =	vmand vm3, vm1;
	v10 =	vmul.f32 v10, v11  }
0x438: {  	vm2 =	vmand vm2, vm6;
	v11 =	vsub.s32 v14, v0;
	v14 =	vadd.s32 $0xF4240, v18  }
0x439: {  	v11 =	vsel vm2, v11, v14;
	vm2 =	vge.s32 v13, v0;
	v8 =	vmul.f32 v10, v8  }
0x43a: {  	vm2 =	vmand vm2, vm5;
	v10 =	vsub.s32 v13, v0;
	[tilespmem:s6+$0x1AA00] =	vst v11;
	v11 =	vadd.s32 $0xF4240, v19  }
0x43b: {  	v13 =	vadd.s32 $0xF4240, v17;
	v10 =	vsel vm2, v10, v11;
	v9 =	vmul.f32 v8, v9  }
0x43c: {  	v11 =	vsel vm4, v16, v13;
	v5 =	vmul.f32 v8, v5;
	v7 =	vmul.f32 v8, v7;
	[tilespmem:s6+$0x1BA80] =	vst v10  }
0x43d: {  	v6 =	vmul.f32 v8, v6;
	v10 =	vsel vm1, v12, v15;
	[tilespmem:s28+$0x1C000] =	vst v9  }
0x43e: {  	v8 =	vld [tilespmem:s6+$0x1C000];
	[tilespmem:s28+$0x1C580] =	vst v5  }
0x43f: {  	v5 =	vld [tilespmem:s6+$0x1C580];
	[tilespmem:s28+$0x1CB00] =	vst v6  }
0x440: {  	v6 =	vld [tilespmem:s6+$0x1CB00];
	[tilespmem:s28+$0x1D080] =	vst v7;
	s28 =	smov.u32 s6  }
0x441: {  	[tilespmem:s28+$0x1B500] =	vst v11  }
0x442: {  	v7 =	vld [tilespmem:s28+$0x1D080];
	[tilespmem:s28+$0x1AF80] =	vst v10;
	_ =	sdelay $0x1  }
0x443: {  	v5 =	vsub.f32 v5, v8  }
0x444: {  	v6 =	vsub.f32 v6, v8  }
0x445: {  	v9 =	vmul.f32 v5, v5  }
0x446: {  	v7 =	vsub.f32 v7, v8;
	v8 =	vmul.f32 v6, v6;
	v10 =	vadd.f32 v6, v5  }
0x447: {  	v11 =	vadd.f32 $9.999999710e-10, v9  }
.Ltmp16:
0x448: {  	v12 =	vmul.f32 v7, v7;
	v9 =	vadd.f32 v7, v10;
	(pc) =	sbr.rel @p1 .LBB2_30-.Ltmp16, $3  }
0x449: {  	v8 =	vadd.f32 v8, v11;
	_ =	sdelay $0x1  }
0x44a: {  	v10 =	vadd.f32 v12, v8  }
0x44b: {  	v8 =	vsel vm0, $0x3727C5AC, v4  }
0x44c: {  	v11 =	vshra.s32 v10, $0x1;
	v10 =	vmul.f32 $5.000000000e-01, v10  }
0x44d: {  	v11 =	vsub.s32 $0x5F3759DF, v11  }
0x44e: {  	v12 =	vmul.f32 v11, v10;
	_ =	sdelay $0x1  }
0x44f: {  	v12 =	vmul.f32 v11, v12;
	_ =	sdelay $0x1  }
0x450: {  	v12 =	vsub.f32 $1.500000000e+00, v12;
	_ =	sdelay $0x1  }
0x451: {  	v11 =	vmul.f32 v11, v12;
	_ =	sdelay $0x1  }
0x452: {  	v10 =	vmul.f32 v11, v10;
	_ =	sdelay $0x1  }
0x453: {  	v10 =	vmul.f32 v10, v11;
	_ =	sdelay $0x1  }
0x454: {  	v10 =	vsub.f32 $1.500000000e+00, v10;
	_ =	sdelay $0x1  }
0x455: {  	v10 =	vmul.f32 v10, v11;
	_ =	sdelay $0x1  }
0x456: {  	v9 =	vsub.f32 $0.0e+00, v9;
	v8 =	vmul.f32 v10, v8;
	_ =	sdelay $0x1  }
0x457: {  	v9 =	vmul.f32 v8, v9  }
0x458: {  	v5 =	vmul.f32 v8, v5  }
0x459: {  	v6 =	vmul.f32 v8, v6;
	[tilespmem:s28+$0x1C000] =	vst v9  }
0x45a: {  	v7 =	vmul.f32 v8, v7;
	[tilespmem:s28+$0x1C580] =	vst v5  }
0x45b: {  	[tilespmem:s28+$0x1CB00] =	vst v6  }
0x45c: {  	s0 =	simm.s32 $0x1AA00;
	s6 =	simm.s32 $0x1C000;
	[tilespmem:s28+$0x1D080] =	vst v7  }
0x45d: {  	[spmem:s1] =	stream.indirect.scatter.add.f32 [tilespmem:s6], [sflag:$0x9], $0x1, s0, s9, $0xb8;
	[tilespmem:$0x1D600] =	vst v63  }
0x45e: {  	s0 =	simm.s32 $0x1AF80;
	s6 =	simm.s32 $0x1C580  }
0x45f: {  	[spmem:s1] =	stream.indirect.scatter.add.f32 [tilespmem:s6], [sflag:$0x9], $0x1, s0, s9, $0xb8;
	[tilespmem:$0x1D600] =	vst v63  }
0x460: {  	s0 =	simm.s32 $0x1B500;
	s6 =	simm.s32 $0x1CB00  }
0x461: {  	[spmem:s1] =	stream.indirect.scatter.add.f32 [tilespmem:s6], [sflag:$0x9], $0x1, s0, s9, $0xb8;
	[tilespmem:$0x1D600] =	vst v63  }
0x462: {  	s0 =	simm.s32 $0x1BA80;
	s6 =	simm.s32 $0x1D080  }
0x463: {  	[spmem:s1] =	stream.indirect.scatter.add.f32 [tilespmem:s6], [sflag:$0x9], $0x1, s0, s9, $0xb8;
	[tilespmem:$0x1D600] =	vst v63  }
0x464: {  	_ =	swait.ge [sflag:s13], $0x540  }
0x465: {  	[sflag:s13] =	ssyncset.done $0x0  }
0x466: {  	[sflag:s13] =	ssyncadd.s32 $0xFFFFFAC0  }
0x467: {  	_ =	swait.ge [sflag:s13], $0x540  }
0x468: {  	[sflag:s13] =	ssyncset.done $0x0  }
0x469: {  	[sflag:s13] =	ssyncadd.s32 $0xFFFFFAC0  }
0x46a: {  	_ =	swait.ge [sflag:s13], $0x540  }
0x46b: {  	[sflag:s13] =	ssyncset.done $0x0  }
0x46c: {  	[sflag:s13] =	ssyncadd.s32 $0xFFFFFAC0  }
0x46d: {  	_ =	swait.ge [sflag:s13], $0x540  }
0x46e: {  	[sflag:s13] =	ssyncset.done $0x0  }
0x46f: {  	[sflag:s13] =	ssyncadd.s32 $0xFFFFFAC0  }
0x470: {  	_ =	swait.ge [sflag:s30], $0x540  }
0x471: {  	[sflag:s30] =	ssyncset.done $0x0  }
0x472: {  	[sflag:s30] =	ssyncadd.s32 $0xFFFFFAC0  }
0x473: {  	_ =	swait.ge [sflag:s30], $0x540  }
0x474: {  	[sflag:s30] =	ssyncset.done $0x0  }
0x475: {  	[sflag:s30] =	ssyncadd.s32 $0xFFFFFAC0  }
0x476: {  	_ =	swait.ge [sflag:s30], $0x540  }
0x477: {  	[sflag:s30] =	ssyncset.done $0x0  }
0x478: {  	[sflag:s30] =	ssyncadd.s32 $0xFFFFFAC0  }
0x479: {  	_ =	swait.ge [sflag:s30], $0x540  }
0x47a: {  	[sflag:s30] =	ssyncset.done $0x0  }
0x47b: {  	s6 =	simm.s32 $0x17E00;
	[sflag:s30] =	ssyncadd.s32 $0xFFFFFAC0  }
0x47c: {  	[tilespmem:s6], [sflag:$0x5] =	stream.indirect.gather [hbm4b:s4+s9], $0x1, s26, s9, $0xb8;
	[tilespmem:$0x1D600] =	vst v63  }
0x47d: {  	s6 =	simm.s32 $0x18380  }
0x47e: {  	[tilespmem:s6], [sflag:$0x5] =	stream.indirect.gather [hbm4b:s4+s9], $0x1, s29, s9, $0xb8;
	[tilespmem:$0x1D600] =	vst v63  }
0x47f: {  	_ = 	snop  }
0x480: {  	[tilespmem:s7], [sflag:$0x5] =	stream.indirect.gather [hbm4b:s4+s9], $0x1, s31, s9, $0xb8;
	[tilespmem:$0x1D600] =	vst v63  }
0x481: {  	_ = 	snop  }
0x482: {  	[tilespmem:s23], [sflag:$0x5] =	stream.indirect.gather [hbm4b:s4+s9], $0x1, s2, s9, $0xb8;
	[tilespmem:$0x1D600] =	vst v63  }
0x483: {  	_ =	swait.ge [sflag:s25], $0x540  }
0x484: {  	[sflag:s25] =	ssyncset.done $0x0  }
0x485: {  	[sflag:s25] =	ssyncadd.s32 $0xFFFFFAC0  }
0x486: {  	_ =	swait.ge [sflag:s25], $0x540  }
0x487: {  	[sflag:s25] =	ssyncset.done $0x0  }
0x488: {  	[sflag:s25] =	ssyncadd.s32 $0xFFFFFAC0  }
0x489: {  	_ =	swait.ge [sflag:s25], $0x540  }
0x48a: {  	[sflag:s25] =	ssyncset.done $0x0  }
0x48b: {  	[sflag:s25] =	ssyncadd.s32 $0xFFFFFAC0  }
0x48c: {  	_ =	swait.ge [sflag:s25], $0x540  }
0x48d: {  	[sflag:s25] =	ssyncset.done $0x0  }
0x48e: {  	s28 =	simm.s32 $0x0;
	[sflag:s25] =	ssyncadd.s32 $0xFFFFFAC0  }
0x48f: {  	v5 =	vld [tilespmem:s28+$0x12600]  }
0x490: {  	v6 =	vld [tilespmem:s28+$0x13680];
	_ =	sdelay $0x3  }
0x491: {  	vm0 =	vge.s32 v5, v0  }
0x492: {  	v9 =	vld [tilespmem:s28+$0x13100];
	v7 =	vand.u32 $0x7FFF, v5;
	vm1 =	vlt.s32 v6, v1;
	vm2 =	vlt.s32 v5, v1  }
0x493: {  	v5 =	vsub.s32 v5, v0;
	v10 =	vand.u32 $0x7FFF, v6;
	vm9 =	vge.s32 v6, v0  }
0x494: {  	v6 =	vsub.s32 v6, v0;
	vm0 =	vmand vm0, vm2;
	v7 =	vadd.s32 $0xF4240, v7  }
0x495: {  	v8 =	vld [tilespmem:s28+$0x11000];
	v5 =	vsel vm0, v5, v7;
	vm0 =	vmand vm9, vm1;
	v7 =	vadd.s32 $0xF4240, v10  }
0x496: {  	[tilespmem:s28+$0x12600] =	vst v5;
	v5 =	vsel vm0, v6, v7;
	v7 =	vld [tilespmem:s28+$0x13C00]  }
0x497: {  	vm10 =	vge.s32 v9, v0;
	vm11 =	vlt.s32 v9, v1;
	v6 =	vld [tilespmem:s28+$0x14180];
	[tilespmem:s28+$0x13680] =	vst v5;
	v5 =	vand.u32 $0x7FFF, v9  }
0x498: {  	v11 =	vld [tilespmem:s28+$0x12B80];
	vm0 =	vmand vm10, vm11;
	v9 =	vsub.s32 v9, v0;
	v5 =	vadd.s32 $0xF4240, v5  }
0x499: {  	v5 =	vsel vm0, v9, v5;
	v9 =	vld [tilespmem:s28+$0x14700];
	_ =	sdelay $0x1  }
0x49a: {  	v10 =	vld [tilespmem:s28+$0x14C80]  }
0x49b: {  	[tilespmem:s28+$0x13100] =	vst v5;
	v5 =	vsub.f32 v6, v7  }
0x49c: {  	v62 =	vand.u32 $0xFF, v8;
	v13 =	vand.u32 $0xFF00, v8;
	vm14 =	vlt.s32 v8, $0xFF0000  }
0x49d: {  	vm15 =	vlt.s32 v11, v1;
	v8 =	vmul.f32 v5, v5;
	v6 =	vsub.f32 v9, v7  }
0x49e: {  	vm3 =	vge.s32 v11, v0;
	vm12 =	vne.s32 v13, $0xFF00;
	vm13 =	vne.s32 v62, $0xFF  }
0x49f: {  	v7 =	vsub.f32 v10, v7;
	v8 =	vadd.f32 $9.999999710e-10, v8;
	v10 =	vmul.f32 v6, v6  }
0x4a0: {  	vm1 =	vmand vm3, vm15;
	vm0 =	vmand vm12, vm13  }
0x4a1: {  	v9 =	vand.u32 $0x7FFF, v11;
	v8 =	vadd.f32 v10, v8;
	v10 =	vmul.f32 v7, v7  }
0x4a2: {  	v11 =	vsub.s32 v11, v0;
	v9 =	vadd.s32 $0xF4240, v9;
	v63 =	vadd.f32 v6, v5  }
0x4a3: {  	vm0 =	vmand vm0, vm14;
	v9 =	vsel vm1, v11, v9;
	v10 =	vadd.f32 v10, v8  }
0x4a4: {  	s0 =	simm.s32 $0x40;
	[tilespmem:s28+$0x12B80] =	vst v9;
	v9 =	vadd.f32 v7, v63;
	v8 =	vsel vm0, $0x3727C5AC, v4  }
.LBB2_32:
0x4a5: {  	p1 =	sne.s32 s0, $0x14C0;
	v11 =	vshra.s32 v10, $0x1;
	v10 =	vmul.f32 $5.000000000e-01, v10;
	s6 =	smov.u32 s0;
	s0 =	sadd.s32 $0x40, s0  }
0x4a6: {  	s6 =	sshra.s32 s6, $0x2;
	v11 =	vsub.s32 $0x5F3759DF, v11  }
0x4a7: {  	v12 =	vld [tilespmem:s6+$0x11000];
	v13 =	vmul.f32 v11, v10  }
0x4a8: {  	v14 =	vld [tilespmem:s6+$0x12600]  }
0x4a9: {  	v15 =	vld [tilespmem:s6+$0x12B80];
	v13 =	vmul.f32 v11, v13;
	_ =	sdelay $0x1  }
0x4aa: {  	v13 =	vsub.f32 $1.500000000e+00, v13  }
0x4ab: {  	v16 =	vand.u32 $0xFF, v12;
	v17 =	vand.u32 $0xFF00, v12;
	v18 =	vld [tilespmem:s6+$0x13100]  }
0x4ac: {  	vm0 =	vne.s32 v17, $0xFF00;
	vm1 =	vne.s32 v16, $0xFF;
	v11 =	vmul.f32 v11, v13  }
0x4ad: {  	vm2 =	vlt.s32 v12, $0xFF0000;
	vm0 =	vmand vm0, vm1;
	v12 =	vsub.s32 v15, v0  }
0x4ae: {  	vm1 =	vlt.s32 v15, v1;
	vm0 =	vmand vm0, vm2;
	v13 =	vld [tilespmem:s6+$0x13680];
	v10 =	vmul.f32 v11, v10  }
0x4af: {  	vm3 =	vge.s32 v15, v0;
	v15 =	vand.u32 $0x7FFF, v15;
	vm2 =	vge.s32 v14, v0  }
0x4b0: {  	vm4 =	vge.s32 v18, v0;
	vm5 =	vlt.s32 v18, v1;
	v10 =	vmul.f32 v10, v11  }
0x4b1: {  	v9 =	vsub.f32 $0.0e+00, v9;
	v15 =	vadd.s32 $0xF4240, v15;
	vm4 =	vmand vm4, vm5  }
0x4b2: {  	v16 =	vsub.s32 v18, v0;
	v17 =	vand.u32 $0x7FFF, v18;
	v10 =	vsub.f32 $1.500000000e+00, v10  }
0x4b3: {  	v18 =	vand.u32 $0x7FFF, v14;
	vm5 =	vlt.s32 v13, v1;
	v19 =	vand.u32 $0x7FFF, v13  }
0x4b4: {  	vm6 =	vlt.s32 v14, v1;
	vm1 =	vmand vm3, vm1;
	v10 =	vmul.f32 v10, v11  }
0x4b5: {  	vm2 =	vmand vm2, vm6;
	v11 =	vsub.s32 v14, v0;
	v14 =	vadd.s32 $0xF4240, v18  }
0x4b6: {  	v11 =	vsel vm2, v11, v14;
	vm2 =	vge.s32 v13, v0;
	v8 =	vmul.f32 v10, v8  }
0x4b7: {  	vm2 =	vmand vm2, vm5;
	v10 =	vsub.s32 v13, v0;
	[tilespmem:s6+$0x12600] =	vst v11;
	v11 =	vadd.s32 $0xF4240, v19  }
0x4b8: {  	v13 =	vadd.s32 $0xF4240, v17;
	v10 =	vsel vm2, v10, v11;
	v9 =	vmul.f32 v8, v9  }
0x4b9: {  	v11 =	vsel vm4, v16, v13;
	v5 =	vmul.f32 v8, v5;
	v7 =	vmul.f32 v8, v7;
	[tilespmem:s6+$0x13680] =	vst v10  }
0x4ba: {  	v6 =	vmul.f32 v8, v6;
	v10 =	vsel vm1, v12, v15;
	[tilespmem:s28+$0x13C00] =	vst v9  }
0x4bb: {  	v8 =	vld [tilespmem:s6+$0x13C00];
	[tilespmem:s28+$0x14180] =	vst v5  }
0x4bc: {  	v5 =	vld [tilespmem:s6+$0x14180];
	[tilespmem:s28+$0x14700] =	vst v6  }
0x4bd: {  	v6 =	vld [tilespmem:s6+$0x14700];
	[tilespmem:s28+$0x14C80] =	vst v7;
	s28 =	smov.u32 s6  }
0x4be: {  	[tilespmem:s28+$0x13100] =	vst v11  }
0x4bf: {  	v7 =	vld [tilespmem:s28+$0x14C80];
	[tilespmem:s28+$0x12B80] =	vst v10;
	_ =	sdelay $0x1  }
0x4c0: {  	v5 =	vsub.f32 v5, v8  }
0x4c1: {  	v6 =	vsub.f32 v6, v8  }
0x4c2: {  	v9 =	vmul.f32 v5, v5  }
0x4c3: {  	v7 =	vsub.f32 v7, v8;
	v8 =	vmul.f32 v6, v6;
	v10 =	vadd.f32 v6, v5  }
0x4c4: {  	v11 =	vadd.f32 $9.999999710e-10, v9  }
.Ltmp17:
0x4c5: {  	v12 =	vmul.f32 v7, v7;
	v9 =	vadd.f32 v7, v10;
	(pc) =	sbr.rel @p1 .LBB2_32-.Ltmp17, $3  }
0x4c6: {  	v8 =	vadd.f32 v8, v11;
	_ =	sdelay $0x1  }
0x4c7: {  	v10 =	vadd.f32 v12, v8  }
0x4c8: {  	v8 =	vsel vm0, $0x3727C5AC, v4  }
0x4c9: {  	v11 =	vshra.s32 v10, $0x1;
	v10 =	vmul.f32 $5.000000000e-01, v10  }
0x4ca: {  	v11 =	vsub.s32 $0x5F3759DF, v11  }
0x4cb: {  	v12 =	vmul.f32 v11, v10;
	_ =	sdelay $0x1  }
0x4cc: {  	v12 =	vmul.f32 v11, v12;
	_ =	sdelay $0x1  }
0x4cd: {  	v12 =	vsub.f32 $1.500000000e+00, v12;
	_ =	sdelay $0x1  }
0x4ce: {  	v11 =	vmul.f32 v11, v12;
	_ =	sdelay $0x1  }
0x4cf: {  	v10 =	vmul.f32 v11, v10;
	_ =	sdelay $0x1  }
0x4d0: {  	v10 =	vmul.f32 v10, v11;
	_ =	sdelay $0x1  }
0x4d1: {  	v10 =	vsub.f32 $1.500000000e+00, v10;
	_ =	sdelay $0x1  }
0x4d2: {  	v10 =	vmul.f32 v10, v11;
	_ =	sdelay $0x1  }
0x4d3: {  	v9 =	vsub.f32 $0.0e+00, v9;
	v8 =	vmul.f32 v10, v8;
	_ =	sdelay $0x1  }
0x4d4: {  	v9 =	vmul.f32 v8, v9  }
0x4d5: {  	v5 =	vmul.f32 v8, v5  }
0x4d6: {  	v6 =	vmul.f32 v8, v6;
	[tilespmem:s28+$0x13C00] =	vst v9  }
0x4d7: {  	v7 =	vmul.f32 v8, v7;
	[tilespmem:s28+$0x14180] =	vst v5  }
0x4d8: {  	[tilespmem:s28+$0x14700] =	vst v6  }
0x4d9: {  	s0 =	simm.s32 $0x13C00;
	[tilespmem:s28+$0x14C80] =	vst v7  }
0x4da: {  	[spmem:s1] =	stream.indirect.scatter.add.f32 [tilespmem:s0], [sflag:$0x7], $0x1, s10, s9, $0xb8;
	[tilespmem:$0x1D600] =	vst v63  }
0x4db: {  	s6 =	simm.s32 $0x14180  }
0x4dc: {  	[spmem:s1] =	stream.indirect.scatter.add.f32 [tilespmem:s6], [sflag:$0x7], $0x1, s12, s9, $0xb8;
	[tilespmem:$0x1D600] =	vst v63  }
0x4dd: {  	s6 =	simm.s32 $0x14700  }
0x4de: {  	[spmem:s1] =	stream.indirect.scatter.add.f32 [tilespmem:s6], [sflag:$0x7], $0x1, s14, s9, $0xb8;
	[tilespmem:$0x1D600] =	vst v63  }
0x4df: {  	s6 =	simm.s32 $0x14C80  }
0x4e0: {  	[spmem:s1] =	stream.indirect.scatter.add.f32 [tilespmem:s6], [sflag:$0x7], $0x1, s18, s9, $0xb8;
	[tilespmem:$0x1D600] =	vst v63  }
0x4e1: {  	_ =	swait.ge [sflag:s20], $0x540  }
0x4e2: {  	[sflag:s20] =	ssyncset.done $0x0  }
0x4e3: {  	[sflag:s20] =	ssyncadd.s32 $0xFFFFFAC0  }
0x4e4: {  	_ =	swait.ge [sflag:s20], $0x540  }
0x4e5: {  	[sflag:s20] =	ssyncset.done $0x0  }
0x4e6: {  	[sflag:s20] =	ssyncadd.s32 $0xFFFFFAC0  }
0x4e7: {  	_ =	swait.ge [sflag:s20], $0x540  }
0x4e8: {  	[sflag:s20] =	ssyncset.done $0x0  }
0x4e9: {  	[sflag:s20] =	ssyncadd.s32 $0xFFFFFAC0  }
0x4ea: {  	_ =	swait.ge [sflag:s20], $0x540  }
0x4eb: {  	[sflag:s20] =	ssyncset.done $0x0  }
0x4ec: {  	s28 =	simm.s32 $0x0;
	[sflag:s20] =	ssyncadd.s32 $0xFFFFFAC0  }
0x4ed: {  	v5 =	vld [tilespmem:s28+$0x16800]  }
0x4ee: {  	v6 =	vld [tilespmem:s28+$0x17880];
	_ =	sdelay $0x3  }
0x4ef: {  	vm0 =	vge.s32 v5, v0  }
0x4f0: {  	v9 =	vld [tilespmem:s28+$0x17300];
	v7 =	vand.u32 $0x7FFF, v5;
	vm1 =	vlt.s32 v6, v1;
	vm2 =	vlt.s32 v5, v1  }
0x4f1: {  	v5 =	vsub.s32 v5, v0;
	v10 =	vand.u32 $0x7FFF, v6;
	vm9 =	vge.s32 v6, v0  }
0x4f2: {  	v6 =	vsub.s32 v6, v0;
	vm0 =	vmand vm0, vm2;
	v7 =	vadd.s32 $0xF4240, v7  }
0x4f3: {  	v8 =	vld [tilespmem:s28+$0x15200];
	v5 =	vsel vm0, v5, v7;
	vm0 =	vmand vm9, vm1;
	v7 =	vadd.s32 $0xF4240, v10  }
0x4f4: {  	[tilespmem:s28+$0x16800] =	vst v5;
	v5 =	vsel vm0, v6, v7;
	v7 =	vld [tilespmem:s28+$0x17E00]  }
0x4f5: {  	vm10 =	vge.s32 v9, v0;
	vm11 =	vlt.s32 v9, v1;
	v6 =	vld [tilespmem:s28+$0x18380];
	[tilespmem:s28+$0x17880] =	vst v5;
	v5 =	vand.u32 $0x7FFF, v9  }
0x4f6: {  	v11 =	vld [tilespmem:s28+$0x16D80];
	vm0 =	vmand vm10, vm11;
	v9 =	vsub.s32 v9, v0;
	v5 =	vadd.s32 $0xF4240, v5  }
0x4f7: {  	v5 =	vsel vm0, v9, v5;
	v9 =	vld [tilespmem:s28+$0x18900];
	_ =	sdelay $0x1  }
0x4f8: {  	v10 =	vld [tilespmem:s28+$0x18E80]  }
0x4f9: {  	[tilespmem:s28+$0x17300] =	vst v5;
	v5 =	vsub.f32 v6, v7  }
0x4fa: {  	v62 =	vand.u32 $0xFF, v8;
	v13 =	vand.u32 $0xFF00, v8;
	vm14 =	vlt.s32 v8, $0xFF0000  }
0x4fb: {  	vm15 =	vlt.s32 v11, v1;
	v8 =	vmul.f32 v5, v5;
	v6 =	vsub.f32 v9, v7  }
0x4fc: {  	vm3 =	vge.s32 v11, v0;
	vm12 =	vne.s32 v13, $0xFF00;
	vm13 =	vne.s32 v62, $0xFF  }
0x4fd: {  	v7 =	vsub.f32 v10, v7;
	v8 =	vadd.f32 $9.999999710e-10, v8;
	v10 =	vmul.f32 v6, v6  }
0x4fe: {  	vm1 =	vmand vm3, vm15;
	vm0 =	vmand vm12, vm13  }
0x4ff: {  	v9 =	vand.u32 $0x7FFF, v11;
	v8 =	vadd.f32 v10, v8;
	v10 =	vmul.f32 v7, v7  }
0x500: {  	v11 =	vsub.s32 v11, v0;
	v9 =	vadd.s32 $0xF4240, v9;
	v63 =	vadd.f32 v6, v5  }
0x501: {  	vm0 =	vmand vm0, vm14;
	v9 =	vsel vm1, v11, v9;
	v10 =	vadd.f32 v10, v8  }
0x502: {  	s0 =	simm.s32 $0x40;
	[tilespmem:s28+$0x16D80] =	vst v9;
	v9 =	vadd.f32 v7, v63;
	v8 =	vsel vm0, $0x3727C5AC, v4  }
.LBB2_34:
0x503: {  	p1 =	sne.s32 s0, $0x14C0;
	v11 =	vshra.s32 v10, $0x1;
	v10 =	vmul.f32 $5.000000000e-01, v10;
	s6 =	smov.u32 s0;
	s0 =	sadd.s32 $0x40, s0  }
0x504: {  	s6 =	sshra.s32 s6, $0x2;
	v11 =	vsub.s32 $0x5F3759DF, v11  }
0x505: {  	v12 =	vld [tilespmem:s6+$0x15200];
	v13 =	vmul.f32 v11, v10  }
0x506: {  	v14 =	vld [tilespmem:s6+$0x16800]  }
0x507: {  	v15 =	vld [tilespmem:s6+$0x16D80];
	v13 =	vmul.f32 v11, v13;
	_ =	sdelay $0x1  }
0x508: {  	v13 =	vsub.f32 $1.500000000e+00, v13  }
0x509: {  	v16 =	vand.u32 $0xFF, v12;
	v17 =	vand.u32 $0xFF00, v12;
	v18 =	vld [tilespmem:s6+$0x17300]  }
0x50a: {  	vm0 =	vne.s32 v17, $0xFF00;
	vm1 =	vne.s32 v16, $0xFF;
	v11 =	vmul.f32 v11, v13  }
0x50b: {  	vm2 =	vlt.s32 v12, $0xFF0000;
	vm0 =	vmand vm0, vm1;
	v12 =	vsub.s32 v15, v0  }
0x50c: {  	vm1 =	vlt.s32 v15, v1;
	vm0 =	vmand vm0, vm2;
	v13 =	vld [tilespmem:s6+$0x17880];
	v10 =	vmul.f32 v11, v10  }
0x50d: {  	vm3 =	vge.s32 v15, v0;
	v15 =	vand.u32 $0x7FFF, v15;
	vm2 =	vge.s32 v14, v0  }
0x50e: {  	vm4 =	vge.s32 v18, v0;
	vm5 =	vlt.s32 v18, v1;
	v10 =	vmul.f32 v10, v11  }
0x50f: {  	v9 =	vsub.f32 $0.0e+00, v9;
	v15 =	vadd.s32 $0xF4240, v15;
	vm4 =	vmand vm4, vm5  }
0x510: {  	v16 =	vsub.s32 v18, v0;
	v17 =	vand.u32 $0x7FFF, v18;
	v10 =	vsub.f32 $1.500000000e+00, v10  }
0x511: {  	v18 =	vand.u32 $0x7FFF, v14;
	vm5 =	vlt.s32 v13, v1;
	v19 =	vand.u32 $0x7FFF, v13  }
0x512: {  	vm6 =	vlt.s32 v14, v1;
	vm1 =	vmand vm3, vm1;
	v10 =	vmul.f32 v10, v11  }
0x513: {  	vm2 =	vmand vm2, vm6;
	v11 =	vsub.s32 v14, v0;
	v14 =	vadd.s32 $0xF4240, v18  }
0x514: {  	v11 =	vsel vm2, v11, v14;
	vm2 =	vge.s32 v13, v0;
	v8 =	vmul.f32 v10, v8  }
0x515: {  	vm2 =	vmand vm2, vm5;
	v10 =	vsub.s32 v13, v0;
	[tilespmem:s6+$0x16800] =	vst v11;
	v11 =	vadd.s32 $0xF4240, v19  }
0x516: {  	v13 =	vadd.s32 $0xF4240, v17;
	v10 =	vsel vm2, v10, v11;
	v9 =	vmul.f32 v8, v9  }
0x517: {  	v11 =	vsel vm4, v16, v13;
	v5 =	vmul.f32 v8, v5;
	v7 =	vmul.f32 v8, v7;
	[tilespmem:s6+$0x17880] =	vst v10  }
0x518: {  	v6 =	vmul.f32 v8, v6;
	v10 =	vsel vm1, v12, v15;
	[tilespmem:s28+$0x17E00] =	vst v9  }
0x519: {  	v8 =	vld [tilespmem:s6+$0x17E00];
	[tilespmem:s28+$0x18380] =	vst v5  }
0x51a: {  	v5 =	vld [tilespmem:s6+$0x18380];
	[tilespmem:s28+$0x18900] =	vst v6  }
0x51b: {  	v6 =	vld [tilespmem:s6+$0x18900];
	[tilespmem:s28+$0x18E80] =	vst v7;
	s28 =	smov.u32 s6  }
0x51c: {  	[tilespmem:s28+$0x17300] =	vst v11  }
0x51d: {  	v7 =	vld [tilespmem:s28+$0x18E80];
	[tilespmem:s28+$0x16D80] =	vst v10;
	_ =	sdelay $0x1  }
0x51e: {  	v5 =	vsub.f32 v5, v8  }
0x51f: {  	v6 =	vsub.f32 v6, v8  }
0x520: {  	v9 =	vmul.f32 v5, v5  }
0x521: {  	v7 =	vsub.f32 v7, v8;
	v8 =	vmul.f32 v6, v6;
	v10 =	vadd.f32 v6, v5  }
0x522: {  	v11 =	vadd.f32 $9.999999710e-10, v9  }
.Ltmp18:
0x523: {  	v12 =	vmul.f32 v7, v7;
	v9 =	vadd.f32 v7, v10;
	(pc) =	sbr.rel @p1 .LBB2_34-.Ltmp18, $3  }
0x524: {  	v8 =	vadd.f32 v8, v11;
	_ =	sdelay $0x1  }
0x525: {  	v10 =	vadd.f32 v12, v8  }
0x526: {  	v8 =	vsel vm0, $0x3727C5AC, v4  }
0x527: {  	v11 =	vshra.s32 v10, $0x1;
	v63 =	vmul.f32 $5.000000000e-01, v10  }
0x528: {  	v11 =	vsub.s32 $0x5F3759DF, v11  }
0x529: {  	v12 =	vmul.f32 v11, v63;
	_ =	sdelay $0x1  }
0x52a: {  	v12 =	vmul.f32 v11, v12;
	_ =	sdelay $0x1  }
0x52b: {  	v12 =	vsub.f32 $1.500000000e+00, v12;
	_ =	sdelay $0x1  }
0x52c: {  	v11 =	vmul.f32 v11, v12;
	_ =	sdelay $0x1  }
0x52d: {  	v10 =	vmul.f32 v11, v63;
	_ =	sdelay $0x1  }
0x52e: {  	v10 =	vmul.f32 v10, v11;
	_ =	sdelay $0x1  }
0x52f: {  	v10 =	vsub.f32 $1.500000000e+00, v10;
	_ =	sdelay $0x1  }
0x530: {  	v10 =	vmul.f32 v10, v11;
	_ =	sdelay $0x1  }
0x531: {  	v9 =	vsub.f32 $0.0e+00, v9;
	v8 =	vmul.f32 v10, v8;
	_ =	sdelay $0x1  }
0x532: {  	v9 =	vmul.f32 v8, v9  }
0x533: {  	v5 =	vmul.f32 v8, v5  }
0x534: {  	v6 =	vmul.f32 v8, v6;
	[tilespmem:s28+$0x17E00] =	vst v9  }
0x535: {  	v7 =	vmul.f32 v8, v7;
	[tilespmem:s28+$0x18380] =	vst v5  }
0x536: {  	[tilespmem:s28+$0x18900] =	vst v6  }
0x537: {  	s0 =	simm.s32 $0x17E00;
	[tilespmem:s28+$0x18E80] =	vst v7  }
0x538: {  	[spmem:s1] =	stream.indirect.scatter.add.f32 [tilespmem:s0], [sflag:$0x8], $0x1, s26, s9, $0xb8;
	[tilespmem:$0x1D600] =	vst v63  }
0x539: {  	s28 =	simm.s32 $0x18380  }
0x53a: {  	[spmem:s1] =	stream.indirect.scatter.add.f32 [tilespmem:s28], [sflag:$0x8], $0x1, s29, s9, $0xb8;
	[tilespmem:$0x1D600] =	vst v63  }
0x53b: {  	_ = 	snop  }
0x53c: {  	[spmem:s1] =	stream.indirect.scatter.add.f32 [tilespmem:s7], [sflag:$0x8], $0x1, s31, s9, $0xb8;
	[tilespmem:$0x1D600] =	vst v63  }
0x53d: {  	_ = 	snop  }
0x53e: {  	[spmem:s1] =	stream.indirect.scatter.add.f32 [tilespmem:s23], [sflag:$0x8], $0x1, s2, s9, $0xb8;
	[tilespmem:$0x1D600] =	vst v63  }
0x53f: {  	_ =	swait.ge [sflag:s16], $0x540  }
0x540: {  	[sflag:s16] =	ssyncset.done $0x0  }
0x541: {  	[sflag:s16] =	ssyncadd.s32 $0xFFFFFAC0  }
0x542: {  	_ =	swait.ge [sflag:s16], $0x540  }
0x543: {  	[sflag:s16] =	ssyncset.done $0x0  }
0x544: {  	[sflag:s16] =	ssyncadd.s32 $0xFFFFFAC0  }
0x545: {  	_ =	swait.ge [sflag:s16], $0x540  }
0x546: {  	[sflag:s16] =	ssyncset.done $0x0  }
0x547: {  	[sflag:s16] =	ssyncadd.s32 $0xFFFFFAC0  }
0x548: {  	_ =	swait.ge [sflag:s16], $0x540  }
0x549: {  	[sflag:s16] =	ssyncset.done $0x0  }
0x54a: {  	[sflag:s16] =	ssyncadd.s32 $0xFFFFFAC0  }
0x54b: {  	_ =	swait.ge [sflag:s22], $0x540  }
0x54c: {  	[sflag:s22] =	ssyncset.done $0x0  }
0x54d: {  	[sflag:s22] =	ssyncadd.s32 $0xFFFFFAC0  }
0x54e: {  	_ =	swait.ge [sflag:s22], $0x540  }
0x54f: {  	[sflag:s22] =	ssyncset.done $0x0  }
0x550: {  	[sflag:s22] =	ssyncadd.s32 $0xFFFFFAC0  }
0x551: {  	_ =	swait.ge [sflag:s22], $0x540  }
0x552: {  	[sflag:s22] =	ssyncset.done $0x0  }
0x553: {  	[sflag:s22] =	ssyncadd.s32 $0xFFFFFAC0  }
.Ltmp19:
0x554: {  	_ =	swait.ge [sflag:s22], $0x540;
	(pc) =	sbr.rel @!p0 .LBB2_36-.Ltmp19, $3  }
0x555: {  	[sflag:s22] =	ssyncset.done $0x0  }
0x556: {  	[sflag:s22] =	ssyncadd.s32 $0xFFFFFAC0  }
0x557: {  	[bflag:$0x0] =	sbarrier.arrive $0xFFFF;
	_ =	sdelay $0x1  }
0x558: {  	s6 =	rddreg [dreg:$0x5]  }
0x559: {  	[tilespmem:s24], [sflag:$0xA] =	stream.linear.gather [spmem:s6], $0x1000, $0x38;
	[tilespmem:$0x1D600] =	vst v63  }
0x55a: {  	_ =	swait.ge [sflag:s8], $0x1000  }
0x55b: {  	[sflag:s8] =	ssyncset.done $0x0  }
0x55c: {  	s0 =	sadd.s32 $0x0, s21;
	[sflag:s8] =	ssyncadd.s32 $0xFFFFF000  }
0x55d: {  	[hbm4b:s0+s3] =	stream.linear.scatter [tilespmem:s24], [sflag:$0xA], $0x1000, $0x38;
	[tilespmem:$0x1D600] =	vst v63  }
0x55e: {  	_ =	swait.ge [sflag:s8], $0x1000  }
0x55f: {  	s0 =	simm.s32 $0x200;
	[sflag:s8] =	ssyncset.done $0x0  }
.LBB2_38:
0x560: {  	p1 =	sne.s32 s0, $0x1E00;
	[sflag:s8] =	ssyncadd.s32 $0xFFFFF000;
	s6 =	sadd.s32 $0x1000, s6  }
0x561: {  	[tilespmem:s24], [sflag:$0xA] =	stream.linear.gather [spmem:s6], $0x1000, $0x38;
	[tilespmem:$0x1D600] =	vst v63  }
0x562: {  	s28 =	smov.u32 s0;
	s0 =	sadd.s32 $0x200, s0;
	_ =	swait.ge [sflag:s8], $0x1000  }
.Ltmp20:
0x563: {  	[sflag:s8] =	ssyncset.done $0x0;
	(pc) =	sbr.rel @p1 .LBB2_38-.Ltmp20, $4  }
0x564: {  	s28 =	sadd.s32 s28, s21;
	[sflag:s8] =	ssyncadd.s32 $0xFFFFF000  }
0x565: {  	[hbm4b:s28+s3] =	stream.linear.scatter [tilespmem:s24], [sflag:$0xA], $0x1000, $0x38;
	[tilespmem:$0x1D600] =	vst v63  }
0x566: {  	_ =	swait.ge [sflag:s8], $0x1000  }
0x567: {  	[sflag:s8] =	ssyncset.done $0x0  }
.Ltmp21:
0x568: {  	(pc) =	sbr.rel .LBB2_40-.Ltmp21, $2  }
0x569: {  	_ =	sdelay $0x2  }
0x56a: {  	[sflag:s8] =	ssyncadd.s32 $0xFFFFF000  }
.LBB2_41:
0x56b: {  	_ =	sfence.sel $0x180000  }
0x56c: {  	[bflag:$0x0] =	sbarrier.arrive $0xFFFF  }
0x56d: {  	_ =	strace $0x9000004A  }
0x56e: {  	s0 =	stileid.u32;
	[bflag:$0x2] =	sbarrier.arrive $0xFFFF  }
0x56f: {  	p0 =	sne.s32 s0, $0x0;
	s0 =	rddreg [dreg:$0x3]  }
0x570: {  	s0 =	sadd.s32 @!p0 $0x100000, s0  }
0x571: {  	[sflag:s0] =	ssyncadd.tile.s32 @!p0 $0x1;
	_ =	shalt  }
.Lfunc_end2:
_tile_overlayer_lowered:
.L_overlay_start_2:
0x572: {  	(tag) =	ssettag $0x2  }
0x573: {  	s0 =	rddreg [dreg:$0x0];
	s2 =	stileid.u32  }
0x574: {  	s1 =	rddreg [dreg:$0x1];
	p0 =	sne.s32 s2, $0x0  }
0x575: {  	s3 =	rddreg [dreg:$0x2];
	[bflag:$0x3] =	sbarrier.arrive $0xFFFF;
	s2 =	simm.s32 @!p0 $0x1C0A  }
0x576: {  	[timem:s3], [sflag:s2] =	dma.local @!p0 [hbm:s0], s1  }
0x577: {  	s0 =	simm.s32 @!p0 $0xA  }
0x578: {  	_ =	swait.ge @!p0 [sflag:s0], s1  }
0x579: {  	s1 =	ssub.s32 @!p0 $0x0, s1;
	[sflag:s0] =	ssyncset.done @!p0 $0x0  }
0x57a: {  	[sflag:s0] =	ssyncadd.s32 @!p0 s1  }
0x57b: {  	[bflag:$0x3] =	sbarrier.arrive $0xFFFF  }
0x57c: {  	_ =	shalt  }

// kernel: sparse-core-data-format-call.cloned.1.call-start
scs
called_computation_lowered:
.L_overlay_start_0:
0x0: {  	s2 =	sld [smem:$0x3FD9]  }
0x1: {  	s3 =	sld [smem:$0x3FFE];
	_ =	sdelay $0x1  }
0x2: {  	s1 =	srdreg.scid  }
0x3: {  	s0 =	sand.u32 $0x1, s1  }
0x4: {  	s18 =	sshll.u32 s0, $0xA;
	s2 =	sadd.s32 s3, s2  }
0x5: {  	s2 =	sadd.s32 s2, s18  }
0x6: {  	[smem:$0x3FC5] =	sst s2  }
0x7: {  	_ = 	snop  }
0x8: {  	s2 =	sld [smem:$0x3FC8];
	(tm) =	ssettm $0x1  }
0x9: {  	s19 =	sld [smem:$0x3FFB];
	_ =	sdelay $0x3  }
0xa: {  	_ =	strace s19  }
0xb: {  	s3 =	sld [smem:$0x3FFC];
	_ =	sdelay $0x3  }
0xc: {  	_ =	strace s3  }
0xd: {  	s3 =	sld [smem:$0x3FFD];
	_ =	sdelay $0x3  }
0xe: {  	_ =	strace s3  }
0xf: {  	_ =	strace $0x8FFFFFFF  }
0x10: {  	s20 =	sld [smem:$0x3FDB];
	_ =	sdelay $0x1  }
0x11: {  	s4 =	simm.s32 $_scs_section_size  }
0x12: {  	s5 =	simm.s32 $_size__tile_overlayer_lowered;
	s6 =	simm.s32 $_tile_overlayer_lowered  }
0x13: {  	s23 =	simm.s32 $0x1BFF;
	s22 =	sshll.u32 s6, $0x1;
	s3 =	sadd.s32 s4, s20  }
0x14: {  	s7 =	simm.s32 $0x0;
	s21 =	sshll.u32 s5, $0x1;
	s5 =	sadd.s32 s22, s3  }
0x15: {  	[timem:s7], [sflag:s23] =	dma.local [hbm:s5], s21  }
0x16: {  	_ =	swait.ge [sflag:s23], s21  }
0x17: {  	s4 =	ssub.s32 $0x0, s21;
	[sflag:s23] =	ssyncset.done $0x0  }
0x18: {  	[sflag:s23] =	ssyncadd.s32 s4;
	_ =	sdelay $0x1  }
0x19: {  	s24 =	simm.s32 $0x1B8B  }
0x1a: {  	_ =	swait.ge [sflag:s24], $0x1  }
0x1b: {  	[sflag:s24] =	ssyncset.done $0x0  }
0x1c: {  	s26 =	simm.s32 $0x1B8E;
	s25 =	sld [smem:$0x3FFE];
	[sflag:s24] =	ssyncadd.s32 $0xFFFFFFFF  }
0x1d: {  	s27 =	simm.s32 $execute0_lowered;
	[smem:$0x3FD2] =	sst s26  }
0x1e: {  	s5 =	sshll.u32 s27, $0x1;
	_ =	strace $0x80000046;
	[dreg:$0x1] =	wrdreg $0xFFFFFFFF  }
0x1f: {  	s28 =	simm.s32 $_size_execute0_lowered;
	s3 =	sadd.s32 s3, s5;
	[dreg:$0x0] =	wrdreg $0x0  }
0x20: {  	s5 =	sshll.u32 s28, $0x1;
	[dreg:$0x2] =	wrdreg s3  }
0x21: {  	[dreg:$0x3] =	wrdreg s5  }
0x22: {  	[dreg:$0x4] =	wrdreg $0xC0  }
0x23: {  	_ =	task [dreg:s7], $0x5FFFF  }
0x24: {  	[dreg:$0x1] =	wrdreg $0xFFFFFFFF  }
0x25: {  	[dreg:$0x0] =	wrdreg $0x60  }
0x26: {  	[dreg:$0x2] =	wrdreg s2  }
0x27: {  	[dreg:$0x3] =	wrdreg s25  }
0x28: {  	[dreg:$0x4] =	wrdreg $0x9  }
0x29: {  	_ =	task.clear_ibuf [dreg:s7], $0x5FFFF;
	_ =	strace $0x90000046  }
0x2a: {  	s29 =	simm.s32 $0x9;
	_ =	strace $0x80000048  }
0x2b: {  	_ =	swait.ge [sflag:s29], $0x1  }
0x2c: {  	[sflag:s29] =	ssyncadd.s32 $0xFFFFFFFF  }
0x2d: {  	_ =	strace $0x90000048  }
0x2e: {  	_ =	sfence  }
0x2f: {  	s30 =	sld [smem:$0x0];
	_ =	sdelay $0x2  }
0x30: {  	s31 =	sshll.u32 s1, $0xD;
	s1 =	sshrl.u32 s1, $0x2  }
0x31: {  	s3 =	sand.u32 $0x4000, s31;
	s1 =	sadd.s32 s1, s30  }
0x32: {  	s0 =	sor.u32 s3, s0;
	s1 =	sshll.u32 s1, $0x11  }
0x33: {  	s0 =	sor.u32 s1, s0  }
0x34: {  	s0 =	sadd.s32 $0x8F2B, s0  }
0x35: {  	[sflag:s0] =	ssyncadd.remote.s32 $0x1  }
0x36: {  	_ =	sfence.sel $0xFFFF  }
0x37: {  	[dreg:$0x0] =	wrdreg $0xFFFFFFFF;
	(pc) =	sbr.abs _section_cstart, $3  }
0x38: {  	[dreg:$0x1] =	wrdreg $0xFFFFFFFF  }
0x39: {  	_ =	task.clear_ibuf [dreg:s7], $0x2FFFF;
	_ =	strace $0x9FFFFFFF  }
0x3a: {  	(tm) =	ssettm $0x7FFFFFFF  }
0x3b: {  	_ =	shalt  }
tec
execute0_lowered:
.L_overlay_start_1:
0x0: {  	(tag) =	ssettag $0x1  }
0x1: {  	s0 =	srdreg.scid  }
0x2: {  	s1 =	sshll.u32 s0, $0x4  }
0x3: {  	s2 =	rddreg [dreg:$0x0];
	s0 =	stileid.u32;
	s1 =	sand.u32 $0x10, s1  }
0x4: {  	s4 =	rddreg [dreg:$0x1];
	s7 =	simm.s32 $0x1;
	s1 =	sor.u32 s0, s1  }
0x5: {  	s8 =	simm.s32 $0x2;
	s9 =	simm.s32 $0x0;
	s3 =	sshll.u32 s1, $0x3  }
0x6: {  	s12 =	simm.s32 $0x0;
	s11 =	simm.s32 $0x0;
	s6 =	ssub.s32 $0x2000, s3  }
.Ltmp0:
0x7: {  	s4 =	sadd.s32 $0x800, s4;
	s5 =	sand.u32 $0xF8, s6;
	(pc) =	sbr.rel .LBB1_1-.Ltmp0, $4  }
0x8: {  	s1 =	rddreg [dreg:$0x2];
	_ =	strace $0x80000047;
	p0 =	sne.s32 s5, $0x0  }
0x9: {  	s6 =	sshrl.u32 s6, $0x8;
	s5 =	simm.s32 $0x1;
	s7 =	simm.s32 @!p0 $0x0  }
0xa: {  	s10 =	smov.u32 s3;
	[sflag:s5] =	ssyncpa.u1 $0x0;
	s6 =	sadd.s32 s7, s6  }
0xb: {  	[sflag:s8] =	ssyncpa.u1 $0x0;
	s8 =	simm.s32 $0x0;
	s7 =	sadd.s32 $0x1, s6  }
.LBB1_9:
0xc: {  	s14 =	sadd.s32 $0x100, s10  }
0xd: {  	p1 =	sgt.s32 s14, $0x1FFF  }
0xe: {  	s14 =	smov.u32 @p1 s3;
	p1 =	sne.s32 s11, s7  }
.Ltmp1:
0xf: {  	p0 =	slt.u32 s11, $0x2;
	(pc) =	sbr.rel @!p1 .LBB1_10-.Ltmp1, $4  }
0x10: {  	s13 =	simm.s32 @!p0 $0x2  }
0x11: {  	s15 =	sadd.s32 $0x1, s11;
	_ =	swait.ge @!p0 [sflag:s13], $0x4000  }
0x12: {  	s12 =	smov.u32 s10;
	s9 =	sadd.s32 $0x4000, s9;
	[sflag:s13] =	ssyncset.done @!p0 $0x0  }
0x13: {  	s11 =	smov.u32 s15;
	s10 =	smov.u32 s14;
	[sflag:s13] =	ssyncadd.s32 @!p0 $0xFFFFC000  }
.LBB1_1:
0x14: {  	p0 =	sge.u32 s11, s6  }
0x15: {  	s13 =	sxor.u32 @!p0 $0xFFFFFFFF, s11  }
0x16: {  	s31 =	sadd.s32 $0xFFFFFFFF, s11;
	s14 =	sshll.u32 @!p0 s10, $0x8;
	s13 =	sshll.u32 @!p0 s13, $0xE  }
0x17: {  	s15 =	simm.s32 @!p0 $0x0;
	s14 =	sadd.s32 @!p0 s2, s14;
	s13 =	sand.u32 @!p0 $0x4000, s13  }
0x18: {  	[tilespmem:s13], [sflag:$0x1] =	stream.linear.gather @!p0 [hbm4b:s14+s15], $0x4000, $0x38;
	[tilespmem:$0x10000] =	vst v63  }
0x19: {  	p0 =	sge.u32 s31, s6  }
.Ltmp2:
0x1a: {  	_ = 	snop;
	(pc) =	sbr.rel @p0 .LBB1_9-.Ltmp2, $1  }
0x1b: {  	_ =	sdelay $0x3  }
0x1c: {  	s13 =	sshll.u32 s9, $0x2;
	_ =	swait.ge [sflag:s5], $0x4000;
	s14 =	sshll.u32 s11, $0xE  }
0x1d: {  	s16 =	simm.s32 $0x0;
	s17 =	simm.s32 $0x0;
	s15 =	sand.u32 $0x10000, s13  }
0x1e: {  	[sflag:s5] =	ssyncset.done $0x0;
	s31 =	sand.u32 $0x4000, s14;
	s14 =	sshrl.u32 s15, $0x2  }
0x1f: {  	[sflag:s5] =	ssyncadd.s32 $0xFFFFC000;
	s13 =	sor.u32 $0x8000, s31;
	s15 =	sor.u32 $0x8000, s14  }
.LBB1_3:
0x20: {  	s18 =	sshra.s32 s16, $0x2  }
0x21: {  	v0 =	vmov s18;
	_ =	sdelay $0x3  }
0x22: {  	p1 =	por $0x1, $0x1;
	s18 =	simm.s32 $0x0  }
.LBB1_4:
0x23: {  	_ = 	snop  }
0x24: {  	s19 =	sshll.u32 s18, $0xA  }
0x25: {  	s19 =	sand.u32 $0x3FFFFC00, s19  }
0x26: {  	s19 =	sadd.s32 s19, s14  }
0x27: {  	v5 =	vld.idx.msk [tilespmem:v0+s19+$0x70 ss:$0x1], $0xffff  }
0x28: {  	v6 =	vld.idx.msk [tilespmem:v0+s19+$0x10 ss:$0x1], $0xffff  }
0x29: {  	v7 =	vld.idx.msk [tilespmem:v0+s19+$0x20 ss:$0x1], $0xffff  }
0x2a: {  	s31 =	sshll.u32 s18, $0x7;
	v1 =	vld.idx.msk [tilespmem:v0+s19+$0x30 ss:$0x1], $0xffff  }
0x2b: {  	s18 =	sand.u32 $0x3FFFFF80, s31;
	v2 =	vld.idx.msk [tilespmem:v0+s19+$0x40 ss:$0x1], $0xffff  }
0x2c: {  	s18 =	sadd.s32 s18, s15;
	v3 =	vld.idx.msk [tilespmem:v0+s19+$0x50 ss:$0x1], $0xffff  }
0x2d: {  	v4 =	vld.idx.msk [tilespmem:v0+s19+$0x60 ss:$0x1], $0xffff;
	[tilespmem:v0+s18+$0x70 ss:$0x1] =	vst.idx.msk $0xffff, v5  }
0x2e: {  	v5 =	vld.idx.msk [tilespmem:v0+s19+$0x0 ss:$0x1], $0xffff;
	[tilespmem:v0+s18+$0x10 ss:$0x1] =	vst.idx.msk $0xffff, v6;
	s19 =	sadd.s32 $0x80, s19  }
0x2f: {  	p0 =	por p1, p1;
	s20 =	simm.s32 $0x6;
	[tilespmem:v0+s18+$0x20 ss:$0x1] =	vst.idx.msk $0xffff, v7;
	v6 =	vld.idx.msk [tilespmem:v0+s19+$0x70 ss:$0x1], $0xffff  }
.LBB1_5:
0x30: {  	p1 =	sne.s32 s20, $0x1;
	v7 =	vld.idx.msk [tilespmem:v0+s19+$0x10 ss:$0x1], $0xffff;
	[tilespmem:v0+s18+$0x30 ss:$0x1] =	vst.idx.msk $0xffff, v1  }
0x31: {  	v8 =	vld.idx.msk [tilespmem:v0+s19+$0x20 ss:$0x1], $0xffff;
	[tilespmem:v0+s18+$0x40 ss:$0x1] =	vst.idx.msk $0xffff, v2  }
0x32: {  	v1 =	vld.idx.msk [tilespmem:v0+s19+$0x30 ss:$0x1], $0xffff;
	[tilespmem:v0+s18+$0x50 ss:$0x1] =	vst.idx.msk $0xffff, v3  }
.Ltmp3:
0x33: {  	v2 =	vld.idx.msk [tilespmem:v0+s19+$0x40 ss:$0x1], $0xffff;
	[tilespmem:v0+s18+$0x60 ss:$0x1] =	vst.idx.msk $0xffff, v4;
	(pc) =	sbr.rel @p1 .LBB1_5-.Ltmp3, $4  }
0x34: {  	v3 =	vld.idx.msk [tilespmem:v0+s19+$0x50 ss:$0x1], $0xffff;
	[tilespmem:v0+s18+$0x0 ss:$0x1] =	vst.idx.msk $0xffff, v5;
	s18 =	sadd.s32 $0x100, s18  }
0x35: {  	v4 =	vld.idx.msk [tilespmem:v0+s19+$0x60 ss:$0x1], $0xffff;
	[tilespmem:v0+s18+$0x70 ss:$0x1] =	vst.idx.msk $0xffff, v6  }
0x36: {  	v5 =	vld.idx.msk [tilespmem:v0+s19+$0x0 ss:$0x1], $0xffff;
	[tilespmem:v0+s18+$0x10 ss:$0x1] =	vst.idx.msk $0xffff, v7;
	s19 =	sadd.s32 $0x80, s19  }
0x37: {  	s20 =	sadd.s32 $0xFFFFFFFF, s20;
	v6 =	vld.idx.msk [tilespmem:v0+s19+$0x70 ss:$0x1], $0xffff;
	[tilespmem:v0+s18+$0x20 ss:$0x1] =	vst.idx.msk $0xffff, v8  }
0x38: {  	_ =	sdelay $0x3  }
0x39: {  	[tilespmem:v0+s18+$0x30 ss:$0x1] =	vst.idx.msk $0xffff, v1  }
0x3a: {  	v1 =	vld.idx.msk [tilespmem:v0+s19+$0x10 ss:$0x1], $0xffff;
	[tilespmem:v0+s18+$0x40 ss:$0x1] =	vst.idx.msk $0xffff, v2  }
0x3b: {  	v2 =	vld.idx.msk [tilespmem:v0+s19+$0x20 ss:$0x1], $0xffff;
	[tilespmem:v0+s18+$0x50 ss:$0x1] =	vst.idx.msk $0xffff, v3  }
0x3c: {  	v61 =	vld.idx.msk [tilespmem:v0+s19+$0x40 ss:$0x1], $0xffff;
	[tilespmem:v0+s18+$0x60 ss:$0x1] =	vst.idx.msk $0xffff, v4  }
0x3d: {  	s31 =	sadd.s32 $0x100, s18;
	v62 =	vld.idx.msk [tilespmem:v0+s19+$0x50 ss:$0x1], $0xffff;
	[tilespmem:v0+s18+$0x0 ss:$0x1] =	vst.idx.msk $0xffff, v5  }
0x3e: {  	v63 =	vld.idx.msk [tilespmem:v0+s19+$0x60 ss:$0x1], $0xffff;
	[tilespmem:v0+s31+$0x70 ss:$0x1] =	vst.idx.msk $0xffff, v6  }
0x3f: {  	v3 =	vld.idx.msk [tilespmem:v0+s19+$0x30 ss:$0x1], $0xffff;
	[tilespmem:v0+s31+$0x10 ss:$0x1] =	vst.idx.msk $0xffff, v1  }
0x40: {  	v1 =	vld.idx.msk [tilespmem:v0+s19+$0x0 ss:$0x1], $0xffff;
	[tilespmem:v0+s31+$0x20 ss:$0x1] =	vst.idx.msk $0xffff, v2  }
.Ltmp4:
0x41: {  	[tilespmem:v0+s31+$0x40 ss:$0x1] =	vst.idx.msk $0xffff, v61;
	(pc) =	sbr.rel @p0 .LBB1_4-.Ltmp4, $4  }
0x42: {  	[tilespmem:v0+s31+$0x50 ss:$0x1] =	vst.idx.msk $0xffff, v62  }
0x43: {  	[tilespmem:v0+s31+$0x60 ss:$0x1] =	vst.idx.msk $0xffff, v63  }
0x44: {  	[tilespmem:v0+s31+$0x30 ss:$0x1] =	vst.idx.msk $0xffff, v3  }
0x45: {  	p1 =	por $0x0, $0x0;
	s18 =	simm.s32 $0x1;
	[tilespmem:v0+s31+$0x0 ss:$0x1] =	vst.idx.msk $0xffff, v1  }
0x46: {  	s17 =	sadd.s32 $0x1, s17  }
0x47: {  	p0 =	sne.s32 s17, $0x8  }
.Ltmp5:
0x48: {  	_ = 	snop;
	(pc) =	sbr.rel @p0 .LBB1_3-.Ltmp5, $2  }
0x49: {  	_ =	sdelay $0x2  }
0x4a: {  	s16 =	sadd.s32 $0x2000, s16  }
.Ltmp6:
0x4b: {  	(pc) =	sbr.rel .LBB1_9-.Ltmp6, $4  }
0x4c: {  	_ = 	snop  }
0x4d: {  	s12 =	sshll.u32 s12, $0x8  }
0x4e: {  	s12 =	sadd.s32 s4, s12  }
0x4f: {  	[hbm4b:s12+s8] =	stream.linear.scatter [tilespmem:s13], [sflag:$0x2], $0x4000, $0x38;
	[tilespmem:$0x10000] =	vst v63  }
.LBB1_10:
0x50: {  	_ =	sfence.sel $0x180000  }
0x51: {  	s2 =	simm.s32 $0x1;
	[bflag:$0x0] =	sbarrier.arrive $0xFFFF  }
0x52: {  	s31 =	simm.s32 $0x2;
	[sflag:s2] =	ssyncpa.u1 $0x1  }
0x53: {  	[sflag:s31] =	ssyncpa.u1 $0x1  }
0x54: {  	p0 =	sne.s32 s0, $0x0;
	_ =	strace $0x90000047  }
0x55: {  	s0 =	sadd.s32 @!p0 $0x100000, s1;
	[bflag:$0x2] =	sbarrier.arrive $0xFFFF  }
0x56: {  	[sflag:s0] =	ssyncadd.tile.s32 @!p0 $0x1;
	_ =	shalt  }
.Lfunc_end1:
_tile_overlayer_lowered:
.L_overlay_start_2:
0x57: {  	(tag) =	ssettag $0x2  }
0x58: {  	s0 =	rddreg [dreg:$0x0];
	s2 =	stileid.u32  }
0x59: {  	s1 =	rddreg [dreg:$0x1];
	p0 =	sne.s32 s2, $0x0  }
0x5a: {  	s3 =	rddreg [dreg:$0x2];
	[bflag:$0x3] =	sbarrier.arrive $0xFFFF;
	s2 =	simm.s32 @!p0 $0x1C01  }
0x5b: {  	[timem:s3], [sflag:s2] =	dma.local @!p0 [hbm:s0], s1  }
0x5c: {  	s0 =	simm.s32 @!p0 $0x1  }
0x5d: {  	_ =	swait.ge @!p0 [sflag:s0], s1  }
0x5e: {  	s1 =	ssub.s32 @!p0 $0x0, s1;
	[sflag:s0] =	ssyncset.done @!p0 $0x0  }
0x5f: {  	[sflag:s0] =	ssyncadd.s32 @!p0 s1  }
0x60: {  	[bflag:$0x3] =	sbarrier.arrive $0xFFFF  }
0x61: {  	_ =	shalt  }

</sc_bundles>
